<compile_context>
chip_gen: v7x
topology: tpu7x:2x2x1
jax: 0.10.2.dev20260603
libtpu: 0.0.44.dev20260713+nightly
codegen_flags: <defaults>
</compile_context>

<pallas_src>
import functools

import jax
import jax.numpy as jnp
from jax import lax
from jax.experimental import pallas as pl
from jax.experimental.pallas import tpu as pltpu
from jax.experimental.pallas import tpu_sc as plsc

EPS = 1e-5
NC_SC = 2
NS_SC = 16
NW = NC_SC * NS_SC
CHUNK = 128


def _sc_gather_add(u, v, row, col):
    E = row.shape[0]
    F = u.shape[1]
    n_chunks = E // CHUNK
    mesh = plsc.VectorSubcoreMesh(
        core_axis_name="c", subcore_axis_name="s",
        num_cores=NC_SC, num_subcores=NS_SC)

    @functools.partial(
        pl.kernel,
        out_type=jax.ShapeDtypeStruct((E, F), jnp.float32),
        mesh=mesh,
        scratch_types=[
            pltpu.VMEM((CHUNK,), jnp.int32),
            pltpu.VMEM((CHUNK,), jnp.int32),
            pltpu.VMEM((CHUNK, F), jnp.float32),
            pltpu.VMEM((CHUNK, F), jnp.float32),
            pltpu.SemaphoreType.DMA,
        ],
        compiler_params=pltpu.CompilerParams(use_tc_tiling_on_sc=(F % 128 == 0)),
    )
    def k(u_hbm, v_hbm, row_hbm, col_hbm, a_hbm, idx_r, idx_c, buf_u, buf_v, sem):
        wid = lax.axis_index("s") * NC_SC + lax.axis_index("c")
        my_chunks = (n_chunks - wid + NW - 1) // NW

        def chunk_body(i, carry):
            base = (wid + i * NW) * CHUNK
            pltpu.sync_copy(row_hbm.at[pl.ds(base, CHUNK)], idx_r)
            pltpu.sync_copy(col_hbm.at[pl.ds(base, CHUNK)], idx_c)
            cu = pltpu.async_copy(u_hbm.at[idx_r], buf_u, sem)
            cv = pltpu.async_copy(v_hbm.at[idx_c], buf_v, sem)
            cu.wait()
            cv.wait()

            def add_row(e, c2):
                for j in range(F // 16):
                    sl = pl.ds(j * 16, 16)
                    buf_u[e, sl] = buf_u[e, sl] + buf_v[e, sl]
                return c2

            lax.fori_loop(0, CHUNK, add_row, 0)
            pltpu.sync_copy(buf_u, a_hbm.at[pl.ds(base, CHUNK)])
            return carry

        lax.fori_loop(0, my_chunks, chunk_body, 0)

    return k(u, v, row, col)


def _uv_first(x, Wd, Wr, tn):
    n, f_in = x.shape
    f_out = Wd.shape[0]

    def body(x_ref, wd_ref, wr_ref, u_ref, v_ref):
        xb = x_ref[...]
        dn = (((1,), (1,)), ((), ()))
        u_ref[...] = lax.dot_general(xb, wd_ref[...], dn,
                                     preferred_element_type=jnp.float32, precision=lax.Precision.HIGHEST)
        v_ref[...] = lax.dot_general(xb, wr_ref[...], dn,
                                     preferred_element_type=jnp.float32, precision=lax.Precision.HIGHEST)

    return pl.pallas_call(
        body,
        grid=(n // tn,),
        in_specs=[
            pl.BlockSpec((tn, f_in), lambda i: (i, 0)),
            pl.BlockSpec((f_out, f_in), lambda i: (0, 0)),
            pl.BlockSpec((f_out, f_in), lambda i: (0, 0)),
        ],
        out_specs=[
            pl.BlockSpec((tn, f_out), lambda i: (i, 0)),
            pl.BlockSpec((tn, f_out), lambda i: (i, 0)),
        ],
        out_shape=[
            jax.ShapeDtypeStruct((n, f_out), jnp.float32),
            jax.ShapeDtypeStruct((n, f_out), jnp.float32),
        ],
    )(x, Wd, Wr)


def _norm_uv(hp, sa, ssa, sb, ssb, g, be, Wd, Wr, e_tot, tn):
    n, f_in = hp.shape
    f_out = Wd.shape[0]
    grid = (n // tn,)

    def body(hp_ref, sa_ref, ssa_ref, sb_ref, ssb_ref, g_ref, be_ref,
             wd_ref, wr_ref, u_ref, v_ref):
        mu = (sa_ref[...] + sb_ref[...]) / e_tot
        var = (ssa_ref[...] + ssb_ref[...]) / e_tot - mu * mu
        scale = g_ref[...] * lax.rsqrt(var + EPS)
        shift = be_ref[...] - mu * scale
        h = jnp.maximum(hp_ref[...] * scale + shift, 0.0)
        dn = (((1,), (1,)), ((), ()))
        u_ref[...] = lax.dot_general(h, wd_ref[...], dn,
                                     preferred_element_type=jnp.float32, precision=lax.Precision.HIGHEST)
        v_ref[...] = lax.dot_general(h, wr_ref[...], dn,
                                     preferred_element_type=jnp.float32, precision=lax.Precision.HIGHEST)

    vec = lambda f: pl.BlockSpec((1, f), lambda i: (0, 0))
    return pl.pallas_call(
        body,
        grid=grid,
        in_specs=[
            pl.BlockSpec((tn, f_in), lambda i: (i, 0)),
            vec(f_in), vec(f_in), vec(f_in), vec(f_in), vec(f_in), vec(f_in),
            pl.BlockSpec((f_out, f_in), lambda i: (0, 0)),
            pl.BlockSpec((f_out, f_in), lambda i: (0, 0)),
        ],
        out_specs=[
            pl.BlockSpec((tn, f_out), lambda i: (i, 0)),
            pl.BlockSpec((tn, f_out), lambda i: (i, 0)),
        ],
        out_shape=[
            jax.ShapeDtypeStruct((n, f_out), jnp.float32),
            jax.ShapeDtypeStruct((n, f_out), jnp.float32),
        ],
    )(hp, sa, ssa, sb, ssb, g, be, Wd, Wr)


def _edge_mlp_stats(a, ba, Wb, bb, n_keep, te):
    e, f1 = a.shape
    f2 = Wb.shape[0]
    grid = (e // te,)
    keep_tiles = n_keep // te

    def body(*refs):
        if keep_tiles:
            a_ref, ba_ref, wb_ref, bb_ref, hp_ref, s_ref, ss_ref = refs
        else:
            a_ref, ba_ref, wb_ref, bb_ref, s_ref, ss_ref = refs
        i = pl.program_id(0)
        h = jnp.maximum(a_ref[...] + ba_ref[...], 0.0)
        hp = lax.dot_general(h, wb_ref[...], (((1,), (1,)), ((), ())),
                             preferred_element_type=jnp.float32,
                             precision=lax.Precision.HIGHEST) + bb_ref[...]

        if keep_tiles:
            @pl.when(i < keep_tiles)
            def _():
                hp_ref[...] = hp

        @pl.when(i == 0)
        def _():
            s_ref[...] = jnp.zeros_like(s_ref)
            ss_ref[...] = jnp.zeros_like(ss_ref)

        s_ref[...] += hp.sum(axis=0, keepdims=True)
        ss_ref[...] += (hp * hp).sum(axis=0, keepdims=True)

    hp_spec = [pl.BlockSpec((te, f2),
                            lambda i: (jnp.minimum(i, keep_tiles - 1), 0))]
    hp_shape = [jax.ShapeDtypeStruct((n_keep, f2), jnp.float32)]
    return pl.pallas_call(
        body,
        grid=grid,
        in_specs=[
            pl.BlockSpec((te, f1), lambda i: (i, 0)),
            pl.BlockSpec((1, f1), lambda i: (0, 0)),
            pl.BlockSpec((f2, f1), lambda i: (0, 0)),
            pl.BlockSpec((1, f2), lambda i: (0, 0)),
        ],
        out_specs=(hp_spec if keep_tiles else []) + [
            pl.BlockSpec((1, f2), lambda i: (0, 0)),
            pl.BlockSpec((1, f2), lambda i: (0, 0)),
        ],
        out_shape=(hp_shape if keep_tiles else []) + [
            jax.ShapeDtypeStruct((1, f2), jnp.float32),
            jax.ShapeDtypeStruct((1, f2), jnp.float32),
        ],
    )(a, ba, Wb, bb)


def _edge_mlp_pool(a, ba, Wb, bb, batch3, n_graphs, te):
    e, f1 = a.shape
    f2 = Wb.shape[0]
    grid = (e // te,)
    neg = -3.4e38
    pos = 3.4e38

    def body(a_ref, ba_ref, wb_ref, bb_ref, bt_ref,
             s_ref, ss_ref, mx_ref, mn_ref):
        i = pl.program_id(0)
        h = jnp.maximum(a_ref[...] + ba_ref[...], 0.0)
        hp = lax.dot_general(h, wb_ref[...], (((1,), (1,)), ((), ())),
                             preferred_element_type=jnp.float32,
                             precision=lax.Precision.HIGHEST) + bb_ref[...]

        @pl.when(i == 0)
        def _():
            s_ref[...] = jnp.zeros_like(s_ref)
            ss_ref[...] = jnp.zeros_like(ss_ref)
            mx_ref[...] = jnp.full_like(mx_ref, neg)
            mn_ref[...] = jnp.full_like(mn_ref, pos)

        s_ref[...] += hp.sum(axis=0, keepdims=True)
        ss_ref[...] += (hp * hp).sum(axis=0, keepdims=True)

        b0 = bt_ref[0, 0, 0]
        bl = bt_ref[0, te - 1, 0]
        gids = lax.broadcasted_iota(jnp.int32, (n_graphs, 1), 0)

        @pl.when(b0 == bl)
        def _():
            tmx = jnp.max(hp, axis=0, keepdims=True)
            tmn = jnp.min(hp, axis=0, keepdims=True)
            sel = gids == b0
            mx_ref[...] = jnp.where(
                sel, jnp.maximum(mx_ref[...], tmx), mx_ref[...])
            mn_ref[...] = jnp.where(
                sel, jnp.minimum(mn_ref[...], tmn), mn_ref[...])

        @pl.when(b0 != bl)
        def _():
            bt = bt_ref[0]
            for g in range(n_graphs):
                m = bt == g
                mx_ref[g, :] = jnp.maximum(
                    mx_ref[g, :], jnp.max(jnp.where(m, hp, neg), axis=0))
                mn_ref[g, :] = jnp.minimum(
                    mn_ref[g, :], jnp.min(jnp.where(m, hp, pos), axis=0))

    return pl.pallas_call(
        body,
        grid=grid,
        in_specs=[
            pl.BlockSpec((te, f1), lambda i: (i, 0)),
            pl.BlockSpec((1, f1), lambda i: (0, 0)),
            pl.BlockSpec((f2, f1), lambda i: (0, 0)),
            pl.BlockSpec((1, f2), lambda i: (0, 0)),
            pl.BlockSpec((1, te, 1), lambda i: (i, 0, 0)),
        ],
        out_specs=[
            pl.BlockSpec((1, f2), lambda i: (0, 0)),
            pl.BlockSpec((1, f2), lambda i: (0, 0)),
            pl.BlockSpec((n_graphs, f2), lambda i: (0, 0)),
            pl.BlockSpec((n_graphs, f2), lambda i: (0, 0)),
        ],
        out_shape=[
            jax.ShapeDtypeStruct((1, f2), jnp.float32),
            jax.ShapeDtypeStruct((1, f2), jnp.float32),
            jax.ShapeDtypeStruct((n_graphs, f2), jnp.float32),
            jax.ShapeDtypeStruct((n_graphs, f2), jnp.float32),
        ],
    )(a, ba, Wb, bb, batch3)


def _finalize(sa, ssa, sb, ssb, mxa, mna, mxb, mnb,
              g, be, Wc1, bc1, Wc2, bc2, e_tot):
    n_graphs, f = mxa.shape
    nc = Wc2.shape[0]

    def body(sa_ref, ssa_ref, sb_ref, ssb_ref,
             mxa_ref, mna_ref, mxb_ref, mnb_ref, g_ref, be_ref,
             w1_ref, b1_ref, w2_ref, b2_ref, out_ref):
        mu = (sa_ref[...] + sb_ref[...]) / e_tot
        var = (ssa_ref[...] + ssb_ref[...]) / e_tot - mu * mu
        gv = g_ref[...]
        scale = gv * lax.rsqrt(var + EPS)
        shift = be_ref[...] - mu * scale
        mx = jnp.maximum(mxa_ref[...], mxb_ref[...])
        mn = jnp.minimum(mna_ref[...], mnb_ref[...])
        pooled_pre = jnp.where(gv >= 0.0, mx, mn)
        pooled = jnp.maximum(pooled_pre * scale + shift, 0.0)
        dn = (((1,), (1,)), ((), ()))
        z = jnp.maximum(
            lax.dot_general(pooled, w1_ref[...], dn,
                            preferred_element_type=jnp.float32, precision=lax.Precision.HIGHEST) + b1_ref[...],
            0.0)
        out_ref[...] = lax.dot_general(z, w2_ref[...], dn,
                                       preferred_element_type=jnp.float32, precision=lax.Precision.HIGHEST) \
            + b2_ref[...]

    return pl.pallas_call(
        body,
        out_shape=jax.ShapeDtypeStruct((n_graphs, nc), jnp.float32),
    )(sa, ssa, sb, ssb, mxa, mna, mxb, mnb, g, be, Wc1, bc1, Wc2, bc2)


def kernel(x, edge_index, batch,
           W1a, b1a, W1b, b1b, g1, be1,
           W2a, b2a, W2b, b2b, g2, be2,
           W3a, b3a, W3b, b3b, g3, be3,
           Wc1, bc1, Wc2, bc2):
    n = x.shape[0]
    e = edge_index.shape[1]
    e_tot = float(e)
    row = edge_index[0]
    col = edge_index[1]

    def split(Wa):
        f = Wa.shape[1] // 2
        return Wa[:, :f] - Wa[:, f:], Wa[:, f:]

    Wd1, Wr1 = split(W1a)
    Wd2, Wr2 = split(W2a)
    Wd3, Wr3 = split(W3a)
    r2 = lambda t: t.reshape(1, -1)

    e2 = e // 2
    row_a, col_a = row[:e2], col[:e2]
    row_b, col_b = row[e2:], col[e2:]
    te = 2000

    u1, v1 = _uv_first(x, Wd1, Wr1, tn=2000)
    a1a = _sc_gather_add(u1, v1, row_a, col_a)
    a1b = _sc_gather_add(u1, v1, row_b, col_b)
    hp1, s1a, ss1a = _edge_mlp_stats(a1a, r2(b1a), W1b, r2(b1b), n_keep=n, te=te)
    s1b, ss1b = _edge_mlp_stats(a1b, r2(b1a), W1b, r2(b1b), n_keep=0, te=te)

    u2, v2 = _norm_uv(hp1, s1a, ss1a, s1b, ss1b, r2(g1), r2(be1),
                      Wd2, Wr2, e_tot, tn=2000)
    a2a = _sc_gather_add(u2, v2, row_a, col_a)
    a2b = _sc_gather_add(u2, v2, row_b, col_b)
    hp2, s2a, ss2a = _edge_mlp_stats(a2a, r2(b2a), W2b, r2(b2b), n_keep=n, te=te)
    s2b, ss2b = _edge_mlp_stats(a2b, r2(b2a), W2b, r2(b2b), n_keep=0, te=te)

    u3, v3 = _norm_uv(hp2, s2a, ss2a, s2b, ss2b, r2(g2), r2(be2),
                      Wd3, Wr3, e_tot, tn=2000)
    a3a = _sc_gather_add(u3, v3, row_a, col_a)
    a3b = _sc_gather_add(u3, v3, row_b, col_b)
    batch3a = batch[:e2].reshape(e2 // te, te, 1)
    batch3b = batch[e2:].reshape(e2 // te, te, 1)
    s3a, ss3a, mxa, mna = _edge_mlp_pool(a3a, r2(b3a), W3b, r2(b3b), batch3a,
                                         n_graphs=8, te=te)
    s3b, ss3b, mxb, mnb = _edge_mlp_pool(a3b, r2(b3a), W3b, r2(b3b), batch3b,
                                         n_graphs=8, te=te)

    return _finalize(s3a, ss3a, s3b, ss3b, mxa, mna, mxb, mnb,
                     r2(g3), r2(be3), Wc1, r2(bc1), Wc2, r2(bc2), e_tot)

# --- scband reference (transcript-rebuilt; emitter-appended) ---
"""Pipeline reference for scband-mesh-cnnclassifier-31121333027132 (READ-ONLY COPY).

The authoritative reference and input builder live on the scoring server;
editing this copy changes nothing except your own understanding.
"""

import jax, jax.numpy as jnp
import numpy as np

N = 50000
E = 800000
IN = 6
NC = 10
G = 8
EPS = 1e-5


def _lin(key, fan_in, fan_out):
    kw, kb = jax.random.split(key)
    W = jax.random.normal(kw, (fan_out, fan_in), dtype=jnp.float32) / np.sqrt(fan_in)
    b = jnp.zeros((fan_out,), dtype=jnp.float32)
    return W, b


def setup_inputs(seed: int = 0) -> dict:
    key = jax.random.key(seed)
    ks = jax.random.split(key, 12)
    x = jax.random.normal(ks[0], (N, IN), dtype=jnp.float32)
    edge_index = jax.random.randint(ks[1], (2, E), 0, N, dtype=jnp.int32)
    batch = jnp.sort(jax.random.randint(ks[2], (E,), 0, G, dtype=jnp.int32))
    W1a, b1a = _lin(ks[3], IN * 2, 64)
    W1b, b1b = _lin(ks[4], 64, 64)
    g1, be1 = jnp.ones((64,), jnp.float32), jnp.zeros((64,), jnp.float32)
    W2a, b2a = _lin(ks[5], 64 * 2, 128)
    W2b, b2b = _lin(ks[6], 128, 128)
    g2, be2 = jnp.ones((128,), jnp.float32), jnp.zeros((128,), jnp.float32)
    W3a, b3a = _lin(ks[7], 128 * 2, 256)
    W3b, b3b = _lin(ks[8], 256, 256)
    g3, be3 = jnp.ones((256,), jnp.float32), jnp.zeros((256,), jnp.float32)
    Wc1, bc1 = _lin(ks[9], 256, 128)
    Wc2, bc2 = _lin(ks[10], 128, NC)
    return {"x": x, "edge_index": edge_index, "batch": batch,
            "W1a": W1a, "b1a": b1a, "W1b": W1b, "b1b": b1b, "g1": g1, "be1": be1,
            "W2a": W2a, "b2a": b2a, "W2b": W2b, "b2b": b2b, "g2": g2, "be2": be2,
            "W3a": W3a, "b3a": b3a, "W3b": W3b, "b3b": b3b, "g3": g3, "be3": be3,
            "Wc1": Wc1, "bc1": bc1, "Wc2": Wc2, "bc2": bc2}


def _block(x, edge_index, Wa, ba, Wb, bb, g, be):
    row = edge_index[0]
    col = edge_index[1]
    x_i = jnp.take(x, row, axis=0)
    x_j = jnp.take(x, col, axis=0)
    ef = jnp.concatenate([x_i, x_j - x_i], axis=-1)
    h = jax.nn.relu(ef @ Wa.T + ba) @ Wb.T + bb
    mu = h.mean(axis=0)
    var = h.var(axis=0)
    h = g * (h - mu) / jnp.sqrt(var + EPS) + be
    return jax.nn.relu(h)


def reference(x, edge_index, batch,
              W1a, b1a, W1b, b1b, g1, be1,
              W2a, b2a, W2b, b2b, g2, be2,
              W3a, b3a, W3b, b3b, g3, be3,
              Wc1, bc1, Wc2, bc2):
    h = _block(x, edge_index, W1a, b1a, W1b, b1b, g1, be1)
    h = _block(h, edge_index, W2a, b2a, W2b, b2b, g2, be2)
    h = _block(h, edge_index, W3a, b3a, W3b, b3b, g3, be3)
    pooled = jax.ops.segment_max(h, batch, num_segments=G)
    z = jax.nn.relu(pooled @ Wc1.T + bc1)
    return z @ Wc2.T + bc2

if __name__ == "__main__":
    import jax
    _d = setup_inputs()
    print(jax.jit(kernel)(*tuple(_d.values())))

</pallas_src>

<mosaic_0001>
#map = affine_map<(d0, d1) -> (0, 0)>
#map1 = affine_map<(d0, d1) -> (0)>
module attributes {stable_mosaic.version = 14 : i64} {
  func.func @k(%arg0: i32, %arg1: i32, %arg2: memref<50000x128xf32, #tpu.memory_space<hbm>>, %arg3: memref<50000x128xf32, #tpu.memory_space<hbm>>, %arg4: memref<400000xi32, #tpu.memory_space<hbm>>, %arg5: memref<400000xi32, #tpu.memory_space<hbm>>, %arg6: memref<400000x128xf32, #tpu.memory_space<hbm>>, %arg7: memref<128xi32, #tpu.memory_space<vmem>>, %arg8: memref<128xi32, #tpu.memory_space<vmem>>, %arg9: memref<128x128xf32, #tpu.memory_space<vmem>>, %arg10: memref<128x128xf32, #tpu.memory_space<vmem>>, %arg11: memref<!tpu.dma_semaphore, #tpu.memory_space<semaphore_mem>>) attributes {dimension_semantics = [#tpu.dimension_semantics<core_parallel>, #tpu.dimension_semantics<subcore_parallel>], iteration_bounds = array<i64: 2, 16>, scalar_prefetch = 0 : i64, scratch_operands = 5 : i64, tpu.core_type = #tpu.core_type<sc_vector_subcore>, window_params = [{transform_indices = #map}, {transform_indices = #map}, {transform_indices = #map1}, {transform_indices = #map1}, {transform_indices = #map}]} {
    %mul3A = arith.constant 2 : i32
    %mul3A_0 = arith.muli %arg1, %mul3A : i32
    %add3A = arith.addi %mul3A_0, %arg0 : i32
    %sub3A = arith.constant 3125 : i32
    %sub3A_1 = arith.subi %sub3A, %add3A : i32
    %add3A_2 = arith.constant 32 : i32
    %add3A_3 = arith.addi %sub3A_1, %add3A_2 : i32
    %sub3A_4 = arith.constant 1 : i32
    %sub3A_5 = arith.subi %add3A_3, %sub3A_4 : i32
    %jit3A = arith.constant 32 : i32
    %div3A = arith.divsi %sub3A_5, %jit3A : i32
    %sign3A = arith.constant 0 : i32
    %sign3A_6 = arith.cmpi sgt, %sub3A_5, %sign3A : i32
    %sign3A_7 = arith.extui %sign3A_6 : i1 to i32
    %sign3A_8 = arith.constant 0 : i32
    %sign3A_9 = arith.cmpi slt, %sub3A_5, %sign3A_8 : i32
    %sign3A_10 = arith.extui %sign3A_9 : i1 to i32
    %sign3A_11 = arith.subi %sign3A_7, %sign3A_10 : i32
    %sign3A_12 = arith.constant 0 : i32
    %sign3A_13 = arith.cmpi sgt, %jit3A, %sign3A_12 : i32
    %sign3A_14 = arith.extui %sign3A_13 : i1 to i32
    %sign3A_15 = arith.constant 0 : i32
    %sign3A_16 = arith.cmpi slt, %jit3A, %sign3A_15 : i32
    %sign3A_17 = arith.extui %sign3A_16 : i1 to i32
    %sign3A_18 = arith.subi %sign3A_14, %sign3A_17 : i32
    %ne3A = arith.cmpi ne, %sign3A_11, %sign3A_18 : i32
    %rem3A = arith.remsi %sub3A_5, %jit3A : i32
    %ne3A_19 = arith.constant 0 : i32
    %ne3A_20 = arith.cmpi ne, %rem3A, %ne3A_19 : i32
    %and3A = arith.andi %ne3A, %ne3A_20 : i1
    %sub3A_21 = arith.constant 1 : i32
    %sub3A_22 = arith.subi %div3A, %sub3A_21 : i32
    %select_n3A = arith.select %and3A, %sub3A_22, %div3A : i32
    %while3A = arith.constant 0 : i32
    %while3A_23 = arith.constant 0 : i32
    %while3A_24 = arith.subi %select_n3A, %while3A_23 : i32
    %while3A_25 = arith.addi %while3A_23, %while3A_24 : i32
    %while3A_26 = arith.constant 1 : i32
    %while3A_27 = arith.divsi %while3A_24, %while3A_26 : i32
    %while3A_28 = arith.muli %while3A_27, %while3A_26 : i32
    %while3A_29 = arith.addi %while3A_23, %while3A_28 : i32
    %while3A_30 = arith.constant 1 : i32
    scf.for %while3A_32 = %while3A_23 to %while3A_29 step %while3A_30  : i32 {
      %mul3A_33 = arith.constant 32 : i32
      %mul3A_34 = arith.muli %while3A_32, %mul3A_33 : i32
      %add3A_35 = arith.addi %add3A, %mul3A_34 : i32
      %mul3A_36 = arith.constant 128 : i32
      %mul3A_37 = arith.muli %add3A_35, %mul3A_36 : i32
      "tpu.region"() ({
        %run_scoped3A = tpu.sem_alloc : memref<!tpu.dma_semaphore, #tpu.memory_space<semaphore_mem>>
        %dma_start3A_53 = tpu.memref_slice %arg4[%mul3A_37] : memref<400000xi32, #tpu.memory_space<hbm>> -> memref<128xi32, #tpu.memory_space<hbm>>
        %dma_start3A_54 = tpu.memref_slice %arg4[%mul3A_37] : memref<400000xi32, #tpu.memory_space<hbm>> -> memref<128xi32, #tpu.memory_space<hbm>>
        tpu.enqueue_dma source(%dma_start3A_54 : memref<128xi32, #tpu.memory_space<hbm>>) target(%arg7 : memref<128xi32, #tpu.memory_space<vmem>>) target_semaphore(%run_scoped3A : memref<!tpu.dma_semaphore, #tpu.memory_space<semaphore_mem>>)
        %dma_wait3A_55 = tpu.memref_slice %arg4[%mul3A_37] : memref<400000xi32, #tpu.memory_space<hbm>> -> memref<128xi32, #tpu.memory_space<hbm>>
        %dma_wait3A_56 = tpu.memref_slice %arg4[%mul3A_37] : memref<400000xi32, #tpu.memory_space<hbm>> -> memref<128xi32, #tpu.memory_space<hbm>>
        tpu.wait_dma2 semaphore(%run_scoped3A : memref<!tpu.dma_semaphore, #tpu.memory_space<semaphore_mem>>) src(%dma_wait3A_56 : memref<128xi32, #tpu.memory_space<hbm>>) dst(%arg7 : memref<128xi32, #tpu.memory_space<vmem>>)
        tpu.yield
      }) : () -> ()
      "tpu.region"() ({
        %run_scoped3A = tpu.sem_alloc : memref<!tpu.dma_semaphore, #tpu.memory_space<semaphore_mem>>
        %dma_start3A_53 = tpu.memref_slice %arg5[%mul3A_37] : memref<400000xi32, #tpu.memory_space<hbm>> -> memref<128xi32, #tpu.memory_space<hbm>>
        %dma_start3A_54 = tpu.memref_slice %arg5[%mul3A_37] : memref<400000xi32, #tpu.memory_space<hbm>> -> memref<128xi32, #tpu.memory_space<hbm>>
        tpu.enqueue_dma source(%dma_start3A_54 : memref<128xi32, #tpu.memory_space<hbm>>) target(%arg8 : memref<128xi32, #tpu.memory_space<vmem>>) target_semaphore(%run_scoped3A : memref<!tpu.dma_semaphore, #tpu.memory_space<semaphore_mem>>)
        %dma_wait3A_55 = tpu.memref_slice %arg5[%mul3A_37] : memref<400000xi32, #tpu.memory_space<hbm>> -> memref<128xi32, #tpu.memory_space<hbm>>
        %dma_wait3A_56 = tpu.memref_slice %arg5[%mul3A_37] : memref<400000xi32, #tpu.memory_space<hbm>> -> memref<128xi32, #tpu.memory_space<hbm>>
        tpu.wait_dma2 semaphore(%run_scoped3A : memref<!tpu.dma_semaphore, #tpu.memory_space<semaphore_mem>>) src(%dma_wait3A_56 : memref<128xi32, #tpu.memory_space<hbm>>) dst(%arg8 : memref<128xi32, #tpu.memory_space<vmem>>)
        tpu.yield
      }) : () -> ()
      %dma_start3A = arith.constant 0 : i32
      %dma_start3A_38 = arith.constant 0 : i32
      %dma_start3A_39 = tpu.memref_slice %arg2[%dma_start3A, %dma_start3A_38] : memref<50000x128xf32, #tpu.memory_space<hbm>> -> memref<50000x128xf32, #tpu.memory_space<hbm>>
      tpu.enqueue_indirect_dma source(%dma_start3A_39 : memref<50000x128xf32, #tpu.memory_space<hbm>>) target(%arg9 : memref<128x128xf32, #tpu.memory_space<vmem>>) offsets(%arg7 : memref<128xi32, #tpu.memory_space<vmem>>) semaphore(%arg11 : memref<!tpu.dma_semaphore, #tpu.memory_space<semaphore_mem>>)
      %dma_start3A_40 = arith.constant 0 : i32
      %dma_start3A_41 = arith.constant 0 : i32
      %dma_start3A_42 = tpu.memref_slice %arg3[%dma_start3A_40, %dma_start3A_41] : memref<50000x128xf32, #tpu.memory_space<hbm>> -> memref<50000x128xf32, #tpu.memory_space<hbm>>
      tpu.enqueue_indirect_dma source(%dma_start3A_42 : memref<50000x128xf32, #tpu.memory_space<hbm>>) target(%arg10 : memref<128x128xf32, #tpu.memory_space<vmem>>) offsets(%arg8 : memref<128xi32, #tpu.memory_space<vmem>>) semaphore(%arg11 : memref<!tpu.dma_semaphore, #tpu.memory_space<semaphore_mem>>)
      %dma_wait3A = arith.constant 0 : i32
      %dma_wait3A_43 = arith.constant 0 : i32
      %dma_wait3A_44 = tpu.memref_slice %arg2[%dma_wait3A, %dma_wait3A_43] : memref<50000x128xf32, #tpu.memory_space<hbm>> -> memref<50000x128xf32, #tpu.memory_space<hbm>>
      tpu.wait_indirect_dma semaphore(%arg11 : memref<!tpu.dma_semaphore, #tpu.memory_space<semaphore_mem>>) src(%dma_wait3A_44 : memref<50000x128xf32, #tpu.memory_space<hbm>>) dst(%arg9 : memref<128x128xf32, #tpu.memory_space<vmem>>)
      %dma_wait3A_45 = arith.constant 0 : i32
      %dma_wait3A_46 = arith.constant 0 : i32
      %dma_wait3A_47 = tpu.memref_slice %arg3[%dma_wait3A_45, %dma_wait3A_46] : memref<50000x128xf32, #tpu.memory_space<hbm>> -> memref<50000x128xf32, #tpu.memory_space<hbm>>
      tpu.wait_indirect_dma semaphore(%arg11 : memref<!tpu.dma_semaphore, #tpu.memory_space<semaphore_mem>>) src(%dma_wait3A_47 : memref<50000x128xf32, #tpu.memory_space<hbm>>) dst(%arg10 : memref<128x128xf32, #tpu.memory_space<vmem>>)
      %scan3A = arith.constant 0 : i32
      %scan3A_48 = arith.constant 0 : i32
      %scan3A_49 = arith.constant 128 : i32
      %scan3A_50 = arith.addi %scan3A_48, %scan3A_49 : i32
      %scan3A_51 = arith.constant 1 : i32
      scf.for %scan3A_53 = %scan3A_48 to %scan3A_50 step %scan3A_51  : i32 {
        %get3A = arith.index_cast %scan3A_53 : i32 to index
        %get3A_54 = arith.constant 0 : index
        %get3A_55 = tpu.vector_load %arg9[%get3A, %get3A_54] {strides = array<i32>} : memref<128x128xf32, #tpu.memory_space<vmem>>, vector<1x16xf32>,
        %get3A_56 = vector.shape_cast %get3A_55 : vector<1x16xf32> to vector<16xf32>
        %get3A_57 = arith.index_cast %scan3A_53 : i32 to index
        %get3A_58 = arith.constant 0 : index
        %get3A_59 = tpu.vector_load %arg10[%get3A_57, %get3A_58] {strides = array<i32>} : memref<128x128xf32, #tpu.memory_space<vmem>>, vector<1x16xf32>,
        %get3A_60 = vector.shape_cast %get3A_59 : vector<1x16xf32> to vector<16xf32>
        %add3A_61 = arith.addf %get3A_56, %get3A_60 : vector<16xf32>
        %swap3A = arith.index_cast %scan3A_53 : i32 to index
        %swap3A_62 = arith.constant 0 : index
        %swap3A_63 = tpu.vector_load %arg9[%swap3A, %swap3A_62] {strides = array<i32>} : memref<128x128xf32, #tpu.memory_space<vmem>>, vector<1x16xf32>,
        %swap3A_64 = vector.shape_cast %swap3A_63 : vector<1x16xf32> to vector<16xf32>
        %swap3A_65 = vector.shape_cast %add3A_61 : vector<16xf32> to vector<1x16xf32>
        tpu.vector_store %arg9[%swap3A, %swap3A_62], %swap3A_65 {strides = array<i32>} : memref<128x128xf32, #tpu.memory_space<vmem>>, vector<1x16xf32>,
        %get3A_66 = arith.index_cast %scan3A_53 : i32 to index
        %get3A_67 = arith.constant 16 : index
        %get3A_68 = tpu.vector_load %arg9[%get3A_66, %get3A_67] {strides = array<i32>} : memref<128x128xf32, #tpu.memory_space<vmem>>, vector<1x16xf32>,
        %get3A_69 = vector.shape_cast %get3A_68 : vector<1x16xf32> to vector<16xf32>
        %get3A_70 = arith.index_cast %scan3A_53 : i32 to index
        %get3A_71 = arith.constant 16 : index
        %get3A_72 = tpu.vector_load %arg10[%get3A_70, %get3A_71] {strides = array<i32>} : memref<128x128xf32, #tpu.memory_space<vmem>>, vector<1x16xf32>,
        %get3A_73 = vector.shape_cast %get3A_72 : vector<1x16xf32> to vector<16xf32>
        %add3A_74 = arith.addf %get3A_69, %get3A_73 : vector<16xf32>
        %swap3A_75 = arith.index_cast %scan3A_53 : i32 to index
        %swap3A_76 = arith.constant 16 : index
        %swap3A_77 = tpu.vector_load %arg9[%swap3A_75, %swap3A_76] {strides = array<i32>} : memref<128x128xf32, #tpu.memory_space<vmem>>, vector<1x16xf32>,
        %swap3A_78 = vector.shape_cast %swap3A_77 : vector<1x16xf32> to vector<16xf32>
        %swap3A_79 = vector.shape_cast %add3A_74 : vector<16xf32> to vector<1x16xf32>
        tpu.vector_store %arg9[%swap3A_75, %swap3A_76], %swap3A_79 {strides = array<i32>} : memref<128x128xf32, #tpu.memory_space<vmem>>, vector<1x16xf32>,
        %get3A_80 = arith.index_cast %scan3A_53 : i32 to index
        %get3A_81 = arith.constant 32 : index
        %get3A_82 = tpu.vector_load %arg9[%get3A_80, %get3A_81] {strides = array<i32>} : memref<128x128xf32, #tpu.memory_space<vmem>>, vector<1x16xf32>,
        %get3A_83 = vector.shape_cast %get3A_82 : vector<1x16xf32> to vector<16xf32>
        %get3A_84 = arith.index_cast %scan3A_53 : i32 to index
        %get3A_85 = arith.constant 32 : index
        %get3A_86 = tpu.vector_load %arg10[%get3A_84, %get3A_85] {strides = array<i32>} : memref<128x128xf32, #tpu.memory_space<vmem>>, vector<1x16xf32>,
        %get3A_87 = vector.shape_cast %get3A_86 : vector<1x16xf32> to vector<16xf32>
        %add3A_88 = arith.addf %get3A_83, %get3A_87 : vector<16xf32>
        %swap3A_89 = arith.index_cast %scan3A_53 : i32 to index
        %swap3A_90 = arith.constant 32 : index
        %swap3A_91 = tpu.vector_load %arg9[%swap3A_89, %swap3A_90] {strides = array<i32>} : memref<128x128xf32, #tpu.memory_space<vmem>>, vector<1x16xf32>,
        %swap3A_92 = vector.shape_cast %swap3A_91 : vector<1x16xf32> to vector<16xf32>
        %swap3A_93 = vector.shape_cast %add3A_88 : vector<16xf32> to vector<1x16xf32>
        tpu.vector_store %arg9[%swap3A_89, %swap3A_90], %swap3A_93 {strides = array<i32>} : memref<128x128xf32, #tpu.memory_space<vmem>>, vector<1x16xf32>,
        %get3A_94 = arith.index_cast %scan3A_53 : i32 to index
        %get3A_95 = arith.constant 48 : index
        %get3A_96 = tpu.vector_load %arg9[%get3A_94, %get3A_95] {strides = array<i32>} : memref<128x128xf32, #tpu.memory_space<vmem>>, vector<1x16xf32>,
        %get3A_97 = vector.shape_cast %get3A_96 : vector<1x16xf32> to vector<16xf32>
        %get3A_98 = arith.index_cast %scan3A_53 : i32 to index
        %get3A_99 = arith.constant 48 : index
        %get3A_100 = tpu.vector_load %arg10[%get3A_98, %get3A_99] {strides = array<i32>} : memref<128x128xf32, #tpu.memory_space<vmem>>, vector<1x16xf32>,
        %get3A_101 = vector.shape_cast %get3A_100 : vector<1x16xf32> to vector<16xf32>
        %add3A_102 = arith.addf %get3A_97, %get3A_101 : vector<16xf32>
        %swap3A_103 = arith.index_cast %scan3A_53 : i32 to index
        %swap3A_104 = arith.constant 48 : index
        %swap3A_105 = tpu.vector_load %arg9[%swap3A_103, %swap3A_104] {strides = array<i32>} : memref<128x128xf32, #tpu.memory_space<vmem>>, vector<1x16xf32>,
        %swap3A_106 = vector.shape_cast %swap3A_105 : vector<1x16xf32> to vector<16xf32>
        %swap3A_107 = vector.shape_cast %add3A_102 : vector<16xf32> to vector<1x16xf32>
        tpu.vector_store %arg9[%swap3A_103, %swap3A_104], %swap3A_107 {strides = array<i32>} : memref<128x128xf32, #tpu.memory_space<vmem>>, vector<1x16xf32>,
        %get3A_108 = arith.index_cast %scan3A_53 : i32 to index
        %get3A_109 = arith.constant 64 : index
        %get3A_110 = tpu.vector_load %arg9[%get3A_108, %get3A_109] {strides = array<i32>} : memref<128x128xf32, #tpu.memory_space<vmem>>, vector<1x16xf32>,
        %get3A_111 = vector.shape_cast %get3A_110 : vector<1x16xf32> to vector<16xf32>
        %get3A_112 = arith.index_cast %scan3A_53 : i32 to index
        %get3A_113 = arith.constant 64 : index
        %get3A_114 = tpu.vector_load %arg10[%get3A_112, %get3A_113] {strides = array<i32>} : memref<128x128xf32, #tpu.memory_space<vmem>>, vector<1x16xf32>,
        %get3A_115 = vector.shape_cast %get3A_114 : vector<1x16xf32> to vector<16xf32>
        %add3A_116 = arith.addf %get3A_111, %get3A_115 : vector<16xf32>
        %swap3A_117 = arith.index_cast %scan3A_53 : i32 to index
        %swap3A_118 = arith.constant 64 : index
        %swap3A_119 = tpu.vector_load %arg9[%swap3A_117, %swap3A_118] {strides = array<i32>} : memref<128x128xf32, #tpu.memory_space<vmem>>, vector<1x16xf32>,
        %swap3A_120 = vector.shape_cast %swap3A_119 : vector<1x16xf32> to vector<16xf32>
        %swap3A_121 = vector.shape_cast %add3A_116 : vector<16xf32> to vector<1x16xf32>
        tpu.vector_store %arg9[%swap3A_117, %swap3A_118], %swap3A_121 {strides = array<i32>} : memref<128x128xf32, #tpu.memory_space<vmem>>, vector<1x16xf32>,
        %get3A_122 = arith.index_cast %scan3A_53 : i32 to index
        %get3A_123 = arith.constant 80 : index
        %get3A_124 = tpu.vector_load %arg9[%get3A_122, %get3A_123] {strides = array<i32>} : memref<128x128xf32, #tpu.memory_space<vmem>>, vector<1x16xf32>,
        %get3A_125 = vector.shape_cast %get3A_124 : vector<1x16xf32> to vector<16xf32>
        %get3A_126 = arith.index_cast %scan3A_53 : i32 to index
        %get3A_127 = arith.constant 80 : index
        %get3A_128 = tpu.vector_load %arg10[%get3A_126, %get3A_127] {strides = array<i32>} : memref<128x128xf32, #tpu.memory_space<vmem>>, vector<1x16xf32>,
        %get3A_129 = vector.shape_cast %get3A_128 : vector<1x16xf32> to vector<16xf32>
        %add3A_130 = arith.addf %get3A_125, %get3A_129 : vector<16xf32>
        %swap3A_131 = arith.index_cast %scan3A_53 : i32 to index
        %swap3A_132 = arith.constant 80 : index
        %swap3A_133 = tpu.vector_load %arg9[%swap3A_131, %swap3A_132] {strides = array<i32>} : memref<128x128xf32, #tpu.memory_space<vmem>>, vector<1x16xf32>,
        %swap3A_134 = vector.shape_cast %swap3A_133 : vector<1x16xf32> to vector<16xf32>
        %swap3A_135 = vector.shape_cast %add3A_130 : vector<16xf32> to vector<1x16xf32>
        tpu.vector_store %arg9[%swap3A_131, %swap3A_132], %swap3A_135 {strides = array<i32>} : memref<128x128xf32, #tpu.memory_space<vmem>>, vector<1x16xf32>,
        %get3A_136 = arith.index_cast %scan3A_53 : i32 to index
        %get3A_137 = arith.constant 96 : index
        %get3A_138 = tpu.vector_load %arg9[%get3A_136, %get3A_137] {strides = array<i32>} : memref<128x128xf32, #tpu.memory_space<vmem>>, vector<1x16xf32>,
        %get3A_139 = vector.shape_cast %get3A_138 : vector<1x16xf32> to vector<16xf32>
        %get3A_140 = arith.index_cast %scan3A_53 : i32 to index
        %get3A_141 = arith.constant 96 : index
        %get3A_142 = tpu.vector_load %arg10[%get3A_140, %get3A_141] {strides = array<i32>} : memref<128x128xf32, #tpu.memory_space<vmem>>, vector<1x16xf32>,
        %get3A_143 = vector.shape_cast %get3A_142 : vector<1x16xf32> to vector<16xf32>
        %add3A_144 = arith.addf %get3A_139, %get3A_143 : vector<16xf32>
        %swap3A_145 = arith.index_cast %scan3A_53 : i32 to index
        %swap3A_146 = arith.constant 96 : index
        %swap3A_147 = tpu.vector_load %arg9[%swap3A_145, %swap3A_146] {strides = array<i32>} : memref<128x128xf32, #tpu.memory_space<vmem>>, vector<1x16xf32>,
        %swap3A_148 = vector.shape_cast %swap3A_147 : vector<1x16xf32> to vector<16xf32>
        %swap3A_149 = vector.shape_cast %add3A_144 : vector<16xf32> to vector<1x16xf32>
        tpu.vector_store %arg9[%swap3A_145, %swap3A_146], %swap3A_149 {strides = array<i32>} : memref<128x128xf32, #tpu.memory_space<vmem>>, vector<1x16xf32>,
        %get3A_150 = arith.index_cast %scan3A_53 : i32 to index
        %get3A_151 = arith.constant 112 : index
        %get3A_152 = tpu.vector_load %arg9[%get3A_150, %get3A_151] {strides = array<i32>} : memref<128x128xf32, #tpu.memory_space<vmem>>, vector<1x16xf32>,
        %get3A_153 = vector.shape_cast %get3A_152 : vector<1x16xf32> to vector<16xf32>
        %get3A_154 = arith.index_cast %scan3A_53 : i32 to index
        %get3A_155 = arith.constant 112 : index
        %get3A_156 = tpu.vector_load %arg10[%get3A_154, %get3A_155] {strides = array<i32>} : memref<128x128xf32, #tpu.memory_space<vmem>>, vector<1x16xf32>,
        %get3A_157 = vector.shape_cast %get3A_156 : vector<1x16xf32> to vector<16xf32>
        %add3A_158 = arith.addf %get3A_153, %get3A_157 : vector<16xf32>
        %swap3A_159 = arith.index_cast %scan3A_53 : i32 to index
        %swap3A_160 = arith.constant 112 : index
        %swap3A_161 = tpu.vector_load %arg9[%swap3A_159, %swap3A_160] {strides = array<i32>} : memref<128x128xf32, #tpu.memory_space<vmem>>, vector<1x16xf32>,
        %swap3A_162 = vector.shape_cast %swap3A_161 : vector<1x16xf32> to vector<16xf32>
        %swap3A_163 = vector.shape_cast %add3A_158 : vector<16xf32> to vector<1x16xf32>
        tpu.vector_store %arg9[%swap3A_159, %swap3A_160], %swap3A_163 {strides = array<i32>} : memref<128x128xf32, #tpu.memory_space<vmem>>, vector<1x16xf32>,
      }
      %scan3A_52 = arith.constant 128 : i32
      "tpu.region"() ({
        %run_scoped3A = tpu.sem_alloc : memref<!tpu.dma_semaphore, #tpu.memory_space<semaphore_mem>>
        %dma_start3A_53 = arith.constant 0 : i32
        %dma_start3A_54 = tpu.memref_slice %arg6[%mul3A_37, %dma_start3A_53] : memref<400000x128xf32, #tpu.memory_space<hbm>> -> memref<128x128xf32, #tpu.memory_space<hbm>>
        %dma_start3A_55 = arith.constant 0 : i32
        %dma_start3A_56 = tpu.memref_slice %arg6[%mul3A_37, %dma_start3A_55] : memref<400000x128xf32, #tpu.memory_space<hbm>> -> memref<128x128xf32, #tpu.memory_space<hbm>>
        tpu.enqueue_dma source(%arg9 : memref<128x128xf32, #tpu.memory_space<vmem>>) target(%dma_start3A_56 : memref<128x128xf32, #tpu.memory_space<hbm>>) target_semaphore(%run_scoped3A : memref<!tpu.dma_semaphore, #tpu.memory_space<semaphore_mem>>)
        %dma_wait3A_57 = arith.constant 0 : i32
        %dma_wait3A_58 = tpu.memref_slice %arg6[%mul3A_37, %dma_wait3A_57] : memref<400000x128xf32, #tpu.memory_space<hbm>> -> memref<128x128xf32, #tpu.memory_space<hbm>>
        %dma_wait3A_59 = arith.constant 0 : i32
        %dma_wait3A_60 = tpu.memref_slice %arg6[%mul3A_37, %dma_wait3A_59] : memref<400000x128xf32, #tpu.memory_space<hbm>> -> memref<128x128xf32, #tpu.memory_space<hbm>>
        tpu.wait_dma2 semaphore(%run_scoped3A : memref<!tpu.dma_semaphore, #tpu.memory_space<semaphore_mem>>) src(%arg9 : memref<128x128xf32, #tpu.memory_space<vmem>>) dst(%dma_wait3A_60 : memref<128x128xf32, #tpu.memory_space<hbm>>)
        tpu.yield
      }) : () -> ()
    }
    %while3A_31 = arith.constant 1 : i32
    scf.for %while3A_32 = %while3A_29 to %while3A_25 step %while3A_31  : i32 {
      %mul3A_33 = arith.constant 32 : i32
      %mul3A_34 = arith.muli %while3A_32, %mul3A_33 : i32
      %add3A_35 = arith.addi %add3A, %mul3A_34 : i32
      %mul3A_36 = arith.constant 128 : i32
      %mul3A_37 = arith.muli %add3A_35, %mul3A_36 : i32
      "tpu.region"() ({
        %run_scoped3A = tpu.sem_alloc : memref<!tpu.dma_semaphore, #tpu.memory_space<semaphore_mem>>
        %dma_start3A_53 = tpu.memref_slice %arg4[%mul3A_37] : memref<400000xi32, #tpu.memory_space<hbm>> -> memref<128xi32, #tpu.memory_space<hbm>>
        %dma_start3A_54 = tpu.memref_slice %arg4[%mul3A_37] : memref<400000xi32, #tpu.memory_space<hbm>> -> memref<128xi32, #tpu.memory_space<hbm>>
        tpu.enqueue_dma source(%dma_start3A_54 : memref<128xi32, #tpu.memory_space<hbm>>) target(%arg7 : memref<128xi32, #tpu.memory_space<vmem>>) target_semaphore(%run_scoped3A : memref<!tpu.dma_semaphore, #tpu.memory_space<semaphore_mem>>)
        %dma_wait3A_55 = tpu.memref_slice %arg4[%mul3A_37] : memref<400000xi32, #tpu.memory_space<hbm>> -> memref<128xi32, #tpu.memory_space<hbm>>
        %dma_wait3A_56 = tpu.memref_slice %arg4[%mul3A_37] : memref<400000xi32, #tpu.memory_space<hbm>> -> memref<128xi32, #tpu.memory_space<hbm>>
        tpu.wait_dma2 semaphore(%run_scoped3A : memref<!tpu.dma_semaphore, #tpu.memory_space<semaphore_mem>>) src(%dma_wait3A_56 : memref<128xi32, #tpu.memory_space<hbm>>) dst(%arg7 : memref<128xi32, #tpu.memory_space<vmem>>)
        tpu.yield
      }) : () -> ()
      "tpu.region"() ({
        %run_scoped3A = tpu.sem_alloc : memref<!tpu.dma_semaphore, #tpu.memory_space<semaphore_mem>>
        %dma_start3A_53 = tpu.memref_slice %arg5[%mul3A_37] : memref<400000xi32, #tpu.memory_space<hbm>> -> memref<128xi32, #tpu.memory_space<hbm>>
        %dma_start3A_54 = tpu.memref_slice %arg5[%mul3A_37] : memref<400000xi32, #tpu.memory_space<hbm>> -> memref<128xi32, #tpu.memory_space<hbm>>
        tpu.enqueue_dma source(%dma_start3A_54 : memref<128xi32, #tpu.memory_space<hbm>>) target(%arg8 : memref<128xi32, #tpu.memory_space<vmem>>) target_semaphore(%run_scoped3A : memref<!tpu.dma_semaphore, #tpu.memory_space<semaphore_mem>>)
        %dma_wait3A_55 = tpu.memref_slice %arg5[%mul3A_37] : memref<400000xi32, #tpu.memory_space<hbm>> -> memref<128xi32, #tpu.memory_space<hbm>>
        %dma_wait3A_56 = tpu.memref_slice %arg5[%mul3A_37] : memref<400000xi32, #tpu.memory_space<hbm>> -> memref<128xi32, #tpu.memory_space<hbm>>
        tpu.wait_dma2 semaphore(%run_scoped3A : memref<!tpu.dma_semaphore, #tpu.memory_space<semaphore_mem>>) src(%dma_wait3A_56 : memref<128xi32, #tpu.memory_space<hbm>>) dst(%arg8 : memref<128xi32, #tpu.memory_space<vmem>>)
        tpu.yield
      }) : () -> ()
      %dma_start3A = arith.constant 0 : i32
      %dma_start3A_38 = arith.constant 0 : i32
      %dma_start3A_39 = tpu.memref_slice %arg2[%dma_start3A, %dma_start3A_38] : memref<50000x128xf32, #tpu.memory_space<hbm>> -> memref<50000x128xf32, #tpu.memory_space<hbm>>
      tpu.enqueue_indirect_dma source(%dma_start3A_39 : memref<50000x128xf32, #tpu.memory_space<hbm>>) target(%arg9 : memref<128x128xf32, #tpu.memory_space<vmem>>) offsets(%arg7 : memref<128xi32, #tpu.memory_space<vmem>>) semaphore(%arg11 : memref<!tpu.dma_semaphore, #tpu.memory_space<semaphore_mem>>)
      %dma_start3A_40 = arith.constant 0 : i32
      %dma_start3A_41 = arith.constant 0 : i32
      %dma_start3A_42 = tpu.memref_slice %arg3[%dma_start3A_40, %dma_start3A_41] : memref<50000x128xf32, #tpu.memory_space<hbm>> -> memref<50000x128xf32, #tpu.memory_space<hbm>>
      tpu.enqueue_indirect_dma source(%dma_start3A_42 : memref<50000x128xf32, #tpu.memory_space<hbm>>) target(%arg10 : memref<128x128xf32, #tpu.memory_space<vmem>>) offsets(%arg8 : memref<128xi32, #tpu.memory_space<vmem>>) semaphore(%arg11 : memref<!tpu.dma_semaphore, #tpu.memory_space<semaphore_mem>>)
      %dma_wait3A = arith.constant 0 : i32
      %dma_wait3A_43 = arith.constant 0 : i32
      %dma_wait3A_44 = tpu.memref_slice %arg2[%dma_wait3A, %dma_wait3A_43] : memref<50000x128xf32, #tpu.memory_space<hbm>> -> memref<50000x128xf32, #tpu.memory_space<hbm>>
      tpu.wait_indirect_dma semaphore(%arg11 : memref<!tpu.dma_semaphore, #tpu.memory_space<semaphore_mem>>) src(%dma_wait3A_44 : memref<50000x128xf32, #tpu.memory_space<hbm>>) dst(%arg9 : memref<128x128xf32, #tpu.memory_space<vmem>>)
      %dma_wait3A_45 = arith.constant 0 : i32
      %dma_wait3A_46 = arith.constant 0 : i32
      %dma_wait3A_47 = tpu.memref_slice %arg3[%dma_wait3A_45, %dma_wait3A_46] : memref<50000x128xf32, #tpu.memory_space<hbm>> -> memref<50000x128xf32, #tpu.memory_space<hbm>>
      tpu.wait_indirect_dma semaphore(%arg11 : memref<!tpu.dma_semaphore, #tpu.memory_space<semaphore_mem>>) src(%dma_wait3A_47 : memref<50000x128xf32, #tpu.memory_space<hbm>>) dst(%arg10 : memref<128x128xf32, #tpu.memory_space<vmem>>)
      %scan3A = arith.constant 0 : i32
      %scan3A_48 = arith.constant 0 : i32
      %scan3A_49 = arith.constant 128 : i32
      %scan3A_50 = arith.addi %scan3A_48, %scan3A_49 : i32
      %scan3A_51 = arith.constant 1 : i32
      scf.for %scan3A_53 = %scan3A_48 to %scan3A_50 step %scan3A_51  : i32 {
        %get3A = arith.index_cast %scan3A_53 : i32 to index
        %get3A_54 = arith.constant 0 : index
        %get3A_55 = tpu.vector_load %arg9[%get3A, %get3A_54] {strides = array<i32>} : memref<128x128xf32, #tpu.memory_space<vmem>>, vector<1x16xf32>,
        %get3A_56 = vector.shape_cast %get3A_55 : vector<1x16xf32> to vector<16xf32>
        %get3A_57 = arith.index_cast %scan3A_53 : i32 to index
        %get3A_58 = arith.constant 0 : index
        %get3A_59 = tpu.vector_load %arg10[%get3A_57, %get3A_58] {strides = array<i32>} : memref<128x128xf32, #tpu.memory_space<vmem>>, vector<1x16xf32>,
        %get3A_60 = vector.shape_cast %get3A_59 : vector<1x16xf32> to vector<16xf32>
        %add3A_61 = arith.addf %get3A_56, %get3A_60 : vector<16xf32>
        %swap3A = arith.index_cast %scan3A_53 : i32 to index
        %swap3A_62 = arith.constant 0 : index
        %swap3A_63 = tpu.vector_load %arg9[%swap3A, %swap3A_62] {strides = array<i32>} : memref<128x128xf32, #tpu.memory_space<vmem>>, vector<1x16xf32>,
        %swap3A_64 = vector.shape_cast %swap3A_63 : vector<1x16xf32> to vector<16xf32>
        %swap3A_65 = vector.shape_cast %add3A_61 : vector<16xf32> to vector<1x16xf32>
        tpu.vector_store %arg9[%swap3A, %swap3A_62], %swap3A_65 {strides = array<i32>} : memref<128x128xf32, #tpu.memory_space<vmem>>, vector<1x16xf32>,
        %get3A_66 = arith.index_cast %scan3A_53 : i32 to index
        %get3A_67 = arith.constant 16 : index
        %get3A_68 = tpu.vector_load %arg9[%get3A_66, %get3A_67] {strides = array<i32>} : memref<128x128xf32, #tpu.memory_space<vmem>>, vector<1x16xf32>,
        %get3A_69 = vector.shape_cast %get3A_68 : vector<1x16xf32> to vector<16xf32>
        %get3A_70 = arith.index_cast %scan3A_53 : i32 to index
        %get3A_71 = arith.constant 16 : index
        %get3A_72 = tpu.vector_load %arg10[%get3A_70, %get3A_71] {strides = array<i32>} : memref<128x128xf32, #tpu.memory_space<vmem>>, vector<1x16xf32>,
        %get3A_73 = vector.shape_cast %get3A_72 : vector<1x16xf32> to vector<16xf32>
        %add3A_74 = arith.addf %get3A_69, %get3A_73 : vector<16xf32>
        %swap3A_75 = arith.index_cast %scan3A_53 : i32 to index
        %swap3A_76 = arith.constant 16 : index
        %swap3A_77 = tpu.vector_load %arg9[%swap3A_75, %swap3A_76] {strides = array<i32>} : memref<128x128xf32, #tpu.memory_space<vmem>>, vector<1x16xf32>,
        %swap3A_78 = vector.shape_cast %swap3A_77 : vector<1x16xf32> to vector<16xf32>
        %swap3A_79 = vector.shape_cast %add3A_74 : vector<16xf32> to vector<1x16xf32>
        tpu.vector_store %arg9[%swap3A_75, %swap3A_76], %swap3A_79 {strides = array<i32>} : memref<128x128xf32, #tpu.memory_space<vmem>>, vector<1x16xf32>,
        %get3A_80 = arith.index_cast %scan3A_53 : i32 to index
        %get3A_81 = arith.constant 32 : index
        %get3A_82 = tpu.vector_load %arg9[%get3A_80, %get3A_81] {strides = array<i32>} : memref<128x128xf32, #tpu.memory_space<vmem>>, vector<1x16xf32>,
        %get3A_83 = vector.shape_cast %get3A_82 : vector<1x16xf32> to vector<16xf32>
        %get3A_84 = arith.index_cast %scan3A_53 : i32 to index
        %get3A_85 = arith.constant 32 : index
        %get3A_86 = tpu.vector_load %arg10[%get3A_84, %get3A_85] {strides = array<i32>} : memref<128x128xf32, #tpu.memory_space<vmem>>, vector<1x16xf32>,
        %get3A_87 = vector.shape_cast %get3A_86 : vector<1x16xf32> to vector<16xf32>
        %add3A_88 = arith.addf %get3A_83, %get3A_87 : vector<16xf32>
        %swap3A_89 = arith.index_cast %scan3A_53 : i32 to index
        %swap3A_90 = arith.constant 32 : index
        %swap3A_91 = tpu.vector_load %arg9[%swap3A_89, %swap3A_90] {strides = array<i32>} : memref<128x128xf32, #tpu.memory_space<vmem>>, vector<1x16xf32>,
        %swap3A_92 = vector.shape_cast %swap3A_91 : vector<1x16xf32> to vector<16xf32>
        %swap3A_93 = vector.shape_cast %add3A_88 : vector<16xf32> to vector<1x16xf32>
        tpu.vector_store %arg9[%swap3A_89, %swap3A_90], %swap3A_93 {strides = array<i32>} : memref<128x128xf32, #tpu.memory_space<vmem>>, vector<1x16xf32>,
        %get3A_94 = arith.index_cast %scan3A_53 : i32 to index
        %get3A_95 = arith.constant 48 : index
        %get3A_96 = tpu.vector_load %arg9[%get3A_94, %get3A_95] {strides = array<i32>} : memref<128x128xf32, #tpu.memory_space<vmem>>, vector<1x16xf32>,
        %get3A_97 = vector.shape_cast %get3A_96 : vector<1x16xf32> to vector<16xf32>
        %get3A_98 = arith.index_cast %scan3A_53 : i32 to index
        %get3A_99 = arith.constant 48 : index
        %get3A_100 = tpu.vector_load %arg10[%get3A_98, %get3A_99] {strides = array<i32>} : memref<128x128xf32, #tpu.memory_space<vmem>>, vector<1x16xf32>,
        %get3A_101 = vector.shape_cast %get3A_100 : vector<1x16xf32> to vector<16xf32>
        %add3A_102 = arith.addf %get3A_97, %get3A_101 : vector<16xf32>
        %swap3A_103 = arith.index_cast %scan3A_53 : i32 to index
        %swap3A_104 = arith.constant 48 : index
        %swap3A_105 = tpu.vector_load %arg9[%swap3A_103, %swap3A_104] {strides = array<i32>} : memref<128x128xf32, #tpu.memory_space<vmem>>, vector<1x16xf32>,
        %swap3A_106 = vector.shape_cast %swap3A_105 : vector<1x16xf32> to vector<16xf32>
        %swap3A_107 = vector.shape_cast %add3A_102 : vector<16xf32> to vector<1x16xf32>
        tpu.vector_store %arg9[%swap3A_103, %swap3A_104], %swap3A_107 {strides = array<i32>} : memref<128x128xf32, #tpu.memory_space<vmem>>, vector<1x16xf32>,
        %get3A_108 = arith.index_cast %scan3A_53 : i32 to index
        %get3A_109 = arith.constant 64 : index
        %get3A_110 = tpu.vector_load %arg9[%get3A_108, %get3A_109] {strides = array<i32>} : memref<128x128xf32, #tpu.memory_space<vmem>>, vector<1x16xf32>,
        %get3A_111 = vector.shape_cast %get3A_110 : vector<1x16xf32> to vector<16xf32>
        %get3A_112 = arith.index_cast %scan3A_53 : i32 to index
        %get3A_113 = arith.constant 64 : index
        %get3A_114 = tpu.vector_load %arg10[%get3A_112, %get3A_113] {strides = array<i32>} : memref<128x128xf32, #tpu.memory_space<vmem>>, vector<1x16xf32>,
        %get3A_115 = vector.shape_cast %get3A_114 : vector<1x16xf32> to vector<16xf32>
        %add3A_116 = arith.addf %get3A_111, %get3A_115 : vector<16xf32>
        %swap3A_117 = arith.index_cast %scan3A_53 : i32 to index
        %swap3A_118 = arith.constant 64 : index
        %swap3A_119 = tpu.vector_load %arg9[%swap3A_117, %swap3A_118] {strides = array<i32>} : memref<128x128xf32, #tpu.memory_space<vmem>>, vector<1x16xf32>,
        %swap3A_120 = vector.shape_cast %swap3A_119 : vector<1x16xf32> to vector<16xf32>
        %swap3A_121 = vector.shape_cast %add3A_116 : vector<16xf32> to vector<1x16xf32>
        tpu.vector_store %arg9[%swap3A_117, %swap3A_118], %swap3A_121 {strides = array<i32>} : memref<128x128xf32, #tpu.memory_space<vmem>>, vector<1x16xf32>,
        %get3A_122 = arith.index_cast %scan3A_53 : i32 to index
        %get3A_123 = arith.constant 80 : index
        %get3A_124 = tpu.vector_load %arg9[%get3A_122, %get3A_123] {strides = array<i32>} : memref<128x128xf32, #tpu.memory_space<vmem>>, vector<1x16xf32>,
        %get3A_125 = vector.shape_cast %get3A_124 : vector<1x16xf32> to vector<16xf32>
        %get3A_126 = arith.index_cast %scan3A_53 : i32 to index
        %get3A_127 = arith.constant 80 : index
        %get3A_128 = tpu.vector_load %arg10[%get3A_126, %get3A_127] {strides = array<i32>} : memref<128x128xf32, #tpu.memory_space<vmem>>, vector<1x16xf32>,
        %get3A_129 = vector.shape_cast %get3A_128 : vector<1x16xf32> to vector<16xf32>
        %add3A_130 = arith.addf %get3A_125, %get3A_129 : vector<16xf32>
        %swap3A_131 = arith.index_cast %scan3A_53 : i32 to index
        %swap3A_132 = arith.constant 80 : index
        %swap3A_133 = tpu.vector_load %arg9[%swap3A_131, %swap3A_132] {strides = array<i32>} : memref<128x128xf32, #tpu.memory_space<vmem>>, vector<1x16xf32>,
        %swap3A_134 = vector.shape_cast %swap3A_133 : vector<1x16xf32> to vector<16xf32>
        %swap3A_135 = vector.shape_cast %add3A_130 : vector<16xf32> to vector<1x16xf32>
        tpu.vector_store %arg9[%swap3A_131, %swap3A_132], %swap3A_135 {strides = array<i32>} : memref<128x128xf32, #tpu.memory_space<vmem>>, vector<1x16xf32>,
        %get3A_136 = arith.index_cast %scan3A_53 : i32 to index
        %get3A_137 = arith.constant 96 : index
        %get3A_138 = tpu.vector_load %arg9[%get3A_136, %get3A_137] {strides = array<i32>} : memref<128x128xf32, #tpu.memory_space<vmem>>, vector<1x16xf32>,
        %get3A_139 = vector.shape_cast %get3A_138 : vector<1x16xf32> to vector<16xf32>
        %get3A_140 = arith.index_cast %scan3A_53 : i32 to index
        %get3A_141 = arith.constant 96 : index
        %get3A_142 = tpu.vector_load %arg10[%get3A_140, %get3A_141] {strides = array<i32>} : memref<128x128xf32, #tpu.memory_space<vmem>>, vector<1x16xf32>,
        %get3A_143 = vector.shape_cast %get3A_142 : vector<1x16xf32> to vector<16xf32>
        %add3A_144 = arith.addf %get3A_139, %get3A_143 : vector<16xf32>
        %swap3A_145 = arith.index_cast %scan3A_53 : i32 to index
        %swap3A_146 = arith.constant 96 : index
        %swap3A_147 = tpu.vector_load %arg9[%swap3A_145, %swap3A_146] {strides = array<i32>} : memref<128x128xf32, #tpu.memory_space<vmem>>, vector<1x16xf32>,
        %swap3A_148 = vector.shape_cast %swap3A_147 : vector<1x16xf32> to vector<16xf32>
        %swap3A_149 = vector.shape_cast %add3A_144 : vector<16xf32> to vector<1x16xf32>
        tpu.vector_store %arg9[%swap3A_145, %swap3A_146], %swap3A_149 {strides = array<i32>} : memref<128x128xf32, #tpu.memory_space<vmem>>, vector<1x16xf32>,
        %get3A_150 = arith.index_cast %scan3A_53 : i32 to index
        %get3A_151 = arith.constant 112 : index
        %get3A_152 = tpu.vector_load %arg9[%get3A_150, %get3A_151] {strides = array<i32>} : memref<128x128xf32, #tpu.memory_space<vmem>>, vector<1x16xf32>,
        %get3A_153 = vector.shape_cast %get3A_152 : vector<1x16xf32> to vector<16xf32>
        %get3A_154 = arith.index_cast %scan3A_53 : i32 to index
        %get3A_155 = arith.constant 112 : index
        %get3A_156 = tpu.vector_load %arg10[%get3A_154, %get3A_155] {strides = array<i32>} : memref<128x128xf32, #tpu.memory_space<vmem>>, vector<1x16xf32>,
        %get3A_157 = vector.shape_cast %get3A_156 : vector<1x16xf32> to vector<16xf32>
        %add3A_158 = arith.addf %get3A_153, %get3A_157 : vector<16xf32>
        %swap3A_159 = arith.index_cast %scan3A_53 : i32 to index
        %swap3A_160 = arith.constant 112 : index
        %swap3A_161 = tpu.vector_load %arg9[%swap3A_159, %swap3A_160] {strides = array<i32>} : memref<128x128xf32, #tpu.memory_space<vmem>>, vector<1x16xf32>,
        %swap3A_162 = vector.shape_cast %swap3A_161 : vector<1x16xf32> to vector<16xf32>
        %swap3A_163 = vector.shape_cast %add3A_158 : vector<16xf32> to vector<1x16xf32>
        tpu.vector_store %arg9[%swap3A_159, %swap3A_160], %swap3A_163 {strides = array<i32>} : memref<128x128xf32, #tpu.memory_space<vmem>>, vector<1x16xf32>,
      }
      %scan3A_52 = arith.constant 128 : i32
      "tpu.region"() ({
        %run_scoped3A = tpu.sem_alloc : memref<!tpu.dma_semaphore, #tpu.memory_space<semaphore_mem>>
        %dma_start3A_53 = arith.constant 0 : i32
        %dma_start3A_54 = tpu.memref_slice %arg6[%mul3A_37, %dma_start3A_53] : memref<400000x128xf32, #tpu.memory_space<hbm>> -> memref<128x128xf32, #tpu.memory_space<hbm>>
        %dma_start3A_55 = arith.constant 0 : i32
        %dma_start3A_56 = tpu.memref_slice %arg6[%mul3A_37, %dma_start3A_55] : memref<400000x128xf32, #tpu.memory_space<hbm>> -> memref<128x128xf32, #tpu.memory_space<hbm>>
        tpu.enqueue_dma source(%arg9 : memref<128x128xf32, #tpu.memory_space<vmem>>) target(%dma_start3A_56 : memref<128x128xf32, #tpu.memory_space<hbm>>) target_semaphore(%run_scoped3A : memref<!tpu.dma_semaphore, #tpu.memory_space<semaphore_mem>>)
        %dma_wait3A_57 = arith.constant 0 : i32
        %dma_wait3A_58 = tpu.memref_slice %arg6[%mul3A_37, %dma_wait3A_57] : memref<400000x128xf32, #tpu.memory_space<hbm>> -> memref<128x128xf32, #tpu.memory_space<hbm>>
        %dma_wait3A_59 = arith.constant 0 : i32
        %dma_wait3A_60 = tpu.memref_slice %arg6[%mul3A_37, %dma_wait3A_59] : memref<400000x128xf32, #tpu.memory_space<hbm>> -> memref<128x128xf32, #tpu.memory_space<hbm>>
        tpu.wait_dma2 semaphore(%run_scoped3A : memref<!tpu.dma_semaphore, #tpu.memory_space<semaphore_mem>>) src(%arg9 : memref<128x128xf32, #tpu.memory_space<vmem>>) dst(%dma_wait3A_60 : memref<128x128xf32, #tpu.memory_space<hbm>>)
        tpu.yield
      }) : () -> ()
    }
    return
  }
}

#map = affine_map<(d0, d1) -> (0, 0)>
#map1 = affine_map<(d0, d1) -> (0)>
module attributes {stable_mosaic.version = 14 : i64} {
  func.func @k(%arg0: i32, %arg1: i32, %arg2: memref<50000x64xf32, #tpu.memory_space<hbm>>, %arg3: memref<50000x64xf32, #tpu.memory_space<hbm>>, %arg4: memref<400000xi32, #tpu.memory_space<hbm>>, %arg5: memref<400000xi32, #tpu.memory_space<hbm>>, %arg6: memref<400000x64xf32, #tpu.memory_space<hbm>>, %arg7: memref<128xi32, #tpu.memory_space<vmem>>, %arg8: memref<128xi32, #tpu.memory_space<vmem>>, %arg9: memref<128x64xf32, #tpu.memory_space<vmem>>, %arg10: memref<128x64xf32, #tpu.memory_space<vmem>>, %arg11: memref<!tpu.dma_semaphore, #tpu.memory_space<semaphore_mem>>) attributes {dimension_semantics = [#tpu.dimension_semantics<core_parallel>, #tpu.dimension_semantics<subcore_parallel>], iteration_bounds = array<i64: 2, 16>, scalar_prefetch = 0 : i64, scratch_operands = 5 : i64, tpu.core_type = #tpu.core_type<sc_vector_subcore>, window_params = [{transform_indices = #map}, {transform_indices = #map}, {transform_indices = #map1}, {transform_indices = #map1}, {transform_indices = #map}]} {
    %mul3A = arith.constant 2 : i32
    %mul3A_0 = arith.muli %arg1, %mul3A : i32
    %add3A = arith.addi %mul3A_0, %arg0 : i32
    %sub3A = arith.constant 3125 : i32
    %sub3A_1 = arith.subi %sub3A, %add3A : i32
    %add3A_2 = arith.constant 32 : i32
    %add3A_3 = arith.addi %sub3A_1, %add3A_2 : i32
    %sub3A_4 = arith.constant 1 : i32
    %sub3A_5 = arith.subi %add3A_3, %sub3A_4 : i32
    %jit3A = arith.constant 32 : i32
    %div3A = arith.divsi %sub3A_5, %jit3A : i32
    %sign3A = arith.constant 0 : i32
    %sign3A_6 = arith.cmpi sgt, %sub3A_5, %sign3A : i32
    %sign3A_7 = arith.extui %sign3A_6 : i1 to i32
    %sign3A_8 = arith.constant 0 : i32
    %sign3A_9 = arith.cmpi slt, %sub3A_5, %sign3A_8 : i32
    %sign3A_10 = arith.extui %sign3A_9 : i1 to i32
    %sign3A_11 = arith.subi %sign3A_7, %sign3A_10 : i32
    %sign3A_12 = arith.constant 0 : i32
    %sign3A_13 = arith.cmpi sgt, %jit3A, %sign3A_12 : i32
    %sign3A_14 = arith.extui %sign3A_13 : i1 to i32
    %sign3A_15 = arith.constant 0 : i32
    %sign3A_16 = arith.cmpi slt, %jit3A, %sign3A_15 : i32
    %sign3A_17 = arith.extui %sign3A_16 : i1 to i32
    %sign3A_18 = arith.subi %sign3A_14, %sign3A_17 : i32
    %ne3A = arith.cmpi ne, %sign3A_11, %sign3A_18 : i32
    %rem3A = arith.remsi %sub3A_5, %jit3A : i32
    %ne3A_19 = arith.constant 0 : i32
    %ne3A_20 = arith.cmpi ne, %rem3A, %ne3A_19 : i32
    %and3A = arith.andi %ne3A, %ne3A_20 : i1
    %sub3A_21 = arith.constant 1 : i32
    %sub3A_22 = arith.subi %div3A, %sub3A_21 : i32
    %select_n3A = arith.select %and3A, %sub3A_22, %div3A : i32
    %while3A = arith.constant 0 : i32
    %while3A_23 = arith.constant 0 : i32
    %while3A_24 = arith.subi %select_n3A, %while3A_23 : i32
    %while3A_25 = arith.addi %while3A_23, %while3A_24 : i32
    %while3A_26 = arith.constant 1 : i32
    %while3A_27 = arith.divsi %while3A_24, %while3A_26 : i32
    %while3A_28 = arith.muli %while3A_27, %while3A_26 : i32
    %while3A_29 = arith.addi %while3A_23, %while3A_28 : i32
    %while3A_30 = arith.constant 1 : i32
    scf.for %while3A_32 = %while3A_23 to %while3A_29 step %while3A_30  : i32 {
      %mul3A_33 = arith.constant 32 : i32
      %mul3A_34 = arith.muli %while3A_32, %mul3A_33 : i32
      %add3A_35 = arith.addi %add3A, %mul3A_34 : i32
      %mul3A_36 = arith.constant 128 : i32
      %mul3A_37 = arith.muli %add3A_35, %mul3A_36 : i32
      "tpu.region"() ({
        %run_scoped3A = tpu.sem_alloc : memref<!tpu.dma_semaphore, #tpu.memory_space<semaphore_mem>>
        %dma_start3A_53 = tpu.memref_slice %arg4[%mul3A_37] : memref<400000xi32, #tpu.memory_space<hbm>> -> memref<128xi32, #tpu.memory_space<hbm>>
        %dma_start3A_54 = tpu.memref_slice %arg4[%mul3A_37] : memref<400000xi32, #tpu.memory_space<hbm>> -> memref<128xi32, #tpu.memory_space<hbm>>
        tpu.enqueue_dma source(%dma_start3A_54 : memref<128xi32, #tpu.memory_space<hbm>>) target(%arg7 : memref<128xi32, #tpu.memory_space<vmem>>) target_semaphore(%run_scoped3A : memref<!tpu.dma_semaphore, #tpu.memory_space<semaphore_mem>>)
        %dma_wait3A_55 = tpu.memref_slice %arg4[%mul3A_37] : memref<400000xi32, #tpu.memory_space<hbm>> -> memref<128xi32, #tpu.memory_space<hbm>>
        %dma_wait3A_56 = tpu.memref_slice %arg4[%mul3A_37] : memref<400000xi32, #tpu.memory_space<hbm>> -> memref<128xi32, #tpu.memory_space<hbm>>
        tpu.wait_dma2 semaphore(%run_scoped3A : memref<!tpu.dma_semaphore, #tpu.memory_space<semaphore_mem>>) src(%dma_wait3A_56 : memref<128xi32, #tpu.memory_space<hbm>>) dst(%arg7 : memref<128xi32, #tpu.memory_space<vmem>>)
        tpu.yield
      }) : () -> ()
      "tpu.region"() ({
        %run_scoped3A = tpu.sem_alloc : memref<!tpu.dma_semaphore, #tpu.memory_space<semaphore_mem>>
        %dma_start3A_53 = tpu.memref_slice %arg5[%mul3A_37] : memref<400000xi32, #tpu.memory_space<hbm>> -> memref<128xi32, #tpu.memory_space<hbm>>
        %dma_start3A_54 = tpu.memref_slice %arg5[%mul3A_37] : memref<400000xi32, #tpu.memory_space<hbm>> -> memref<128xi32, #tpu.memory_space<hbm>>
        tpu.enqueue_dma source(%dma_start3A_54 : memref<128xi32, #tpu.memory_space<hbm>>) target(%arg8 : memref<128xi32, #tpu.memory_space<vmem>>) target_semaphore(%run_scoped3A : memref<!tpu.dma_semaphore, #tpu.memory_space<semaphore_mem>>)
        %dma_wait3A_55 = tpu.memref_slice %arg5[%mul3A_37] : memref<400000xi32, #tpu.memory_space<hbm>> -> memref<128xi32, #tpu.memory_space<hbm>>
        %dma_wait3A_56 = tpu.memref_slice %arg5[%mul3A_37] : memref<400000xi32, #tpu.memory_space<hbm>> -> memref<128xi32, #tpu.memory_space<hbm>>
        tpu.wait_dma2 semaphore(%run_scoped3A : memref<!tpu.dma_semaphore, #tpu.memory_space<semaphore_mem>>) src(%dma_wait3A_56 : memref<128xi32, #tpu.memory_space<hbm>>) dst(%arg8 : memref<128xi32, #tpu.memory_space<vmem>>)
        tpu.yield
      }) : () -> ()
      %dma_start3A = arith.constant 0 : i32
      %dma_start3A_38 = arith.constant 0 : i32
      %dma_start3A_39 = tpu.memref_slice %arg2[%dma_start3A, %dma_start3A_38] : memref<50000x64xf32, #tpu.memory_space<hbm>> -> memref<50000x64xf32, #tpu.memory_space<hbm>>
      tpu.enqueue_indirect_dma source(%dma_start3A_39 : memref<50000x64xf32, #tpu.memory_space<hbm>>) target(%arg9 : memref<128x64xf32, #tpu.memory_space<vmem>>) offsets(%arg7 : memref<128xi32, #tpu.memory_space<vmem>>) semaphore(%arg11 : memref<!tpu.dma_semaphore, #tpu.memory_space<semaphore_mem>>)
      %dma_start3A_40 = arith.constant 0 : i32
      %dma_start3A_41 = arith.constant 0 : i32
      %dma_start3A_42 = tpu.memref_slice %arg3[%dma_start3A_40, %dma_start3A_41] : memref<50000x64xf32, #tpu.memory_space<hbm>> -> memref<50000x64xf32, #tpu.memory_space<hbm>>
      tpu.enqueue_indirect_dma source(%dma_start3A_42 : memref<50000x64xf32, #tpu.memory_space<hbm>>) target(%arg10 : memref<128x64xf32, #tpu.memory_space<vmem>>) offsets(%arg8 : memref<128xi32, #tpu.memory_space<vmem>>) semaphore(%arg11 : memref<!tpu.dma_semaphore, #tpu.memory_space<semaphore_mem>>)
      %dma_wait3A = arith.constant 0 : i32
      %dma_wait3A_43 = arith.constant 0 : i32
      %dma_wait3A_44 = tpu.memref_slice %arg2[%dma_wait3A, %dma_wait3A_43] : memref<50000x64xf32, #tpu.memory_space<hbm>> -> memref<50000x64xf32, #tpu.memory_space<hbm>>
      tpu.wait_indirect_dma semaphore(%arg11 : memref<!tpu.dma_semaphore, #tpu.memory_space<semaphore_mem>>) src(%dma_wait3A_44 : memref<50000x64xf32, #tpu.memory_space<hbm>>) dst(%arg9 : memref<128x64xf32, #tpu.memory_space<vmem>>)
      %dma_wait3A_45 = arith.constant 0 : i32
      %dma_wait3A_46 = arith.constant 0 : i32
      %dma_wait3A_47 = tpu.memref_slice %arg3[%dma_wait3A_45, %dma_wait3A_46] : memref<50000x64xf32, #tpu.memory_space<hbm>> -> memref<50000x64xf32, #tpu.memory_space<hbm>>
      tpu.wait_indirect_dma semaphore(%arg11 : memref<!tpu.dma_semaphore, #tpu.memory_space<semaphore_mem>>) src(%dma_wait3A_47 : memref<50000x64xf32, #tpu.memory_space<hbm>>) dst(%arg10 : memref<128x64xf32, #tpu.memory_space<vmem>>)
      %scan3A = arith.constant 0 : i32
      %scan3A_48 = arith.constant 0 : i32
      %scan3A_49 = arith.constant 128 : i32
      %scan3A_50 = arith.addi %scan3A_48, %scan3A_49 : i32
      %scan3A_51 = arith.constant 1 : i32
      scf.for %scan3A_53 = %scan3A_48 to %scan3A_50 step %scan3A_51  : i32 {
        %get3A = arith.index_cast %scan3A_53 : i32 to index
        %get3A_54 = arith.constant 0 : index
        %get3A_55 = tpu.vector_load %arg9[%get3A, %get3A_54] {strides = array<i32>} : memref<128x64xf32, #tpu.memory_space<vmem>>, vector<1x16xf32>,
        %get3A_56 = vector.shape_cast %get3A_55 : vector<1x16xf32> to vector<16xf32>
        %get3A_57 = arith.index_cast %scan3A_53 : i32 to index
        %get3A_58 = arith.constant 0 : index
        %get3A_59 = tpu.vector_load %arg10[%get3A_57, %get3A_58] {strides = array<i32>} : memref<128x64xf32, #tpu.memory_space<vmem>>, vector<1x16xf32>,
        %get3A_60 = vector.shape_cast %get3A_59 : vector<1x16xf32> to vector<16xf32>
        %add3A_61 = arith.addf %get3A_56, %get3A_60 : vector<16xf32>
        %swap3A = arith.index_cast %scan3A_53 : i32 to index
        %swap3A_62 = arith.constant 0 : index
        %swap3A_63 = tpu.vector_load %arg9[%swap3A, %swap3A_62] {strides = array<i32>} : memref<128x64xf32, #tpu.memory_space<vmem>>, vector<1x16xf32>,
        %swap3A_64 = vector.shape_cast %swap3A_63 : vector<1x16xf32> to vector<16xf32>
        %swap3A_65 = vector.shape_cast %add3A_61 : vector<16xf32> to vector<1x16xf32>
        tpu.vector_store %arg9[%swap3A, %swap3A_62], %swap3A_65 {strides = array<i32>} : memref<128x64xf32, #tpu.memory_space<vmem>>, vector<1x16xf32>,
        %get3A_66 = arith.index_cast %scan3A_53 : i32 to index
        %get3A_67 = arith.constant 16 : index
        %get3A_68 = tpu.vector_load %arg9[%get3A_66, %get3A_67] {strides = array<i32>} : memref<128x64xf32, #tpu.memory_space<vmem>>, vector<1x16xf32>,
        %get3A_69 = vector.shape_cast %get3A_68 : vector<1x16xf32> to vector<16xf32>
        %get3A_70 = arith.index_cast %scan3A_53 : i32 to index
        %get3A_71 = arith.constant 16 : index
        %get3A_72 = tpu.vector_load %arg10[%get3A_70, %get3A_71] {strides = array<i32>} : memref<128x64xf32, #tpu.memory_space<vmem>>, vector<1x16xf32>,
        %get3A_73 = vector.shape_cast %get3A_72 : vector<1x16xf32> to vector<16xf32>
        %add3A_74 = arith.addf %get3A_69, %get3A_73 : vector<16xf32>
        %swap3A_75 = arith.index_cast %scan3A_53 : i32 to index
        %swap3A_76 = arith.constant 16 : index
        %swap3A_77 = tpu.vector_load %arg9[%swap3A_75, %swap3A_76] {strides = array<i32>} : memref<128x64xf32, #tpu.memory_space<vmem>>, vector<1x16xf32>,
        %swap3A_78 = vector.shape_cast %swap3A_77 : vector<1x16xf32> to vector<16xf32>
        %swap3A_79 = vector.shape_cast %add3A_74 : vector<16xf32> to vector<1x16xf32>
        tpu.vector_store %arg9[%swap3A_75, %swap3A_76], %swap3A_79 {strides = array<i32>} : memref<128x64xf32, #tpu.memory_space<vmem>>, vector<1x16xf32>,
        %get3A_80 = arith.index_cast %scan3A_53 : i32 to index
        %get3A_81 = arith.constant 32 : index
        %get3A_82 = tpu.vector_load %arg9[%get3A_80, %get3A_81] {strides = array<i32>} : memref<128x64xf32, #tpu.memory_space<vmem>>, vector<1x16xf32>,
        %get3A_83 = vector.shape_cast %get3A_82 : vector<1x16xf32> to vector<16xf32>
        %get3A_84 = arith.index_cast %scan3A_53 : i32 to index
        %get3A_85 = arith.constant 32 : index
        %get3A_86 = tpu.vector_load %arg10[%get3A_84, %get3A_85] {strides = array<i32>} : memref<128x64xf32, #tpu.memory_space<vmem>>, vector<1x16xf32>,
        %get3A_87 = vector.shape_cast %get3A_86 : vector<1x16xf32> to vector<16xf32>
        %add3A_88 = arith.addf %get3A_83, %get3A_87 : vector<16xf32>
        %swap3A_89 = arith.index_cast %scan3A_53 : i32 to index
        %swap3A_90 = arith.constant 32 : index
        %swap3A_91 = tpu.vector_load %arg9[%swap3A_89, %swap3A_90] {strides = array<i32>} : memref<128x64xf32, #tpu.memory_space<vmem>>, vector<1x16xf32>,
        %swap3A_92 = vector.shape_cast %swap3A_91 : vector<1x16xf32> to vector<16xf32>
        %swap3A_93 = vector.shape_cast %add3A_88 : vector<16xf32> to vector<1x16xf32>
        tpu.vector_store %arg9[%swap3A_89, %swap3A_90], %swap3A_93 {strides = array<i32>} : memref<128x64xf32, #tpu.memory_space<vmem>>, vector<1x16xf32>,
        %get3A_94 = arith.index_cast %scan3A_53 : i32 to index
        %get3A_95 = arith.constant 48 : index
        %get3A_96 = tpu.vector_load %arg9[%get3A_94, %get3A_95] {strides = array<i32>} : memref<128x64xf32, #tpu.memory_space<vmem>>, vector<1x16xf32>,
        %get3A_97 = vector.shape_cast %get3A_96 : vector<1x16xf32> to vector<16xf32>
        %get3A_98 = arith.index_cast %scan3A_53 : i32 to index
        %get3A_99 = arith.constant 48 : index
        %get3A_100 = tpu.vector_load %arg10[%get3A_98, %get3A_99] {strides = array<i32>} : memref<128x64xf32, #tpu.memory_space<vmem>>, vector<1x16xf32>,
        %get3A_101 = vector.shape_cast %get3A_100 : vector<1x16xf32> to vector<16xf32>
        %add3A_102 = arith.addf %get3A_97, %get3A_101 : vector<16xf32>
        %swap3A_103 = arith.index_cast %scan3A_53 : i32 to index
        %swap3A_104 = arith.constant 48 : index
        %swap3A_105 = tpu.vector_load %arg9[%swap3A_103, %swap3A_104] {strides = array<i32>} : memref<128x64xf32, #tpu.memory_space<vmem>>, vector<1x16xf32>,
        %swap3A_106 = vector.shape_cast %swap3A_105 : vector<1x16xf32> to vector<16xf32>
        %swap3A_107 = vector.shape_cast %add3A_102 : vector<16xf32> to vector<1x16xf32>
        tpu.vector_store %arg9[%swap3A_103, %swap3A_104], %swap3A_107 {strides = array<i32>} : memref<128x64xf32, #tpu.memory_space<vmem>>, vector<1x16xf32>,
      }
      %scan3A_52 = arith.constant 128 : i32
      "tpu.region"() ({
        %run_scoped3A = tpu.sem_alloc : memref<!tpu.dma_semaphore, #tpu.memory_space<semaphore_mem>>
        %dma_start3A_53 = arith.constant 0 : i32
        %dma_start3A_54 = tpu.memref_slice %arg6[%mul3A_37, %dma_start3A_53] : memref<400000x64xf32, #tpu.memory_space<hbm>> -> memref<128x64xf32, #tpu.memory_space<hbm>>
        %dma_start3A_55 = arith.constant 0 : i32
        %dma_start3A_56 = tpu.memref_slice %arg6[%mul3A_37, %dma_start3A_55] : memref<400000x64xf32, #tpu.memory_space<hbm>> -> memref<128x64xf32, #tpu.memory_space<hbm>>
        tpu.enqueue_dma source(%arg9 : memref<128x64xf32, #tpu.memory_space<vmem>>) target(%dma_start3A_56 : memref<128x64xf32, #tpu.memory_space<hbm>>) target_semaphore(%run_scoped3A : memref<!tpu.dma_semaphore, #tpu.memory_space<semaphore_mem>>)
        %dma_wait3A_57 = arith.constant 0 : i32
        %dma_wait3A_58 = tpu.memref_slice %arg6[%mul3A_37, %dma_wait3A_57] : memref<400000x64xf32, #tpu.memory_space<hbm>> -> memref<128x64xf32, #tpu.memory_space<hbm>>
        %dma_wait3A_59 = arith.constant 0 : i32
        %dma_wait3A_60 = tpu.memref_slice %arg6[%mul3A_37, %dma_wait3A_59] : memref<400000x64xf32, #tpu.memory_space<hbm>> -> memref<128x64xf32, #tpu.memory_space<hbm>>
        tpu.wait_dma2 semaphore(%run_scoped3A : memref<!tpu.dma_semaphore, #tpu.memory_space<semaphore_mem>>) src(%arg9 : memref<128x64xf32, #tpu.memory_space<vmem>>) dst(%dma_wait3A_60 : memref<128x64xf32, #tpu.memory_space<hbm>>)
        tpu.yield
      }) : () -> ()
    }
    %while3A_31 = arith.constant 1 : i32
    scf.for %while3A_32 = %while3A_29 to %while3A_25 step %while3A_31  : i32 {
      %mul3A_33 = arith.constant 32 : i32
      %mul3A_34 = arith.muli %while3A_32, %mul3A_33 : i32
      %add3A_35 = arith.addi %add3A, %mul3A_34 : i32
      %mul3A_36 = arith.constant 128 : i32
      %mul3A_37 = arith.muli %add3A_35, %mul3A_36 : i32
      "tpu.region"() ({
        %run_scoped3A = tpu.sem_alloc : memref<!tpu.dma_semaphore, #tpu.memory_space<semaphore_mem>>
        %dma_start3A_53 = tpu.memref_slice %arg4[%mul3A_37] : memref<400000xi32, #tpu.memory_space<hbm>> -> memref<128xi32, #tpu.memory_space<hbm>>
        %dma_start3A_54 = tpu.memref_slice %arg4[%mul3A_37] : memref<400000xi32, #tpu.memory_space<hbm>> -> memref<128xi32, #tpu.memory_space<hbm>>
        tpu.enqueue_dma source(%dma_start3A_54 : memref<128xi32, #tpu.memory_space<hbm>>) target(%arg7 : memref<128xi32, #tpu.memory_space<vmem>>) target_semaphore(%run_scoped3A : memref<!tpu.dma_semaphore, #tpu.memory_space<semaphore_mem>>)
        %dma_wait3A_55 = tpu.memref_slice %arg4[%mul3A_37] : memref<400000xi32, #tpu.memory_space<hbm>> -> memref<128xi32, #tpu.memory_space<hbm>>
        %dma_wait3A_56 = tpu.memref_slice %arg4[%mul3A_37] : memref<400000xi32, #tpu.memory_space<hbm>> -> memref<128xi32, #tpu.memory_space<hbm>>
        tpu.wait_dma2 semaphore(%run_scoped3A : memref<!tpu.dma_semaphore, #tpu.memory_space<semaphore_mem>>) src(%dma_wait3A_56 : memref<128xi32, #tpu.memory_space<hbm>>) dst(%arg7 : memref<128xi32, #tpu.memory_space<vmem>>)
        tpu.yield
      }) : () -> ()
      "tpu.region"() ({
        %run_scoped3A = tpu.sem_alloc : memref<!tpu.dma_semaphore, #tpu.memory_space<semaphore_mem>>
        %dma_start3A_53 = tpu.memref_slice %arg5[%mul3A_37] : memref<400000xi32, #tpu.memory_space<hbm>> -> memref<128xi32, #tpu.memory_space<hbm>>
        %dma_start3A_54 = tpu.memref_slice %arg5[%mul3A_37] : memref<400000xi32, #tpu.memory_space<hbm>> -> memref<128xi32, #tpu.memory_space<hbm>>
        tpu.enqueue_dma source(%dma_start3A_54 : memref<128xi32, #tpu.memory_space<hbm>>) target(%arg8 : memref<128xi32, #tpu.memory_space<vmem>>) target_semaphore(%run_scoped3A : memref<!tpu.dma_semaphore, #tpu.memory_space<semaphore_mem>>)
        %dma_wait3A_55 = tpu.memref_slice %arg5[%mul3A_37] : memref<400000xi32, #tpu.memory_space<hbm>> -> memref<128xi32, #tpu.memory_space<hbm>>
        %dma_wait3A_56 = tpu.memref_slice %arg5[%mul3A_37] : memref<400000xi32, #tpu.memory_space<hbm>> -> memref<128xi32, #tpu.memory_space<hbm>>
        tpu.wait_dma2 semaphore(%run_scoped3A : memref<!tpu.dma_semaphore, #tpu.memory_space<semaphore_mem>>) src(%dma_wait3A_56 : memref<128xi32, #tpu.memory_space<hbm>>) dst(%arg8 : memref<128xi32, #tpu.memory_space<vmem>>)
        tpu.yield
      }) : () -> ()
      %dma_start3A = arith.constant 0 : i32
      %dma_start3A_38 = arith.constant 0 : i32
      %dma_start3A_39 = tpu.memref_slice %arg2[%dma_start3A, %dma_start3A_38] : memref<50000x64xf32, #tpu.memory_space<hbm>> -> memref<50000x64xf32, #tpu.memory_space<hbm>>
      tpu.enqueue_indirect_dma source(%dma_start3A_39 : memref<50000x64xf32, #tpu.memory_space<hbm>>) target(%arg9 : memref<128x64xf32, #tpu.memory_space<vmem>>) offsets(%arg7 : memref<128xi32, #tpu.memory_space<vmem>>) semaphore(%arg11 : memref<!tpu.dma_semaphore, #tpu.memory_space<semaphore_mem>>)
      %dma_start3A_40 = arith.constant 0 : i32
      %dma_start3A_41 = arith.constant 0 : i32
      %dma_start3A_42 = tpu.memref_slice %arg3[%dma_start3A_40, %dma_start3A_41] : memref<50000x64xf32, #tpu.memory_space<hbm>> -> memref<50000x64xf32, #tpu.memory_space<hbm>>
      tpu.enqueue_indirect_dma source(%dma_start3A_42 : memref<50000x64xf32, #tpu.memory_space<hbm>>) target(%arg10 : memref<128x64xf32, #tpu.memory_space<vmem>>) offsets(%arg8 : memref<128xi32, #tpu.memory_space<vmem>>) semaphore(%arg11 : memref<!tpu.dma_semaphore, #tpu.memory_space<semaphore_mem>>)
      %dma_wait3A = arith.constant 0 : i32
      %dma_wait3A_43 = arith.constant 0 : i32
      %dma_wait3A_44 = tpu.memref_slice %arg2[%dma_wait3A, %dma_wait3A_43] : memref<50000x64xf32, #tpu.memory_space<hbm>> -> memref<50000x64xf32, #tpu.memory_space<hbm>>
      tpu.wait_indirect_dma semaphore(%arg11 : memref<!tpu.dma_semaphore, #tpu.memory_space<semaphore_mem>>) src(%dma_wait3A_44 : memref<50000x64xf32, #tpu.memory_space<hbm>>) dst(%arg9 : memref<128x64xf32, #tpu.memory_space<vmem>>)
      %dma_wait3A_45 = arith.constant 0 : i32
      %dma_wait3A_46 = arith.constant 0 : i32
      %dma_wait3A_47 = tpu.memref_slice %arg3[%dma_wait3A_45, %dma_wait3A_46] : memref<50000x64xf32, #tpu.memory_space<hbm>> -> memref<50000x64xf32, #tpu.memory_space<hbm>>
      tpu.wait_indirect_dma semaphore(%arg11 : memref<!tpu.dma_semaphore, #tpu.memory_space<semaphore_mem>>) src(%dma_wait3A_47 : memref<50000x64xf32, #tpu.memory_space<hbm>>) dst(%arg10 : memref<128x64xf32, #tpu.memory_space<vmem>>)
      %scan3A = arith.constant 0 : i32
      %scan3A_48 = arith.constant 0 : i32
      %scan3A_49 = arith.constant 128 : i32
      %scan3A_50 = arith.addi %scan3A_48, %scan3A_49 : i32
      %scan3A_51 = arith.constant 1 : i32
      scf.for %scan3A_53 = %scan3A_48 to %scan3A_50 step %scan3A_51  : i32 {
        %get3A = arith.index_cast %scan3A_53 : i32 to index
        %get3A_54 = arith.constant 0 : index
        %get3A_55 = tpu.vector_load %arg9[%get3A, %get3A_54] {strides = array<i32>} : memref<128x64xf32, #tpu.memory_space<vmem>>, vector<1x16xf32>,
        %get3A_56 = vector.shape_cast %get3A_55 : vector<1x16xf32> to vector<16xf32>
        %get3A_57 = arith.index_cast %scan3A_53 : i32 to index
        %get3A_58 = arith.constant 0 : index
        %get3A_59 = tpu.vector_load %arg10[%get3A_57, %get3A_58] {strides = array<i32>} : memref<128x64xf32, #tpu.memory_space<vmem>>, vector<1x16xf32>,
        %get3A_60 = vector.shape_cast %get3A_59 : vector<1x16xf32> to vector<16xf32>
        %add3A_61 = arith.addf %get3A_56, %get3A_60 : vector<16xf32>
        %swap3A = arith.index_cast %scan3A_53 : i32 to index
        %swap3A_62 = arith.constant 0 : index
        %swap3A_63 = tpu.vector_load %arg9[%swap3A, %swap3A_62] {strides = array<i32>} : memref<128x64xf32, #tpu.memory_space<vmem>>, vector<1x16xf32>,
        %swap3A_64 = vector.shape_cast %swap3A_63 : vector<1x16xf32> to vector<16xf32>
        %swap3A_65 = vector.shape_cast %add3A_61 : vector<16xf32> to vector<1x16xf32>
        tpu.vector_store %arg9[%swap3A, %swap3A_62], %swap3A_65 {strides = array<i32>} : memref<128x64xf32, #tpu.memory_space<vmem>>, vector<1x16xf32>,
        %get3A_66 = arith.index_cast %scan3A_53 : i32 to index
        %get3A_67 = arith.constant 16 : index
        %get3A_68 = tpu.vector_load %arg9[%get3A_66, %get3A_67] {strides = array<i32>} : memref<128x64xf32, #tpu.memory_space<vmem>>, vector<1x16xf32>,
        %get3A_69 = vector.shape_cast %get3A_68 : vector<1x16xf32> to vector<16xf32>
        %get3A_70 = arith.index_cast %scan3A_53 : i32 to index
        %get3A_71 = arith.constant 16 : index
        %get3A_72 = tpu.vector_load %arg10[%get3A_70, %get3A_71] {strides = array<i32>} : memref<128x64xf32, #tpu.memory_space<vmem>>, vector<1x16xf32>,
        %get3A_73 = vector.shape_cast %get3A_72 : vector<1x16xf32> to vector<16xf32>
        %add3A_74 = arith.addf %get3A_69, %get3A_73 : vector<16xf32>
        %swap3A_75 = arith.index_cast %scan3A_53 : i32 to index
        %swap3A_76 = arith.constant 16 : index
        %swap3A_77 = tpu.vector_load %arg9[%swap3A_75, %swap3A_76] {strides = array<i32>} : memref<128x64xf32, #tpu.memory_space<vmem>>, vector<1x16xf32>,
        %swap3A_78 = vector.shape_cast %swap3A_77 : vector<1x16xf32> to vector<16xf32>
        %swap3A_79 = vector.shape_cast %add3A_74 : vector<16xf32> to vector<1x16xf32>
        tpu.vector_store %arg9[%swap3A_75, %swap3A_76], %swap3A_79 {strides = array<i32>} : memref<128x64xf32, #tpu.memory_space<vmem>>, vector<1x16xf32>,
        %get3A_80 = arith.index_cast %scan3A_53 : i32 to index
        %get3A_81 = arith.constant 32 : index
        %get3A_82 = tpu.vector_load %arg9[%get3A_80, %get3A_81] {strides = array<i32>} : memref<128x64xf32, #tpu.memory_space<vmem>>, vector<1x16xf32>,
        %get3A_83 = vector.shape_cast %get3A_82 : vector<1x16xf32> to vector<16xf32>
        %get3A_84 = arith.index_cast %scan3A_53 : i32 to index
        %get3A_85 = arith.constant 32 : index
        %get3A_86 = tpu.vector_load %arg10[%get3A_84, %get3A_85] {strides = array<i32>} : memref<128x64xf32, #tpu.memory_space<vmem>>, vector<1x16xf32>,
        %get3A_87 = vector.shape_cast %get3A_86 : vector<1x16xf32> to vector<16xf32>
        %add3A_88 = arith.addf %get3A_83, %get3A_87 : vector<16xf32>
        %swap3A_89 = arith.index_cast %scan3A_53 : i32 to index
        %swap3A_90 = arith.constant 32 : index
        %swap3A_91 = tpu.vector_load %arg9[%swap3A_89, %swap3A_90] {strides = array<i32>} : memref<128x64xf32, #tpu.memory_space<vmem>>, vector<1x16xf32>,
        %swap3A_92 = vector.shape_cast %swap3A_91 : vector<1x16xf32> to vector<16xf32>
        %swap3A_93 = vector.shape_cast %add3A_88 : vector<16xf32> to vector<1x16xf32>
        tpu.vector_store %arg9[%swap3A_89, %swap3A_90], %swap3A_93 {strides = array<i32>} : memref<128x64xf32, #tpu.memory_space<vmem>>, vector<1x16xf32>,
        %get3A_94 = arith.index_cast %scan3A_53 : i32 to index
        %get3A_95 = arith.constant 48 : index
        %get3A_96 = tpu.vector_load %arg9[%get3A_94, %get3A_95] {strides = array<i32>} : memref<128x64xf32, #tpu.memory_space<vmem>>, vector<1x16xf32>,
        %get3A_97 = vector.shape_cast %get3A_96 : vector<1x16xf32> to vector<16xf32>
        %get3A_98 = arith.index_cast %scan3A_53 : i32 to index
        %get3A_99 = arith.constant 48 : index
        %get3A_100 = tpu.vector_load %arg10[%get3A_98, %get3A_99] {strides = array<i32>} : memref<128x64xf32, #tpu.memory_space<vmem>>, vector<1x16xf32>,
        %get3A_101 = vector.shape_cast %get3A_100 : vector<1x16xf32> to vector<16xf32>
        %add3A_102 = arith.addf %get3A_97, %get3A_101 : vector<16xf32>
        %swap3A_103 = arith.index_cast %scan3A_53 : i32 to index
        %swap3A_104 = arith.constant 48 : index
        %swap3A_105 = tpu.vector_load %arg9[%swap3A_103, %swap3A_104] {strides = array<i32>} : memref<128x64xf32, #tpu.memory_space<vmem>>, vector<1x16xf32>,
        %swap3A_106 = vector.shape_cast %swap3A_105 : vector<1x16xf32> to vector<16xf32>
        %swap3A_107 = vector.shape_cast %add3A_102 : vector<16xf32> to vector<1x16xf32>
        tpu.vector_store %arg9[%swap3A_103, %swap3A_104], %swap3A_107 {strides = array<i32>} : memref<128x64xf32, #tpu.memory_space<vmem>>, vector<1x16xf32>,
      }
      %scan3A_52 = arith.constant 128 : i32
      "tpu.region"() ({
        %run_scoped3A = tpu.sem_alloc : memref<!tpu.dma_semaphore, #tpu.memory_space<semaphore_mem>>
        %dma_start3A_53 = arith.constant 0 : i32
        %dma_start3A_54 = tpu.memref_slice %arg6[%mul3A_37, %dma_start3A_53] : memref<400000x64xf32, #tpu.memory_space<hbm>> -> memref<128x64xf32, #tpu.memory_space<hbm>>
        %dma_start3A_55 = arith.constant 0 : i32
        %dma_start3A_56 = tpu.memref_slice %arg6[%mul3A_37, %dma_start3A_55] : memref<400000x64xf32, #tpu.memory_space<hbm>> -> memref<128x64xf32, #tpu.memory_space<hbm>>
        tpu.enqueue_dma source(%arg9 : memref<128x64xf32, #tpu.memory_space<vmem>>) target(%dma_start3A_56 : memref<128x64xf32, #tpu.memory_space<hbm>>) target_semaphore(%run_scoped3A : memref<!tpu.dma_semaphore, #tpu.memory_space<semaphore_mem>>)
        %dma_wait3A_57 = arith.constant 0 : i32
        %dma_wait3A_58 = tpu.memref_slice %arg6[%mul3A_37, %dma_wait3A_57] : memref<400000x64xf32, #tpu.memory_space<hbm>> -> memref<128x64xf32, #tpu.memory_space<hbm>>
        %dma_wait3A_59 = arith.constant 0 : i32
        %dma_wait3A_60 = tpu.memref_slice %arg6[%mul3A_37, %dma_wait3A_59] : memref<400000x64xf32, #tpu.memory_space<hbm>> -> memref<128x64xf32, #tpu.memory_space<hbm>>
        tpu.wait_dma2 semaphore(%run_scoped3A : memref<!tpu.dma_semaphore, #tpu.memory_space<semaphore_mem>>) src(%arg9 : memref<128x64xf32, #tpu.memory_space<vmem>>) dst(%dma_wait3A_60 : memref<128x64xf32, #tpu.memory_space<hbm>>)
        tpu.yield
      }) : () -> ()
    }
    return
  }
}

#map = affine_map<(d0, d1) -> (0, 0)>
#map1 = affine_map<(d0, d1) -> (0)>
module attributes {stable_mosaic.version = 14 : i64} {
  func.func @k(%arg0: i32, %arg1: i32, %arg2: memref<50000x64xf32, #tpu.memory_space<hbm>>, %arg3: memref<50000x64xf32, #tpu.memory_space<hbm>>, %arg4: memref<400000xi32, #tpu.memory_space<hbm>>, %arg5: memref<400000xi32, #tpu.memory_space<hbm>>, %arg6: memref<400000x64xf32, #tpu.memory_space<hbm>>, %arg7: memref<128xi32, #tpu.memory_space<vmem>>, %arg8: memref<128xi32, #tpu.memory_space<vmem>>, %arg9: memref<128x64xf32, #tpu.memory_space<vmem>>, %arg10: memref<128x64xf32, #tpu.memory_space<vmem>>, %arg11: memref<!tpu.dma_semaphore, #tpu.memory_space<semaphore_mem>>) attributes {dimension_semantics = [#tpu.dimension_semantics<core_parallel>, #tpu.dimension_semantics<subcore_parallel>], iteration_bounds = array<i64: 2, 16>, scalar_prefetch = 0 : i64, scratch_operands = 5 : i64, tpu.core_type = #tpu.core_type<sc_vector_subcore>, window_params = [{transform_indices = #map}, {transform_indices = #map}, {transform_indices = #map1}, {transform_indices = #map1}, {transform_indices = #map}]} {
    %mul3A = arith.constant 2 : i32
    %mul3A_0 = arith.muli %arg1, %mul3A : i32
    %add3A = arith.addi %mul3A_0, %arg0 : i32
    %sub3A = arith.constant 3125 : i32
    %sub3A_1 = arith.subi %sub3A, %add3A : i32
    %add3A_2 = arith.constant 32 : i32
    %add3A_3 = arith.addi %sub3A_1, %add3A_2 : i32
    %sub3A_4 = arith.constant 1 : i32
    %sub3A_5 = arith.subi %add3A_3, %sub3A_4 : i32
    %jit3A = arith.constant 32 : i32
    %div3A = arith.divsi %sub3A_5, %jit3A : i32
    %sign3A = arith.constant 0 : i32
    %sign3A_6 = arith.cmpi sgt, %sub3A_5, %sign3A : i32
    %sign3A_7 = arith.extui %sign3A_6 : i1 to i32
    %sign3A_8 = arith.constant 0 : i32
    %sign3A_9 = arith.cmpi slt, %sub3A_5, %sign3A_8 : i32
    %sign3A_10 = arith.extui %sign3A_9 : i1 to i32
    %sign3A_11 = arith.subi %sign3A_7, %sign3A_10 : i32
    %sign3A_12 = arith.constant 0 : i32
    %sign3A_13 = arith.cmpi sgt, %jit3A, %sign3A_12 : i32
    %sign3A_14 = arith.extui %sign3A_13 : i1 to i32
    %sign3A_15 = arith.constant 0 : i32
    %sign3A_16 = arith.cmpi slt, %jit3A, %sign3A_15 : i32
    %sign3A_17 = arith.extui %sign3A_16 : i1 to i32
    %sign3A_18 = arith.subi %sign3A_14, %sign3A_17 : i32
    %ne3A = arith.cmpi ne, %sign3A_11, %sign3A_18 : i32
    %rem3A = arith.remsi %sub3A_5, %jit3A : i32
    %ne3A_19 = arith.constant 0 : i32
    %ne3A_20 = arith.cmpi ne, %rem3A, %ne3A_19 : i32
    %and3A = arith.andi %ne3A, %ne3A_20 : i1
    %sub3A_21 = arith.constant 1 : i32
    %sub3A_22 = arith.subi %div3A, %sub3A_21 : i32
    %select_n3A = arith.select %and3A, %sub3A_22, %div3A : i32
    %while3A = arith.constant 0 : i32
    %while3A_23 = arith.constant 0 : i32
    %while3A_24 = arith.subi %select_n3A, %while3A_23 : i32
    %while3A_25 = arith.addi %while3A_23, %while3A_24 : i32
    %while3A_26 = arith.constant 1 : i32
    %while3A_27 = arith.divsi %while3A_24, %while3A_26 : i32
    %while3A_28 = arith.muli %while3A_27, %while3A_26 : i32
    %while3A_29 = arith.addi %while3A_23, %while3A_28 : i32
    %while3A_30 = arith.constant 1 : i32
    scf.for %while3A_32 = %while3A_23 to %while3A_29 step %while3A_30  : i32 {
      %mul3A_33 = arith.constant 32 : i32
      %mul3A_34 = arith.muli %while3A_32, %mul3A_33 : i32
      %add3A_35 = arith.addi %add3A, %mul3A_34 : i32
      %mul3A_36 = arith.constant 128 : i32
      %mul3A_37 = arith.muli %add3A_35, %mul3A_36 : i32
      "tpu.region"() ({
        %run_scoped3A = tpu.sem_alloc : memref<!tpu.dma_semaphore, #tpu.memory_space<semaphore_mem>>
        %dma_start3A_53 = tpu.memref_slice %arg4[%mul3A_37] : memref<400000xi32, #tpu.memory_space<hbm>> -> memref<128xi32, #tpu.memory_space<hbm>>
        %dma_start3A_54 = tpu.memref_slice %arg4[%mul3A_37] : memref<400000xi32, #tpu.memory_space<hbm>> -> memref<128xi32, #tpu.memory_space<hbm>>
        tpu.enqueue_dma source(%dma_start3A_54 : memref<128xi32, #tpu.memory_space<hbm>>) target(%arg7 : memref<128xi32, #tpu.memory_space<vmem>>) target_semaphore(%run_scoped3A : memref<!tpu.dma_semaphore, #tpu.memory_space<semaphore_mem>>)
        %dma_wait3A_55 = tpu.memref_slice %arg4[%mul3A_37] : memref<400000xi32, #tpu.memory_space<hbm>> -> memref<128xi32, #tpu.memory_space<hbm>>
        %dma_wait3A_56 = tpu.memref_slice %arg4[%mul3A_37] : memref<400000xi32, #tpu.memory_space<hbm>> -> memref<128xi32, #tpu.memory_space<hbm>>
        tpu.wait_dma2 semaphore(%run_scoped3A : memref<!tpu.dma_semaphore, #tpu.memory_space<semaphore_mem>>) src(%dma_wait3A_56 : memref<128xi32, #tpu.memory_space<hbm>>) dst(%arg7 : memref<128xi32, #tpu.memory_space<vmem>>)
        tpu.yield
      }) : () -> ()
      "tpu.region"() ({
        %run_scoped3A = tpu.sem_alloc : memref<!tpu.dma_semaphore, #tpu.memory_space<semaphore_mem>>
        %dma_start3A_53 = tpu.memref_slice %arg5[%mul3A_37] : memref<400000xi32, #tpu.memory_space<hbm>> -> memref<128xi32, #tpu.memory_space<hbm>>
        %dma_start3A_54 = tpu.memref_slice %arg5[%mul3A_37] : memref<400000xi32, #tpu.memory_space<hbm>> -> memref<128xi32, #tpu.memory_space<hbm>>
        tpu.enqueue_dma source(%dma_start3A_54 : memref<128xi32, #tpu.memory_space<hbm>>) target(%arg8 : memref<128xi32, #tpu.memory_space<vmem>>) target_semaphore(%run_scoped3A : memref<!tpu.dma_semaphore, #tpu.memory_space<semaphore_mem>>)
        %dma_wait3A_55 = tpu.memref_slice %arg5[%mul3A_37] : memref<400000xi32, #tpu.memory_space<hbm>> -> memref<128xi32, #tpu.memory_space<hbm>>
        %dma_wait3A_56 = tpu.memref_slice %arg5[%mul3A_37] : memref<400000xi32, #tpu.memory_space<hbm>> -> memref<128xi32, #tpu.memory_space<hbm>>
        tpu.wait_dma2 semaphore(%run_scoped3A : memref<!tpu.dma_semaphore, #tpu.memory_space<semaphore_mem>>) src(%dma_wait3A_56 : memref<128xi32, #tpu.memory_space<hbm>>) dst(%arg8 : memref<128xi32, #tpu.memory_space<vmem>>)
        tpu.yield
      }) : () -> ()
      %dma_start3A = arith.constant 0 : i32
      %dma_start3A_38 = arith.constant 0 : i32
      %dma_start3A_39 = tpu.memref_slice %arg2[%dma_start3A, %dma_start3A_38] : memref<50000x64xf32, #tpu.memory_space<hbm>> -> memref<50000x64xf32, #tpu.memory_space<hbm>>
      tpu.enqueue_indirect_dma source(%dma_start3A_39 : memref<50000x64xf32, #tpu.memory_space<hbm>>) target(%arg9 : memref<128x64xf32, #tpu.memory_space<vmem>>) offsets(%arg7 : memref<128xi32, #tpu.memory_space<vmem>>) semaphore(%arg11 : memref<!tpu.dma_semaphore, #tpu.memory_space<semaphore_mem>>)
      %dma_start3A_40 = arith.constant 0 : i32
      %dma_start3A_41 = arith.constant 0 : i32
      %dma_start3A_42 = tpu.memref_slice %arg3[%dma_start3A_40, %dma_start3A_41] : memref<50000x64xf32, #tpu.memory_space<hbm>> -> memref<50000x64xf32, #tpu.memory_space<hbm>>
      tpu.enqueue_indirect_dma source(%dma_start3A_42 : memref<50000x64xf32, #tpu.memory_space<hbm>>) target(%arg10 : memref<128x64xf32, #tpu.memory_space<vmem>>) offsets(%arg8 : memref<128xi32, #tpu.memory_space<vmem>>) semaphore(%arg11 : memref<!tpu.dma_semaphore, #tpu.memory_space<semaphore_mem>>)
      %dma_wait3A = arith.constant 0 : i32
      %dma_wait3A_43 = arith.constant 0 : i32
      %dma_wait3A_44 = tpu.memref_slice %arg2[%dma_wait3A, %dma_wait3A_43] : memref<50000x64xf32, #tpu.memory_space<hbm>> -> memref<50000x64xf32, #tpu.memory_space<hbm>>
      tpu.wait_indirect_dma semaphore(%arg11 : memref<!tpu.dma_semaphore, #tpu.memory_space<semaphore_mem>>) src(%dma_wait3A_44 : memref<50000x64xf32, #tpu.memory_space<hbm>>) dst(%arg9 : memref<128x64xf32, #tpu.memory_space<vmem>>)
      %dma_wait3A_45 = arith.constant 0 : i32
      %dma_wait3A_46 = arith.constant 0 : i32
      %dma_wait3A_47 = tpu.memref_slice %arg3[%dma_wait3A_45, %dma_wait3A_46] : memref<50000x64xf32, #tpu.memory_space<hbm>> -> memref<50000x64xf32, #tpu.memory_space<hbm>>
      tpu.wait_indirect_dma semaphore(%arg11 : memref<!tpu.dma_semaphore, #tpu.memory_space<semaphore_mem>>) src(%dma_wait3A_47 : memref<50000x64xf32, #tpu.memory_space<hbm>>) dst(%arg10 : memref<128x64xf32, #tpu.memory_space<vmem>>)
      %scan3A = arith.constant 0 : i32
      %scan3A_48 = arith.constant 0 : i32
      %scan3A_49 = arith.constant 128 : i32
      %scan3A_50 = arith.addi %scan3A_48, %scan3A_49 : i32
      %scan3A_51 = arith.constant 1 : i32
      scf.for %scan3A_53 = %scan3A_48 to %scan3A_50 step %scan3A_51  : i32 {
        %get3A = arith.index_cast %scan3A_53 : i32 to index
        %get3A_54 = arith.constant 0 : index
        %get3A_55 = tpu.vector_load %arg9[%get3A, %get3A_54] {strides = array<i32>} : memref<128x64xf32, #tpu.memory_space<vmem>>, vector<1x16xf32>,
        %get3A_56 = vector.shape_cast %get3A_55 : vector<1x16xf32> to vector<16xf32>
        %get3A_57 = arith.index_cast %scan3A_53 : i32 to index
        %get3A_58 = arith.constant 0 : index
        %get3A_59 = tpu.vector_load %arg10[%get3A_57, %get3A_58] {strides = array<i32>} : memref<128x64xf32, #tpu.memory_space<vmem>>, vector<1x16xf32>,
        %get3A_60 = vector.shape_cast %get3A_59 : vector<1x16xf32> to vector<16xf32>
        %add3A_61 = arith.addf %get3A_56, %get3A_60 : vector<16xf32>
        %swap3A = arith.index_cast %scan3A_53 : i32 to index
        %swap3A_62 = arith.constant 0 : index
        %swap3A_63 = tpu.vector_load %arg9[%swap3A, %swap3A_62] {strides = array<i32>} : memref<128x64xf32, #tpu.memory_space<vmem>>, vector<1x16xf32>,
        %swap3A_64 = vector.shape_cast %swap3A_63 : vector<1x16xf32> to vector<16xf32>
        %swap3A_65 = vector.shape_cast %add3A_61 : vector<16xf32> to vector<1x16xf32>
        tpu.vector_store %arg9[%swap3A, %swap3A_62], %swap3A_65 {strides = array<i32>} : memref<128x64xf32, #tpu.memory_space<vmem>>, vector<1x16xf32>,
        %get3A_66 = arith.index_cast %scan3A_53 : i32 to index
        %get3A_67 = arith.constant 16 : index
        %get3A_68 = tpu.vector_load %arg9[%get3A_66, %get3A_67] {strides = array<i32>} : memref<128x64xf32, #tpu.memory_space<vmem>>, vector<1x16xf32>,
        %get3A_69 = vector.shape_cast %get3A_68 : vector<1x16xf32> to vector<16xf32>
        %get3A_70 = arith.index_cast %scan3A_53 : i32 to index
        %get3A_71 = arith.constant 16 : index
        %get3A_72 = tpu.vector_load %arg10[%get3A_70, %get3A_71] {strides = array<i32>} : memref<128x64xf32, #tpu.memory_space<vmem>>, vector<1x16xf32>,
        %get3A_73 = vector.shape_cast %get3A_72 : vector<1x16xf32> to vector<16xf32>
        %add3A_74 = arith.addf %get3A_69, %get3A_73 : vector<16xf32>
        %swap3A_75 = arith.index_cast %scan3A_53 : i32 to index
        %swap3A_76 = arith.constant 16 : index
        %swap3A_77 = tpu.vector_load %arg9[%swap3A_75, %swap3A_76] {strides = array<i32>} : memref<128x64xf32, #tpu.memory_space<vmem>>, vector<1x16xf32>,
        %swap3A_78 = vector.shape_cast %swap3A_77 : vector<1x16xf32> to vector<16xf32>
        %swap3A_79 = vector.shape_cast %add3A_74 : vector<16xf32> to vector<1x16xf32>
        tpu.vector_store %arg9[%swap3A_75, %swap3A_76], %swap3A_79 {strides = array<i32>} : memref<128x64xf32, #tpu.memory_space<vmem>>, vector<1x16xf32>,
        %get3A_80 = arith.index_cast %scan3A_53 : i32 to index
        %get3A_81 = arith.constant 32 : index
        %get3A_82 = tpu.vector_load %arg9[%get3A_80, %get3A_81] {strides = array<i32>} : memref<128x64xf32, #tpu.memory_space<vmem>>, vector<1x16xf32>,
        %get3A_83 = vector.shape_cast %get3A_82 : vector<1x16xf32> to vector<16xf32>
        %get3A_84 = arith.index_cast %scan3A_53 : i32 to index
        %get3A_85 = arith.constant 32 : index
        %get3A_86 = tpu.vector_load %arg10[%get3A_84, %get3A_85] {strides = array<i32>} : memref<128x64xf32, #tpu.memory_space<vmem>>, vector<1x16xf32>,
        %get3A_87 = vector.shape_cast %get3A_86 : vector<1x16xf32> to vector<16xf32>
        %add3A_88 = arith.addf %get3A_83, %get3A_87 : vector<16xf32>
        %swap3A_89 = arith.index_cast %scan3A_53 : i32 to index
        %swap3A_90 = arith.constant 32 : index
        %swap3A_91 = tpu.vector_load %arg9[%swap3A_89, %swap3A_90] {strides = array<i32>} : memref<128x64xf32, #tpu.memory_space<vmem>>, vector<1x16xf32>,
        %swap3A_92 = vector.shape_cast %swap3A_91 : vector<1x16xf32> to vector<16xf32>
        %swap3A_93 = vector.shape_cast %add3A_88 : vector<16xf32> to vector<1x16xf32>
        tpu.vector_store %arg9[%swap3A_89, %swap3A_90], %swap3A_93 {strides = array<i32>} : memref<128x64xf32, #tpu.memory_space<vmem>>, vector<1x16xf32>,
        %get3A_94 = arith.index_cast %scan3A_53 : i32 to index
        %get3A_95 = arith.constant 48 : index
        %get3A_96 = tpu.vector_load %arg9[%get3A_94, %get3A_95] {strides = array<i32>} : memref<128x64xf32, #tpu.memory_space<vmem>>, vector<1x16xf32>,
        %get3A_97 = vector.shape_cast %get3A_96 : vector<1x16xf32> to vector<16xf32>
        %get3A_98 = arith.index_cast %scan3A_53 : i32 to index
        %get3A_99 = arith.constant 48 : index
        %get3A_100 = tpu.vector_load %arg10[%get3A_98, %get3A_99] {strides = array<i32>} : memref<128x64xf32, #tpu.memory_space<vmem>>, vector<1x16xf32>,
        %get3A_101 = vector.shape_cast %get3A_100 : vector<1x16xf32> to vector<16xf32>
        %add3A_102 = arith.addf %get3A_97, %get3A_101 : vector<16xf32>
        %swap3A_103 = arith.index_cast %scan3A_53 : i32 to index
        %swap3A_104 = arith.constant 48 : index
        %swap3A_105 = tpu.vector_load %arg9[%swap3A_103, %swap3A_104] {strides = array<i32>} : memref<128x64xf32, #tpu.memory_space<vmem>>, vector<1x16xf32>,
        %swap3A_106 = vector.shape_cast %swap3A_105 : vector<1x16xf32> to vector<16xf32>
        %swap3A_107 = vector.shape_cast %add3A_102 : vector<16xf32> to vector<1x16xf32>
        tpu.vector_store %arg9[%swap3A_103, %swap3A_104], %swap3A_107 {strides = array<i32>} : memref<128x64xf32, #tpu.memory_space<vmem>>, vector<1x16xf32>,
      }
      %scan3A_52 = arith.constant 128 : i32
      "tpu.region"() ({
        %run_scoped3A = tpu.sem_alloc : memref<!tpu.dma_semaphore, #tpu.memory_space<semaphore_mem>>
        %dma_start3A_53 = arith.constant 0 : i32
        %dma_start3A_54 = tpu.memref_slice %arg6[%mul3A_37, %dma_start3A_53] : memref<400000x64xf32, #tpu.memory_space<hbm>> -> memref<128x64xf32, #tpu.memory_space<hbm>>
        %dma_start3A_55 = arith.constant 0 : i32
        %dma_start3A_56 = tpu.memref_slice %arg6[%mul3A_37, %dma_start3A_55] : memref<400000x64xf32, #tpu.memory_space<hbm>> -> memref<128x64xf32, #tpu.memory_space<hbm>>
        tpu.enqueue_dma source(%arg9 : memref<128x64xf32, #tpu.memory_space<vmem>>) target(%dma_start3A_56 : memref<128x64xf32, #tpu.memory_space<hbm>>) target_semaphore(%run_scoped3A : memref<!tpu.dma_semaphore, #tpu.memory_space<semaphore_mem>>)
        %dma_wait3A_57 = arith.constant 0 : i32
        %dma_wait3A_58 = tpu.memref_slice %arg6[%mul3A_37, %dma_wait3A_57] : memref<400000x64xf32, #tpu.memory_space<hbm>> -> memref<128x64xf32, #tpu.memory_space<hbm>>
        %dma_wait3A_59 = arith.constant 0 : i32
        %dma_wait3A_60 = tpu.memref_slice %arg6[%mul3A_37, %dma_wait3A_59] : memref<400000x64xf32, #tpu.memory_space<hbm>> -> memref<128x64xf32, #tpu.memory_space<hbm>>
        tpu.wait_dma2 semaphore(%run_scoped3A : memref<!tpu.dma_semaphore, #tpu.memory_space<semaphore_mem>>) src(%arg9 : memref<128x64xf32, #tpu.memory_space<vmem>>) dst(%dma_wait3A_60 : memref<128x64xf32, #tpu.memory_space<hbm>>)
        tpu.yield
      }) : () -> ()
    }
    %while3A_31 = arith.constant 1 : i32
    scf.for %while3A_32 = %while3A_29 to %while3A_25 step %while3A_31  : i32 {
      %mul3A_33 = arith.constant 32 : i32
      %mul3A_34 = arith.muli %while3A_32, %mul3A_33 : i32
      %add3A_35 = arith.addi %add3A, %mul3A_34 : i32
      %mul3A_36 = arith.constant 128 : i32
      %mul3A_37 = arith.muli %add3A_35, %mul3A_36 : i32
      "tpu.region"() ({
        %run_scoped3A = tpu.sem_alloc : memref<!tpu.dma_semaphore, #tpu.memory_space<semaphore_mem>>
        %dma_start3A_53 = tpu.memref_slice %arg4[%mul3A_37] : memref<400000xi32, #tpu.memory_space<hbm>> -> memref<128xi32, #tpu.memory_space<hbm>>
        %dma_start3A_54 = tpu.memref_slice %arg4[%mul3A_37] : memref<400000xi32, #tpu.memory_space<hbm>> -> memref<128xi32, #tpu.memory_space<hbm>>
        tpu.enqueue_dma source(%dma_start3A_54 : memref<128xi32, #tpu.memory_space<hbm>>) target(%arg7 : memref<128xi32, #tpu.memory_space<vmem>>) target_semaphore(%run_scoped3A : memref<!tpu.dma_semaphore, #tpu.memory_space<semaphore_mem>>)
        %dma_wait3A_55 = tpu.memref_slice %arg4[%mul3A_37] : memref<400000xi32, #tpu.memory_space<hbm>> -> memref<128xi32, #tpu.memory_space<hbm>>
        %dma_wait3A_56 = tpu.memref_slice %arg4[%mul3A_37] : memref<400000xi32, #tpu.memory_space<hbm>> -> memref<128xi32, #tpu.memory_space<hbm>>
        tpu.wait_dma2 semaphore(%run_scoped3A : memref<!tpu.dma_semaphore, #tpu.memory_space<semaphore_mem>>) src(%dma_wait3A_56 : memref<128xi32, #tpu.memory_space<hbm>>) dst(%arg7 : memref<128xi32, #tpu.memory_space<vmem>>)
        tpu.yield
      }) : () -> ()
      "tpu.region"() ({
        %run_scoped3A = tpu.sem_alloc : memref<!tpu.dma_semaphore, #tpu.memory_space<semaphore_mem>>
        %dma_start3A_53 = tpu.memref_slice %arg5[%mul3A_37] : memref<400000xi32, #tpu.memory_space<hbm>> -> memref<128xi32, #tpu.memory_space<hbm>>
        %dma_start3A_54 = tpu.memref_slice %arg5[%mul3A_37] : memref<400000xi32, #tpu.memory_space<hbm>> -> memref<128xi32, #tpu.memory_space<hbm>>
        tpu.enqueue_dma source(%dma_start3A_54 : memref<128xi32, #tpu.memory_space<hbm>>) target(%arg8 : memref<128xi32, #tpu.memory_space<vmem>>) target_semaphore(%run_scoped3A : memref<!tpu.dma_semaphore, #tpu.memory_space<semaphore_mem>>)
        %dma_wait3A_55 = tpu.memref_slice %arg5[%mul3A_37] : memref<400000xi32, #tpu.memory_space<hbm>> -> memref<128xi32, #tpu.memory_space<hbm>>
        %dma_wait3A_56 = tpu.memref_slice %arg5[%mul3A_37] : memref<400000xi32, #tpu.memory_space<hbm>> -> memref<128xi32, #tpu.memory_space<hbm>>
        tpu.wait_dma2 semaphore(%run_scoped3A : memref<!tpu.dma_semaphore, #tpu.memory_space<semaphore_mem>>) src(%dma_wait3A_56 : memref<128xi32, #tpu.memory_space<hbm>>) dst(%arg8 : memref<128xi32, #tpu.memory_space<vmem>>)
        tpu.yield
      }) : () -> ()
      %dma_start3A = arith.constant 0 : i32
      %dma_start3A_38 = arith.constant 0 : i32
      %dma_start3A_39 = tpu.memref_slice %arg2[%dma_start3A, %dma_start3A_38] : memref<50000x64xf32, #tpu.memory_space<hbm>> -> memref<50000x64xf32, #tpu.memory_space<hbm>>
      tpu.enqueue_indirect_dma source(%dma_start3A_39 : memref<50000x64xf32, #tpu.memory_space<hbm>>) target(%arg9 : memref<128x64xf32, #tpu.memory_space<vmem>>) offsets(%arg7 : memref<128xi32, #tpu.memory_space<vmem>>) semaphore(%arg11 : memref<!tpu.dma_semaphore, #tpu.memory_space<semaphore_mem>>)
      %dma_start3A_40 = arith.constant 0 : i32
      %dma_start3A_41 = arith.constant 0 : i32
      %dma_start3A_42 = tpu.memref_slice %arg3[%dma_start3A_40, %dma_start3A_41] : memref<50000x64xf32, #tpu.memory_space<hbm>> -> memref<50000x64xf32, #tpu.memory_space<hbm>>
      tpu.enqueue_indirect_dma source(%dma_start3A_42 : memref<50000x64xf32, #tpu.memory_space<hbm>>) target(%arg10 : memref<128x64xf32, #tpu.memory_space<vmem>>) offsets(%arg8 : memref<128xi32, #tpu.memory_space<vmem>>) semaphore(%arg11 : memref<!tpu.dma_semaphore, #tpu.memory_space<semaphore_mem>>)
      %dma_wait3A = arith.constant 0 : i32
      %dma_wait3A_43 = arith.constant 0 : i32
      %dma_wait3A_44 = tpu.memref_slice %arg2[%dma_wait3A, %dma_wait3A_43] : memref<50000x64xf32, #tpu.memory_space<hbm>> -> memref<50000x64xf32, #tpu.memory_space<hbm>>
      tpu.wait_indirect_dma semaphore(%arg11 : memref<!tpu.dma_semaphore, #tpu.memory_space<semaphore_mem>>) src(%dma_wait3A_44 : memref<50000x64xf32, #tpu.memory_space<hbm>>) dst(%arg9 : memref<128x64xf32, #tpu.memory_space<vmem>>)
      %dma_wait3A_45 = arith.constant 0 : i32
      %dma_wait3A_46 = arith.constant 0 : i32
      %dma_wait3A_47 = tpu.memref_slice %arg3[%dma_wait3A_45, %dma_wait3A_46] : memref<50000x64xf32, #tpu.memory_space<hbm>> -> memref<50000x64xf32, #tpu.memory_space<hbm>>
      tpu.wait_indirect_dma semaphore(%arg11 : memref<!tpu.dma_semaphore, #tpu.memory_space<semaphore_mem>>) src(%dma_wait3A_47 : memref<50000x64xf32, #tpu.memory_space<hbm>>) dst(%arg10 : memref<128x64xf32, #tpu.memory_space<vmem>>)
      %scan3A = arith.constant 0 : i32
      %scan3A_48 = arith.constant 0 : i32
      %scan3A_49 = arith.constant 128 : i32
      %scan3A_50 = arith.addi %scan3A_48, %scan3A_49 : i32
      %scan3A_51 = arith.constant 1 : i32
      scf.for %scan3A_53 = %scan3A_48 to %scan3A_50 step %scan3A_51  : i32 {
        %get3A = arith.index_cast %scan3A_53 : i32 to index
        %get3A_54 = arith.constant 0 : index
        %get3A_55 = tpu.vector_load %arg9[%get3A, %get3A_54] {strides = array<i32>} : memref<128x64xf32, #tpu.memory_space<vmem>>, vector<1x16xf32>,
        %get3A_56 = vector.shape_cast %get3A_55 : vector<1x16xf32> to vector<16xf32>
        %get3A_57 = arith.index_cast %scan3A_53 : i32 to index
        %get3A_58 = arith.constant 0 : index
        %get3A_59 = tpu.vector_load %arg10[%get3A_57, %get3A_58] {strides = array<i32>} : memref<128x64xf32, #tpu.memory_space<vmem>>, vector<1x16xf32>,
        %get3A_60 = vector.shape_cast %get3A_59 : vector<1x16xf32> to vector<16xf32>
        %add3A_61 = arith.addf %get3A_56, %get3A_60 : vector<16xf32>
        %swap3A = arith.index_cast %scan3A_53 : i32 to index
        %swap3A_62 = arith.constant 0 : index
        %swap3A_63 = tpu.vector_load %arg9[%swap3A, %swap3A_62] {strides = array<i32>} : memref<128x64xf32, #tpu.memory_space<vmem>>, vector<1x16xf32>,
        %swap3A_64 = vector.shape_cast %swap3A_63 : vector<1x16xf32> to vector<16xf32>
        %swap3A_65 = vector.shape_cast %add3A_61 : vector<16xf32> to vector<1x16xf32>
        tpu.vector_store %arg9[%swap3A, %swap3A_62], %swap3A_65 {strides = array<i32>} : memref<128x64xf32, #tpu.memory_space<vmem>>, vector<1x16xf32>,
        %get3A_66 = arith.index_cast %scan3A_53 : i32 to index
        %get3A_67 = arith.constant 16 : index
        %get3A_68 = tpu.vector_load %arg9[%get3A_66, %get3A_67] {strides = array<i32>} : memref<128x64xf32, #tpu.memory_space<vmem>>, vector<1x16xf32>,
        %get3A_69 = vector.shape_cast %get3A_68 : vector<1x16xf32> to vector<16xf32>
        %get3A_70 = arith.index_cast %scan3A_53 : i32 to index
        %get3A_71 = arith.constant 16 : index
        %get3A_72 = tpu.vector_load %arg10[%get3A_70, %get3A_71] {strides = array<i32>} : memref<128x64xf32, #tpu.memory_space<vmem>>, vector<1x16xf32>,
        %get3A_73 = vector.shape_cast %get3A_72 : vector<1x16xf32> to vector<16xf32>
        %add3A_74 = arith.addf %get3A_69, %get3A_73 : vector<16xf32>
        %swap3A_75 = arith.index_cast %scan3A_53 : i32 to index
        %swap3A_76 = arith.constant 16 : index
        %swap3A_77 = tpu.vector_load %arg9[%swap3A_75, %swap3A_76] {strides = array<i32>} : memref<128x64xf32, #tpu.memory_space<vmem>>, vector<1x16xf32>,
        %swap3A_78 = vector.shape_cast %swap3A_77 : vector<1x16xf32> to vector<16xf32>
        %swap3A_79 = vector.shape_cast %add3A_74 : vector<16xf32> to vector<1x16xf32>
        tpu.vector_store %arg9[%swap3A_75, %swap3A_76], %swap3A_79 {strides = array<i32>} : memref<128x64xf32, #tpu.memory_space<vmem>>, vector<1x16xf32>,
        %get3A_80 = arith.index_cast %scan3A_53 : i32 to index
        %get3A_81 = arith.constant 32 : index
        %get3A_82 = tpu.vector_load %arg9[%get3A_80, %get3A_81] {strides = array<i32>} : memref<128x64xf32, #tpu.memory_space<vmem>>, vector<1x16xf32>,
        %get3A_83 = vector.shape_cast %get3A_82 : vector<1x16xf32> to vector<16xf32>
        %get3A_84 = arith.index_cast %scan3A_53 : i32 to index
        %get3A_85 = arith.constant 32 : index
        %get3A_86 = tpu.vector_load %arg10[%get3A_84, %get3A_85] {strides = array<i32>} : memref<128x64xf32, #tpu.memory_space<vmem>>, vector<1x16xf32>,
        %get3A_87 = vector.shape_cast %get3A_86 : vector<1x16xf32> to vector<16xf32>
        %add3A_88 = arith.addf %get3A_83, %get3A_87 : vector<16xf32>
        %swap3A_89 = arith.index_cast %scan3A_53 : i32 to index
        %swap3A_90 = arith.constant 32 : index
        %swap3A_91 = tpu.vector_load %arg9[%swap3A_89, %swap3A_90] {strides = array<i32>} : memref<128x64xf32, #tpu.memory_space<vmem>>, vector<1x16xf32>,
        %swap3A_92 = vector.shape_cast %swap3A_91 : vector<1x16xf32> to vector<16xf32>
        %swap3A_93 = vector.shape_cast %add3A_88 : vector<16xf32> to vector<1x16xf32>
        tpu.vector_store %arg9[%swap3A_89, %swap3A_90], %swap3A_93 {strides = array<i32>} : memref<128x64xf32, #tpu.memory_space<vmem>>, vector<1x16xf32>,
        %get3A_94 = arith.index_cast %scan3A_53 : i32 to index
        %get3A_95 = arith.constant 48 : index
        %get3A_96 = tpu.vector_load %arg9[%get3A_94, %get3A_95] {strides = array<i32>} : memref<128x64xf32, #tpu.memory_space<vmem>>, vector<1x16xf32>,
        %get3A_97 = vector.shape_cast %get3A_96 : vector<1x16xf32> to vector<16xf32>
        %get3A_98 = arith.index_cast %scan3A_53 : i32 to index
        %get3A_99 = arith.constant 48 : index
        %get3A_100 = tpu.vector_load %arg10[%get3A_98, %get3A_99] {strides = array<i32>} : memref<128x64xf32, #tpu.memory_space<vmem>>, vector<1x16xf32>,
        %get3A_101 = vector.shape_cast %get3A_100 : vector<1x16xf32> to vector<16xf32>
        %add3A_102 = arith.addf %get3A_97, %get3A_101 : vector<16xf32>
        %swap3A_103 = arith.index_cast %scan3A_53 : i32 to index
        %swap3A_104 = arith.constant 48 : index
        %swap3A_105 = tpu.vector_load %arg9[%swap3A_103, %swap3A_104] {strides = array<i32>} : memref<128x64xf32, #tpu.memory_space<vmem>>, vector<1x16xf32>,
        %swap3A_106 = vector.shape_cast %swap3A_105 : vector<1x16xf32> to vector<16xf32>
        %swap3A_107 = vector.shape_cast %add3A_102 : vector<16xf32> to vector<1x16xf32>
        tpu.vector_store %arg9[%swap3A_103, %swap3A_104], %swap3A_107 {strides = array<i32>} : memref<128x64xf32, #tpu.memory_space<vmem>>, vector<1x16xf32>,
      }
      %scan3A_52 = arith.constant 128 : i32
      "tpu.region"() ({
        %run_scoped3A = tpu.sem_alloc : memref<!tpu.dma_semaphore, #tpu.memory_space<semaphore_mem>>
        %dma_start3A_53 = arith.constant 0 : i32
        %dma_start3A_54 = tpu.memref_slice %arg6[%mul3A_37, %dma_start3A_53] : memref<400000x64xf32, #tpu.memory_space<hbm>> -> memref<128x64xf32, #tpu.memory_space<hbm>>
        %dma_start3A_55 = arith.constant 0 : i32
        %dma_start3A_56 = tpu.memref_slice %arg6[%mul3A_37, %dma_start3A_55] : memref<400000x64xf32, #tpu.memory_space<hbm>> -> memref<128x64xf32, #tpu.memory_space<hbm>>
        tpu.enqueue_dma source(%arg9 : memref<128x64xf32, #tpu.memory_space<vmem>>) target(%dma_start3A_56 : memref<128x64xf32, #tpu.memory_space<hbm>>) target_semaphore(%run_scoped3A : memref<!tpu.dma_semaphore, #tpu.memory_space<semaphore_mem>>)
        %dma_wait3A_57 = arith.constant 0 : i32
        %dma_wait3A_58 = tpu.memref_slice %arg6[%mul3A_37, %dma_wait3A_57] : memref<400000x64xf32, #tpu.memory_space<hbm>> -> memref<128x64xf32, #tpu.memory_space<hbm>>
        %dma_wait3A_59 = arith.constant 0 : i32
        %dma_wait3A_60 = tpu.memref_slice %arg6[%mul3A_37, %dma_wait3A_59] : memref<400000x64xf32, #tpu.memory_space<hbm>> -> memref<128x64xf32, #tpu.memory_space<hbm>>
        tpu.wait_dma2 semaphore(%run_scoped3A : memref<!tpu.dma_semaphore, #tpu.memory_space<semaphore_mem>>) src(%arg9 : memref<128x64xf32, #tpu.memory_space<vmem>>) dst(%dma_wait3A_60 : memref<128x64xf32, #tpu.memory_space<hbm>>)
        tpu.yield
      }) : () -> ()
    }
    return
  }
}

#map = affine_map<(d0, d1) -> (0, 0)>
#map1 = affine_map<(d0, d1) -> (0)>
module attributes {stable_mosaic.version = 14 : i64} {
  func.func @k(%arg0: i32, %arg1: i32, %arg2: memref<50000x128xf32, #tpu.memory_space<hbm>>, %arg3: memref<50000x128xf32, #tpu.memory_space<hbm>>, %arg4: memref<400000xi32, #tpu.memory_space<hbm>>, %arg5: memref<400000xi32, #tpu.memory_space<hbm>>, %arg6: memref<400000x128xf32, #tpu.memory_space<hbm>>, %arg7: memref<128xi32, #tpu.memory_space<vmem>>, %arg8: memref<128xi32, #tpu.memory_space<vmem>>, %arg9: memref<128x128xf32, #tpu.memory_space<vmem>>, %arg10: memref<128x128xf32, #tpu.memory_space<vmem>>, %arg11: memref<!tpu.dma_semaphore, #tpu.memory_space<semaphore_mem>>) attributes {dimension_semantics = [#tpu.dimension_semantics<core_parallel>, #tpu.dimension_semantics<subcore_parallel>], iteration_bounds = array<i64: 2, 16>, scalar_prefetch = 0 : i64, scratch_operands = 5 : i64, tpu.core_type = #tpu.core_type<sc_vector_subcore>, window_params = [{transform_indices = #map}, {transform_indices = #map}, {transform_indices = #map1}, {transform_indices = #map1}, {transform_indices = #map}]} {
    %mul3A = arith.constant 2 : i32
    %mul3A_0 = arith.muli %arg1, %mul3A : i32
    %add3A = arith.addi %mul3A_0, %arg0 : i32
    %sub3A = arith.constant 3125 : i32
    %sub3A_1 = arith.subi %sub3A, %add3A : i32
    %add3A_2 = arith.constant 32 : i32
    %add3A_3 = arith.addi %sub3A_1, %add3A_2 : i32
    %sub3A_4 = arith.constant 1 : i32
    %sub3A_5 = arith.subi %add3A_3, %sub3A_4 : i32
    %jit3A = arith.constant 32 : i32
    %div3A = arith.divsi %sub3A_5, %jit3A : i32
    %sign3A = arith.constant 0 : i32
    %sign3A_6 = arith.cmpi sgt, %sub3A_5, %sign3A : i32
    %sign3A_7 = arith.extui %sign3A_6 : i1 to i32
    %sign3A_8 = arith.constant 0 : i32
    %sign3A_9 = arith.cmpi slt, %sub3A_5, %sign3A_8 : i32
    %sign3A_10 = arith.extui %sign3A_9 : i1 to i32
    %sign3A_11 = arith.subi %sign3A_7, %sign3A_10 : i32
    %sign3A_12 = arith.constant 0 : i32
    %sign3A_13 = arith.cmpi sgt, %jit3A, %sign3A_12 : i32
    %sign3A_14 = arith.extui %sign3A_13 : i1 to i32
    %sign3A_15 = arith.constant 0 : i32
    %sign3A_16 = arith.cmpi slt, %jit3A, %sign3A_15 : i32
    %sign3A_17 = arith.extui %sign3A_16 : i1 to i32
    %sign3A_18 = arith.subi %sign3A_14, %sign3A_17 : i32
    %ne3A = arith.cmpi ne, %sign3A_11, %sign3A_18 : i32
    %rem3A = arith.remsi %sub3A_5, %jit3A : i32
    %ne3A_19 = arith.constant 0 : i32
    %ne3A_20 = arith.cmpi ne, %rem3A, %ne3A_19 : i32
    %and3A = arith.andi %ne3A, %ne3A_20 : i1
    %sub3A_21 = arith.constant 1 : i32
    %sub3A_22 = arith.subi %div3A, %sub3A_21 : i32
    %select_n3A = arith.select %and3A, %sub3A_22, %div3A : i32
    %while3A = arith.constant 0 : i32
    %while3A_23 = arith.constant 0 : i32
    %while3A_24 = arith.subi %select_n3A, %while3A_23 : i32
    %while3A_25 = arith.addi %while3A_23, %while3A_24 : i32
    %while3A_26 = arith.constant 1 : i32
    %while3A_27 = arith.divsi %while3A_24, %while3A_26 : i32
    %while3A_28 = arith.muli %while3A_27, %while3A_26 : i32
    %while3A_29 = arith.addi %while3A_23, %while3A_28 : i32
    %while3A_30 = arith.constant 1 : i32
    scf.for %while3A_32 = %while3A_23 to %while3A_29 step %while3A_30  : i32 {
      %mul3A_33 = arith.constant 32 : i32
      %mul3A_34 = arith.muli %while3A_32, %mul3A_33 : i32
      %add3A_35 = arith.addi %add3A, %mul3A_34 : i32
      %mul3A_36 = arith.constant 128 : i32
      %mul3A_37 = arith.muli %add3A_35, %mul3A_36 : i32
      "tpu.region"() ({
        %run_scoped3A = tpu.sem_alloc : memref<!tpu.dma_semaphore, #tpu.memory_space<semaphore_mem>>
        %dma_start3A_53 = tpu.memref_slice %arg4[%mul3A_37] : memref<400000xi32, #tpu.memory_space<hbm>> -> memref<128xi32, #tpu.memory_space<hbm>>
        %dma_start3A_54 = tpu.memref_slice %arg4[%mul3A_37] : memref<400000xi32, #tpu.memory_space<hbm>> -> memref<128xi32, #tpu.memory_space<hbm>>
        tpu.enqueue_dma source(%dma_start3A_54 : memref<128xi32, #tpu.memory_space<hbm>>) target(%arg7 : memref<128xi32, #tpu.memory_space<vmem>>) target_semaphore(%run_scoped3A : memref<!tpu.dma_semaphore, #tpu.memory_space<semaphore_mem>>)
        %dma_wait3A_55 = tpu.memref_slice %arg4[%mul3A_37] : memref<400000xi32, #tpu.memory_space<hbm>> -> memref<128xi32, #tpu.memory_space<hbm>>
        %dma_wait3A_56 = tpu.memref_slice %arg4[%mul3A_37] : memref<400000xi32, #tpu.memory_space<hbm>> -> memref<128xi32, #tpu.memory_space<hbm>>
        tpu.wait_dma2 semaphore(%run_scoped3A : memref<!tpu.dma_semaphore, #tpu.memory_space<semaphore_mem>>) src(%dma_wait3A_56 : memref<128xi32, #tpu.memory_space<hbm>>) dst(%arg7 : memref<128xi32, #tpu.memory_space<vmem>>)
        tpu.yield
      }) : () -> ()
      "tpu.region"() ({
        %run_scoped3A = tpu.sem_alloc : memref<!tpu.dma_semaphore, #tpu.memory_space<semaphore_mem>>
        %dma_start3A_53 = tpu.memref_slice %arg5[%mul3A_37] : memref<400000xi32, #tpu.memory_space<hbm>> -> memref<128xi32, #tpu.memory_space<hbm>>
        %dma_start3A_54 = tpu.memref_slice %arg5[%mul3A_37] : memref<400000xi32, #tpu.memory_space<hbm>> -> memref<128xi32, #tpu.memory_space<hbm>>
        tpu.enqueue_dma source(%dma_start3A_54 : memref<128xi32, #tpu.memory_space<hbm>>) target(%arg8 : memref<128xi32, #tpu.memory_space<vmem>>) target_semaphore(%run_scoped3A : memref<!tpu.dma_semaphore, #tpu.memory_space<semaphore_mem>>)
        %dma_wait3A_55 = tpu.memref_slice %arg5[%mul3A_37] : memref<400000xi32, #tpu.memory_space<hbm>> -> memref<128xi32, #tpu.memory_space<hbm>>
        %dma_wait3A_56 = tpu.memref_slice %arg5[%mul3A_37] : memref<400000xi32, #tpu.memory_space<hbm>> -> memref<128xi32, #tpu.memory_space<hbm>>
        tpu.wait_dma2 semaphore(%run_scoped3A : memref<!tpu.dma_semaphore, #tpu.memory_space<semaphore_mem>>) src(%dma_wait3A_56 : memref<128xi32, #tpu.memory_space<hbm>>) dst(%arg8 : memref<128xi32, #tpu.memory_space<vmem>>)
        tpu.yield
      }) : () -> ()
      %dma_start3A = arith.constant 0 : i32
      %dma_start3A_38 = arith.constant 0 : i32
      %dma_start3A_39 = tpu.memref_slice %arg2[%dma_start3A, %dma_start3A_38] : memref<50000x128xf32, #tpu.memory_space<hbm>> -> memref<50000x128xf32, #tpu.memory_space<hbm>>
      tpu.enqueue_indirect_dma source(%dma_start3A_39 : memref<50000x128xf32, #tpu.memory_space<hbm>>) target(%arg9 : memref<128x128xf32, #tpu.memory_space<vmem>>) offsets(%arg7 : memref<128xi32, #tpu.memory_space<vmem>>) semaphore(%arg11 : memref<!tpu.dma_semaphore, #tpu.memory_space<semaphore_mem>>)
      %dma_start3A_40 = arith.constant 0 : i32
      %dma_start3A_41 = arith.constant 0 : i32
      %dma_start3A_42 = tpu.memref_slice %arg3[%dma_start3A_40, %dma_start3A_41] : memref<50000x128xf32, #tpu.memory_space<hbm>> -> memref<50000x128xf32, #tpu.memory_space<hbm>>
      tpu.enqueue_indirect_dma source(%dma_start3A_42 : memref<50000x128xf32, #tpu.memory_space<hbm>>) target(%arg10 : memref<128x128xf32, #tpu.memory_space<vmem>>) offsets(%arg8 : memref<128xi32, #tpu.memory_space<vmem>>) semaphore(%arg11 : memref<!tpu.dma_semaphore, #tpu.memory_space<semaphore_mem>>)
      %dma_wait3A = arith.constant 0 : i32
      %dma_wait3A_43 = arith.constant 0 : i32
      %dma_wait3A_44 = tpu.memref_slice %arg2[%dma_wait3A, %dma_wait3A_43] : memref<50000x128xf32, #tpu.memory_space<hbm>> -> memref<50000x128xf32, #tpu.memory_space<hbm>>
      tpu.wait_indirect_dma semaphore(%arg11 : memref<!tpu.dma_semaphore, #tpu.memory_space<semaphore_mem>>) src(%dma_wait3A_44 : memref<50000x128xf32, #tpu.memory_space<hbm>>) dst(%arg9 : memref<128x128xf32, #tpu.memory_space<vmem>>)
      %dma_wait3A_45 = arith.constant 0 : i32
      %dma_wait3A_46 = arith.constant 0 : i32
      %dma_wait3A_47 = tpu.memref_slice %arg3[%dma_wait3A_45, %dma_wait3A_46] : memref<50000x128xf32, #tpu.memory_space<hbm>> -> memref<50000x128xf32, #tpu.memory_space<hbm>>
      tpu.wait_indirect_dma semaphore(%arg11 : memref<!tpu.dma_semaphore, #tpu.memory_space<semaphore_mem>>) src(%dma_wait3A_47 : memref<50000x128xf32, #tpu.memory_space<hbm>>) dst(%arg10 : memref<128x128xf32, #tpu.memory_space<vmem>>)
      %scan3A = arith.constant 0 : i32
      %scan3A_48 = arith.constant 0 : i32
      %scan3A_49 = arith.constant 128 : i32
      %scan3A_50 = arith.addi %scan3A_48, %scan3A_49 : i32
      %scan3A_51 = arith.constant 1 : i32
      scf.for %scan3A_53 = %scan3A_48 to %scan3A_50 step %scan3A_51  : i32 {
        %get3A = arith.index_cast %scan3A_53 : i32 to index
        %get3A_54 = arith.constant 0 : index
        %get3A_55 = tpu.vector_load %arg9[%get3A, %get3A_54] {strides = array<i32>} : memref<128x128xf32, #tpu.memory_space<vmem>>, vector<1x16xf32>,
        %get3A_56 = vector.shape_cast %get3A_55 : vector<1x16xf32> to vector<16xf32>
        %get3A_57 = arith.index_cast %scan3A_53 : i32 to index
        %get3A_58 = arith.constant 0 : index
        %get3A_59 = tpu.vector_load %arg10[%get3A_57, %get3A_58] {strides = array<i32>} : memref<128x128xf32, #tpu.memory_space<vmem>>, vector<1x16xf32>,
        %get3A_60 = vector.shape_cast %get3A_59 : vector<1x16xf32> to vector<16xf32>
        %add3A_61 = arith.addf %get3A_56, %get3A_60 : vector<16xf32>
        %swap3A = arith.index_cast %scan3A_53 : i32 to index
        %swap3A_62 = arith.constant 0 : index
        %swap3A_63 = tpu.vector_load %arg9[%swap3A, %swap3A_62] {strides = array<i32>} : memref<128x128xf32, #tpu.memory_space<vmem>>, vector<1x16xf32>,
        %swap3A_64 = vector.shape_cast %swap3A_63 : vector<1x16xf32> to vector<16xf32>
        %swap3A_65 = vector.shape_cast %add3A_61 : vector<16xf32> to vector<1x16xf32>
        tpu.vector_store %arg9[%swap3A, %swap3A_62], %swap3A_65 {strides = array<i32>} : memref<128x128xf32, #tpu.memory_space<vmem>>, vector<1x16xf32>,
        %get3A_66 = arith.index_cast %scan3A_53 : i32 to index
        %get3A_67 = arith.constant 16 : index
        %get3A_68 = tpu.vector_load %arg9[%get3A_66, %get3A_67] {strides = array<i32>} : memref<128x128xf32, #tpu.memory_space<vmem>>, vector<1x16xf32>,
        %get3A_69 = vector.shape_cast %get3A_68 : vector<1x16xf32> to vector<16xf32>
        %get3A_70 = arith.index_cast %scan3A_53 : i32 to index
        %get3A_71 = arith.constant 16 : index
        %get3A_72 = tpu.vector_load %arg10[%get3A_70, %get3A_71] {strides = array<i32>} : memref<128x128xf32, #tpu.memory_space<vmem>>, vector<1x16xf32>,
        %get3A_73 = vector.shape_cast %get3A_72 : vector<1x16xf32> to vector<16xf32>
        %add3A_74 = arith.addf %get3A_69, %get3A_73 : vector<16xf32>
        %swap3A_75 = arith.index_cast %scan3A_53 : i32 to index
        %swap3A_76 = arith.constant 16 : index
        %swap3A_77 = tpu.vector_load %arg9[%swap3A_75, %swap3A_76] {strides = array<i32>} : memref<128x128xf32, #tpu.memory_space<vmem>>, vector<1x16xf32>,
        %swap3A_78 = vector.shape_cast %swap3A_77 : vector<1x16xf32> to vector<16xf32>
        %swap3A_79 = vector.shape_cast %add3A_74 : vector<16xf32> to vector<1x16xf32>
        tpu.vector_store %arg9[%swap3A_75, %swap3A_76], %swap3A_79 {strides = array<i32>} : memref<128x128xf32, #tpu.memory_space<vmem>>, vector<1x16xf32>,
        %get3A_80 = arith.index_cast %scan3A_53 : i32 to index
        %get3A_81 = arith.constant 32 : index
        %get3A_82 = tpu.vector_load %arg9[%get3A_80, %get3A_81] {strides = array<i32>} : memref<128x128xf32, #tpu.memory_space<vmem>>, vector<1x16xf32>,
        %get3A_83 = vector.shape_cast %get3A_82 : vector<1x16xf32> to vector<16xf32>
        %get3A_84 = arith.index_cast %scan3A_53 : i32 to index
        %get3A_85 = arith.constant 32 : index
        %get3A_86 = tpu.vector_load %arg10[%get3A_84, %get3A_85] {strides = array<i32>} : memref<128x128xf32, #tpu.memory_space<vmem>>, vector<1x16xf32>,
        %get3A_87 = vector.shape_cast %get3A_86 : vector<1x16xf32> to vector<16xf32>
        %add3A_88 = arith.addf %get3A_83, %get3A_87 : vector<16xf32>
        %swap3A_89 = arith.index_cast %scan3A_53 : i32 to index
        %swap3A_90 = arith.constant 32 : index
        %swap3A_91 = tpu.vector_load %arg9[%swap3A_89, %swap3A_90] {strides = array<i32>} : memref<128x128xf32, #tpu.memory_space<vmem>>, vector<1x16xf32>,
        %swap3A_92 = vector.shape_cast %swap3A_91 : vector<1x16xf32> to vector<16xf32>
        %swap3A_93 = vector.shape_cast %add3A_88 : vector<16xf32> to vector<1x16xf32>
        tpu.vector_store %arg9[%swap3A_89, %swap3A_90], %swap3A_93 {strides = array<i32>} : memref<128x128xf32, #tpu.memory_space<vmem>>, vector<1x16xf32>,
        %get3A_94 = arith.index_cast %scan3A_53 : i32 to index
        %get3A_95 = arith.constant 48 : index
        %get3A_96 = tpu.vector_load %arg9[%get3A_94, %get3A_95] {strides = array<i32>} : memref<128x128xf32, #tpu.memory_space<vmem>>, vector<1x16xf32>,
        %get3A_97 = vector.shape_cast %get3A_96 : vector<1x16xf32> to vector<16xf32>
        %get3A_98 = arith.index_cast %scan3A_53 : i32 to index
        %get3A_99 = arith.constant 48 : index
        %get3A_100 = tpu.vector_load %arg10[%get3A_98, %get3A_99] {strides = array<i32>} : memref<128x128xf32, #tpu.memory_space<vmem>>, vector<1x16xf32>,
        %get3A_101 = vector.shape_cast %get3A_100 : vector<1x16xf32> to vector<16xf32>
        %add3A_102 = arith.addf %get3A_97, %get3A_101 : vector<16xf32>
        %swap3A_103 = arith.index_cast %scan3A_53 : i32 to index
        %swap3A_104 = arith.constant 48 : index
        %swap3A_105 = tpu.vector_load %arg9[%swap3A_103, %swap3A_104] {strides = array<i32>} : memref<128x128xf32, #tpu.memory_space<vmem>>, vector<1x16xf32>,
        %swap3A_106 = vector.shape_cast %swap3A_105 : vector<1x16xf32> to vector<16xf32>
        %swap3A_107 = vector.shape_cast %add3A_102 : vector<16xf32> to vector<1x16xf32>
        tpu.vector_store %arg9[%swap3A_103, %swap3A_104], %swap3A_107 {strides = array<i32>} : memref<128x128xf32, #tpu.memory_space<vmem>>, vector<1x16xf32>,
        %get3A_108 = arith.index_cast %scan3A_53 : i32 to index
        %get3A_109 = arith.constant 64 : index
        %get3A_110 = tpu.vector_load %arg9[%get3A_108, %get3A_109] {strides = array<i32>} : memref<128x128xf32, #tpu.memory_space<vmem>>, vector<1x16xf32>,
        %get3A_111 = vector.shape_cast %get3A_110 : vector<1x16xf32> to vector<16xf32>
        %get3A_112 = arith.index_cast %scan3A_53 : i32 to index
        %get3A_113 = arith.constant 64 : index
        %get3A_114 = tpu.vector_load %arg10[%get3A_112, %get3A_113] {strides = array<i32>} : memref<128x128xf32, #tpu.memory_space<vmem>>, vector<1x16xf32>,
        %get3A_115 = vector.shape_cast %get3A_114 : vector<1x16xf32> to vector<16xf32>
        %add3A_116 = arith.addf %get3A_111, %get3A_115 : vector<16xf32>
        %swap3A_117 = arith.index_cast %scan3A_53 : i32 to index
        %swap3A_118 = arith.constant 64 : index
        %swap3A_119 = tpu.vector_load %arg9[%swap3A_117, %swap3A_118] {strides = array<i32>} : memref<128x128xf32, #tpu.memory_space<vmem>>, vector<1x16xf32>,
        %swap3A_120 = vector.shape_cast %swap3A_119 : vector<1x16xf32> to vector<16xf32>
        %swap3A_121 = vector.shape_cast %add3A_116 : vector<16xf32> to vector<1x16xf32>
        tpu.vector_store %arg9[%swap3A_117, %swap3A_118], %swap3A_121 {strides = array<i32>} : memref<128x128xf32, #tpu.memory_space<vmem>>, vector<1x16xf32>,
        %get3A_122 = arith.index_cast %scan3A_53 : i32 to index
        %get3A_123 = arith.constant 80 : index
        %get3A_124 = tpu.vector_load %arg9[%get3A_122, %get3A_123] {strides = array<i32>} : memref<128x128xf32, #tpu.memory_space<vmem>>, vector<1x16xf32>,
        %get3A_125 = vector.shape_cast %get3A_124 : vector<1x16xf32> to vector<16xf32>
        %get3A_126 = arith.index_cast %scan3A_53 : i32 to index
        %get3A_127 = arith.constant 80 : index
        %get3A_128 = tpu.vector_load %arg10[%get3A_126, %get3A_127] {strides = array<i32>} : memref<128x128xf32, #tpu.memory_space<vmem>>, vector<1x16xf32>,
        %get3A_129 = vector.shape_cast %get3A_128 : vector<1x16xf32> to vector<16xf32>
        %add3A_130 = arith.addf %get3A_125, %get3A_129 : vector<16xf32>
        %swap3A_131 = arith.index_cast %scan3A_53 : i32 to index
        %swap3A_132 = arith.constant 80 : index
        %swap3A_133 = tpu.vector_load %arg9[%swap3A_131, %swap3A_132] {strides = array<i32>} : memref<128x128xf32, #tpu.memory_space<vmem>>, vector<1x16xf32>,
        %swap3A_134 = vector.shape_cast %swap3A_133 : vector<1x16xf32> to vector<16xf32>
        %swap3A_135 = vector.shape_cast %add3A_130 : vector<16xf32> to vector<1x16xf32>
        tpu.vector_store %arg9[%swap3A_131, %swap3A_132], %swap3A_135 {strides = array<i32>} : memref<128x128xf32, #tpu.memory_space<vmem>>, vector<1x16xf32>,
        %get3A_136 = arith.index_cast %scan3A_53 : i32 to index
        %get3A_137 = arith.constant 96 : index
        %get3A_138 = tpu.vector_load %arg9[%get3A_136, %get3A_137] {strides = array<i32>} : memref<128x128xf32, #tpu.memory_space<vmem>>, vector<1x16xf32>,
        %get3A_139 = vector.shape_cast %get3A_138 : vector<1x16xf32> to vector<16xf32>
        %get3A_140 = arith.index_cast %scan3A_53 : i32 to index
        %get3A_141 = arith.constant 96 : index
        %get3A_142 = tpu.vector_load %arg10[%get3A_140, %get3A_141] {strides = array<i32>} : memref<128x128xf32, #tpu.memory_space<vmem>>, vector<1x16xf32>,
        %get3A_143 = vector.shape_cast %get3A_142 : vector<1x16xf32> to vector<16xf32>
        %add3A_144 = arith.addf %get3A_139, %get3A_143 : vector<16xf32>
        %swap3A_145 = arith.index_cast %scan3A_53 : i32 to index
        %swap3A_146 = arith.constant 96 : index
        %swap3A_147 = tpu.vector_load %arg9[%swap3A_145, %swap3A_146] {strides = array<i32>} : memref<128x128xf32, #tpu.memory_space<vmem>>, vector<1x16xf32>,
        %swap3A_148 = vector.shape_cast %swap3A_147 : vector<1x16xf32> to vector<16xf32>
        %swap3A_149 = vector.shape_cast %add3A_144 : vector<16xf32> to vector<1x16xf32>
        tpu.vector_store %arg9[%swap3A_145, %swap3A_146], %swap3A_149 {strides = array<i32>} : memref<128x128xf32, #tpu.memory_space<vmem>>, vector<1x16xf32>,
        %get3A_150 = arith.index_cast %scan3A_53 : i32 to index
        %get3A_151 = arith.constant 112 : index
        %get3A_152 = tpu.vector_load %arg9[%get3A_150, %get3A_151] {strides = array<i32>} : memref<128x128xf32, #tpu.memory_space<vmem>>, vector<1x16xf32>,
        %get3A_153 = vector.shape_cast %get3A_152 : vector<1x16xf32> to vector<16xf32>
        %get3A_154 = arith.index_cast %scan3A_53 : i32 to index
        %get3A_155 = arith.constant 112 : index
        %get3A_156 = tpu.vector_load %arg10[%get3A_154, %get3A_155] {strides = array<i32>} : memref<128x128xf32, #tpu.memory_space<vmem>>, vector<1x16xf32>,
        %get3A_157 = vector.shape_cast %get3A_156 : vector<1x16xf32> to vector<16xf32>
        %add3A_158 = arith.addf %get3A_153, %get3A_157 : vector<16xf32>
        %swap3A_159 = arith.index_cast %scan3A_53 : i32 to index
        %swap3A_160 = arith.constant 112 : index
        %swap3A_161 = tpu.vector_load %arg9[%swap3A_159, %swap3A_160] {strides = array<i32>} : memref<128x128xf32, #tpu.memory_space<vmem>>, vector<1x16xf32>,
        %swap3A_162 = vector.shape_cast %swap3A_161 : vector<1x16xf32> to vector<16xf32>
        %swap3A_163 = vector.shape_cast %add3A_158 : vector<16xf32> to vector<1x16xf32>
        tpu.vector_store %arg9[%swap3A_159, %swap3A_160], %swap3A_163 {strides = array<i32>} : memref<128x128xf32, #tpu.memory_space<vmem>>, vector<1x16xf32>,
      }
      %scan3A_52 = arith.constant 128 : i32
      "tpu.region"() ({
        %run_scoped3A = tpu.sem_alloc : memref<!tpu.dma_semaphore, #tpu.memory_space<semaphore_mem>>
        %dma_start3A_53 = arith.constant 0 : i32
        %dma_start3A_54 = tpu.memref_slice %arg6[%mul3A_37, %dma_start3A_53] : memref<400000x128xf32, #tpu.memory_space<hbm>> -> memref<128x128xf32, #tpu.memory_space<hbm>>
        %dma_start3A_55 = arith.constant 0 : i32
        %dma_start3A_56 = tpu.memref_slice %arg6[%mul3A_37, %dma_start3A_55] : memref<400000x128xf32, #tpu.memory_space<hbm>> -> memref<128x128xf32, #tpu.memory_space<hbm>>
        tpu.enqueue_dma source(%arg9 : memref<128x128xf32, #tpu.memory_space<vmem>>) target(%dma_start3A_56 : memref<128x128xf32, #tpu.memory_space<hbm>>) target_semaphore(%run_scoped3A : memref<!tpu.dma_semaphore, #tpu.memory_space<semaphore_mem>>)
        %dma_wait3A_57 = arith.constant 0 : i32
        %dma_wait3A_58 = tpu.memref_slice %arg6[%mul3A_37, %dma_wait3A_57] : memref<400000x128xf32, #tpu.memory_space<hbm>> -> memref<128x128xf32, #tpu.memory_space<hbm>>
        %dma_wait3A_59 = arith.constant 0 : i32
        %dma_wait3A_60 = tpu.memref_slice %arg6[%mul3A_37, %dma_wait3A_59] : memref<400000x128xf32, #tpu.memory_space<hbm>> -> memref<128x128xf32, #tpu.memory_space<hbm>>
        tpu.wait_dma2 semaphore(%run_scoped3A : memref<!tpu.dma_semaphore, #tpu.memory_space<semaphore_mem>>) src(%arg9 : memref<128x128xf32, #tpu.memory_space<vmem>>) dst(%dma_wait3A_60 : memref<128x128xf32, #tpu.memory_space<hbm>>)
        tpu.yield
      }) : () -> ()
    }
    %while3A_31 = arith.constant 1 : i32
    scf.for %while3A_32 = %while3A_29 to %while3A_25 step %while3A_31  : i32 {
      %mul3A_33 = arith.constant 32 : i32
      %mul3A_34 = arith.muli %while3A_32, %mul3A_33 : i32
      %add3A_35 = arith.addi %add3A, %mul3A_34 : i32
      %mul3A_36 = arith.constant 128 : i32
      %mul3A_37 = arith.muli %add3A_35, %mul3A_36 : i32
      "tpu.region"() ({
        %run_scoped3A = tpu.sem_alloc : memref<!tpu.dma_semaphore, #tpu.memory_space<semaphore_mem>>
        %dma_start3A_53 = tpu.memref_slice %arg4[%mul3A_37] : memref<400000xi32, #tpu.memory_space<hbm>> -> memref<128xi32, #tpu.memory_space<hbm>>
        %dma_start3A_54 = tpu.memref_slice %arg4[%mul3A_37] : memref<400000xi32, #tpu.memory_space<hbm>> -> memref<128xi32, #tpu.memory_space<hbm>>
        tpu.enqueue_dma source(%dma_start3A_54 : memref<128xi32, #tpu.memory_space<hbm>>) target(%arg7 : memref<128xi32, #tpu.memory_space<vmem>>) target_semaphore(%run_scoped3A : memref<!tpu.dma_semaphore, #tpu.memory_space<semaphore_mem>>)
        %dma_wait3A_55 = tpu.memref_slice %arg4[%mul3A_37] : memref<400000xi32, #tpu.memory_space<hbm>> -> memref<128xi32, #tpu.memory_space<hbm>>
        %dma_wait3A_56 = tpu.memref_slice %arg4[%mul3A_37] : memref<400000xi32, #tpu.memory_space<hbm>> -> memref<128xi32, #tpu.memory_space<hbm>>
        tpu.wait_dma2 semaphore(%run_scoped3A : memref<!tpu.dma_semaphore, #tpu.memory_space<semaphore_mem>>) src(%dma_wait3A_56 : memref<128xi32, #tpu.memory_space<hbm>>) dst(%arg7 : memref<128xi32, #tpu.memory_space<vmem>>)
        tpu.yield
      }) : () -> ()
      "tpu.region"() ({
        %run_scoped3A = tpu.sem_alloc : memref<!tpu.dma_semaphore, #tpu.memory_space<semaphore_mem>>
        %dma_start3A_53 = tpu.memref_slice %arg5[%mul3A_37] : memref<400000xi32, #tpu.memory_space<hbm>> -> memref<128xi32, #tpu.memory_space<hbm>>
        %dma_start3A_54 = tpu.memref_slice %arg5[%mul3A_37] : memref<400000xi32, #tpu.memory_space<hbm>> -> memref<128xi32, #tpu.memory_space<hbm>>
        tpu.enqueue_dma source(%dma_start3A_54 : memref<128xi32, #tpu.memory_space<hbm>>) target(%arg8 : memref<128xi32, #tpu.memory_space<vmem>>) target_semaphore(%run_scoped3A : memref<!tpu.dma_semaphore, #tpu.memory_space<semaphore_mem>>)
        %dma_wait3A_55 = tpu.memref_slice %arg5[%mul3A_37] : memref<400000xi32, #tpu.memory_space<hbm>> -> memref<128xi32, #tpu.memory_space<hbm>>
        %dma_wait3A_56 = tpu.memref_slice %arg5[%mul3A_37] : memref<400000xi32, #tpu.memory_space<hbm>> -> memref<128xi32, #tpu.memory_space<hbm>>
        tpu.wait_dma2 semaphore(%run_scoped3A : memref<!tpu.dma_semaphore, #tpu.memory_space<semaphore_mem>>) src(%dma_wait3A_56 : memref<128xi32, #tpu.memory_space<hbm>>) dst(%arg8 : memref<128xi32, #tpu.memory_space<vmem>>)
        tpu.yield
      }) : () -> ()
      %dma_start3A = arith.constant 0 : i32
      %dma_start3A_38 = arith.constant 0 : i32
      %dma_start3A_39 = tpu.memref_slice %arg2[%dma_start3A, %dma_start3A_38] : memref<50000x128xf32, #tpu.memory_space<hbm>> -> memref<50000x128xf32, #tpu.memory_space<hbm>>
      tpu.enqueue_indirect_dma source(%dma_start3A_39 : memref<50000x128xf32, #tpu.memory_space<hbm>>) target(%arg9 : memref<128x128xf32, #tpu.memory_space<vmem>>) offsets(%arg7 : memref<128xi32, #tpu.memory_space<vmem>>) semaphore(%arg11 : memref<!tpu.dma_semaphore, #tpu.memory_space<semaphore_mem>>)
      %dma_start3A_40 = arith.constant 0 : i32
      %dma_start3A_41 = arith.constant 0 : i32
      %dma_start3A_42 = tpu.memref_slice %arg3[%dma_start3A_40, %dma_start3A_41] : memref<50000x128xf32, #tpu.memory_space<hbm>> -> memref<50000x128xf32, #tpu.memory_space<hbm>>
      tpu.enqueue_indirect_dma source(%dma_start3A_42 : memref<50000x128xf32, #tpu.memory_space<hbm>>) target(%arg10 : memref<128x128xf32, #tpu.memory_space<vmem>>) offsets(%arg8 : memref<128xi32, #tpu.memory_space<vmem>>) semaphore(%arg11 : memref<!tpu.dma_semaphore, #tpu.memory_space<semaphore_mem>>)
      %dma_wait3A = arith.constant 0 : i32
      %dma_wait3A_43 = arith.constant 0 : i32
      %dma_wait3A_44 = tpu.memref_slice %arg2[%dma_wait3A, %dma_wait3A_43] : memref<50000x128xf32, #tpu.memory_space<hbm>> -> memref<50000x128xf32, #tpu.memory_space<hbm>>
      tpu.wait_indirect_dma semaphore(%arg11 : memref<!tpu.dma_semaphore, #tpu.memory_space<semaphore_mem>>) src(%dma_wait3A_44 : memref<50000x128xf32, #tpu.memory_space<hbm>>) dst(%arg9 : memref<128x128xf32, #tpu.memory_space<vmem>>)
      %dma_wait3A_45 = arith.constant 0 : i32
      %dma_wait3A_46 = arith.constant 0 : i32
      %dma_wait3A_47 = tpu.memref_slice %arg3[%dma_wait3A_45, %dma_wait3A_46] : memref<50000x128xf32, #tpu.memory_space<hbm>> -> memref<50000x128xf32, #tpu.memory_space<hbm>>
      tpu.wait_indirect_dma semaphore(%arg11 : memref<!tpu.dma_semaphore, #tpu.memory_space<semaphore_mem>>) src(%dma_wait3A_47 : memref<50000x128xf32, #tpu.memory_space<hbm>>) dst(%arg10 : memref<128x128xf32, #tpu.memory_space<vmem>>)
      %scan3A = arith.constant 0 : i32
      %scan3A_48 = arith.constant 0 : i32
      %scan3A_49 = arith.constant 128 : i32
      %scan3A_50 = arith.addi %scan3A_48, %scan3A_49 : i32
      %scan3A_51 = arith.constant 1 : i32
      scf.for %scan3A_53 = %scan3A_48 to %scan3A_50 step %scan3A_51  : i32 {
        %get3A = arith.index_cast %scan3A_53 : i32 to index
        %get3A_54 = arith.constant 0 : index
        %get3A_55 = tpu.vector_load %arg9[%get3A, %get3A_54] {strides = array<i32>} : memref<128x128xf32, #tpu.memory_space<vmem>>, vector<1x16xf32>,
        %get3A_56 = vector.shape_cast %get3A_55 : vector<1x16xf32> to vector<16xf32>
        %get3A_57 = arith.index_cast %scan3A_53 : i32 to index
        %get3A_58 = arith.constant 0 : index
        %get3A_59 = tpu.vector_load %arg10[%get3A_57, %get3A_58] {strides = array<i32>} : memref<128x128xf32, #tpu.memory_space<vmem>>, vector<1x16xf32>,
        %get3A_60 = vector.shape_cast %get3A_59 : vector<1x16xf32> to vector<16xf32>
        %add3A_61 = arith.addf %get3A_56, %get3A_60 : vector<16xf32>
        %swap3A = arith.index_cast %scan3A_53 : i32 to index
        %swap3A_62 = arith.constant 0 : index
        %swap3A_63 = tpu.vector_load %arg9[%swap3A, %swap3A_62] {strides = array<i32>} : memref<128x128xf32, #tpu.memory_space<vmem>>, vector<1x16xf32>,
        %swap3A_64 = vector.shape_cast %swap3A_63 : vector<1x16xf32> to vector<16xf32>
        %swap3A_65 = vector.shape_cast %add3A_61 : vector<16xf32> to vector<1x16xf32>
        tpu.vector_store %arg9[%swap3A, %swap3A_62], %swap3A_65 {strides = array<i32>} : memref<128x128xf32, #tpu.memory_space<vmem>>, vector<1x16xf32>,
        %get3A_66 = arith.index_cast %scan3A_53 : i32 to index
        %get3A_67 = arith.constant 16 : index
        %get3A_68 = tpu.vector_load %arg9[%get3A_66, %get3A_67] {strides = array<i32>} : memref<128x128xf32, #tpu.memory_space<vmem>>, vector<1x16xf32>,
        %get3A_69 = vector.shape_cast %get3A_68 : vector<1x16xf32> to vector<16xf32>
        %get3A_70 = arith.index_cast %scan3A_53 : i32 to index
        %get3A_71 = arith.constant 16 : index
        %get3A_72 = tpu.vector_load %arg10[%get3A_70, %get3A_71] {strides = array<i32>} : memref<128x128xf32, #tpu.memory_space<vmem>>, vector<1x16xf32>,
        %get3A_73 = vector.shape_cast %get3A_72 : vector<1x16xf32> to vector<16xf32>
        %add3A_74 = arith.addf %get3A_69, %get3A_73 : vector<16xf32>
        %swap3A_75 = arith.index_cast %scan3A_53 : i32 to index
        %swap3A_76 = arith.constant 16 : index
        %swap3A_77 = tpu.vector_load %arg9[%swap3A_75, %swap3A_76] {strides = array<i32>} : memref<128x128xf32, #tpu.memory_space<vmem>>, vector<1x16xf32>,
        %swap3A_78 = vector.shape_cast %swap3A_77 : vector<1x16xf32> to vector<16xf32>
        %swap3A_79 = vector.shape_cast %add3A_74 : vector<16xf32> to vector<1x16xf32>
        tpu.vector_store %arg9[%swap3A_75, %swap3A_76], %swap3A_79 {strides = array<i32>} : memref<128x128xf32, #tpu.memory_space<vmem>>, vector<1x16xf32>,
        %get3A_80 = arith.index_cast %scan3A_53 : i32 to index
        %get3A_81 = arith.constant 32 : index
        %get3A_82 = tpu.vector_load %arg9[%get3A_80, %get3A_81] {strides = array<i32>} : memref<128x128xf32, #tpu.memory_space<vmem>>, vector<1x16xf32>,
        %get3A_83 = vector.shape_cast %get3A_82 : vector<1x16xf32> to vector<16xf32>
        %get3A_84 = arith.index_cast %scan3A_53 : i32 to index
        %get3A_85 = arith.constant 32 : index
        %get3A_86 = tpu.vector_load %arg10[%get3A_84, %get3A_85] {strides = array<i32>} : memref<128x128xf32, #tpu.memory_space<vmem>>, vector<1x16xf32>,
        %get3A_87 = vector.shape_cast %get3A_86 : vector<1x16xf32> to vector<16xf32>
        %add3A_88 = arith.addf %get3A_83, %get3A_87 : vector<16xf32>
        %swap3A_89 = arith.index_cast %scan3A_53 : i32 to index
        %swap3A_90 = arith.constant 32 : index
        %swap3A_91 = tpu.vector_load %arg9[%swap3A_89, %swap3A_90] {strides = array<i32>} : memref<128x128xf32, #tpu.memory_space<vmem>>, vector<1x16xf32>,
        %swap3A_92 = vector.shape_cast %swap3A_91 : vector<1x16xf32> to vector<16xf32>
        %swap3A_93 = vector.shape_cast %add3A_88 : vector<16xf32> to vector<1x16xf32>
        tpu.vector_store %arg9[%swap3A_89, %swap3A_90], %swap3A_93 {strides = array<i32>} : memref<128x128xf32, #tpu.memory_space<vmem>>, vector<1x16xf32>,
        %get3A_94 = arith.index_cast %scan3A_53 : i32 to index
        %get3A_95 = arith.constant 48 : index
        %get3A_96 = tpu.vector_load %arg9[%get3A_94, %get3A_95] {strides = array<i32>} : memref<128x128xf32, #tpu.memory_space<vmem>>, vector<1x16xf32>,
        %get3A_97 = vector.shape_cast %get3A_96 : vector<1x16xf32> to vector<16xf32>
        %get3A_98 = arith.index_cast %scan3A_53 : i32 to index
        %get3A_99 = arith.constant 48 : index
        %get3A_100 = tpu.vector_load %arg10[%get3A_98, %get3A_99] {strides = array<i32>} : memref<128x128xf32, #tpu.memory_space<vmem>>, vector<1x16xf32>,
        %get3A_101 = vector.shape_cast %get3A_100 : vector<1x16xf32> to vector<16xf32>
        %add3A_102 = arith.addf %get3A_97, %get3A_101 : vector<16xf32>
        %swap3A_103 = arith.index_cast %scan3A_53 : i32 to index
        %swap3A_104 = arith.constant 48 : index
        %swap3A_105 = tpu.vector_load %arg9[%swap3A_103, %swap3A_104] {strides = array<i32>} : memref<128x128xf32, #tpu.memory_space<vmem>>, vector<1x16xf32>,
        %swap3A_106 = vector.shape_cast %swap3A_105 : vector<1x16xf32> to vector<16xf32>
        %swap3A_107 = vector.shape_cast %add3A_102 : vector<16xf32> to vector<1x16xf32>
        tpu.vector_store %arg9[%swap3A_103, %swap3A_104], %swap3A_107 {strides = array<i32>} : memref<128x128xf32, #tpu.memory_space<vmem>>, vector<1x16xf32>,
        %get3A_108 = arith.index_cast %scan3A_53 : i32 to index
        %get3A_109 = arith.constant 64 : index
        %get3A_110 = tpu.vector_load %arg9[%get3A_108, %get3A_109] {strides = array<i32>} : memref<128x128xf32, #tpu.memory_space<vmem>>, vector<1x16xf32>,
        %get3A_111 = vector.shape_cast %get3A_110 : vector<1x16xf32> to vector<16xf32>
        %get3A_112 = arith.index_cast %scan3A_53 : i32 to index
        %get3A_113 = arith.constant 64 : index
        %get3A_114 = tpu.vector_load %arg10[%get3A_112, %get3A_113] {strides = array<i32>} : memref<128x128xf32, #tpu.memory_space<vmem>>, vector<1x16xf32>,
        %get3A_115 = vector.shape_cast %get3A_114 : vector<1x16xf32> to vector<16xf32>
        %add3A_116 = arith.addf %get3A_111, %get3A_115 : vector<16xf32>
        %swap3A_117 = arith.index_cast %scan3A_53 : i32 to index
        %swap3A_118 = arith.constant 64 : index
        %swap3A_119 = tpu.vector_load %arg9[%swap3A_117, %swap3A_118] {strides = array<i32>} : memref<128x128xf32, #tpu.memory_space<vmem>>, vector<1x16xf32>,
        %swap3A_120 = vector.shape_cast %swap3A_119 : vector<1x16xf32> to vector<16xf32>
        %swap3A_121 = vector.shape_cast %add3A_116 : vector<16xf32> to vector<1x16xf32>
        tpu.vector_store %arg9[%swap3A_117, %swap3A_118], %swap3A_121 {strides = array<i32>} : memref<128x128xf32, #tpu.memory_space<vmem>>, vector<1x16xf32>,
        %get3A_122 = arith.index_cast %scan3A_53 : i32 to index
        %get3A_123 = arith.constant 80 : index
        %get3A_124 = tpu.vector_load %arg9[%get3A_122, %get3A_123] {strides = array<i32>} : memref<128x128xf32, #tpu.memory_space<vmem>>, vector<1x16xf32>,
        %get3A_125 = vector.shape_cast %get3A_124 : vector<1x16xf32> to vector<16xf32>
        %get3A_126 = arith.index_cast %scan3A_53 : i32 to index
        %get3A_127 = arith.constant 80 : index
        %get3A_128 = tpu.vector_load %arg10[%get3A_126, %get3A_127] {strides = array<i32>} : memref<128x128xf32, #tpu.memory_space<vmem>>, vector<1x16xf32>,
        %get3A_129 = vector.shape_cast %get3A_128 : vector<1x16xf32> to vector<16xf32>
        %add3A_130 = arith.addf %get3A_125, %get3A_129 : vector<16xf32>
        %swap3A_131 = arith.index_cast %scan3A_53 : i32 to index
        %swap3A_132 = arith.constant 80 : index
        %swap3A_133 = tpu.vector_load %arg9[%swap3A_131, %swap3A_132] {strides = array<i32>} : memref<128x128xf32, #tpu.memory_space<vmem>>, vector<1x16xf32>,
        %swap3A_134 = vector.shape_cast %swap3A_133 : vector<1x16xf32> to vector<16xf32>
        %swap3A_135 = vector.shape_cast %add3A_130 : vector<16xf32> to vector<1x16xf32>
        tpu.vector_store %arg9[%swap3A_131, %swap3A_132], %swap3A_135 {strides = array<i32>} : memref<128x128xf32, #tpu.memory_space<vmem>>, vector<1x16xf32>,
        %get3A_136 = arith.index_cast %scan3A_53 : i32 to index
        %get3A_137 = arith.constant 96 : index
        %get3A_138 = tpu.vector_load %arg9[%get3A_136, %get3A_137] {strides = array<i32>} : memref<128x128xf32, #tpu.memory_space<vmem>>, vector<1x16xf32>,
        %get3A_139 = vector.shape_cast %get3A_138 : vector<1x16xf32> to vector<16xf32>
        %get3A_140 = arith.index_cast %scan3A_53 : i32 to index
        %get3A_141 = arith.constant 96 : index
        %get3A_142 = tpu.vector_load %arg10[%get3A_140, %get3A_141] {strides = array<i32>} : memref<128x128xf32, #tpu.memory_space<vmem>>, vector<1x16xf32>,
        %get3A_143 = vector.shape_cast %get3A_142 : vector<1x16xf32> to vector<16xf32>
        %add3A_144 = arith.addf %get3A_139, %get3A_143 : vector<16xf32>
        %swap3A_145 = arith.index_cast %scan3A_53 : i32 to index
        %swap3A_146 = arith.constant 96 : index
        %swap3A_147 = tpu.vector_load %arg9[%swap3A_145, %swap3A_146] {strides = array<i32>} : memref<128x128xf32, #tpu.memory_space<vmem>>, vector<1x16xf32>,
        %swap3A_148 = vector.shape_cast %swap3A_147 : vector<1x16xf32> to vector<16xf32>
        %swap3A_149 = vector.shape_cast %add3A_144 : vector<16xf32> to vector<1x16xf32>
        tpu.vector_store %arg9[%swap3A_145, %swap3A_146], %swap3A_149 {strides = array<i32>} : memref<128x128xf32, #tpu.memory_space<vmem>>, vector<1x16xf32>,
        %get3A_150 = arith.index_cast %scan3A_53 : i32 to index
        %get3A_151 = arith.constant 112 : index
        %get3A_152 = tpu.vector_load %arg9[%get3A_150, %get3A_151] {strides = array<i32>} : memref<128x128xf32, #tpu.memory_space<vmem>>, vector<1x16xf32>,
        %get3A_153 = vector.shape_cast %get3A_152 : vector<1x16xf32> to vector<16xf32>
        %get3A_154 = arith.index_cast %scan3A_53 : i32 to index
        %get3A_155 = arith.constant 112 : index
        %get3A_156 = tpu.vector_load %arg10[%get3A_154, %get3A_155] {strides = array<i32>} : memref<128x128xf32, #tpu.memory_space<vmem>>, vector<1x16xf32>,
        %get3A_157 = vector.shape_cast %get3A_156 : vector<1x16xf32> to vector<16xf32>
        %add3A_158 = arith.addf %get3A_153, %get3A_157 : vector<16xf32>
        %swap3A_159 = arith.index_cast %scan3A_53 : i32 to index
        %swap3A_160 = arith.constant 112 : index
        %swap3A_161 = tpu.vector_load %arg9[%swap3A_159, %swap3A_160] {strides = array<i32>} : memref<128x128xf32, #tpu.memory_space<vmem>>, vector<1x16xf32>,
        %swap3A_162 = vector.shape_cast %swap3A_161 : vector<1x16xf32> to vector<16xf32>
        %swap3A_163 = vector.shape_cast %add3A_158 : vector<16xf32> to vector<1x16xf32>
        tpu.vector_store %arg9[%swap3A_159, %swap3A_160], %swap3A_163 {strides = array<i32>} : memref<128x128xf32, #tpu.memory_space<vmem>>, vector<1x16xf32>,
      }
      %scan3A_52 = arith.constant 128 : i32
      "tpu.region"() ({
        %run_scoped3A = tpu.sem_alloc : memref<!tpu.dma_semaphore, #tpu.memory_space<semaphore_mem>>
        %dma_start3A_53 = arith.constant 0 : i32
        %dma_start3A_54 = tpu.memref_slice %arg6[%mul3A_37, %dma_start3A_53] : memref<400000x128xf32, #tpu.memory_space<hbm>> -> memref<128x128xf32, #tpu.memory_space<hbm>>
        %dma_start3A_55 = arith.constant 0 : i32
        %dma_start3A_56 = tpu.memref_slice %arg6[%mul3A_37, %dma_start3A_55] : memref<400000x128xf32, #tpu.memory_space<hbm>> -> memref<128x128xf32, #tpu.memory_space<hbm>>
        tpu.enqueue_dma source(%arg9 : memref<128x128xf32, #tpu.memory_space<vmem>>) target(%dma_start3A_56 : memref<128x128xf32, #tpu.memory_space<hbm>>) target_semaphore(%run_scoped3A : memref<!tpu.dma_semaphore, #tpu.memory_space<semaphore_mem>>)
        %dma_wait3A_57 = arith.constant 0 : i32
        %dma_wait3A_58 = tpu.memref_slice %arg6[%mul3A_37, %dma_wait3A_57] : memref<400000x128xf32, #tpu.memory_space<hbm>> -> memref<128x128xf32, #tpu.memory_space<hbm>>
        %dma_wait3A_59 = arith.constant 0 : i32
        %dma_wait3A_60 = tpu.memref_slice %arg6[%mul3A_37, %dma_wait3A_59] : memref<400000x128xf32, #tpu.memory_space<hbm>> -> memref<128x128xf32, #tpu.memory_space<hbm>>
        tpu.wait_dma2 semaphore(%run_scoped3A : memref<!tpu.dma_semaphore, #tpu.memory_space<semaphore_mem>>) src(%arg9 : memref<128x128xf32, #tpu.memory_space<vmem>>) dst(%dma_wait3A_60 : memref<128x128xf32, #tpu.memory_space<hbm>>)
        tpu.yield
      }) : () -> ()
    }
    return
  }
}

#map = affine_map<(d0, d1) -> (0, 0)>
#map1 = affine_map<(d0, d1) -> (0)>
module attributes {stable_mosaic.version = 14 : i64} {
  func.func @k(%arg0: i32, %arg1: i32, %arg2: memref<50000x256xf32, #tpu.memory_space<hbm>>, %arg3: memref<50000x256xf32, #tpu.memory_space<hbm>>, %arg4: memref<400000xi32, #tpu.memory_space<hbm>>, %arg5: memref<400000xi32, #tpu.memory_space<hbm>>, %arg6: memref<400000x256xf32, #tpu.memory_space<hbm>>, %arg7: memref<128xi32, #tpu.memory_space<vmem>>, %arg8: memref<128xi32, #tpu.memory_space<vmem>>, %arg9: memref<128x256xf32, #tpu.memory_space<vmem>>, %arg10: memref<128x256xf32, #tpu.memory_space<vmem>>, %arg11: memref<!tpu.dma_semaphore, #tpu.memory_space<semaphore_mem>>) attributes {dimension_semantics = [#tpu.dimension_semantics<core_parallel>, #tpu.dimension_semantics<subcore_parallel>], iteration_bounds = array<i64: 2, 16>, scalar_prefetch = 0 : i64, scratch_operands = 5 : i64, tpu.core_type = #tpu.core_type<sc_vector_subcore>, window_params = [{transform_indices = #map}, {transform_indices = #map}, {transform_indices = #map1}, {transform_indices = #map1}, {transform_indices = #map}]} {
    %mul3A = arith.constant 2 : i32
    %mul3A_0 = arith.muli %arg1, %mul3A : i32
    %add3A = arith.addi %mul3A_0, %arg0 : i32
    %sub3A = arith.constant 3125 : i32
    %sub3A_1 = arith.subi %sub3A, %add3A : i32
    %add3A_2 = arith.constant 32 : i32
    %add3A_3 = arith.addi %sub3A_1, %add3A_2 : i32
    %sub3A_4 = arith.constant 1 : i32
    %sub3A_5 = arith.subi %add3A_3, %sub3A_4 : i32
    %jit3A = arith.constant 32 : i32
    %div3A = arith.divsi %sub3A_5, %jit3A : i32
    %sign3A = arith.constant 0 : i32
    %sign3A_6 = arith.cmpi sgt, %sub3A_5, %sign3A : i32
    %sign3A_7 = arith.extui %sign3A_6 : i1 to i32
    %sign3A_8 = arith.constant 0 : i32
    %sign3A_9 = arith.cmpi slt, %sub3A_5, %sign3A_8 : i32
    %sign3A_10 = arith.extui %sign3A_9 : i1 to i32
    %sign3A_11 = arith.subi %sign3A_7, %sign3A_10 : i32
    %sign3A_12 = arith.constant 0 : i32
    %sign3A_13 = arith.cmpi sgt, %jit3A, %sign3A_12 : i32
    %sign3A_14 = arith.extui %sign3A_13 : i1 to i32
    %sign3A_15 = arith.constant 0 : i32
    %sign3A_16 = arith.cmpi slt, %jit3A, %sign3A_15 : i32
    %sign3A_17 = arith.extui %sign3A_16 : i1 to i32
    %sign3A_18 = arith.subi %sign3A_14, %sign3A_17 : i32
    %ne3A = arith.cmpi ne, %sign3A_11, %sign3A_18 : i32
    %rem3A = arith.remsi %sub3A_5, %jit3A : i32
    %ne3A_19 = arith.constant 0 : i32
    %ne3A_20 = arith.cmpi ne, %rem3A, %ne3A_19 : i32
    %and3A = arith.andi %ne3A, %ne3A_20 : i1
    %sub3A_21 = arith.constant 1 : i32
    %sub3A_22 = arith.subi %div3A, %sub3A_21 : i32
    %select_n3A = arith.select %and3A, %sub3A_22, %div3A : i32
    %while3A = arith.constant 0 : i32
    %while3A_23 = arith.constant 0 : i32
    %while3A_24 = arith.subi %select_n3A, %while3A_23 : i32
    %while3A_25 = arith.addi %while3A_23, %while3A_24 : i32
    %while3A_26 = arith.constant 1 : i32
    %while3A_27 = arith.divsi %while3A_24, %while3A_26 : i32
    %while3A_28 = arith.muli %while3A_27, %while3A_26 : i32
    %while3A_29 = arith.addi %while3A_23, %while3A_28 : i32
    %while3A_30 = arith.constant 1 : i32
    scf.for %while3A_32 = %while3A_23 to %while3A_29 step %while3A_30  : i32 {
      %mul3A_33 = arith.constant 32 : i32
      %mul3A_34 = arith.muli %while3A_32, %mul3A_33 : i32
      %add3A_35 = arith.addi %add3A, %mul3A_34 : i32
      %mul3A_36 = arith.constant 128 : i32
      %mul3A_37 = arith.muli %add3A_35, %mul3A_36 : i32
      "tpu.region"() ({
        %run_scoped3A = tpu.sem_alloc : memref<!tpu.dma_semaphore, #tpu.memory_space<semaphore_mem>>
        %dma_start3A_53 = tpu.memref_slice %arg4[%mul3A_37] : memref<400000xi32, #tpu.memory_space<hbm>> -> memref<128xi32, #tpu.memory_space<hbm>>
        %dma_start3A_54 = tpu.memref_slice %arg4[%mul3A_37] : memref<400000xi32, #tpu.memory_space<hbm>> -> memref<128xi32, #tpu.memory_space<hbm>>
        tpu.enqueue_dma source(%dma_start3A_54 : memref<128xi32, #tpu.memory_space<hbm>>) target(%arg7 : memref<128xi32, #tpu.memory_space<vmem>>) target_semaphore(%run_scoped3A : memref<!tpu.dma_semaphore, #tpu.memory_space<semaphore_mem>>)
        %dma_wait3A_55 = tpu.memref_slice %arg4[%mul3A_37] : memref<400000xi32, #tpu.memory_space<hbm>> -> memref<128xi32, #tpu.memory_space<hbm>>
        %dma_wait3A_56 = tpu.memref_slice %arg4[%mul3A_37] : memref<400000xi32, #tpu.memory_space<hbm>> -> memref<128xi32, #tpu.memory_space<hbm>>
        tpu.wait_dma2 semaphore(%run_scoped3A : memref<!tpu.dma_semaphore, #tpu.memory_space<semaphore_mem>>) src(%dma_wait3A_56 : memref<128xi32, #tpu.memory_space<hbm>>) dst(%arg7 : memref<128xi32, #tpu.memory_space<vmem>>)
        tpu.yield
      }) : () -> ()
      "tpu.region"() ({
        %run_scoped3A = tpu.sem_alloc : memref<!tpu.dma_semaphore, #tpu.memory_space<semaphore_mem>>
        %dma_start3A_53 = tpu.memref_slice %arg5[%mul3A_37] : memref<400000xi32, #tpu.memory_space<hbm>> -> memref<128xi32, #tpu.memory_space<hbm>>
        %dma_start3A_54 = tpu.memref_slice %arg5[%mul3A_37] : memref<400000xi32, #tpu.memory_space<hbm>> -> memref<128xi32, #tpu.memory_space<hbm>>
        tpu.enqueue_dma source(%dma_start3A_54 : memref<128xi32, #tpu.memory_space<hbm>>) target(%arg8 : memref<128xi32, #tpu.memory_space<vmem>>) target_semaphore(%run_scoped3A : memref<!tpu.dma_semaphore, #tpu.memory_space<semaphore_mem>>)
        %dma_wait3A_55 = tpu.memref_slice %arg5[%mul3A_37] : memref<400000xi32, #tpu.memory_space<hbm>> -> memref<128xi32, #tpu.memory_space<hbm>>
        %dma_wait3A_56 = tpu.memref_slice %arg5[%mul3A_37] : memref<400000xi32, #tpu.memory_space<hbm>> -> memref<128xi32, #tpu.memory_space<hbm>>
        tpu.wait_dma2 semaphore(%run_scoped3A : memref<!tpu.dma_semaphore, #tpu.memory_space<semaphore_mem>>) src(%dma_wait3A_56 : memref<128xi32, #tpu.memory_space<hbm>>) dst(%arg8 : memref<128xi32, #tpu.memory_space<vmem>>)
        tpu.yield
      }) : () -> ()
      %dma_start3A = arith.constant 0 : i32
      %dma_start3A_38 = arith.constant 0 : i32
      %dma_start3A_39 = tpu.memref_slice %arg2[%dma_start3A, %dma_start3A_38] : memref<50000x256xf32, #tpu.memory_space<hbm>> -> memref<50000x256xf32, #tpu.memory_space<hbm>>
      tpu.enqueue_indirect_dma source(%dma_start3A_39 : memref<50000x256xf32, #tpu.memory_space<hbm>>) target(%arg9 : memref<128x256xf32, #tpu.memory_space<vmem>>) offsets(%arg7 : memref<128xi32, #tpu.memory_space<vmem>>) semaphore(%arg11 : memref<!tpu.dma_semaphore, #tpu.memory_space<semaphore_mem>>)
      %dma_start3A_40 = arith.constant 0 : i32
      %dma_start3A_41 = arith.constant 0 : i32
      %dma_start3A_42 = tpu.memref_slice %arg3[%dma_start3A_40, %dma_start3A_41] : memref<50000x256xf32, #tpu.memory_space<hbm>> -> memref<50000x256xf32, #tpu.memory_space<hbm>>
      tpu.enqueue_indirect_dma source(%dma_start3A_42 : memref<50000x256xf32, #tpu.memory_space<hbm>>) target(%arg10 : memref<128x256xf32, #tpu.memory_space<vmem>>) offsets(%arg8 : memref<128xi32, #tpu.memory_space<vmem>>) semaphore(%arg11 : memref<!tpu.dma_semaphore, #tpu.memory_space<semaphore_mem>>)
      %dma_wait3A = arith.constant 0 : i32
      %dma_wait3A_43 = arith.constant 0 : i32
      %dma_wait3A_44 = tpu.memref_slice %arg2[%dma_wait3A, %dma_wait3A_43] : memref<50000x256xf32, #tpu.memory_space<hbm>> -> memref<50000x256xf32, #tpu.memory_space<hbm>>
      tpu.wait_indirect_dma semaphore(%arg11 : memref<!tpu.dma_semaphore, #tpu.memory_space<semaphore_mem>>) src(%dma_wait3A_44 : memref<50000x256xf32, #tpu.memory_space<hbm>>) dst(%arg9 : memref<128x256xf32, #tpu.memory_space<vmem>>)
      %dma_wait3A_45 = arith.constant 0 : i32
      %dma_wait3A_46 = arith.constant 0 : i32
      %dma_wait3A_47 = tpu.memref_slice %arg3[%dma_wait3A_45, %dma_wait3A_46] : memref<50000x256xf32, #tpu.memory_space<hbm>> -> memref<50000x256xf32, #tpu.memory_space<hbm>>
      tpu.wait_indirect_dma semaphore(%arg11 : memref<!tpu.dma_semaphore, #tpu.memory_space<semaphore_mem>>) src(%dma_wait3A_47 : memref<50000x256xf32, #tpu.memory_space<hbm>>) dst(%arg10 : memref<128x256xf32, #tpu.memory_space<vmem>>)
      %scan3A = arith.constant 0 : i32
      %scan3A_48 = arith.constant 0 : i32
      %scan3A_49 = arith.constant 128 : i32
      %scan3A_50 = arith.addi %scan3A_48, %scan3A_49 : i32
      %scan3A_51 = arith.constant 1 : i32
      scf.for %scan3A_53 = %scan3A_48 to %scan3A_50 step %scan3A_51  : i32 {
        %get3A = arith.index_cast %scan3A_53 : i32 to index
        %get3A_54 = arith.constant 0 : index
        %get3A_55 = tpu.vector_load %arg9[%get3A, %get3A_54] {strides = array<i32>} : memref<128x256xf32, #tpu.memory_space<vmem>>, vector<1x16xf32>,
        %get3A_56 = vector.shape_cast %get3A_55 : vector<1x16xf32> to vector<16xf32>
        %get3A_57 = arith.index_cast %scan3A_53 : i32 to index
        %get3A_58 = arith.constant 0 : index
        %get3A_59 = tpu.vector_load %arg10[%get3A_57, %get3A_58] {strides = array<i32>} : memref<128x256xf32, #tpu.memory_space<vmem>>, vector<1x16xf32>,
        %get3A_60 = vector.shape_cast %get3A_59 : vector<1x16xf32> to vector<16xf32>
        %add3A_61 = arith.addf %get3A_56, %get3A_60 : vector<16xf32>
        %swap3A = arith.index_cast %scan3A_53 : i32 to index
        %swap3A_62 = arith.constant 0 : index
        %swap3A_63 = tpu.vector_load %arg9[%swap3A, %swap3A_62] {strides = array<i32>} : memref<128x256xf32, #tpu.memory_space<vmem>>, vector<1x16xf32>,
        %swap3A_64 = vector.shape_cast %swap3A_63 : vector<1x16xf32> to vector<16xf32>
        %swap3A_65 = vector.shape_cast %add3A_61 : vector<16xf32> to vector<1x16xf32>
        tpu.vector_store %arg9[%swap3A, %swap3A_62], %swap3A_65 {strides = array<i32>} : memref<128x256xf32, #tpu.memory_space<vmem>>, vector<1x16xf32>,
        %get3A_66 = arith.index_cast %scan3A_53 : i32 to index
        %get3A_67 = arith.constant 16 : index
        %get3A_68 = tpu.vector_load %arg9[%get3A_66, %get3A_67] {strides = array<i32>} : memref<128x256xf32, #tpu.memory_space<vmem>>, vector<1x16xf32>,
        %get3A_69 = vector.shape_cast %get3A_68 : vector<1x16xf32> to vector<16xf32>
        %get3A_70 = arith.index_cast %scan3A_53 : i32 to index
        %get3A_71 = arith.constant 16 : index
        %get3A_72 = tpu.vector_load %arg10[%get3A_70, %get3A_71] {strides = array<i32>} : memref<128x256xf32, #tpu.memory_space<vmem>>, vector<1x16xf32>,
        %get3A_73 = vector.shape_cast %get3A_72 : vector<1x16xf32> to vector<16xf32>
        %add3A_74 = arith.addf %get3A_69, %get3A_73 : vector<16xf32>
        %swap3A_75 = arith.index_cast %scan3A_53 : i32 to index
        %swap3A_76 = arith.constant 16 : index
        %swap3A_77 = tpu.vector_load %arg9[%swap3A_75, %swap3A_76] {strides = array<i32>} : memref<128x256xf32, #tpu.memory_space<vmem>>, vector<1x16xf32>,
        %swap3A_78 = vector.shape_cast %swap3A_77 : vector<1x16xf32> to vector<16xf32>
        %swap3A_79 = vector.shape_cast %add3A_74 : vector<16xf32> to vector<1x16xf32>
        tpu.vector_store %arg9[%swap3A_75, %swap3A_76], %swap3A_79 {strides = array<i32>} : memref<128x256xf32, #tpu.memory_space<vmem>>, vector<1x16xf32>,
        %get3A_80 = arith.index_cast %scan3A_53 : i32 to index
        %get3A_81 = arith.constant 32 : index
        %get3A_82 = tpu.vector_load %arg9[%get3A_80, %get3A_81] {strides = array<i32>} : memref<128x256xf32, #tpu.memory_space<vmem>>, vector<1x16xf32>,
        %get3A_83 = vector.shape_cast %get3A_82 : vector<1x16xf32> to vector<16xf32>
        %get3A_84 = arith.index_cast %scan3A_53 : i32 to index
        %get3A_85 = arith.constant 32 : index
        %get3A_86 = tpu.vector_load %arg10[%get3A_84, %get3A_85] {strides = array<i32>} : memref<128x256xf32, #tpu.memory_space<vmem>>, vector<1x16xf32>,
        %get3A_87 = vector.shape_cast %get3A_86 : vector<1x16xf32> to vector<16xf32>
        %add3A_88 = arith.addf %get3A_83, %get3A_87 : vector<16xf32>
        %swap3A_89 = arith.index_cast %scan3A_53 : i32 to index
        %swap3A_90 = arith.constant 32 : index
        %swap3A_91 = tpu.vector_load %arg9[%swap3A_89, %swap3A_90] {strides = array<i32>} : memref<128x256xf32, #tpu.memory_space<vmem>>, vector<1x16xf32>,
        %swap3A_92 = vector.shape_cast %swap3A_91 : vector<1x16xf32> to vector<16xf32>
        %swap3A_93 = vector.shape_cast %add3A_88 : vector<16xf32> to vector<1x16xf32>
        tpu.vector_store %arg9[%swap3A_89, %swap3A_90], %swap3A_93 {strides = array<i32>} : memref<128x256xf32, #tpu.memory_space<vmem>>, vector<1x16xf32>,
        %get3A_94 = arith.index_cast %scan3A_53 : i32 to index
        %get3A_95 = arith.constant 48 : index
        %get3A_96 = tpu.vector_load %arg9[%get3A_94, %get3A_95] {strides = array<i32>} : memref<128x256xf32, #tpu.memory_space<vmem>>, vector<1x16xf32>,
        %get3A_97 = vector.shape_cast %get3A_96 : vector<1x16xf32> to vector<16xf32>
        %get3A_98 = arith.index_cast %scan3A_53 : i32 to index
        %get3A_99 = arith.constant 48 : index
        %get3A_100 = tpu.vector_load %arg10[%get3A_98, %get3A_99] {strides = array<i32>} : memref<128x256xf32, #tpu.memory_space<vmem>>, vector<1x16xf32>,
        %get3A_101 = vector.shape_cast %get3A_100 : vector<1x16xf32> to vector<16xf32>
        %add3A_102 = arith.addf %get3A_97, %get3A_101 : vector<16xf32>
        %swap3A_103 = arith.index_cast %scan3A_53 : i32 to index
        %swap3A_104 = arith.constant 48 : index
        %swap3A_105 = tpu.vector_load %arg9[%swap3A_103, %swap3A_104] {strides = array<i32>} : memref<128x256xf32, #tpu.memory_space<vmem>>, vector<1x16xf32>,
        %swap3A_106 = vector.shape_cast %swap3A_105 : vector<1x16xf32> to vector<16xf32>
        %swap3A_107 = vector.shape_cast %add3A_102 : vector<16xf32> to vector<1x16xf32>
        tpu.vector_store %arg9[%swap3A_103, %swap3A_104], %swap3A_107 {strides = array<i32>} : memref<128x256xf32, #tpu.memory_space<vmem>>, vector<1x16xf32>,
        %get3A_108 = arith.index_cast %scan3A_53 : i32 to index
        %get3A_109 = arith.constant 64 : index
        %get3A_110 = tpu.vector_load %arg9[%get3A_108, %get3A_109] {strides = array<i32>} : memref<128x256xf32, #tpu.memory_space<vmem>>, vector<1x16xf32>,
        %get3A_111 = vector.shape_cast %get3A_110 : vector<1x16xf32> to vector<16xf32>
        %get3A_112 = arith.index_cast %scan3A_53 : i32 to index
        %get3A_113 = arith.constant 64 : index
        %get3A_114 = tpu.vector_load %arg10[%get3A_112, %get3A_113] {strides = array<i32>} : memref<128x256xf32, #tpu.memory_space<vmem>>, vector<1x16xf32>,
        %get3A_115 = vector.shape_cast %get3A_114 : vector<1x16xf32> to vector<16xf32>
        %add3A_116 = arith.addf %get3A_111, %get3A_115 : vector<16xf32>
        %swap3A_117 = arith.index_cast %scan3A_53 : i32 to index
        %swap3A_118 = arith.constant 64 : index
        %swap3A_119 = tpu.vector_load %arg9[%swap3A_117, %swap3A_118] {strides = array<i32>} : memref<128x256xf32, #tpu.memory_space<vmem>>, vector<1x16xf32>,
        %swap3A_120 = vector.shape_cast %swap3A_119 : vector<1x16xf32> to vector<16xf32>
        %swap3A_121 = vector.shape_cast %add3A_116 : vector<16xf32> to vector<1x16xf32>
        tpu.vector_store %arg9[%swap3A_117, %swap3A_118], %swap3A_121 {strides = array<i32>} : memref<128x256xf32, #tpu.memory_space<vmem>>, vector<1x16xf32>,
        %get3A_122 = arith.index_cast %scan3A_53 : i32 to index
        %get3A_123 = arith.constant 80 : index
        %get3A_124 = tpu.vector_load %arg9[%get3A_122, %get3A_123] {strides = array<i32>} : memref<128x256xf32, #tpu.memory_space<vmem>>, vector<1x16xf32>,
        %get3A_125 = vector.shape_cast %get3A_124 : vector<1x16xf32> to vector<16xf32>
        %get3A_126 = arith.index_cast %scan3A_53 : i32 to index
        %get3A_127 = arith.constant 80 : index
        %get3A_128 = tpu.vector_load %arg10[%get3A_126, %get3A_127] {strides = array<i32>} : memref<128x256xf32, #tpu.memory_space<vmem>>, vector<1x16xf32>,
        %get3A_129 = vector.shape_cast %get3A_128 : vector<1x16xf32> to vector<16xf32>
        %add3A_130 = arith.addf %get3A_125, %get3A_129 : vector<16xf32>
        %swap3A_131 = arith.index_cast %scan3A_53 : i32 to index
        %swap3A_132 = arith.constant 80 : index
        %swap3A_133 = tpu.vector_load %arg9[%swap3A_131, %swap3A_132] {strides = array<i32>} : memref<128x256xf32, #tpu.memory_space<vmem>>, vector<1x16xf32>,
        %swap3A_134 = vector.shape_cast %swap3A_133 : vector<1x16xf32> to vector<16xf32>
        %swap3A_135 = vector.shape_cast %add3A_130 : vector<16xf32> to vector<1x16xf32>
        tpu.vector_store %arg9[%swap3A_131, %swap3A_132], %swap3A_135 {strides = array<i32>} : memref<128x256xf32, #tpu.memory_space<vmem>>, vector<1x16xf32>,
        %get3A_136 = arith.index_cast %scan3A_53 : i32 to index
        %get3A_137 = arith.constant 96 : index
        %get3A_138 = tpu.vector_load %arg9[%get3A_136, %get3A_137] {strides = array<i32>} : memref<128x256xf32, #tpu.memory_space<vmem>>, vector<1x16xf32>,
        %get3A_139 = vector.shape_cast %get3A_138 : vector<1x16xf32> to vector<16xf32>
        %get3A_140 = arith.index_cast %scan3A_53 : i32 to index
        %get3A_141 = arith.constant 96 : index
        %get3A_142 = tpu.vector_load %arg10[%get3A_140, %get3A_141] {strides = array<i32>} : memref<128x256xf32, #tpu.memory_space<vmem>>, vector<1x16xf32>,
        %get3A_143 = vector.shape_cast %get3A_142 : vector<1x16xf32> to vector<16xf32>
        %add3A_144 = arith.addf %get3A_139, %get3A_143 : vector<16xf32>
        %swap3A_145 = arith.index_cast %scan3A_53 : i32 to index
        %swap3A_146 = arith.constant 96 : index
        %swap3A_147 = tpu.vector_load %arg9[%swap3A_145, %swap3A_146] {strides = array<i32>} : memref<128x256xf32, #tpu.memory_space<vmem>>, vector<1x16xf32>,
        %swap3A_148 = vector.shape_cast %swap3A_147 : vector<1x16xf32> to vector<16xf32>
        %swap3A_149 = vector.shape_cast %add3A_144 : vector<16xf32> to vector<1x16xf32>
        tpu.vector_store %arg9[%swap3A_145, %swap3A_146], %swap3A_149 {strides = array<i32>} : memref<128x256xf32, #tpu.memory_space<vmem>>, vector<1x16xf32>,
        %get3A_150 = arith.index_cast %scan3A_53 : i32 to index
        %get3A_151 = arith.constant 112 : index
        %get3A_152 = tpu.vector_load %arg9[%get3A_150, %get3A_151] {strides = array<i32>} : memref<128x256xf32, #tpu.memory_space<vmem>>, vector<1x16xf32>,
        %get3A_153 = vector.shape_cast %get3A_152 : vector<1x16xf32> to vector<16xf32>
        %get3A_154 = arith.index_cast %scan3A_53 : i32 to index
        %get3A_155 = arith.constant 112 : index
        %get3A_156 = tpu.vector_load %arg10[%get3A_154, %get3A_155] {strides = array<i32>} : memref<128x256xf32, #tpu.memory_space<vmem>>, vector<1x16xf32>,
        %get3A_157 = vector.shape_cast %get3A_156 : vector<1x16xf32> to vector<16xf32>
        %add3A_158 = arith.addf %get3A_153, %get3A_157 : vector<16xf32>
        %swap3A_159 = arith.index_cast %scan3A_53 : i32 to index
        %swap3A_160 = arith.constant 112 : index
        %swap3A_161 = tpu.vector_load %arg9[%swap3A_159, %swap3A_160] {strides = array<i32>} : memref<128x256xf32, #tpu.memory_space<vmem>>, vector<1x16xf32>,
        %swap3A_162 = vector.shape_cast %swap3A_161 : vector<1x16xf32> to vector<16xf32>
        %swap3A_163 = vector.shape_cast %add3A_158 : vector<16xf32> to vector<1x16xf32>
        tpu.vector_store %arg9[%swap3A_159, %swap3A_160], %swap3A_163 {strides = array<i32>} : memref<128x256xf32, #tpu.memory_space<vmem>>, vector<1x16xf32>,
        %get3A_164 = arith.index_cast %scan3A_53 : i32 to index
        %get3A_165 = arith.constant 128 : index
        %get3A_166 = tpu.vector_load %arg9[%get3A_164, %get3A_165] {strides = array<i32>} : memref<128x256xf32, #tpu.memory_space<vmem>>, vector<1x16xf32>,
        %get3A_167 = vector.shape_cast %get3A_166 : vector<1x16xf32> to vector<16xf32>
        %get3A_168 = arith.index_cast %scan3A_53 : i32 to index
        %get3A_169 = arith.constant 128 : index
        %get3A_170 = tpu.vector_load %arg10[%get3A_168, %get3A_169] {strides = array<i32>} : memref<128x256xf32, #tpu.memory_space<vmem>>, vector<1x16xf32>,
        %get3A_171 = vector.shape_cast %get3A_170 : vector<1x16xf32> to vector<16xf32>
        %add3A_172 = arith.addf %get3A_167, %get3A_171 : vector<16xf32>
        %swap3A_173 = arith.index_cast %scan3A_53 : i32 to index
        %swap3A_174 = arith.constant 128 : index
        %swap3A_175 = tpu.vector_load %arg9[%swap3A_173, %swap3A_174] {strides = array<i32>} : memref<128x256xf32, #tpu.memory_space<vmem>>, vector<1x16xf32>,
        %swap3A_176 = vector.shape_cast %swap3A_175 : vector<1x16xf32> to vector<16xf32>
        %swap3A_177 = vector.shape_cast %add3A_172 : vector<16xf32> to vector<1x16xf32>
        tpu.vector_store %arg9[%swap3A_173, %swap3A_174], %swap3A_177 {strides = array<i32>} : memref<128x256xf32, #tpu.memory_space<vmem>>, vector<1x16xf32>,
        %get3A_178 = arith.index_cast %scan3A_53 : i32 to index
        %get3A_179 = arith.constant 144 : index
        %get3A_180 = tpu.vector_load %arg9[%get3A_178, %get3A_179] {strides = array<i32>} : memref<128x256xf32, #tpu.memory_space<vmem>>, vector<1x16xf32>,
        %get3A_181 = vector.shape_cast %get3A_180 : vector<1x16xf32> to vector<16xf32>
        %get3A_182 = arith.index_cast %scan3A_53 : i32 to index
        %get3A_183 = arith.constant 144 : index
        %get3A_184 = tpu.vector_load %arg10[%get3A_182, %get3A_183] {strides = array<i32>} : memref<128x256xf32, #tpu.memory_space<vmem>>, vector<1x16xf32>,
        %get3A_185 = vector.shape_cast %get3A_184 : vector<1x16xf32> to vector<16xf32>
        %add3A_186 = arith.addf %get3A_181, %get3A_185 : vector<16xf32>
        %swap3A_187 = arith.index_cast %scan3A_53 : i32 to index
        %swap3A_188 = arith.constant 144 : index
        %swap3A_189 = tpu.vector_load %arg9[%swap3A_187, %swap3A_188] {strides = array<i32>} : memref<128x256xf32, #tpu.memory_space<vmem>>, vector<1x16xf32>,
        %swap3A_190 = vector.shape_cast %swap3A_189 : vector<1x16xf32> to vector<16xf32>
        %swap3A_191 = vector.shape_cast %add3A_186 : vector<16xf32> to vector<1x16xf32>
        tpu.vector_store %arg9[%swap3A_187, %swap3A_188], %swap3A_191 {strides = array<i32>} : memref<128x256xf32, #tpu.memory_space<vmem>>, vector<1x16xf32>,
        %get3A_192 = arith.index_cast %scan3A_53 : i32 to index
        %get3A_193 = arith.constant 160 : index
        %get3A_194 = tpu.vector_load %arg9[%get3A_192, %get3A_193] {strides = array<i32>} : memref<128x256xf32, #tpu.memory_space<vmem>>, vector<1x16xf32>,
        %get3A_195 = vector.shape_cast %get3A_194 : vector<1x16xf32> to vector<16xf32>
        %get3A_196 = arith.index_cast %scan3A_53 : i32 to index
        %get3A_197 = arith.constant 160 : index
        %get3A_198 = tpu.vector_load %arg10[%get3A_196, %get3A_197] {strides = array<i32>} : memref<128x256xf32, #tpu.memory_space<vmem>>, vector<1x16xf32>,
        %get3A_199 = vector.shape_cast %get3A_198 : vector<1x16xf32> to vector<16xf32>
        %add3A_200 = arith.addf %get3A_195, %get3A_199 : vector<16xf32>
        %swap3A_201 = arith.index_cast %scan3A_53 : i32 to index
        %swap3A_202 = arith.constant 160 : index
        %swap3A_203 = tpu.vector_load %arg9[%swap3A_201, %swap3A_202] {strides = array<i32>} : memref<128x256xf32, #tpu.memory_space<vmem>>, vector<1x16xf32>,
        %swap3A_204 = vector.shape_cast %swap3A_203 : vector<1x16xf32> to vector<16xf32>
        %swap3A_205 = vector.shape_cast %add3A_200 : vector<16xf32> to vector<1x16xf32>
        tpu.vector_store %arg9[%swap3A_201, %swap3A_202], %swap3A_205 {strides = array<i32>} : memref<128x256xf32, #tpu.memory_space<vmem>>, vector<1x16xf32>,
        %get3A_206 = arith.index_cast %scan3A_53 : i32 to index
        %get3A_207 = arith.constant 176 : index
        %get3A_208 = tpu.vector_load %arg9[%get3A_206, %get3A_207] {strides = array<i32>} : memref<128x256xf32, #tpu.memory_space<vmem>>, vector<1x16xf32>,
        %get3A_209 = vector.shape_cast %get3A_208 : vector<1x16xf32> to vector<16xf32>
        %get3A_210 = arith.index_cast %scan3A_53 : i32 to index
        %get3A_211 = arith.constant 176 : index
        %get3A_212 = tpu.vector_load %arg10[%get3A_210, %get3A_211] {strides = array<i32>} : memref<128x256xf32, #tpu.memory_space<vmem>>, vector<1x16xf32>,
        %get3A_213 = vector.shape_cast %get3A_212 : vector<1x16xf32> to vector<16xf32>
        %add3A_214 = arith.addf %get3A_209, %get3A_213 : vector<16xf32>
        %swap3A_215 = arith.index_cast %scan3A_53 : i32 to index
        %swap3A_216 = arith.constant 176 : index
        %swap3A_217 = tpu.vector_load %arg9[%swap3A_215, %swap3A_216] {strides = array<i32>} : memref<128x256xf32, #tpu.memory_space<vmem>>, vector<1x16xf32>,
        %swap3A_218 = vector.shape_cast %swap3A_217 : vector<1x16xf32> to vector<16xf32>
        %swap3A_219 = vector.shape_cast %add3A_214 : vector<16xf32> to vector<1x16xf32>
        tpu.vector_store %arg9[%swap3A_215, %swap3A_216], %swap3A_219 {strides = array<i32>} : memref<128x256xf32, #tpu.memory_space<vmem>>, vector<1x16xf32>,
        %get3A_220 = arith.index_cast %scan3A_53 : i32 to index
        %get3A_221 = arith.constant 192 : index
        %get3A_222 = tpu.vector_load %arg9[%get3A_220, %get3A_221] {strides = array<i32>} : memref<128x256xf32, #tpu.memory_space<vmem>>, vector<1x16xf32>,
        %get3A_223 = vector.shape_cast %get3A_222 : vector<1x16xf32> to vector<16xf32>
        %get3A_224 = arith.index_cast %scan3A_53 : i32 to index
        %get3A_225 = arith.constant 192 : index
        %get3A_226 = tpu.vector_load %arg10[%get3A_224, %get3A_225] {strides = array<i32>} : memref<128x256xf32, #tpu.memory_space<vmem>>, vector<1x16xf32>,
        %get3A_227 = vector.shape_cast %get3A_226 : vector<1x16xf32> to vector<16xf32>
        %add3A_228 = arith.addf %get3A_223, %get3A_227 : vector<16xf32>
        %swap3A_229 = arith.index_cast %scan3A_53 : i32 to index
        %swap3A_230 = arith.constant 192 : index
        %swap3A_231 = tpu.vector_load %arg9[%swap3A_229, %swap3A_230] {strides = array<i32>} : memref<128x256xf32, #tpu.memory_space<vmem>>, vector<1x16xf32>,
        %swap3A_232 = vector.shape_cast %swap3A_231 : vector<1x16xf32> to vector<16xf32>
        %swap3A_233 = vector.shape_cast %add3A_228 : vector<16xf32> to vector<1x16xf32>
        tpu.vector_store %arg9[%swap3A_229, %swap3A_230], %swap3A_233 {strides = array<i32>} : memref<128x256xf32, #tpu.memory_space<vmem>>, vector<1x16xf32>,
        %get3A_234 = arith.index_cast %scan3A_53 : i32 to index
        %get3A_235 = arith.constant 208 : index
        %get3A_236 = tpu.vector_load %arg9[%get3A_234, %get3A_235] {strides = array<i32>} : memref<128x256xf32, #tpu.memory_space<vmem>>, vector<1x16xf32>,
        %get3A_237 = vector.shape_cast %get3A_236 : vector<1x16xf32> to vector<16xf32>
        %get3A_238 = arith.index_cast %scan3A_53 : i32 to index
        %get3A_239 = arith.constant 208 : index
        %get3A_240 = tpu.vector_load %arg10[%get3A_238, %get3A_239] {strides = array<i32>} : memref<128x256xf32, #tpu.memory_space<vmem>>, vector<1x16xf32>,
        %get3A_241 = vector.shape_cast %get3A_240 : vector<1x16xf32> to vector<16xf32>
        %add3A_242 = arith.addf %get3A_237, %get3A_241 : vector<16xf32>
        %swap3A_243 = arith.index_cast %scan3A_53 : i32 to index
        %swap3A_244 = arith.constant 208 : index
        %swap3A_245 = tpu.vector_load %arg9[%swap3A_243, %swap3A_244] {strides = array<i32>} : memref<128x256xf32, #tpu.memory_space<vmem>>, vector<1x16xf32>,
        %swap3A_246 = vector.shape_cast %swap3A_245 : vector<1x16xf32> to vector<16xf32>
        %swap3A_247 = vector.shape_cast %add3A_242 : vector<16xf32> to vector<1x16xf32>
        tpu.vector_store %arg9[%swap3A_243, %swap3A_244], %swap3A_247 {strides = array<i32>} : memref<128x256xf32, #tpu.memory_space<vmem>>, vector<1x16xf32>,
        %get3A_248 = arith.index_cast %scan3A_53 : i32 to index
        %get3A_249 = arith.constant 224 : index
        %get3A_250 = tpu.vector_load %arg9[%get3A_248, %get3A_249] {strides = array<i32>} : memref<128x256xf32, #tpu.memory_space<vmem>>, vector<1x16xf32>,
        %get3A_251 = vector.shape_cast %get3A_250 : vector<1x16xf32> to vector<16xf32>
        %get3A_252 = arith.index_cast %scan3A_53 : i32 to index
        %get3A_253 = arith.constant 224 : index
        %get3A_254 = tpu.vector_load %arg10[%get3A_252, %get3A_253] {strides = array<i32>} : memref<128x256xf32, #tpu.memory_space<vmem>>, vector<1x16xf32>,
        %get3A_255 = vector.shape_cast %get3A_254 : vector<1x16xf32> to vector<16xf32>
        %add3A_256 = arith.addf %get3A_251, %get3A_255 : vector<16xf32>
        %swap3A_257 = arith.index_cast %scan3A_53 : i32 to index
        %swap3A_258 = arith.constant 224 : index
        %swap3A_259 = tpu.vector_load %arg9[%swap3A_257, %swap3A_258] {strides = array<i32>} : memref<128x256xf32, #tpu.memory_space<vmem>>, vector<1x16xf32>,
        %swap3A_260 = vector.shape_cast %swap3A_259 : vector<1x16xf32> to vector<16xf32>
        %swap3A_261 = vector.shape_cast %add3A_256 : vector<16xf32> to vector<1x16xf32>
        tpu.vector_store %arg9[%swap3A_257, %swap3A_258], %swap3A_261 {strides = array<i32>} : memref<128x256xf32, #tpu.memory_space<vmem>>, vector<1x16xf32>,
        %get3A_262 = arith.index_cast %scan3A_53 : i32 to index
        %get3A_263 = arith.constant 240 : index
        %get3A_264 = tpu.vector_load %arg9[%get3A_262, %get3A_263] {strides = array<i32>} : memref<128x256xf32, #tpu.memory_space<vmem>>, vector<1x16xf32>,
        %get3A_265 = vector.shape_cast %get3A_264 : vector<1x16xf32> to vector<16xf32>
        %get3A_266 = arith.index_cast %scan3A_53 : i32 to index
        %get3A_267 = arith.constant 240 : index
        %get3A_268 = tpu.vector_load %arg10[%get3A_266, %get3A_267] {strides = array<i32>} : memref<128x256xf32, #tpu.memory_space<vmem>>, vector<1x16xf32>,
        %get3A_269 = vector.shape_cast %get3A_268 : vector<1x16xf32> to vector<16xf32>
        %add3A_270 = arith.addf %get3A_265, %get3A_269 : vector<16xf32>
        %swap3A_271 = arith.index_cast %scan3A_53 : i32 to index
        %swap3A_272 = arith.constant 240 : index
        %swap3A_273 = tpu.vector_load %arg9[%swap3A_271, %swap3A_272] {strides = array<i32>} : memref<128x256xf32, #tpu.memory_space<vmem>>, vector<1x16xf32>,
        %swap3A_274 = vector.shape_cast %swap3A_273 : vector<1x16xf32> to vector<16xf32>
        %swap3A_275 = vector.shape_cast %add3A_270 : vector<16xf32> to vector<1x16xf32>
        tpu.vector_store %arg9[%swap3A_271, %swap3A_272], %swap3A_275 {strides = array<i32>} : memref<128x256xf32, #tpu.memory_space<vmem>>, vector<1x16xf32>,
      }
      %scan3A_52 = arith.constant 128 : i32
      "tpu.region"() ({
        %run_scoped3A = tpu.sem_alloc : memref<!tpu.dma_semaphore, #tpu.memory_space<semaphore_mem>>
        %dma_start3A_53 = arith.constant 0 : i32
        %dma_start3A_54 = tpu.memref_slice %arg6[%mul3A_37, %dma_start3A_53] : memref<400000x256xf32, #tpu.memory_space<hbm>> -> memref<128x256xf32, #tpu.memory_space<hbm>>
        %dma_start3A_55 = arith.constant 0 : i32
        %dma_start3A_56 = tpu.memref_slice %arg6[%mul3A_37, %dma_start3A_55] : memref<400000x256xf32, #tpu.memory_space<hbm>> -> memref<128x256xf32, #tpu.memory_space<hbm>>
        tpu.enqueue_dma source(%arg9 : memref<128x256xf32, #tpu.memory_space<vmem>>) target(%dma_start3A_56 : memref<128x256xf32, #tpu.memory_space<hbm>>) target_semaphore(%run_scoped3A : memref<!tpu.dma_semaphore, #tpu.memory_space<semaphore_mem>>)
        %dma_wait3A_57 = arith.constant 0 : i32
        %dma_wait3A_58 = tpu.memref_slice %arg6[%mul3A_37, %dma_wait3A_57] : memref<400000x256xf32, #tpu.memory_space<hbm>> -> memref<128x256xf32, #tpu.memory_space<hbm>>
        %dma_wait3A_59 = arith.constant 0 : i32
        %dma_wait3A_60 = tpu.memref_slice %arg6[%mul3A_37, %dma_wait3A_59] : memref<400000x256xf32, #tpu.memory_space<hbm>> -> memref<128x256xf32, #tpu.memory_space<hbm>>
        tpu.wait_dma2 semaphore(%run_scoped3A : memref<!tpu.dma_semaphore, #tpu.memory_space<semaphore_mem>>) src(%arg9 : memref<128x256xf32, #tpu.memory_space<vmem>>) dst(%dma_wait3A_60 : memref<128x256xf32, #tpu.memory_space<hbm>>)
        tpu.yield
      }) : () -> ()
    }
    %while3A_31 = arith.constant 1 : i32
    scf.for %while3A_32 = %while3A_29 to %while3A_25 step %while3A_31  : i32 {
      %mul3A_33 = arith.constant 32 : i32
      %mul3A_34 = arith.muli %while3A_32, %mul3A_33 : i32
      %add3A_35 = arith.addi %add3A, %mul3A_34 : i32
      %mul3A_36 = arith.constant 128 : i32
      %mul3A_37 = arith.muli %add3A_35, %mul3A_36 : i32
      "tpu.region"() ({
        %run_scoped3A = tpu.sem_alloc : memref<!tpu.dma_semaphore, #tpu.memory_space<semaphore_mem>>
        %dma_start3A_53 = tpu.memref_slice %arg4[%mul3A_37] : memref<400000xi32, #tpu.memory_space<hbm>> -> memref<128xi32, #tpu.memory_space<hbm>>
        %dma_start3A_54 = tpu.memref_slice %arg4[%mul3A_37] : memref<400000xi32, #tpu.memory_space<hbm>> -> memref<128xi32, #tpu.memory_space<hbm>>
        tpu.enqueue_dma source(%dma_start3A_54 : memref<128xi32, #tpu.memory_space<hbm>>) target(%arg7 : memref<128xi32, #tpu.memory_space<vmem>>) target_semaphore(%run_scoped3A : memref<!tpu.dma_semaphore, #tpu.memory_space<semaphore_mem>>)
        %dma_wait3A_55 = tpu.memref_slice %arg4[%mul3A_37] : memref<400000xi32, #tpu.memory_space<hbm>> -> memref<128xi32, #tpu.memory_space<hbm>>
        %dma_wait3A_56 = tpu.memref_slice %arg4[%mul3A_37] : memref<400000xi32, #tpu.memory_space<hbm>> -> memref<128xi32, #tpu.memory_space<hbm>>
        tpu.wait_dma2 semaphore(%run_scoped3A : memref<!tpu.dma_semaphore, #tpu.memory_space<semaphore_mem>>) src(%dma_wait3A_56 : memref<128xi32, #tpu.memory_space<hbm>>) dst(%arg7 : memref<128xi32, #tpu.memory_space<vmem>>)
        tpu.yield
      }) : () -> ()
      "tpu.region"() ({
        %run_scoped3A = tpu.sem_alloc : memref<!tpu.dma_semaphore, #tpu.memory_space<semaphore_mem>>
        %dma_start3A_53 = tpu.memref_slice %arg5[%mul3A_37] : memref<400000xi32, #tpu.memory_space<hbm>> -> memref<128xi32, #tpu.memory_space<hbm>>
        %dma_start3A_54 = tpu.memref_slice %arg5[%mul3A_37] : memref<400000xi32, #tpu.memory_space<hbm>> -> memref<128xi32, #tpu.memory_space<hbm>>
        tpu.enqueue_dma source(%dma_start3A_54 : memref<128xi32, #tpu.memory_space<hbm>>) target(%arg8 : memref<128xi32, #tpu.memory_space<vmem>>) target_semaphore(%run_scoped3A : memref<!tpu.dma_semaphore, #tpu.memory_space<semaphore_mem>>)
        %dma_wait3A_55 = tpu.memref_slice %arg5[%mul3A_37] : memref<400000xi32, #tpu.memory_space<hbm>> -> memref<128xi32, #tpu.memory_space<hbm>>
        %dma_wait3A_56 = tpu.memref_slice %arg5[%mul3A_37] : memref<400000xi32, #tpu.memory_space<hbm>> -> memref<128xi32, #tpu.memory_space<hbm>>
        tpu.wait_dma2 semaphore(%run_scoped3A : memref<!tpu.dma_semaphore, #tpu.memory_space<semaphore_mem>>) src(%dma_wait3A_56 : memref<128xi32, #tpu.memory_space<hbm>>) dst(%arg8 : memref<128xi32, #tpu.memory_space<vmem>>)
        tpu.yield
      }) : () -> ()
      %dma_start3A = arith.constant 0 : i32
      %dma_start3A_38 = arith.constant 0 : i32
      %dma_start3A_39 = tpu.memref_slice %arg2[%dma_start3A, %dma_start3A_38] : memref<50000x256xf32, #tpu.memory_space<hbm>> -> memref<50000x256xf32, #tpu.memory_space<hbm>>
      tpu.enqueue_indirect_dma source(%dma_start3A_39 : memref<50000x256xf32, #tpu.memory_space<hbm>>) target(%arg9 : memref<128x256xf32, #tpu.memory_space<vmem>>) offsets(%arg7 : memref<128xi32, #tpu.memory_space<vmem>>) semaphore(%arg11 : memref<!tpu.dma_semaphore, #tpu.memory_space<semaphore_mem>>)
      %dma_start3A_40 = arith.constant 0 : i32
      %dma_start3A_41 = arith.constant 0 : i32
      %dma_start3A_42 = tpu.memref_slice %arg3[%dma_start3A_40, %dma_start3A_41] : memref<50000x256xf32, #tpu.memory_space<hbm>> -> memref<50000x256xf32, #tpu.memory_space<hbm>>
      tpu.enqueue_indirect_dma source(%dma_start3A_42 : memref<50000x256xf32, #tpu.memory_space<hbm>>) target(%arg10 : memref<128x256xf32, #tpu.memory_space<vmem>>) offsets(%arg8 : memref<128xi32, #tpu.memory_space<vmem>>) semaphore(%arg11 : memref<!tpu.dma_semaphore, #tpu.memory_space<semaphore_mem>>)
      %dma_wait3A = arith.constant 0 : i32
      %dma_wait3A_43 = arith.constant 0 : i32
      %dma_wait3A_44 = tpu.memref_slice %arg2[%dma_wait3A, %dma_wait3A_43] : memref<50000x256xf32, #tpu.memory_space<hbm>> -> memref<50000x256xf32, #tpu.memory_space<hbm>>
      tpu.wait_indirect_dma semaphore(%arg11 : memref<!tpu.dma_semaphore, #tpu.memory_space<semaphore_mem>>) src(%dma_wait3A_44 : memref<50000x256xf32, #tpu.memory_space<hbm>>) dst(%arg9 : memref<128x256xf32, #tpu.memory_space<vmem>>)
      %dma_wait3A_45 = arith.constant 0 : i32
      %dma_wait3A_46 = arith.constant 0 : i32
      %dma_wait3A_47 = tpu.memref_slice %arg3[%dma_wait3A_45, %dma_wait3A_46] : memref<50000x256xf32, #tpu.memory_space<hbm>> -> memref<50000x256xf32, #tpu.memory_space<hbm>>
      tpu.wait_indirect_dma semaphore(%arg11 : memref<!tpu.dma_semaphore, #tpu.memory_space<semaphore_mem>>) src(%dma_wait3A_47 : memref<50000x256xf32, #tpu.memory_space<hbm>>) dst(%arg10 : memref<128x256xf32, #tpu.memory_space<vmem>>)
      %scan3A = arith.constant 0 : i32
      %scan3A_48 = arith.constant 0 : i32
      %scan3A_49 = arith.constant 128 : i32
      %scan3A_50 = arith.addi %scan3A_48, %scan3A_49 : i32
      %scan3A_51 = arith.constant 1 : i32
      scf.for %scan3A_53 = %scan3A_48 to %scan3A_50 step %scan3A_51  : i32 {
        %get3A = arith.index_cast %scan3A_53 : i32 to index
        %get3A_54 = arith.constant 0 : index
        %get3A_55 = tpu.vector_load %arg9[%get3A, %get3A_54] {strides = array<i32>} : memref<128x256xf32, #tpu.memory_space<vmem>>, vector<1x16xf32>,
        %get3A_56 = vector.shape_cast %get3A_55 : vector<1x16xf32> to vector<16xf32>
        %get3A_57 = arith.index_cast %scan3A_53 : i32 to index
        %get3A_58 = arith.constant 0 : index
        %get3A_59 = tpu.vector_load %arg10[%get3A_57, %get3A_58] {strides = array<i32>} : memref<128x256xf32, #tpu.memory_space<vmem>>, vector<1x16xf32>,
        %get3A_60 = vector.shape_cast %get3A_59 : vector<1x16xf32> to vector<16xf32>
        %add3A_61 = arith.addf %get3A_56, %get3A_60 : vector<16xf32>
        %swap3A = arith.index_cast %scan3A_53 : i32 to index
        %swap3A_62 = arith.constant 0 : index
        %swap3A_63 = tpu.vector_load %arg9[%swap3A, %swap3A_62] {strides = array<i32>} : memref<128x256xf32, #tpu.memory_space<vmem>>, vector<1x16xf32>,
        %swap3A_64 = vector.shape_cast %swap3A_63 : vector<1x16xf32> to vector<16xf32>
        %swap3A_65 = vector.shape_cast %add3A_61 : vector<16xf32> to vector<1x16xf32>
        tpu.vector_store %arg9[%swap3A, %swap3A_62], %swap3A_65 {strides = array<i32>} : memref<128x256xf32, #tpu.memory_space<vmem>>, vector<1x16xf32>,
        %get3A_66 = arith.index_cast %scan3A_53 : i32 to index
        %get3A_67 = arith.constant 16 : index
        %get3A_68 = tpu.vector_load %arg9[%get3A_66, %get3A_67] {strides = array<i32>} : memref<128x256xf32, #tpu.memory_space<vmem>>, vector<1x16xf32>,
        %get3A_69 = vector.shape_cast %get3A_68 : vector<1x16xf32> to vector<16xf32>
        %get3A_70 = arith.index_cast %scan3A_53 : i32 to index
        %get3A_71 = arith.constant 16 : index
        %get3A_72 = tpu.vector_load %arg10[%get3A_70, %get3A_71] {strides = array<i32>} : memref<128x256xf32, #tpu.memory_space<vmem>>, vector<1x16xf32>,
        %get3A_73 = vector.shape_cast %get3A_72 : vector<1x16xf32> to vector<16xf32>
        %add3A_74 = arith.addf %get3A_69, %get3A_73 : vector<16xf32>
        %swap3A_75 = arith.index_cast %scan3A_53 : i32 to index
        %swap3A_76 = arith.constant 16 : index
        %swap3A_77 = tpu.vector_load %arg9[%swap3A_75, %swap3A_76] {strides = array<i32>} : memref<128x256xf32, #tpu.memory_space<vmem>>, vector<1x16xf32>,
        %swap3A_78 = vector.shape_cast %swap3A_77 : vector<1x16xf32> to vector<16xf32>
        %swap3A_79 = vector.shape_cast %add3A_74 : vector<16xf32> to vector<1x16xf32>
        tpu.vector_store %arg9[%swap3A_75, %swap3A_76], %swap3A_79 {strides = array<i32>} : memref<128x256xf32, #tpu.memory_space<vmem>>, vector<1x16xf32>,
        %get3A_80 = arith.index_cast %scan3A_53 : i32 to index
        %get3A_81 = arith.constant 32 : index
        %get3A_82 = tpu.vector_load %arg9[%get3A_80, %get3A_81] {strides = array<i32>} : memref<128x256xf32, #tpu.memory_space<vmem>>, vector<1x16xf32>,
        %get3A_83 = vector.shape_cast %get3A_82 : vector<1x16xf32> to vector<16xf32>
        %get3A_84 = arith.index_cast %scan3A_53 : i32 to index
        %get3A_85 = arith.constant 32 : index
        %get3A_86 = tpu.vector_load %arg10[%get3A_84, %get3A_85] {strides = array<i32>} : memref<128x256xf32, #tpu.memory_space<vmem>>, vector<1x16xf32>,
        %get3A_87 = vector.shape_cast %get3A_86 : vector<1x16xf32> to vector<16xf32>
        %add3A_88 = arith.addf %get3A_83, %get3A_87 : vector<16xf32>
        %swap3A_89 = arith.index_cast %scan3A_53 : i32 to index
        %swap3A_90 = arith.constant 32 : index
        %swap3A_91 = tpu.vector_load %arg9[%swap3A_89, %swap3A_90] {strides = array<i32>} : memref<128x256xf32, #tpu.memory_space<vmem>>, vector<1x16xf32>,
        %swap3A_92 = vector.shape_cast %swap3A_91 : vector<1x16xf32> to vector<16xf32>
        %swap3A_93 = vector.shape_cast %add3A_88 : vector<16xf32> to vector<1x16xf32>
        tpu.vector_store %arg9[%swap3A_89, %swap3A_90], %swap3A_93 {strides = array<i32>} : memref<128x256xf32, #tpu.memory_space<vmem>>, vector<1x16xf32>,
        %get3A_94 = arith.index_cast %scan3A_53 : i32 to index
        %get3A_95 = arith.constant 48 : index
        %get3A_96 = tpu.vector_load %arg9[%get3A_94, %get3A_95] {strides = array<i32>} : memref<128x256xf32, #tpu.memory_space<vmem>>, vector<1x16xf32>,
        %get3A_97 = vector.shape_cast %get3A_96 : vector<1x16xf32> to vector<16xf32>
        %get3A_98 = arith.index_cast %scan3A_53 : i32 to index
        %get3A_99 = arith.constant 48 : index
        %get3A_100 = tpu.vector_load %arg10[%get3A_98, %get3A_99] {strides = array<i32>} : memref<128x256xf32, #tpu.memory_space<vmem>>, vector<1x16xf32>,
        %get3A_101 = vector.shape_cast %get3A_100 : vector<1x16xf32> to vector<16xf32>
        %add3A_102 = arith.addf %get3A_97, %get3A_101 : vector<16xf32>
        %swap3A_103 = arith.index_cast %scan3A_53 : i32 to index
        %swap3A_104 = arith.constant 48 : index
        %swap3A_105 = tpu.vector_load %arg9[%swap3A_103, %swap3A_104] {strides = array<i32>} : memref<128x256xf32, #tpu.memory_space<vmem>>, vector<1x16xf32>,
        %swap3A_106 = vector.shape_cast %swap3A_105 : vector<1x16xf32> to vector<16xf32>
        %swap3A_107 = vector.shape_cast %add3A_102 : vector<16xf32> to vector<1x16xf32>
        tpu.vector_store %arg9[%swap3A_103, %swap3A_104], %swap3A_107 {strides = array<i32>} : memref<128x256xf32, #tpu.memory_space<vmem>>, vector<1x16xf32>,
        %get3A_108 = arith.index_cast %scan3A_53 : i32 to index
        %get3A_109 = arith.constant 64 : index
        %get3A_110 = tpu.vector_load %arg9[%get3A_108, %get3A_109] {strides = array<i32>} : memref<128x256xf32, #tpu.memory_space<vmem>>, vector<1x16xf32>,
        %get3A_111 = vector.shape_cast %get3A_110 : vector<1x16xf32> to vector<16xf32>
        %get3A_112 = arith.index_cast %scan3A_53 : i32 to index
        %get3A_113 = arith.constant 64 : index
        %get3A_114 = tpu.vector_load %arg10[%get3A_112, %get3A_113] {strides = array<i32>} : memref<128x256xf32, #tpu.memory_space<vmem>>, vector<1x16xf32>,
        %get3A_115 = vector.shape_cast %get3A_114 : vector<1x16xf32> to vector<16xf32>
        %add3A_116 = arith.addf %get3A_111, %get3A_115 : vector<16xf32>
        %swap3A_117 = arith.index_cast %scan3A_53 : i32 to index
        %swap3A_118 = arith.constant 64 : index
        %swap3A_119 = tpu.vector_load %arg9[%swap3A_117, %swap3A_118] {strides = array<i32>} : memref<128x256xf32, #tpu.memory_space<vmem>>, vector<1x16xf32>,
        %swap3A_120 = vector.shape_cast %swap3A_119 : vector<1x16xf32> to vector<16xf32>
        %swap3A_121 = vector.shape_cast %add3A_116 : vector<16xf32> to vector<1x16xf32>
        tpu.vector_store %arg9[%swap3A_117, %swap3A_118], %swap3A_121 {strides = array<i32>} : memref<128x256xf32, #tpu.memory_space<vmem>>, vector<1x16xf32>,
        %get3A_122 = arith.index_cast %scan3A_53 : i32 to index
        %get3A_123 = arith.constant 80 : index
        %get3A_124 = tpu.vector_load %arg9[%get3A_122, %get3A_123] {strides = array<i32>} : memref<128x256xf32, #tpu.memory_space<vmem>>, vector<1x16xf32>,
        %get3A_125 = vector.shape_cast %get3A_124 : vector<1x16xf32> to vector<16xf32>
        %get3A_126 = arith.index_cast %scan3A_53 : i32 to index
        %get3A_127 = arith.constant 80 : index
        %get3A_128 = tpu.vector_load %arg10[%get3A_126, %get3A_127] {strides = array<i32>} : memref<128x256xf32, #tpu.memory_space<vmem>>, vector<1x16xf32>,
        %get3A_129 = vector.shape_cast %get3A_128 : vector<1x16xf32> to vector<16xf32>
        %add3A_130 = arith.addf %get3A_125, %get3A_129 : vector<16xf32>
        %swap3A_131 = arith.index_cast %scan3A_53 : i32 to index
        %swap3A_132 = arith.constant 80 : index
        %swap3A_133 = tpu.vector_load %arg9[%swap3A_131, %swap3A_132] {strides = array<i32>} : memref<128x256xf32, #tpu.memory_space<vmem>>, vector<1x16xf32>,
        %swap3A_134 = vector.shape_cast %swap3A_133 : vector<1x16xf32> to vector<16xf32>
        %swap3A_135 = vector.shape_cast %add3A_130 : vector<16xf32> to vector<1x16xf32>
        tpu.vector_store %arg9[%swap3A_131, %swap3A_132], %swap3A_135 {strides = array<i32>} : memref<128x256xf32, #tpu.memory_space<vmem>>, vector<1x16xf32>,
        %get3A_136 = arith.index_cast %scan3A_53 : i32 to index
        %get3A_137 = arith.constant 96 : index
        %get3A_138 = tpu.vector_load %arg9[%get3A_136, %get3A_137] {strides = array<i32>} : memref<128x256xf32, #tpu.memory_space<vmem>>, vector<1x16xf32>,
        %get3A_139 = vector.shape_cast %get3A_138 : vector<1x16xf32> to vector<16xf32>
        %get3A_140 = arith.index_cast %scan3A_53 : i32 to index
        %get3A_141 = arith.constant 96 : index
        %get3A_142 = tpu.vector_load %arg10[%get3A_140, %get3A_141] {strides = array<i32>} : memref<128x256xf32, #tpu.memory_space<vmem>>, vector<1x16xf32>,
        %get3A_143 = vector.shape_cast %get3A_142 : vector<1x16xf32> to vector<16xf32>
        %add3A_144 = arith.addf %get3A_139, %get3A_143 : vector<16xf32>
        %swap3A_145 = arith.index_cast %scan3A_53 : i32 to index
        %swap3A_146 = arith.constant 96 : index
        %swap3A_147 = tpu.vector_load %arg9[%swap3A_145, %swap3A_146] {strides = array<i32>} : memref<128x256xf32, #tpu.memory_space<vmem>>, vector<1x16xf32>,
        %swap3A_148 = vector.shape_cast %swap3A_147 : vector<1x16xf32> to vector<16xf32>
        %swap3A_149 = vector.shape_cast %add3A_144 : vector<16xf32> to vector<1x16xf32>
        tpu.vector_store %arg9[%swap3A_145, %swap3A_146], %swap3A_149 {strides = array<i32>} : memref<128x256xf32, #tpu.memory_space<vmem>>, vector<1x16xf32>,
        %get3A_150 = arith.index_cast %scan3A_53 : i32 to index
        %get3A_151 = arith.constant 112 : index
        %get3A_152 = tpu.vector_load %arg9[%get3A_150, %get3A_151] {strides = array<i32>} : memref<128x256xf32, #tpu.memory_space<vmem>>, vector<1x16xf32>,
        %get3A_153 = vector.shape_cast %get3A_152 : vector<1x16xf32> to vector<16xf32>
        %get3A_154 = arith.index_cast %scan3A_53 : i32 to index
        %get3A_155 = arith.constant 112 : index
        %get3A_156 = tpu.vector_load %arg10[%get3A_154, %get3A_155] {strides = array<i32>} : memref<128x256xf32, #tpu.memory_space<vmem>>, vector<1x16xf32>,
        %get3A_157 = vector.shape_cast %get3A_156 : vector<1x16xf32> to vector<16xf32>
        %add3A_158 = arith.addf %get3A_153, %get3A_157 : vector<16xf32>
        %swap3A_159 = arith.index_cast %scan3A_53 : i32 to index
        %swap3A_160 = arith.constant 112 : index
        %swap3A_161 = tpu.vector_load %arg9[%swap3A_159, %swap3A_160] {strides = array<i32>} : memref<128x256xf32, #tpu.memory_space<vmem>>, vector<1x16xf32>,
        %swap3A_162 = vector.shape_cast %swap3A_161 : vector<1x16xf32> to vector<16xf32>
        %swap3A_163 = vector.shape_cast %add3A_158 : vector<16xf32> to vector<1x16xf32>
        tpu.vector_store %arg9[%swap3A_159, %swap3A_160], %swap3A_163 {strides = array<i32>} : memref<128x256xf32, #tpu.memory_space<vmem>>, vector<1x16xf32>,
        %get3A_164 = arith.index_cast %scan3A_53 : i32 to index
        %get3A_165 = arith.constant 128 : index
        %get3A_166 = tpu.vector_load %arg9[%get3A_164, %get3A_165] {strides = array<i32>} : memref<128x256xf32, #tpu.memory_space<vmem>>, vector<1x16xf32>,
        %get3A_167 = vector.shape_cast %get3A_166 : vector<1x16xf32> to vector<16xf32>
        %get3A_168 = arith.index_cast %scan3A_53 : i32 to index
        %get3A_169 = arith.constant 128 : index
        %get3A_170 = tpu.vector_load %arg10[%get3A_168, %get3A_169] {strides = array<i32>} : memref<128x256xf32, #tpu.memory_space<vmem>>, vector<1x16xf32>,
        %get3A_171 = vector.shape_cast %get3A_170 : vector<1x16xf32> to vector<16xf32>
        %add3A_172 = arith.addf %get3A_167, %get3A_171 : vector<16xf32>
        %swap3A_173 = arith.index_cast %scan3A_53 : i32 to index
        %swap3A_174 = arith.constant 128 : index
        %swap3A_175 = tpu.vector_load %arg9[%swap3A_173, %swap3A_174] {strides = array<i32>} : memref<128x256xf32, #tpu.memory_space<vmem>>, vector<1x16xf32>,
        %swap3A_176 = vector.shape_cast %swap3A_175 : vector<1x16xf32> to vector<16xf32>
        %swap3A_177 = vector.shape_cast %add3A_172 : vector<16xf32> to vector<1x16xf32>
        tpu.vector_store %arg9[%swap3A_173, %swap3A_174], %swap3A_177 {strides = array<i32>} : memref<128x256xf32, #tpu.memory_space<vmem>>, vector<1x16xf32>,
        %get3A_178 = arith.index_cast %scan3A_53 : i32 to index
        %get3A_179 = arith.constant 144 : index
        %get3A_180 = tpu.vector_load %arg9[%get3A_178, %get3A_179] {strides = array<i32>} : memref<128x256xf32, #tpu.memory_space<vmem>>, vector<1x16xf32>,
        %get3A_181 = vector.shape_cast %get3A_180 : vector<1x16xf32> to vector<16xf32>
        %get3A_182 = arith.index_cast %scan3A_53 : i32 to index
        %get3A_183 = arith.constant 144 : index
        %get3A_184 = tpu.vector_load %arg10[%get3A_182, %get3A_183] {strides = array<i32>} : memref<128x256xf32, #tpu.memory_space<vmem>>, vector<1x16xf32>,
        %get3A_185 = vector.shape_cast %get3A_184 : vector<1x16xf32> to vector<16xf32>
        %add3A_186 = arith.addf %get3A_181, %get3A_185 : vector<16xf32>
        %swap3A_187 = arith.index_cast %scan3A_53 : i32 to index
        %swap3A_188 = arith.constant 144 : index
        %swap3A_189 = tpu.vector_load %arg9[%swap3A_187, %swap3A_188] {strides = array<i32>} : memref<128x256xf32, #tpu.memory_space<vmem>>, vector<1x16xf32>,
        %swap3A_190 = vector.shape_cast %swap3A_189 : vector<1x16xf32> to vector<16xf32>
        %swap3A_191 = vector.shape_cast %add3A_186 : vector<16xf32> to vector<1x16xf32>
        tpu.vector_store %arg9[%swap3A_187, %swap3A_188], %swap3A_191 {strides = array<i32>} : memref<128x256xf32, #tpu.memory_space<vmem>>, vector<1x16xf32>,
        %get3A_192 = arith.index_cast %scan3A_53 : i32 to index
        %get3A_193 = arith.constant 160 : index
        %get3A_194 = tpu.vector_load %arg9[%get3A_192, %get3A_193] {strides = array<i32>} : memref<128x256xf32, #tpu.memory_space<vmem>>, vector<1x16xf32>,
        %get3A_195 = vector.shape_cast %get3A_194 : vector<1x16xf32> to vector<16xf32>
        %get3A_196 = arith.index_cast %scan3A_53 : i32 to index
        %get3A_197 = arith.constant 160 : index
        %get3A_198 = tpu.vector_load %arg10[%get3A_196, %get3A_197] {strides = array<i32>} : memref<128x256xf32, #tpu.memory_space<vmem>>, vector<1x16xf32>,
        %get3A_199 = vector.shape_cast %get3A_198 : vector<1x16xf32> to vector<16xf32>
        %add3A_200 = arith.addf %get3A_195, %get3A_199 : vector<16xf32>
        %swap3A_201 = arith.index_cast %scan3A_53 : i32 to index
        %swap3A_202 = arith.constant 160 : index
        %swap3A_203 = tpu.vector_load %arg9[%swap3A_201, %swap3A_202] {strides = array<i32>} : memref<128x256xf32, #tpu.memory_space<vmem>>, vector<1x16xf32>,
        %swap3A_204 = vector.shape_cast %swap3A_203 : vector<1x16xf32> to vector<16xf32>
        %swap3A_205 = vector.shape_cast %add3A_200 : vector<16xf32> to vector<1x16xf32>
        tpu.vector_store %arg9[%swap3A_201, %swap3A_202], %swap3A_205 {strides = array<i32>} : memref<128x256xf32, #tpu.memory_space<vmem>>, vector<1x16xf32>,
        %get3A_206 = arith.index_cast %scan3A_53 : i32 to index
        %get3A_207 = arith.constant 176 : index
        %get3A_208 = tpu.vector_load %arg9[%get3A_206, %get3A_207] {strides = array<i32>} : memref<128x256xf32, #tpu.memory_space<vmem>>, vector<1x16xf32>,
        %get3A_209 = vector.shape_cast %get3A_208 : vector<1x16xf32> to vector<16xf32>
        %get3A_210 = arith.index_cast %scan3A_53 : i32 to index
        %get3A_211 = arith.constant 176 : index
        %get3A_212 = tpu.vector_load %arg10[%get3A_210, %get3A_211] {strides = array<i32>} : memref<128x256xf32, #tpu.memory_space<vmem>>, vector<1x16xf32>,
        %get3A_213 = vector.shape_cast %get3A_212 : vector<1x16xf32> to vector<16xf32>
        %add3A_214 = arith.addf %get3A_209, %get3A_213 : vector<16xf32>
        %swap3A_215 = arith.index_cast %scan3A_53 : i32 to index
        %swap3A_216 = arith.constant 176 : index
        %swap3A_217 = tpu.vector_load %arg9[%swap3A_215, %swap3A_216] {strides = array<i32>} : memref<128x256xf32, #tpu.memory_space<vmem>>, vector<1x16xf32>,
        %swap3A_218 = vector.shape_cast %swap3A_217 : vector<1x16xf32> to vector<16xf32>
        %swap3A_219 = vector.shape_cast %add3A_214 : vector<16xf32> to vector<1x16xf32>
        tpu.vector_store %arg9[%swap3A_215, %swap3A_216], %swap3A_219 {strides = array<i32>} : memref<128x256xf32, #tpu.memory_space<vmem>>, vector<1x16xf32>,
        %get3A_220 = arith.index_cast %scan3A_53 : i32 to index
        %get3A_221 = arith.constant 192 : index
        %get3A_222 = tpu.vector_load %arg9[%get3A_220, %get3A_221] {strides = array<i32>} : memref<128x256xf32, #tpu.memory_space<vmem>>, vector<1x16xf32>,
        %get3A_223 = vector.shape_cast %get3A_222 : vector<1x16xf32> to vector<16xf32>
        %get3A_224 = arith.index_cast %scan3A_53 : i32 to index
        %get3A_225 = arith.constant 192 : index
        %get3A_226 = tpu.vector_load %arg10[%get3A_224, %get3A_225] {strides = array<i32>} : memref<128x256xf32, #tpu.memory_space<vmem>>, vector<1x16xf32>,
        %get3A_227 = vector.shape_cast %get3A_226 : vector<1x16xf32> to vector<16xf32>
        %add3A_228 = arith.addf %get3A_223, %get3A_227 : vector<16xf32>
        %swap3A_229 = arith.index_cast %scan3A_53 : i32 to index
        %swap3A_230 = arith.constant 192 : index
        %swap3A_231 = tpu.vector_load %arg9[%swap3A_229, %swap3A_230] {strides = array<i32>} : memref<128x256xf32, #tpu.memory_space<vmem>>, vector<1x16xf32>,
        %swap3A_232 = vector.shape_cast %swap3A_231 : vector<1x16xf32> to vector<16xf32>
        %swap3A_233 = vector.shape_cast %add3A_228 : vector<16xf32> to vector<1x16xf32>
        tpu.vector_store %arg9[%swap3A_229, %swap3A_230], %swap3A_233 {strides = array<i32>} : memref<128x256xf32, #tpu.memory_space<vmem>>, vector<1x16xf32>,
        %get3A_234 = arith.index_cast %scan3A_53 : i32 to index
        %get3A_235 = arith.constant 208 : index
        %get3A_236 = tpu.vector_load %arg9[%get3A_234, %get3A_235] {strides = array<i32>} : memref<128x256xf32, #tpu.memory_space<vmem>>, vector<1x16xf32>,
        %get3A_237 = vector.shape_cast %get3A_236 : vector<1x16xf32> to vector<16xf32>
        %get3A_238 = arith.index_cast %scan3A_53 : i32 to index
        %get3A_239 = arith.constant 208 : index
        %get3A_240 = tpu.vector_load %arg10[%get3A_238, %get3A_239] {strides = array<i32>} : memref<128x256xf32, #tpu.memory_space<vmem>>, vector<1x16xf32>,
        %get3A_241 = vector.shape_cast %get3A_240 : vector<1x16xf32> to vector<16xf32>
        %add3A_242 = arith.addf %get3A_237, %get3A_241 : vector<16xf32>
        %swap3A_243 = arith.index_cast %scan3A_53 : i32 to index
        %swap3A_244 = arith.constant 208 : index
        %swap3A_245 = tpu.vector_load %arg9[%swap3A_243, %swap3A_244] {strides = array<i32>} : memref<128x256xf32, #tpu.memory_space<vmem>>, vector<1x16xf32>,
        %swap3A_246 = vector.shape_cast %swap3A_245 : vector<1x16xf32> to vector<16xf32>
        %swap3A_247 = vector.shape_cast %add3A_242 : vector<16xf32> to vector<1x16xf32>
        tpu.vector_store %arg9[%swap3A_243, %swap3A_244], %swap3A_247 {strides = array<i32>} : memref<128x256xf32, #tpu.memory_space<vmem>>, vector<1x16xf32>,
        %get3A_248 = arith.index_cast %scan3A_53 : i32 to index
        %get3A_249 = arith.constant 224 : index
        %get3A_250 = tpu.vector_load %arg9[%get3A_248, %get3A_249] {strides = array<i32>} : memref<128x256xf32, #tpu.memory_space<vmem>>, vector<1x16xf32>,
        %get3A_251 = vector.shape_cast %get3A_250 : vector<1x16xf32> to vector<16xf32>
        %get3A_252 = arith.index_cast %scan3A_53 : i32 to index
        %get3A_253 = arith.constant 224 : index
        %get3A_254 = tpu.vector_load %arg10[%get3A_252, %get3A_253] {strides = array<i32>} : memref<128x256xf32, #tpu.memory_space<vmem>>, vector<1x16xf32>,
        %get3A_255 = vector.shape_cast %get3A_254 : vector<1x16xf32> to vector<16xf32>
        %add3A_256 = arith.addf %get3A_251, %get3A_255 : vector<16xf32>
        %swap3A_257 = arith.index_cast %scan3A_53 : i32 to index
        %swap3A_258 = arith.constant 224 : index
        %swap3A_259 = tpu.vector_load %arg9[%swap3A_257, %swap3A_258] {strides = array<i32>} : memref<128x256xf32, #tpu.memory_space<vmem>>, vector<1x16xf32>,
        %swap3A_260 = vector.shape_cast %swap3A_259 : vector<1x16xf32> to vector<16xf32>
        %swap3A_261 = vector.shape_cast %add3A_256 : vector<16xf32> to vector<1x16xf32>
        tpu.vector_store %arg9[%swap3A_257, %swap3A_258], %swap3A_261 {strides = array<i32>} : memref<128x256xf32, #tpu.memory_space<vmem>>, vector<1x16xf32>,
        %get3A_262 = arith.index_cast %scan3A_53 : i32 to index
        %get3A_263 = arith.constant 240 : index
        %get3A_264 = tpu.vector_load %arg9[%get3A_262, %get3A_263] {strides = array<i32>} : memref<128x256xf32, #tpu.memory_space<vmem>>, vector<1x16xf32>,
        %get3A_265 = vector.shape_cast %get3A_264 : vector<1x16xf32> to vector<16xf32>
        %get3A_266 = arith.index_cast %scan3A_53 : i32 to index
        %get3A_267 = arith.constant 240 : index
        %get3A_268 = tpu.vector_load %arg10[%get3A_266, %get3A_267] {strides = array<i32>} : memref<128x256xf32, #tpu.memory_space<vmem>>, vector<1x16xf32>,
        %get3A_269 = vector.shape_cast %get3A_268 : vector<1x16xf32> to vector<16xf32>
        %add3A_270 = arith.addf %get3A_265, %get3A_269 : vector<16xf32>
        %swap3A_271 = arith.index_cast %scan3A_53 : i32 to index
        %swap3A_272 = arith.constant 240 : index
        %swap3A_273 = tpu.vector_load %arg9[%swap3A_271, %swap3A_272] {strides = array<i32>} : memref<128x256xf32, #tpu.memory_space<vmem>>, vector<1x16xf32>,
        %swap3A_274 = vector.shape_cast %swap3A_273 : vector<1x16xf32> to vector<16xf32>
        %swap3A_275 = vector.shape_cast %add3A_270 : vector<16xf32> to vector<1x16xf32>
        tpu.vector_store %arg9[%swap3A_271, %swap3A_272], %swap3A_275 {strides = array<i32>} : memref<128x256xf32, #tpu.memory_space<vmem>>, vector<1x16xf32>,
      }
      %scan3A_52 = arith.constant 128 : i32
      "tpu.region"() ({
        %run_scoped3A = tpu.sem_alloc : memref<!tpu.dma_semaphore, #tpu.memory_space<semaphore_mem>>
        %dma_start3A_53 = arith.constant 0 : i32
        %dma_start3A_54 = tpu.memref_slice %arg6[%mul3A_37, %dma_start3A_53] : memref<400000x256xf32, #tpu.memory_space<hbm>> -> memref<128x256xf32, #tpu.memory_space<hbm>>
        %dma_start3A_55 = arith.constant 0 : i32
        %dma_start3A_56 = tpu.memref_slice %arg6[%mul3A_37, %dma_start3A_55] : memref<400000x256xf32, #tpu.memory_space<hbm>> -> memref<128x256xf32, #tpu.memory_space<hbm>>
        tpu.enqueue_dma source(%arg9 : memref<128x256xf32, #tpu.memory_space<vmem>>) target(%dma_start3A_56 : memref<128x256xf32, #tpu.memory_space<hbm>>) target_semaphore(%run_scoped3A : memref<!tpu.dma_semaphore, #tpu.memory_space<semaphore_mem>>)
        %dma_wait3A_57 = arith.constant 0 : i32
        %dma_wait3A_58 = tpu.memref_slice %arg6[%mul3A_37, %dma_wait3A_57] : memref<400000x256xf32, #tpu.memory_space<hbm>> -> memref<128x256xf32, #tpu.memory_space<hbm>>
        %dma_wait3A_59 = arith.constant 0 : i32
        %dma_wait3A_60 = tpu.memref_slice %arg6[%mul3A_37, %dma_wait3A_59] : memref<400000x256xf32, #tpu.memory_space<hbm>> -> memref<128x256xf32, #tpu.memory_space<hbm>>
        tpu.wait_dma2 semaphore(%run_scoped3A : memref<!tpu.dma_semaphore, #tpu.memory_space<semaphore_mem>>) src(%arg9 : memref<128x256xf32, #tpu.memory_space<vmem>>) dst(%dma_wait3A_60 : memref<128x256xf32, #tpu.memory_space<hbm>>)
        tpu.yield
      }) : () -> ()
    }
    return
  }
}

#map = affine_map<(d0, d1) -> (0, 0)>
#map1 = affine_map<(d0, d1) -> (0)>
module attributes {stable_mosaic.version = 14 : i64} {
  func.func @k(%arg0: i32, %arg1: i32, %arg2: memref<50000x256xf32, #tpu.memory_space<hbm>>, %arg3: memref<50000x256xf32, #tpu.memory_space<hbm>>, %arg4: memref<400000xi32, #tpu.memory_space<hbm>>, %arg5: memref<400000xi32, #tpu.memory_space<hbm>>, %arg6: memref<400000x256xf32, #tpu.memory_space<hbm>>, %arg7: memref<128xi32, #tpu.memory_space<vmem>>, %arg8: memref<128xi32, #tpu.memory_space<vmem>>, %arg9: memref<128x256xf32, #tpu.memory_space<vmem>>, %arg10: memref<128x256xf32, #tpu.memory_space<vmem>>, %arg11: memref<!tpu.dma_semaphore, #tpu.memory_space<semaphore_mem>>) attributes {dimension_semantics = [#tpu.dimension_semantics<core_parallel>, #tpu.dimension_semantics<subcore_parallel>], iteration_bounds = array<i64: 2, 16>, scalar_prefetch = 0 : i64, scratch_operands = 5 : i64, tpu.core_type = #tpu.core_type<sc_vector_subcore>, window_params = [{transform_indices = #map}, {transform_indices = #map}, {transform_indices = #map1}, {transform_indices = #map1}, {transform_indices = #map}]} {
    %mul3A = arith.constant 2 : i32
    %mul3A_0 = arith.muli %arg1, %mul3A : i32
    %add3A = arith.addi %mul3A_0, %arg0 : i32
    %sub3A = arith.constant 3125 : i32
    %sub3A_1 = arith.subi %sub3A, %add3A : i32
    %add3A_2 = arith.constant 32 : i32
    %add3A_3 = arith.addi %sub3A_1, %add3A_2 : i32
    %sub3A_4 = arith.constant 1 : i32
    %sub3A_5 = arith.subi %add3A_3, %sub3A_4 : i32
    %jit3A = arith.constant 32 : i32
    %div3A = arith.divsi %sub3A_5, %jit3A : i32
    %sign3A = arith.constant 0 : i32
    %sign3A_6 = arith.cmpi sgt, %sub3A_5, %sign3A : i32
    %sign3A_7 = arith.extui %sign3A_6 : i1 to i32
    %sign3A_8 = arith.constant 0 : i32
    %sign3A_9 = arith.cmpi slt, %sub3A_5, %sign3A_8 : i32
    %sign3A_10 = arith.extui %sign3A_9 : i1 to i32
    %sign3A_11 = arith.subi %sign3A_7, %sign3A_10 : i32
    %sign3A_12 = arith.constant 0 : i32
    %sign3A_13 = arith.cmpi sgt, %jit3A, %sign3A_12 : i32
    %sign3A_14 = arith.extui %sign3A_13 : i1 to i32
    %sign3A_15 = arith.constant 0 : i32
    %sign3A_16 = arith.cmpi slt, %jit3A, %sign3A_15 : i32
    %sign3A_17 = arith.extui %sign3A_16 : i1 to i32
    %sign3A_18 = arith.subi %sign3A_14, %sign3A_17 : i32
    %ne3A = arith.cmpi ne, %sign3A_11, %sign3A_18 : i32
    %rem3A = arith.remsi %sub3A_5, %jit3A : i32
    %ne3A_19 = arith.constant 0 : i32
    %ne3A_20 = arith.cmpi ne, %rem3A, %ne3A_19 : i32
    %and3A = arith.andi %ne3A, %ne3A_20 : i1
    %sub3A_21 = arith.constant 1 : i32
    %sub3A_22 = arith.subi %div3A, %sub3A_21 : i32
    %select_n3A = arith.select %and3A, %sub3A_22, %div3A : i32
    %while3A = arith.constant 0 : i32
    %while3A_23 = arith.constant 0 : i32
    %while3A_24 = arith.subi %select_n3A, %while3A_23 : i32
    %while3A_25 = arith.addi %while3A_23, %while3A_24 : i32
    %while3A_26 = arith.constant 1 : i32
    %while3A_27 = arith.divsi %while3A_24, %while3A_26 : i32
    %while3A_28 = arith.muli %while3A_27, %while3A_26 : i32
    %while3A_29 = arith.addi %while3A_23, %while3A_28 : i32
    %while3A_30 = arith.constant 1 : i32
    scf.for %while3A_32 = %while3A_23 to %while3A_29 step %while3A_30  : i32 {
      %mul3A_33 = arith.constant 32 : i32
      %mul3A_34 = arith.muli %while3A_32, %mul3A_33 : i32
      %add3A_35 = arith.addi %add3A, %mul3A_34 : i32
      %mul3A_36 = arith.constant 128 : i32
      %mul3A_37 = arith.muli %add3A_35, %mul3A_36 : i32
      "tpu.region"() ({
        %run_scoped3A = tpu.sem_alloc : memref<!tpu.dma_semaphore, #tpu.memory_space<semaphore_mem>>
        %dma_start3A_53 = tpu.memref_slice %arg4[%mul3A_37] : memref<400000xi32, #tpu.memory_space<hbm>> -> memref<128xi32, #tpu.memory_space<hbm>>
        %dma_start3A_54 = tpu.memref_slice %arg4[%mul3A_37] : memref<400000xi32, #tpu.memory_space<hbm>> -> memref<128xi32, #tpu.memory_space<hbm>>
        tpu.enqueue_dma source(%dma_start3A_54 : memref<128xi32, #tpu.memory_space<hbm>>) target(%arg7 : memref<128xi32, #tpu.memory_space<vmem>>) target_semaphore(%run_scoped3A : memref<!tpu.dma_semaphore, #tpu.memory_space<semaphore_mem>>)
        %dma_wait3A_55 = tpu.memref_slice %arg4[%mul3A_37] : memref<400000xi32, #tpu.memory_space<hbm>> -> memref<128xi32, #tpu.memory_space<hbm>>
        %dma_wait3A_56 = tpu.memref_slice %arg4[%mul3A_37] : memref<400000xi32, #tpu.memory_space<hbm>> -> memref<128xi32, #tpu.memory_space<hbm>>
        tpu.wait_dma2 semaphore(%run_scoped3A : memref<!tpu.dma_semaphore, #tpu.memory_space<semaphore_mem>>) src(%dma_wait3A_56 : memref<128xi32, #tpu.memory_space<hbm>>) dst(%arg7 : memref<128xi32, #tpu.memory_space<vmem>>)
        tpu.yield
      }) : () -> ()
      "tpu.region"() ({
        %run_scoped3A = tpu.sem_alloc : memref<!tpu.dma_semaphore, #tpu.memory_space<semaphore_mem>>
        %dma_start3A_53 = tpu.memref_slice %arg5[%mul3A_37] : memref<400000xi32, #tpu.memory_space<hbm>> -> memref<128xi32, #tpu.memory_space<hbm>>
        %dma_start3A_54 = tpu.memref_slice %arg5[%mul3A_37] : memref<400000xi32, #tpu.memory_space<hbm>> -> memref<128xi32, #tpu.memory_space<hbm>>
        tpu.enqueue_dma source(%dma_start3A_54 : memref<128xi32, #tpu.memory_space<hbm>>) target(%arg8 : memref<128xi32, #tpu.memory_space<vmem>>) target_semaphore(%run_scoped3A : memref<!tpu.dma_semaphore, #tpu.memory_space<semaphore_mem>>)
        %dma_wait3A_55 = tpu.memref_slice %arg5[%mul3A_37] : memref<400000xi32, #tpu.memory_space<hbm>> -> memref<128xi32, #tpu.memory_space<hbm>>
        %dma_wait3A_56 = tpu.memref_slice %arg5[%mul3A_37] : memref<400000xi32, #tpu.memory_space<hbm>> -> memref<128xi32, #tpu.memory_space<hbm>>
        tpu.wait_dma2 semaphore(%run_scoped3A : memref<!tpu.dma_semaphore, #tpu.memory_space<semaphore_mem>>) src(%dma_wait3A_56 : memref<128xi32, #tpu.memory_space<hbm>>) dst(%arg8 : memref<128xi32, #tpu.memory_space<vmem>>)
        tpu.yield
      }) : () -> ()
      %dma_start3A = arith.constant 0 : i32
      %dma_start3A_38 = arith.constant 0 : i32
      %dma_start3A_39 = tpu.memref_slice %arg2[%dma_start3A, %dma_start3A_38] : memref<50000x256xf32, #tpu.memory_space<hbm>> -> memref<50000x256xf32, #tpu.memory_space<hbm>>
      tpu.enqueue_indirect_dma source(%dma_start3A_39 : memref<50000x256xf32, #tpu.memory_space<hbm>>) target(%arg9 : memref<128x256xf32, #tpu.memory_space<vmem>>) offsets(%arg7 : memref<128xi32, #tpu.memory_space<vmem>>) semaphore(%arg11 : memref<!tpu.dma_semaphore, #tpu.memory_space<semaphore_mem>>)
      %dma_start3A_40 = arith.constant 0 : i32
      %dma_start3A_41 = arith.constant 0 : i32
      %dma_start3A_42 = tpu.memref_slice %arg3[%dma_start3A_40, %dma_start3A_41] : memref<50000x256xf32, #tpu.memory_space<hbm>> -> memref<50000x256xf32, #tpu.memory_space<hbm>>
      tpu.enqueue_indirect_dma source(%dma_start3A_42 : memref<50000x256xf32, #tpu.memory_space<hbm>>) target(%arg10 : memref<128x256xf32, #tpu.memory_space<vmem>>) offsets(%arg8 : memref<128xi32, #tpu.memory_space<vmem>>) semaphore(%arg11 : memref<!tpu.dma_semaphore, #tpu.memory_space<semaphore_mem>>)
      %dma_wait3A = arith.constant 0 : i32
      %dma_wait3A_43 = arith.constant 0 : i32
      %dma_wait3A_44 = tpu.memref_slice %arg2[%dma_wait3A, %dma_wait3A_43] : memref<50000x256xf32, #tpu.memory_space<hbm>> -> memref<50000x256xf32, #tpu.memory_space<hbm>>
      tpu.wait_indirect_dma semaphore(%arg11 : memref<!tpu.dma_semaphore, #tpu.memory_space<semaphore_mem>>) src(%dma_wait3A_44 : memref<50000x256xf32, #tpu.memory_space<hbm>>) dst(%arg9 : memref<128x256xf32, #tpu.memory_space<vmem>>)
      %dma_wait3A_45 = arith.constant 0 : i32
      %dma_wait3A_46 = arith.constant 0 : i32
      %dma_wait3A_47 = tpu.memref_slice %arg3[%dma_wait3A_45, %dma_wait3A_46] : memref<50000x256xf32, #tpu.memory_space<hbm>> -> memref<50000x256xf32, #tpu.memory_space<hbm>>
      tpu.wait_indirect_dma semaphore(%arg11 : memref<!tpu.dma_semaphore, #tpu.memory_space<semaphore_mem>>) src(%dma_wait3A_47 : memref<50000x256xf32, #tpu.memory_space<hbm>>) dst(%arg10 : memref<128x256xf32, #tpu.memory_space<vmem>>)
      %scan3A = arith.constant 0 : i32
      %scan3A_48 = arith.constant 0 : i32
      %scan3A_49 = arith.constant 128 : i32
      %scan3A_50 = arith.addi %scan3A_48, %scan3A_49 : i32
      %scan3A_51 = arith.constant 1 : i32
      scf.for %scan3A_53 = %scan3A_48 to %scan3A_50 step %scan3A_51  : i32 {
        %get3A = arith.index_cast %scan3A_53 : i32 to index
        %get3A_54 = arith.constant 0 : index
        %get3A_55 = tpu.vector_load %arg9[%get3A, %get3A_54] {strides = array<i32>} : memref<128x256xf32, #tpu.memory_space<vmem>>, vector<1x16xf32>,
        %get3A_56 = vector.shape_cast %get3A_55 : vector<1x16xf32> to vector<16xf32>
        %get3A_57 = arith.index_cast %scan3A_53 : i32 to index
        %get3A_58 = arith.constant 0 : index
        %get3A_59 = tpu.vector_load %arg10[%get3A_57, %get3A_58] {strides = array<i32>} : memref<128x256xf32, #tpu.memory_space<vmem>>, vector<1x16xf32>,
        %get3A_60 = vector.shape_cast %get3A_59 : vector<1x16xf32> to vector<16xf32>
        %add3A_61 = arith.addf %get3A_56, %get3A_60 : vector<16xf32>
        %swap3A = arith.index_cast %scan3A_53 : i32 to index
        %swap3A_62 = arith.constant 0 : index
        %swap3A_63 = tpu.vector_load %arg9[%swap3A, %swap3A_62] {strides = array<i32>} : memref<128x256xf32, #tpu.memory_space<vmem>>, vector<1x16xf32>,
        %swap3A_64 = vector.shape_cast %swap3A_63 : vector<1x16xf32> to vector<16xf32>
        %swap3A_65 = vector.shape_cast %add3A_61 : vector<16xf32> to vector<1x16xf32>
        tpu.vector_store %arg9[%swap3A, %swap3A_62], %swap3A_65 {strides = array<i32>} : memref<128x256xf32, #tpu.memory_space<vmem>>, vector<1x16xf32>,
        %get3A_66 = arith.index_cast %scan3A_53 : i32 to index
        %get3A_67 = arith.constant 16 : index
        %get3A_68 = tpu.vector_load %arg9[%get3A_66, %get3A_67] {strides = array<i32>} : memref<128x256xf32, #tpu.memory_space<vmem>>, vector<1x16xf32>,
        %get3A_69 = vector.shape_cast %get3A_68 : vector<1x16xf32> to vector<16xf32>
        %get3A_70 = arith.index_cast %scan3A_53 : i32 to index
        %get3A_71 = arith.constant 16 : index
        %get3A_72 = tpu.vector_load %arg10[%get3A_70, %get3A_71] {strides = array<i32>} : memref<128x256xf32, #tpu.memory_space<vmem>>, vector<1x16xf32>,
        %get3A_73 = vector.shape_cast %get3A_72 : vector<1x16xf32> to vector<16xf32>
        %add3A_74 = arith.addf %get3A_69, %get3A_73 : vector<16xf32>
        %swap3A_75 = arith.index_cast %scan3A_53 : i32 to index
        %swap3A_76 = arith.constant 16 : index
        %swap3A_77 = tpu.vector_load %arg9[%swap3A_75, %swap3A_76] {strides = array<i32>} : memref<128x256xf32, #tpu.memory_space<vmem>>, vector<1x16xf32>,
        %swap3A_78 = vector.shape_cast %swap3A_77 : vector<1x16xf32> to vector<16xf32>
        %swap3A_79 = vector.shape_cast %add3A_74 : vector<16xf32> to vector<1x16xf32>
        tpu.vector_store %arg9[%swap3A_75, %swap3A_76], %swap3A_79 {strides = array<i32>} : memref<128x256xf32, #tpu.memory_space<vmem>>, vector<1x16xf32>,
        %get3A_80 = arith.index_cast %scan3A_53 : i32 to index
        %get3A_81 = arith.constant 32 : index
        %get3A_82 = tpu.vector_load %arg9[%get3A_80, %get3A_81] {strides = array<i32>} : memref<128x256xf32, #tpu.memory_space<vmem>>, vector<1x16xf32>,
        %get3A_83 = vector.shape_cast %get3A_82 : vector<1x16xf32> to vector<16xf32>
        %get3A_84 = arith.index_cast %scan3A_53 : i32 to index
        %get3A_85 = arith.constant 32 : index
        %get3A_86 = tpu.vector_load %arg10[%get3A_84, %get3A_85] {strides = array<i32>} : memref<128x256xf32, #tpu.memory_space<vmem>>, vector<1x16xf32>,
        %get3A_87 = vector.shape_cast %get3A_86 : vector<1x16xf32> to vector<16xf32>
        %add3A_88 = arith.addf %get3A_83, %get3A_87 : vector<16xf32>
        %swap3A_89 = arith.index_cast %scan3A_53 : i32 to index
        %swap3A_90 = arith.constant 32 : index
        %swap3A_91 = tpu.vector_load %arg9[%swap3A_89, %swap3A_90] {strides = array<i32>} : memref<128x256xf32, #tpu.memory_space<vmem>>, vector<1x16xf32>,
        %swap3A_92 = vector.shape_cast %swap3A_91 : vector<1x16xf32> to vector<16xf32>
        %swap3A_93 = vector.shape_cast %add3A_88 : vector<16xf32> to vector<1x16xf32>
        tpu.vector_store %arg9[%swap3A_89, %swap3A_90], %swap3A_93 {strides = array<i32>} : memref<128x256xf32, #tpu.memory_space<vmem>>, vector<1x16xf32>,
        %get3A_94 = arith.index_cast %scan3A_53 : i32 to index
        %get3A_95 = arith.constant 48 : index
        %get3A_96 = tpu.vector_load %arg9[%get3A_94, %get3A_95] {strides = array<i32>} : memref<128x256xf32, #tpu.memory_space<vmem>>, vector<1x16xf32>,
        %get3A_97 = vector.shape_cast %get3A_96 : vector<1x16xf32> to vector<16xf32>
        %get3A_98 = arith.index_cast %scan3A_53 : i32 to index
        %get3A_99 = arith.constant 48 : index
        %get3A_100 = tpu.vector_load %arg10[%get3A_98, %get3A_99] {strides = array<i32>} : memref<128x256xf32, #tpu.memory_space<vmem>>, vector<1x16xf32>,
        %get3A_101 = vector.shape_cast %get3A_100 : vector<1x16xf32> to vector<16xf32>
        %add3A_102 = arith.addf %get3A_97, %get3A_101 : vector<16xf32>
        %swap3A_103 = arith.index_cast %scan3A_53 : i32 to index
        %swap3A_104 = arith.constant 48 : index
        %swap3A_105 = tpu.vector_load %arg9[%swap3A_103, %swap3A_104] {strides = array<i32>} : memref<128x256xf32, #tpu.memory_space<vmem>>, vector<1x16xf32>,
        %swap3A_106 = vector.shape_cast %swap3A_105 : vector<1x16xf32> to vector<16xf32>
        %swap3A_107 = vector.shape_cast %add3A_102 : vector<16xf32> to vector<1x16xf32>
        tpu.vector_store %arg9[%swap3A_103, %swap3A_104], %swap3A_107 {strides = array<i32>} : memref<128x256xf32, #tpu.memory_space<vmem>>, vector<1x16xf32>,
        %get3A_108 = arith.index_cast %scan3A_53 : i32 to index
        %get3A_109 = arith.constant 64 : index
        %get3A_110 = tpu.vector_load %arg9[%get3A_108, %get3A_109] {strides = array<i32>} : memref<128x256xf32, #tpu.memory_space<vmem>>, vector<1x16xf32>,
        %get3A_111 = vector.shape_cast %get3A_110 : vector<1x16xf32> to vector<16xf32>
        %get3A_112 = arith.index_cast %scan3A_53 : i32 to index
        %get3A_113 = arith.constant 64 : index
        %get3A_114 = tpu.vector_load %arg10[%get3A_112, %get3A_113] {strides = array<i32>} : memref<128x256xf32, #tpu.memory_space<vmem>>, vector<1x16xf32>,
        %get3A_115 = vector.shape_cast %get3A_114 : vector<1x16xf32> to vector<16xf32>
        %add3A_116 = arith.addf %get3A_111, %get3A_115 : vector<16xf32>
        %swap3A_117 = arith.index_cast %scan3A_53 : i32 to index
        %swap3A_118 = arith.constant 64 : index
        %swap3A_119 = tpu.vector_load %arg9[%swap3A_117, %swap3A_118] {strides = array<i32>} : memref<128x256xf32, #tpu.memory_space<vmem>>, vector<1x16xf32>,
        %swap3A_120 = vector.shape_cast %swap3A_119 : vector<1x16xf32> to vector<16xf32>
        %swap3A_121 = vector.shape_cast %add3A_116 : vector<16xf32> to vector<1x16xf32>
        tpu.vector_store %arg9[%swap3A_117, %swap3A_118], %swap3A_121 {strides = array<i32>} : memref<128x256xf32, #tpu.memory_space<vmem>>, vector<1x16xf32>,
        %get3A_122 = arith.index_cast %scan3A_53 : i32 to index
        %get3A_123 = arith.constant 80 : index
        %get3A_124 = tpu.vector_load %arg9[%get3A_122, %get3A_123] {strides = array<i32>} : memref<128x256xf32, #tpu.memory_space<vmem>>, vector<1x16xf32>,
        %get3A_125 = vector.shape_cast %get3A_124 : vector<1x16xf32> to vector<16xf32>
        %get3A_126 = arith.index_cast %scan3A_53 : i32 to index
        %get3A_127 = arith.constant 80 : index
        %get3A_128 = tpu.vector_load %arg10[%get3A_126, %get3A_127] {strides = array<i32>} : memref<128x256xf32, #tpu.memory_space<vmem>>, vector<1x16xf32>,
        %get3A_129 = vector.shape_cast %get3A_128 : vector<1x16xf32> to vector<16xf32>
        %add3A_130 = arith.addf %get3A_125, %get3A_129 : vector<16xf32>
        %swap3A_131 = arith.index_cast %scan3A_53 : i32 to index
        %swap3A_132 = arith.constant 80 : index
        %swap3A_133 = tpu.vector_load %arg9[%swap3A_131, %swap3A_132] {strides = array<i32>} : memref<128x256xf32, #tpu.memory_space<vmem>>, vector<1x16xf32>,
        %swap3A_134 = vector.shape_cast %swap3A_133 : vector<1x16xf32> to vector<16xf32>
        %swap3A_135 = vector.shape_cast %add3A_130 : vector<16xf32> to vector<1x16xf32>
        tpu.vector_store %arg9[%swap3A_131, %swap3A_132], %swap3A_135 {strides = array<i32>} : memref<128x256xf32, #tpu.memory_space<vmem>>, vector<1x16xf32>,
        %get3A_136 = arith.index_cast %scan3A_53 : i32 to index
        %get3A_137 = arith.constant 96 : index
        %get3A_138 = tpu.vector_load %arg9[%get3A_136, %get3A_137] {strides = array<i32>} : memref<128x256xf32, #tpu.memory_space<vmem>>, vector<1x16xf32>,
        %get3A_139 = vector.shape_cast %get3A_138 : vector<1x16xf32> to vector<16xf32>
        %get3A_140 = arith.index_cast %scan3A_53 : i32 to index
        %get3A_141 = arith.constant 96 : index
        %get3A_142 = tpu.vector_load %arg10[%get3A_140, %get3A_141] {strides = array<i32>} : memref<128x256xf32, #tpu.memory_space<vmem>>, vector<1x16xf32>,
        %get3A_143 = vector.shape_cast %get3A_142 : vector<1x16xf32> to vector<16xf32>
        %add3A_144 = arith.addf %get3A_139, %get3A_143 : vector<16xf32>
        %swap3A_145 = arith.index_cast %scan3A_53 : i32 to index
        %swap3A_146 = arith.constant 96 : index
        %swap3A_147 = tpu.vector_load %arg9[%swap3A_145, %swap3A_146] {strides = array<i32>} : memref<128x256xf32, #tpu.memory_space<vmem>>, vector<1x16xf32>,
        %swap3A_148 = vector.shape_cast %swap3A_147 : vector<1x16xf32> to vector<16xf32>
        %swap3A_149 = vector.shape_cast %add3A_144 : vector<16xf32> to vector<1x16xf32>
        tpu.vector_store %arg9[%swap3A_145, %swap3A_146], %swap3A_149 {strides = array<i32>} : memref<128x256xf32, #tpu.memory_space<vmem>>, vector<1x16xf32>,
        %get3A_150 = arith.index_cast %scan3A_53 : i32 to index
        %get3A_151 = arith.constant 112 : index
        %get3A_152 = tpu.vector_load %arg9[%get3A_150, %get3A_151] {strides = array<i32>} : memref<128x256xf32, #tpu.memory_space<vmem>>, vector<1x16xf32>,
        %get3A_153 = vector.shape_cast %get3A_152 : vector<1x16xf32> to vector<16xf32>
        %get3A_154 = arith.index_cast %scan3A_53 : i32 to index
        %get3A_155 = arith.constant 112 : index
        %get3A_156 = tpu.vector_load %arg10[%get3A_154, %get3A_155] {strides = array<i32>} : memref<128x256xf32, #tpu.memory_space<vmem>>, vector<1x16xf32>,
        %get3A_157 = vector.shape_cast %get3A_156 : vector<1x16xf32> to vector<16xf32>
        %add3A_158 = arith.addf %get3A_153, %get3A_157 : vector<16xf32>
        %swap3A_159 = arith.index_cast %scan3A_53 : i32 to index
        %swap3A_160 = arith.constant 112 : index
        %swap3A_161 = tpu.vector_load %arg9[%swap3A_159, %swap3A_160] {strides = array<i32>} : memref<128x256xf32, #tpu.memory_space<vmem>>, vector<1x16xf32>,
        %swap3A_162 = vector.shape_cast %swap3A_161 : vector<1x16xf32> to vector<16xf32>
        %swap3A_163 = vector.shape_cast %add3A_158 : vector<16xf32> to vector<1x16xf32>
        tpu.vector_store %arg9[%swap3A_159, %swap3A_160], %swap3A_163 {strides = array<i32>} : memref<128x256xf32, #tpu.memory_space<vmem>>, vector<1x16xf32>,
        %get3A_164 = arith.index_cast %scan3A_53 : i32 to index
        %get3A_165 = arith.constant 128 : index
        %get3A_166 = tpu.vector_load %arg9[%get3A_164, %get3A_165] {strides = array<i32>} : memref<128x256xf32, #tpu.memory_space<vmem>>, vector<1x16xf32>,
        %get3A_167 = vector.shape_cast %get3A_166 : vector<1x16xf32> to vector<16xf32>
        %get3A_168 = arith.index_cast %scan3A_53 : i32 to index
        %get3A_169 = arith.constant 128 : index
        %get3A_170 = tpu.vector_load %arg10[%get3A_168, %get3A_169] {strides = array<i32>} : memref<128x256xf32, #tpu.memory_space<vmem>>, vector<1x16xf32>,
        %get3A_171 = vector.shape_cast %get3A_170 : vector<1x16xf32> to vector<16xf32>
        %add3A_172 = arith.addf %get3A_167, %get3A_171 : vector<16xf32>
        %swap3A_173 = arith.index_cast %scan3A_53 : i32 to index
        %swap3A_174 = arith.constant 128 : index
        %swap3A_175 = tpu.vector_load %arg9[%swap3A_173, %swap3A_174] {strides = array<i32>} : memref<128x256xf32, #tpu.memory_space<vmem>>, vector<1x16xf32>,
        %swap3A_176 = vector.shape_cast %swap3A_175 : vector<1x16xf32> to vector<16xf32>
        %swap3A_177 = vector.shape_cast %add3A_172 : vector<16xf32> to vector<1x16xf32>
        tpu.vector_store %arg9[%swap3A_173, %swap3A_174], %swap3A_177 {strides = array<i32>} : memref<128x256xf32, #tpu.memory_space<vmem>>, vector<1x16xf32>,
        %get3A_178 = arith.index_cast %scan3A_53 : i32 to index
        %get3A_179 = arith.constant 144 : index
        %get3A_180 = tpu.vector_load %arg9[%get3A_178, %get3A_179] {strides = array<i32>} : memref<128x256xf32, #tpu.memory_space<vmem>>, vector<1x16xf32>,
        %get3A_181 = vector.shape_cast %get3A_180 : vector<1x16xf32> to vector<16xf32>
        %get3A_182 = arith.index_cast %scan3A_53 : i32 to index
        %get3A_183 = arith.constant 144 : index
        %get3A_184 = tpu.vector_load %arg10[%get3A_182, %get3A_183] {strides = array<i32>} : memref<128x256xf32, #tpu.memory_space<vmem>>, vector<1x16xf32>,
        %get3A_185 = vector.shape_cast %get3A_184 : vector<1x16xf32> to vector<16xf32>
        %add3A_186 = arith.addf %get3A_181, %get3A_185 : vector<16xf32>
        %swap3A_187 = arith.index_cast %scan3A_53 : i32 to index
        %swap3A_188 = arith.constant 144 : index
        %swap3A_189 = tpu.vector_load %arg9[%swap3A_187, %swap3A_188] {strides = array<i32>} : memref<128x256xf32, #tpu.memory_space<vmem>>, vector<1x16xf32>,
        %swap3A_190 = vector.shape_cast %swap3A_189 : vector<1x16xf32> to vector<16xf32>
        %swap3A_191 = vector.shape_cast %add3A_186 : vector<16xf32> to vector<1x16xf32>
        tpu.vector_store %arg9[%swap3A_187, %swap3A_188], %swap3A_191 {strides = array<i32>} : memref<128x256xf32, #tpu.memory_space<vmem>>, vector<1x16xf32>,
        %get3A_192 = arith.index_cast %scan3A_53 : i32 to index
        %get3A_193 = arith.constant 160 : index
        %get3A_194 = tpu.vector_load %arg9[%get3A_192, %get3A_193] {strides = array<i32>} : memref<128x256xf32, #tpu.memory_space<vmem>>, vector<1x16xf32>,
        %get3A_195 = vector.shape_cast %get3A_194 : vector<1x16xf32> to vector<16xf32>
        %get3A_196 = arith.index_cast %scan3A_53 : i32 to index
        %get3A_197 = arith.constant 160 : index
        %get3A_198 = tpu.vector_load %arg10[%get3A_196, %get3A_197] {strides = array<i32>} : memref<128x256xf32, #tpu.memory_space<vmem>>, vector<1x16xf32>,
        %get3A_199 = vector.shape_cast %get3A_198 : vector<1x16xf32> to vector<16xf32>
        %add3A_200 = arith.addf %get3A_195, %get3A_199 : vector<16xf32>
        %swap3A_201 = arith.index_cast %scan3A_53 : i32 to index
        %swap3A_202 = arith.constant 160 : index
        %swap3A_203 = tpu.vector_load %arg9[%swap3A_201, %swap3A_202] {strides = array<i32>} : memref<128x256xf32, #tpu.memory_space<vmem>>, vector<1x16xf32>,
        %swap3A_204 = vector.shape_cast %swap3A_203 : vector<1x16xf32> to vector<16xf32>
        %swap3A_205 = vector.shape_cast %add3A_200 : vector<16xf32> to vector<1x16xf32>
        tpu.vector_store %arg9[%swap3A_201, %swap3A_202], %swap3A_205 {strides = array<i32>} : memref<128x256xf32, #tpu.memory_space<vmem>>, vector<1x16xf32>,
        %get3A_206 = arith.index_cast %scan3A_53 : i32 to index
        %get3A_207 = arith.constant 176 : index
        %get3A_208 = tpu.vector_load %arg9[%get3A_206, %get3A_207] {strides = array<i32>} : memref<128x256xf32, #tpu.memory_space<vmem>>, vector<1x16xf32>,
        %get3A_209 = vector.shape_cast %get3A_208 : vector<1x16xf32> to vector<16xf32>
        %get3A_210 = arith.index_cast %scan3A_53 : i32 to index
        %get3A_211 = arith.constant 176 : index
        %get3A_212 = tpu.vector_load %arg10[%get3A_210, %get3A_211] {strides = array<i32>} : memref<128x256xf32, #tpu.memory_space<vmem>>, vector<1x16xf32>,
        %get3A_213 = vector.shape_cast %get3A_212 : vector<1x16xf32> to vector<16xf32>
        %add3A_214 = arith.addf %get3A_209, %get3A_213 : vector<16xf32>
        %swap3A_215 = arith.index_cast %scan3A_53 : i32 to index
        %swap3A_216 = arith.constant 176 : index
        %swap3A_217 = tpu.vector_load %arg9[%swap3A_215, %swap3A_216] {strides = array<i32>} : memref<128x256xf32, #tpu.memory_space<vmem>>, vector<1x16xf32>,
        %swap3A_218 = vector.shape_cast %swap3A_217 : vector<1x16xf32> to vector<16xf32>
        %swap3A_219 = vector.shape_cast %add3A_214 : vector<16xf32> to vector<1x16xf32>
        tpu.vector_store %arg9[%swap3A_215, %swap3A_216], %swap3A_219 {strides = array<i32>} : memref<128x256xf32, #tpu.memory_space<vmem>>, vector<1x16xf32>,
        %get3A_220 = arith.index_cast %scan3A_53 : i32 to index
        %get3A_221 = arith.constant 192 : index
        %get3A_222 = tpu.vector_load %arg9[%get3A_220, %get3A_221] {strides = array<i32>} : memref<128x256xf32, #tpu.memory_space<vmem>>, vector<1x16xf32>,
        %get3A_223 = vector.shape_cast %get3A_222 : vector<1x16xf32> to vector<16xf32>
        %get3A_224 = arith.index_cast %scan3A_53 : i32 to index
        %get3A_225 = arith.constant 192 : index
        %get3A_226 = tpu.vector_load %arg10[%get3A_224, %get3A_225] {strides = array<i32>} : memref<128x256xf32, #tpu.memory_space<vmem>>, vector<1x16xf32>,
        %get3A_227 = vector.shape_cast %get3A_226 : vector<1x16xf32> to vector<16xf32>
        %add3A_228 = arith.addf %get3A_223, %get3A_227 : vector<16xf32>
        %swap3A_229 = arith.index_cast %scan3A_53 : i32 to index
        %swap3A_230 = arith.constant 192 : index
        %swap3A_231 = tpu.vector_load %arg9[%swap3A_229, %swap3A_230] {strides = array<i32>} : memref<128x256xf32, #tpu.memory_space<vmem>>, vector<1x16xf32>,
        %swap3A_232 = vector.shape_cast %swap3A_231 : vector<1x16xf32> to vector<16xf32>
        %swap3A_233 = vector.shape_cast %add3A_228 : vector<16xf32> to vector<1x16xf32>
        tpu.vector_store %arg9[%swap3A_229, %swap3A_230], %swap3A_233 {strides = array<i32>} : memref<128x256xf32, #tpu.memory_space<vmem>>, vector<1x16xf32>,
        %get3A_234 = arith.index_cast %scan3A_53 : i32 to index
        %get3A_235 = arith.constant 208 : index
        %get3A_236 = tpu.vector_load %arg9[%get3A_234, %get3A_235] {strides = array<i32>} : memref<128x256xf32, #tpu.memory_space<vmem>>, vector<1x16xf32>,
        %get3A_237 = vector.shape_cast %get3A_236 : vector<1x16xf32> to vector<16xf32>
        %get3A_238 = arith.index_cast %scan3A_53 : i32 to index
        %get3A_239 = arith.constant 208 : index
        %get3A_240 = tpu.vector_load %arg10[%get3A_238, %get3A_239] {strides = array<i32>} : memref<128x256xf32, #tpu.memory_space<vmem>>, vector<1x16xf32>,
        %get3A_241 = vector.shape_cast %get3A_240 : vector<1x16xf32> to vector<16xf32>
        %add3A_242 = arith.addf %get3A_237, %get3A_241 : vector<16xf32>
        %swap3A_243 = arith.index_cast %scan3A_53 : i32 to index
        %swap3A_244 = arith.constant 208 : index
        %swap3A_245 = tpu.vector_load %arg9[%swap3A_243, %swap3A_244] {strides = array<i32>} : memref<128x256xf32, #tpu.memory_space<vmem>>, vector<1x16xf32>,
        %swap3A_246 = vector.shape_cast %swap3A_245 : vector<1x16xf32> to vector<16xf32>
        %swap3A_247 = vector.shape_cast %add3A_242 : vector<16xf32> to vector<1x16xf32>
        tpu.vector_store %arg9[%swap3A_243, %swap3A_244], %swap3A_247 {strides = array<i32>} : memref<128x256xf32, #tpu.memory_space<vmem>>, vector<1x16xf32>,
        %get3A_248 = arith.index_cast %scan3A_53 : i32 to index
        %get3A_249 = arith.constant 224 : index
        %get3A_250 = tpu.vector_load %arg9[%get3A_248, %get3A_249] {strides = array<i32>} : memref<128x256xf32, #tpu.memory_space<vmem>>, vector<1x16xf32>,
        %get3A_251 = vector.shape_cast %get3A_250 : vector<1x16xf32> to vector<16xf32>
        %get3A_252 = arith.index_cast %scan3A_53 : i32 to index
        %get3A_253 = arith.constant 224 : index
        %get3A_254 = tpu.vector_load %arg10[%get3A_252, %get3A_253] {strides = array<i32>} : memref<128x256xf32, #tpu.memory_space<vmem>>, vector<1x16xf32>,
        %get3A_255 = vector.shape_cast %get3A_254 : vector<1x16xf32> to vector<16xf32>
        %add3A_256 = arith.addf %get3A_251, %get3A_255 : vector<16xf32>
        %swap3A_257 = arith.index_cast %scan3A_53 : i32 to index
        %swap3A_258 = arith.constant 224 : index
        %swap3A_259 = tpu.vector_load %arg9[%swap3A_257, %swap3A_258] {strides = array<i32>} : memref<128x256xf32, #tpu.memory_space<vmem>>, vector<1x16xf32>,
        %swap3A_260 = vector.shape_cast %swap3A_259 : vector<1x16xf32> to vector<16xf32>
        %swap3A_261 = vector.shape_cast %add3A_256 : vector<16xf32> to vector<1x16xf32>
        tpu.vector_store %arg9[%swap3A_257, %swap3A_258], %swap3A_261 {strides = array<i32>} : memref<128x256xf32, #tpu.memory_space<vmem>>, vector<1x16xf32>,
        %get3A_262 = arith.index_cast %scan3A_53 : i32 to index
        %get3A_263 = arith.constant 240 : index
        %get3A_264 = tpu.vector_load %arg9[%get3A_262, %get3A_263] {strides = array<i32>} : memref<128x256xf32, #tpu.memory_space<vmem>>, vector<1x16xf32>,
        %get3A_265 = vector.shape_cast %get3A_264 : vector<1x16xf32> to vector<16xf32>
        %get3A_266 = arith.index_cast %scan3A_53 : i32 to index
        %get3A_267 = arith.constant 240 : index
        %get3A_268 = tpu.vector_load %arg10[%get3A_266, %get3A_267] {strides = array<i32>} : memref<128x256xf32, #tpu.memory_space<vmem>>, vector<1x16xf32>,
        %get3A_269 = vector.shape_cast %get3A_268 : vector<1x16xf32> to vector<16xf32>
        %add3A_270 = arith.addf %get3A_265, %get3A_269 : vector<16xf32>
        %swap3A_271 = arith.index_cast %scan3A_53 : i32 to index
        %swap3A_272 = arith.constant 240 : index
        %swap3A_273 = tpu.vector_load %arg9[%swap3A_271, %swap3A_272] {strides = array<i32>} : memref<128x256xf32, #tpu.memory_space<vmem>>, vector<1x16xf32>,
        %swap3A_274 = vector.shape_cast %swap3A_273 : vector<1x16xf32> to vector<16xf32>
        %swap3A_275 = vector.shape_cast %add3A_270 : vector<16xf32> to vector<1x16xf32>
        tpu.vector_store %arg9[%swap3A_271, %swap3A_272], %swap3A_275 {strides = array<i32>} : memref<128x256xf32, #tpu.memory_space<vmem>>, vector<1x16xf32>,
      }
      %scan3A_52 = arith.constant 128 : i32
      "tpu.region"() ({
        %run_scoped3A = tpu.sem_alloc : memref<!tpu.dma_semaphore, #tpu.memory_space<semaphore_mem>>
        %dma_start3A_53 = arith.constant 0 : i32
        %dma_start3A_54 = tpu.memref_slice %arg6[%mul3A_37, %dma_start3A_53] : memref<400000x256xf32, #tpu.memory_space<hbm>> -> memref<128x256xf32, #tpu.memory_space<hbm>>
        %dma_start3A_55 = arith.constant 0 : i32
        %dma_start3A_56 = tpu.memref_slice %arg6[%mul3A_37, %dma_start3A_55] : memref<400000x256xf32, #tpu.memory_space<hbm>> -> memref<128x256xf32, #tpu.memory_space<hbm>>
        tpu.enqueue_dma source(%arg9 : memref<128x256xf32, #tpu.memory_space<vmem>>) target(%dma_start3A_56 : memref<128x256xf32, #tpu.memory_space<hbm>>) target_semaphore(%run_scoped3A : memref<!tpu.dma_semaphore, #tpu.memory_space<semaphore_mem>>)
        %dma_wait3A_57 = arith.constant 0 : i32
        %dma_wait3A_58 = tpu.memref_slice %arg6[%mul3A_37, %dma_wait3A_57] : memref<400000x256xf32, #tpu.memory_space<hbm>> -> memref<128x256xf32, #tpu.memory_space<hbm>>
        %dma_wait3A_59 = arith.constant 0 : i32
        %dma_wait3A_60 = tpu.memref_slice %arg6[%mul3A_37, %dma_wait3A_59] : memref<400000x256xf32, #tpu.memory_space<hbm>> -> memref<128x256xf32, #tpu.memory_space<hbm>>
        tpu.wait_dma2 semaphore(%run_scoped3A : memref<!tpu.dma_semaphore, #tpu.memory_space<semaphore_mem>>) src(%arg9 : memref<128x256xf32, #tpu.memory_space<vmem>>) dst(%dma_wait3A_60 : memref<128x256xf32, #tpu.memory_space<hbm>>)
        tpu.yield
      }) : () -> ()
    }
    %while3A_31 = arith.constant 1 : i32
    scf.for %while3A_32 = %while3A_29 to %while3A_25 step %while3A_31  : i32 {
      %mul3A_33 = arith.constant 32 : i32
      %mul3A_34 = arith.muli %while3A_32, %mul3A_33 : i32
      %add3A_35 = arith.addi %add3A, %mul3A_34 : i32
      %mul3A_36 = arith.constant 128 : i32
      %mul3A_37 = arith.muli %add3A_35, %mul3A_36 : i32
      "tpu.region"() ({
        %run_scoped3A = tpu.sem_alloc : memref<!tpu.dma_semaphore, #tpu.memory_space<semaphore_mem>>
        %dma_start3A_53 = tpu.memref_slice %arg4[%mul3A_37] : memref<400000xi32, #tpu.memory_space<hbm>> -> memref<128xi32, #tpu.memory_space<hbm>>
        %dma_start3A_54 = tpu.memref_slice %arg4[%mul3A_37] : memref<400000xi32, #tpu.memory_space<hbm>> -> memref<128xi32, #tpu.memory_space<hbm>>
        tpu.enqueue_dma source(%dma_start3A_54 : memref<128xi32, #tpu.memory_space<hbm>>) target(%arg7 : memref<128xi32, #tpu.memory_space<vmem>>) target_semaphore(%run_scoped3A : memref<!tpu.dma_semaphore, #tpu.memory_space<semaphore_mem>>)
        %dma_wait3A_55 = tpu.memref_slice %arg4[%mul3A_37] : memref<400000xi32, #tpu.memory_space<hbm>> -> memref<128xi32, #tpu.memory_space<hbm>>
        %dma_wait3A_56 = tpu.memref_slice %arg4[%mul3A_37] : memref<400000xi32, #tpu.memory_space<hbm>> -> memref<128xi32, #tpu.memory_space<hbm>>
        tpu.wait_dma2 semaphore(%run_scoped3A : memref<!tpu.dma_semaphore, #tpu.memory_space<semaphore_mem>>) src(%dma_wait3A_56 : memref<128xi32, #tpu.memory_space<hbm>>) dst(%arg7 : memref<128xi32, #tpu.memory_space<vmem>>)
        tpu.yield
      }) : () -> ()
      "tpu.region"() ({
        %run_scoped3A = tpu.sem_alloc : memref<!tpu.dma_semaphore, #tpu.memory_space<semaphore_mem>>
        %dma_start3A_53 = tpu.memref_slice %arg5[%mul3A_37] : memref<400000xi32, #tpu.memory_space<hbm>> -> memref<128xi32, #tpu.memory_space<hbm>>
        %dma_start3A_54 = tpu.memref_slice %arg5[%mul3A_37] : memref<400000xi32, #tpu.memory_space<hbm>> -> memref<128xi32, #tpu.memory_space<hbm>>
        tpu.enqueue_dma source(%dma_start3A_54 : memref<128xi32, #tpu.memory_space<hbm>>) target(%arg8 : memref<128xi32, #tpu.memory_space<vmem>>) target_semaphore(%run_scoped3A : memref<!tpu.dma_semaphore, #tpu.memory_space<semaphore_mem>>)
        %dma_wait3A_55 = tpu.memref_slice %arg5[%mul3A_37] : memref<400000xi32, #tpu.memory_space<hbm>> -> memref<128xi32, #tpu.memory_space<hbm>>
        %dma_wait3A_56 = tpu.memref_slice %arg5[%mul3A_37] : memref<400000xi32, #tpu.memory_space<hbm>> -> memref<128xi32, #tpu.memory_space<hbm>>
        tpu.wait_dma2 semaphore(%run_scoped3A : memref<!tpu.dma_semaphore, #tpu.memory_space<semaphore_mem>>) src(%dma_wait3A_56 : memref<128xi32, #tpu.memory_space<hbm>>) dst(%arg8 : memref<128xi32, #tpu.memory_space<vmem>>)
        tpu.yield
      }) : () -> ()
      %dma_start3A = arith.constant 0 : i32
      %dma_start3A_38 = arith.constant 0 : i32
      %dma_start3A_39 = tpu.memref_slice %arg2[%dma_start3A, %dma_start3A_38] : memref<50000x256xf32, #tpu.memory_space<hbm>> -> memref<50000x256xf32, #tpu.memory_space<hbm>>
      tpu.enqueue_indirect_dma source(%dma_start3A_39 : memref<50000x256xf32, #tpu.memory_space<hbm>>) target(%arg9 : memref<128x256xf32, #tpu.memory_space<vmem>>) offsets(%arg7 : memref<128xi32, #tpu.memory_space<vmem>>) semaphore(%arg11 : memref<!tpu.dma_semaphore, #tpu.memory_space<semaphore_mem>>)
      %dma_start3A_40 = arith.constant 0 : i32
      %dma_start3A_41 = arith.constant 0 : i32
      %dma_start3A_42 = tpu.memref_slice %arg3[%dma_start3A_40, %dma_start3A_41] : memref<50000x256xf32, #tpu.memory_space<hbm>> -> memref<50000x256xf32, #tpu.memory_space<hbm>>
      tpu.enqueue_indirect_dma source(%dma_start3A_42 : memref<50000x256xf32, #tpu.memory_space<hbm>>) target(%arg10 : memref<128x256xf32, #tpu.memory_space<vmem>>) offsets(%arg8 : memref<128xi32, #tpu.memory_space<vmem>>) semaphore(%arg11 : memref<!tpu.dma_semaphore, #tpu.memory_space<semaphore_mem>>)
      %dma_wait3A = arith.constant 0 : i32
      %dma_wait3A_43 = arith.constant 0 : i32
      %dma_wait3A_44 = tpu.memref_slice %arg2[%dma_wait3A, %dma_wait3A_43] : memref<50000x256xf32, #tpu.memory_space<hbm>> -> memref<50000x256xf32, #tpu.memory_space<hbm>>
      tpu.wait_indirect_dma semaphore(%arg11 : memref<!tpu.dma_semaphore, #tpu.memory_space<semaphore_mem>>) src(%dma_wait3A_44 : memref<50000x256xf32, #tpu.memory_space<hbm>>) dst(%arg9 : memref<128x256xf32, #tpu.memory_space<vmem>>)
      %dma_wait3A_45 = arith.constant 0 : i32
      %dma_wait3A_46 = arith.constant 0 : i32
      %dma_wait3A_47 = tpu.memref_slice %arg3[%dma_wait3A_45, %dma_wait3A_46] : memref<50000x256xf32, #tpu.memory_space<hbm>> -> memref<50000x256xf32, #tpu.memory_space<hbm>>
      tpu.wait_indirect_dma semaphore(%arg11 : memref<!tpu.dma_semaphore, #tpu.memory_space<semaphore_mem>>) src(%dma_wait3A_47 : memref<50000x256xf32, #tpu.memory_space<hbm>>) dst(%arg10 : memref<128x256xf32, #tpu.memory_space<vmem>>)
      %scan3A = arith.constant 0 : i32
      %scan3A_48 = arith.constant 0 : i32
      %scan3A_49 = arith.constant 128 : i32
      %scan3A_50 = arith.addi %scan3A_48, %scan3A_49 : i32
      %scan3A_51 = arith.constant 1 : i32
      scf.for %scan3A_53 = %scan3A_48 to %scan3A_50 step %scan3A_51  : i32 {
        %get3A = arith.index_cast %scan3A_53 : i32 to index
        %get3A_54 = arith.constant 0 : index
        %get3A_55 = tpu.vector_load %arg9[%get3A, %get3A_54] {strides = array<i32>} : memref<128x256xf32, #tpu.memory_space<vmem>>, vector<1x16xf32>,
        %get3A_56 = vector.shape_cast %get3A_55 : vector<1x16xf32> to vector<16xf32>
        %get3A_57 = arith.index_cast %scan3A_53 : i32 to index
        %get3A_58 = arith.constant 0 : index
        %get3A_59 = tpu.vector_load %arg10[%get3A_57, %get3A_58] {strides = array<i32>} : memref<128x256xf32, #tpu.memory_space<vmem>>, vector<1x16xf32>,
        %get3A_60 = vector.shape_cast %get3A_59 : vector<1x16xf32> to vector<16xf32>
        %add3A_61 = arith.addf %get3A_56, %get3A_60 : vector<16xf32>
        %swap3A = arith.index_cast %scan3A_53 : i32 to index
        %swap3A_62 = arith.constant 0 : index
        %swap3A_63 = tpu.vector_load %arg9[%swap3A, %swap3A_62] {strides = array<i32>} : memref<128x256xf32, #tpu.memory_space<vmem>>, vector<1x16xf32>,
        %swap3A_64 = vector.shape_cast %swap3A_63 : vector<1x16xf32> to vector<16xf32>
        %swap3A_65 = vector.shape_cast %add3A_61 : vector<16xf32> to vector<1x16xf32>
        tpu.vector_store %arg9[%swap3A, %swap3A_62], %swap3A_65 {strides = array<i32>} : memref<128x256xf32, #tpu.memory_space<vmem>>, vector<1x16xf32>,
        %get3A_66 = arith.index_cast %scan3A_53 : i32 to index
        %get3A_67 = arith.constant 16 : index
        %get3A_68 = tpu.vector_load %arg9[%get3A_66, %get3A_67] {strides = array<i32>} : memref<128x256xf32, #tpu.memory_space<vmem>>, vector<1x16xf32>,
        %get3A_69 = vector.shape_cast %get3A_68 : vector<1x16xf32> to vector<16xf32>
        %get3A_70 = arith.index_cast %scan3A_53 : i32 to index
        %get3A_71 = arith.constant 16 : index
        %get3A_72 = tpu.vector_load %arg10[%get3A_70, %get3A_71] {strides = array<i32>} : memref<128x256xf32, #tpu.memory_space<vmem>>, vector<1x16xf32>,
        %get3A_73 = vector.shape_cast %get3A_72 : vector<1x16xf32> to vector<16xf32>
        %add3A_74 = arith.addf %get3A_69, %get3A_73 : vector<16xf32>
        %swap3A_75 = arith.index_cast %scan3A_53 : i32 to index
        %swap3A_76 = arith.constant 16 : index
        %swap3A_77 = tpu.vector_load %arg9[%swap3A_75, %swap3A_76] {strides = array<i32>} : memref<128x256xf32, #tpu.memory_space<vmem>>, vector<1x16xf32>,
        %swap3A_78 = vector.shape_cast %swap3A_77 : vector<1x16xf32> to vector<16xf32>
        %swap3A_79 = vector.shape_cast %add3A_74 : vector<16xf32> to vector<1x16xf32>
        tpu.vector_store %arg9[%swap3A_75, %swap3A_76], %swap3A_79 {strides = array<i32>} : memref<128x256xf32, #tpu.memory_space<vmem>>, vector<1x16xf32>,
        %get3A_80 = arith.index_cast %scan3A_53 : i32 to index
        %get3A_81 = arith.constant 32 : index
        %get3A_82 = tpu.vector_load %arg9[%get3A_80, %get3A_81] {strides = array<i32>} : memref<128x256xf32, #tpu.memory_space<vmem>>, vector<1x16xf32>,
        %get3A_83 = vector.shape_cast %get3A_82 : vector<1x16xf32> to vector<16xf32>
        %get3A_84 = arith.index_cast %scan3A_53 : i32 to index
        %get3A_85 = arith.constant 32 : index
        %get3A_86 = tpu.vector_load %arg10[%get3A_84, %get3A_85] {strides = array<i32>} : memref<128x256xf32, #tpu.memory_space<vmem>>, vector<1x16xf32>,
        %get3A_87 = vector.shape_cast %get3A_86 : vector<1x16xf32> to vector<16xf32>
        %add3A_88 = arith.addf %get3A_83, %get3A_87 : vector<16xf32>
        %swap3A_89 = arith.index_cast %scan3A_53 : i32 to index
        %swap3A_90 = arith.constant 32 : index
        %swap3A_91 = tpu.vector_load %arg9[%swap3A_89, %swap3A_90] {strides = array<i32>} : memref<128x256xf32, #tpu.memory_space<vmem>>, vector<1x16xf32>,
        %swap3A_92 = vector.shape_cast %swap3A_91 : vector<1x16xf32> to vector<16xf32>
        %swap3A_93 = vector.shape_cast %add3A_88 : vector<16xf32> to vector<1x16xf32>
        tpu.vector_store %arg9[%swap3A_89, %swap3A_90], %swap3A_93 {strides = array<i32>} : memref<128x256xf32, #tpu.memory_space<vmem>>, vector<1x16xf32>,
        %get3A_94 = arith.index_cast %scan3A_53 : i32 to index
        %get3A_95 = arith.constant 48 : index
        %get3A_96 = tpu.vector_load %arg9[%get3A_94, %get3A_95] {strides = array<i32>} : memref<128x256xf32, #tpu.memory_space<vmem>>, vector<1x16xf32>,
        %get3A_97 = vector.shape_cast %get3A_96 : vector<1x16xf32> to vector<16xf32>
        %get3A_98 = arith.index_cast %scan3A_53 : i32 to index
        %get3A_99 = arith.constant 48 : index
        %get3A_100 = tpu.vector_load %arg10[%get3A_98, %get3A_99] {strides = array<i32>} : memref<128x256xf32, #tpu.memory_space<vmem>>, vector<1x16xf32>,
        %get3A_101 = vector.shape_cast %get3A_100 : vector<1x16xf32> to vector<16xf32>
        %add3A_102 = arith.addf %get3A_97, %get3A_101 : vector<16xf32>
        %swap3A_103 = arith.index_cast %scan3A_53 : i32 to index
        %swap3A_104 = arith.constant 48 : index
        %swap3A_105 = tpu.vector_load %arg9[%swap3A_103, %swap3A_104] {strides = array<i32>} : memref<128x256xf32, #tpu.memory_space<vmem>>, vector<1x16xf32>,
        %swap3A_106 = vector.shape_cast %swap3A_105 : vector<1x16xf32> to vector<16xf32>
        %swap3A_107 = vector.shape_cast %add3A_102 : vector<16xf32> to vector<1x16xf32>
        tpu.vector_store %arg9[%swap3A_103, %swap3A_104], %swap3A_107 {strides = array<i32>} : memref<128x256xf32, #tpu.memory_space<vmem>>, vector<1x16xf32>,
        %get3A_108 = arith.index_cast %scan3A_53 : i32 to index
        %get3A_109 = arith.constant 64 : index
        %get3A_110 = tpu.vector_load %arg9[%get3A_108, %get3A_109] {strides = array<i32>} : memref<128x256xf32, #tpu.memory_space<vmem>>, vector<1x16xf32>,
        %get3A_111 = vector.shape_cast %get3A_110 : vector<1x16xf32> to vector<16xf32>
        %get3A_112 = arith.index_cast %scan3A_53 : i32 to index
        %get3A_113 = arith.constant 64 : index
        %get3A_114 = tpu.vector_load %arg10[%get3A_112, %get3A_113] {strides = array<i32>} : memref<128x256xf32, #tpu.memory_space<vmem>>, vector<1x16xf32>,
        %get3A_115 = vector.shape_cast %get3A_114 : vector<1x16xf32> to vector<16xf32>
        %add3A_116 = arith.addf %get3A_111, %get3A_115 : vector<16xf32>
        %swap3A_117 = arith.index_cast %scan3A_53 : i32 to index
        %swap3A_118 = arith.constant 64 : index
        %swap3A_119 = tpu.vector_load %arg9[%swap3A_117, %swap3A_118] {strides = array<i32>} : memref<128x256xf32, #tpu.memory_space<vmem>>, vector<1x16xf32>,
        %swap3A_120 = vector.shape_cast %swap3A_119 : vector<1x16xf32> to vector<16xf32>
        %swap3A_121 = vector.shape_cast %add3A_116 : vector<16xf32> to vector<1x16xf32>
        tpu.vector_store %arg9[%swap3A_117, %swap3A_118], %swap3A_121 {strides = array<i32>} : memref<128x256xf32, #tpu.memory_space<vmem>>, vector<1x16xf32>,
        %get3A_122 = arith.index_cast %scan3A_53 : i32 to index
        %get3A_123 = arith.constant 80 : index
        %get3A_124 = tpu.vector_load %arg9[%get3A_122, %get3A_123] {strides = array<i32>} : memref<128x256xf32, #tpu.memory_space<vmem>>, vector<1x16xf32>,
        %get3A_125 = vector.shape_cast %get3A_124 : vector<1x16xf32> to vector<16xf32>
        %get3A_126 = arith.index_cast %scan3A_53 : i32 to index
        %get3A_127 = arith.constant 80 : index
        %get3A_128 = tpu.vector_load %arg10[%get3A_126, %get3A_127] {strides = array<i32>} : memref<128x256xf32, #tpu.memory_space<vmem>>, vector<1x16xf32>,
        %get3A_129 = vector.shape_cast %get3A_128 : vector<1x16xf32> to vector<16xf32>
        %add3A_130 = arith.addf %get3A_125, %get3A_129 : vector<16xf32>
        %swap3A_131 = arith.index_cast %scan3A_53 : i32 to index
        %swap3A_132 = arith.constant 80 : index
        %swap3A_133 = tpu.vector_load %arg9[%swap3A_131, %swap3A_132] {strides = array<i32>} : memref<128x256xf32, #tpu.memory_space<vmem>>, vector<1x16xf32>,
        %swap3A_134 = vector.shape_cast %swap3A_133 : vector<1x16xf32> to vector<16xf32>
        %swap3A_135 = vector.shape_cast %add3A_130 : vector<16xf32> to vector<1x16xf32>
        tpu.vector_store %arg9[%swap3A_131, %swap3A_132], %swap3A_135 {strides = array<i32>} : memref<128x256xf32, #tpu.memory_space<vmem>>, vector<1x16xf32>,
        %get3A_136 = arith.index_cast %scan3A_53 : i32 to index
        %get3A_137 = arith.constant 96 : index
        %get3A_138 = tpu.vector_load %arg9[%get3A_136, %get3A_137] {strides = array<i32>} : memref<128x256xf32, #tpu.memory_space<vmem>>, vector<1x16xf32>,
        %get3A_139 = vector.shape_cast %get3A_138 : vector<1x16xf32> to vector<16xf32>
        %get3A_140 = arith.index_cast %scan3A_53 : i32 to index
        %get3A_141 = arith.constant 96 : index
        %get3A_142 = tpu.vector_load %arg10[%get3A_140, %get3A_141] {strides = array<i32>} : memref<128x256xf32, #tpu.memory_space<vmem>>, vector<1x16xf32>,
        %get3A_143 = vector.shape_cast %get3A_142 : vector<1x16xf32> to vector<16xf32>
        %add3A_144 = arith.addf %get3A_139, %get3A_143 : vector<16xf32>
        %swap3A_145 = arith.index_cast %scan3A_53 : i32 to index
        %swap3A_146 = arith.constant 96 : index
        %swap3A_147 = tpu.vector_load %arg9[%swap3A_145, %swap3A_146] {strides = array<i32>} : memref<128x256xf32, #tpu.memory_space<vmem>>, vector<1x16xf32>,
        %swap3A_148 = vector.shape_cast %swap3A_147 : vector<1x16xf32> to vector<16xf32>
        %swap3A_149 = vector.shape_cast %add3A_144 : vector<16xf32> to vector<1x16xf32>
        tpu.vector_store %arg9[%swap3A_145, %swap3A_146], %swap3A_149 {strides = array<i32>} : memref<128x256xf32, #tpu.memory_space<vmem>>, vector<1x16xf32>,
        %get3A_150 = arith.index_cast %scan3A_53 : i32 to index
        %get3A_151 = arith.constant 112 : index
        %get3A_152 = tpu.vector_load %arg9[%get3A_150, %get3A_151] {strides = array<i32>} : memref<128x256xf32, #tpu.memory_space<vmem>>, vector<1x16xf32>,
        %get3A_153 = vector.shape_cast %get3A_152 : vector<1x16xf32> to vector<16xf32>
        %get3A_154 = arith.index_cast %scan3A_53 : i32 to index
        %get3A_155 = arith.constant 112 : index
        %get3A_156 = tpu.vector_load %arg10[%get3A_154, %get3A_155] {strides = array<i32>} : memref<128x256xf32, #tpu.memory_space<vmem>>, vector<1x16xf32>,
        %get3A_157 = vector.shape_cast %get3A_156 : vector<1x16xf32> to vector<16xf32>
        %add3A_158 = arith.addf %get3A_153, %get3A_157 : vector<16xf32>
        %swap3A_159 = arith.index_cast %scan3A_53 : i32 to index
        %swap3A_160 = arith.constant 112 : index
        %swap3A_161 = tpu.vector_load %arg9[%swap3A_159, %swap3A_160] {strides = array<i32>} : memref<128x256xf32, #tpu.memory_space<vmem>>, vector<1x16xf32>,
        %swap3A_162 = vector.shape_cast %swap3A_161 : vector<1x16xf32> to vector<16xf32>
        %swap3A_163 = vector.shape_cast %add3A_158 : vector<16xf32> to vector<1x16xf32>
        tpu.vector_store %arg9[%swap3A_159, %swap3A_160], %swap3A_163 {strides = array<i32>} : memref<128x256xf32, #tpu.memory_space<vmem>>, vector<1x16xf32>,
        %get3A_164 = arith.index_cast %scan3A_53 : i32 to index
        %get3A_165 = arith.constant 128 : index
        %get3A_166 = tpu.vector_load %arg9[%get3A_164, %get3A_165] {strides = array<i32>} : memref<128x256xf32, #tpu.memory_space<vmem>>, vector<1x16xf32>,
        %get3A_167 = vector.shape_cast %get3A_166 : vector<1x16xf32> to vector<16xf32>
        %get3A_168 = arith.index_cast %scan3A_53 : i32 to index
        %get3A_169 = arith.constant 128 : index
        %get3A_170 = tpu.vector_load %arg10[%get3A_168, %get3A_169] {strides = array<i32>} : memref<128x256xf32, #tpu.memory_space<vmem>>, vector<1x16xf32>,
        %get3A_171 = vector.shape_cast %get3A_170 : vector<1x16xf32> to vector<16xf32>
        %add3A_172 = arith.addf %get3A_167, %get3A_171 : vector<16xf32>
        %swap3A_173 = arith.index_cast %scan3A_53 : i32 to index
        %swap3A_174 = arith.constant 128 : index
        %swap3A_175 = tpu.vector_load %arg9[%swap3A_173, %swap3A_174] {strides = array<i32>} : memref<128x256xf32, #tpu.memory_space<vmem>>, vector<1x16xf32>,
        %swap3A_176 = vector.shape_cast %swap3A_175 : vector<1x16xf32> to vector<16xf32>
        %swap3A_177 = vector.shape_cast %add3A_172 : vector<16xf32> to vector<1x16xf32>
        tpu.vector_store %arg9[%swap3A_173, %swap3A_174], %swap3A_177 {strides = array<i32>} : memref<128x256xf32, #tpu.memory_space<vmem>>, vector<1x16xf32>,
        %get3A_178 = arith.index_cast %scan3A_53 : i32 to index
        %get3A_179 = arith.constant 144 : index
        %get3A_180 = tpu.vector_load %arg9[%get3A_178, %get3A_179] {strides = array<i32>} : memref<128x256xf32, #tpu.memory_space<vmem>>, vector<1x16xf32>,
        %get3A_181 = vector.shape_cast %get3A_180 : vector<1x16xf32> to vector<16xf32>
        %get3A_182 = arith.index_cast %scan3A_53 : i32 to index
        %get3A_183 = arith.constant 144 : index
        %get3A_184 = tpu.vector_load %arg10[%get3A_182, %get3A_183] {strides = array<i32>} : memref<128x256xf32, #tpu.memory_space<vmem>>, vector<1x16xf32>,
        %get3A_185 = vector.shape_cast %get3A_184 : vector<1x16xf32> to vector<16xf32>
        %add3A_186 = arith.addf %get3A_181, %get3A_185 : vector<16xf32>
        %swap3A_187 = arith.index_cast %scan3A_53 : i32 to index
        %swap3A_188 = arith.constant 144 : index
        %swap3A_189 = tpu.vector_load %arg9[%swap3A_187, %swap3A_188] {strides = array<i32>} : memref<128x256xf32, #tpu.memory_space<vmem>>, vector<1x16xf32>,
        %swap3A_190 = vector.shape_cast %swap3A_189 : vector<1x16xf32> to vector<16xf32>
        %swap3A_191 = vector.shape_cast %add3A_186 : vector<16xf32> to vector<1x16xf32>
        tpu.vector_store %arg9[%swap3A_187, %swap3A_188], %swap3A_191 {strides = array<i32>} : memref<128x256xf32, #tpu.memory_space<vmem>>, vector<1x16xf32>,
        %get3A_192 = arith.index_cast %scan3A_53 : i32 to index
        %get3A_193 = arith.constant 160 : index
        %get3A_194 = tpu.vector_load %arg9[%get3A_192, %get3A_193] {strides = array<i32>} : memref<128x256xf32, #tpu.memory_space<vmem>>, vector<1x16xf32>,
        %get3A_195 = vector.shape_cast %get3A_194 : vector<1x16xf32> to vector<16xf32>
        %get3A_196 = arith.index_cast %scan3A_53 : i32 to index
        %get3A_197 = arith.constant 160 : index
        %get3A_198 = tpu.vector_load %arg10[%get3A_196, %get3A_197] {strides = array<i32>} : memref<128x256xf32, #tpu.memory_space<vmem>>, vector<1x16xf32>,
        %get3A_199 = vector.shape_cast %get3A_198 : vector<1x16xf32> to vector<16xf32>
        %add3A_200 = arith.addf %get3A_195, %get3A_199 : vector<16xf32>
        %swap3A_201 = arith.index_cast %scan3A_53 : i32 to index
        %swap3A_202 = arith.constant 160 : index
        %swap3A_203 = tpu.vector_load %arg9[%swap3A_201, %swap3A_202] {strides = array<i32>} : memref<128x256xf32, #tpu.memory_space<vmem>>, vector<1x16xf32>,
        %swap3A_204 = vector.shape_cast %swap3A_203 : vector<1x16xf32> to vector<16xf32>
        %swap3A_205 = vector.shape_cast %add3A_200 : vector<16xf32> to vector<1x16xf32>
        tpu.vector_store %arg9[%swap3A_201, %swap3A_202], %swap3A_205 {strides = array<i32>} : memref<128x256xf32, #tpu.memory_space<vmem>>, vector<1x16xf32>,
        %get3A_206 = arith.index_cast %scan3A_53 : i32 to index
        %get3A_207 = arith.constant 176 : index
        %get3A_208 = tpu.vector_load %arg9[%get3A_206, %get3A_207] {strides = array<i32>} : memref<128x256xf32, #tpu.memory_space<vmem>>, vector<1x16xf32>,
        %get3A_209 = vector.shape_cast %get3A_208 : vector<1x16xf32> to vector<16xf32>
        %get3A_210 = arith.index_cast %scan3A_53 : i32 to index
        %get3A_211 = arith.constant 176 : index
        %get3A_212 = tpu.vector_load %arg10[%get3A_210, %get3A_211] {strides = array<i32>} : memref<128x256xf32, #tpu.memory_space<vmem>>, vector<1x16xf32>,
        %get3A_213 = vector.shape_cast %get3A_212 : vector<1x16xf32> to vector<16xf32>
        %add3A_214 = arith.addf %get3A_209, %get3A_213 : vector<16xf32>
        %swap3A_215 = arith.index_cast %scan3A_53 : i32 to index
        %swap3A_216 = arith.constant 176 : index
        %swap3A_217 = tpu.vector_load %arg9[%swap3A_215, %swap3A_216] {strides = array<i32>} : memref<128x256xf32, #tpu.memory_space<vmem>>, vector<1x16xf32>,
        %swap3A_218 = vector.shape_cast %swap3A_217 : vector<1x16xf32> to vector<16xf32>
        %swap3A_219 = vector.shape_cast %add3A_214 : vector<16xf32> to vector<1x16xf32>
        tpu.vector_store %arg9[%swap3A_215, %swap3A_216], %swap3A_219 {strides = array<i32>} : memref<128x256xf32, #tpu.memory_space<vmem>>, vector<1x16xf32>,
        %get3A_220 = arith.index_cast %scan3A_53 : i32 to index
        %get3A_221 = arith.constant 192 : index
        %get3A_222 = tpu.vector_load %arg9[%get3A_220, %get3A_221] {strides = array<i32>} : memref<128x256xf32, #tpu.memory_space<vmem>>, vector<1x16xf32>,
        %get3A_223 = vector.shape_cast %get3A_222 : vector<1x16xf32> to vector<16xf32>
        %get3A_224 = arith.index_cast %scan3A_53 : i32 to index
        %get3A_225 = arith.constant 192 : index
        %get3A_226 = tpu.vector_load %arg10[%get3A_224, %get3A_225] {strides = array<i32>} : memref<128x256xf32, #tpu.memory_space<vmem>>, vector<1x16xf32>,
        %get3A_227 = vector.shape_cast %get3A_226 : vector<1x16xf32> to vector<16xf32>
        %add3A_228 = arith.addf %get3A_223, %get3A_227 : vector<16xf32>
        %swap3A_229 = arith.index_cast %scan3A_53 : i32 to index
        %swap3A_230 = arith.constant 192 : index
        %swap3A_231 = tpu.vector_load %arg9[%swap3A_229, %swap3A_230] {strides = array<i32>} : memref<128x256xf32, #tpu.memory_space<vmem>>, vector<1x16xf32>,
        %swap3A_232 = vector.shape_cast %swap3A_231 : vector<1x16xf32> to vector<16xf32>
        %swap3A_233 = vector.shape_cast %add3A_228 : vector<16xf32> to vector<1x16xf32>
        tpu.vector_store %arg9[%swap3A_229, %swap3A_230], %swap3A_233 {strides = array<i32>} : memref<128x256xf32, #tpu.memory_space<vmem>>, vector<1x16xf32>,
        %get3A_234 = arith.index_cast %scan3A_53 : i32 to index
        %get3A_235 = arith.constant 208 : index
        %get3A_236 = tpu.vector_load %arg9[%get3A_234, %get3A_235] {strides = array<i32>} : memref<128x256xf32, #tpu.memory_space<vmem>>, vector<1x16xf32>,
        %get3A_237 = vector.shape_cast %get3A_236 : vector<1x16xf32> to vector<16xf32>
        %get3A_238 = arith.index_cast %scan3A_53 : i32 to index
        %get3A_239 = arith.constant 208 : index
        %get3A_240 = tpu.vector_load %arg10[%get3A_238, %get3A_239] {strides = array<i32>} : memref<128x256xf32, #tpu.memory_space<vmem>>, vector<1x16xf32>,
        %get3A_241 = vector.shape_cast %get3A_240 : vector<1x16xf32> to vector<16xf32>
        %add3A_242 = arith.addf %get3A_237, %get3A_241 : vector<16xf32>
        %swap3A_243 = arith.index_cast %scan3A_53 : i32 to index
        %swap3A_244 = arith.constant 208 : index
        %swap3A_245 = tpu.vector_load %arg9[%swap3A_243, %swap3A_244] {strides = array<i32>} : memref<128x256xf32, #tpu.memory_space<vmem>>, vector<1x16xf32>,
        %swap3A_246 = vector.shape_cast %swap3A_245 : vector<1x16xf32> to vector<16xf32>
        %swap3A_247 = vector.shape_cast %add3A_242 : vector<16xf32> to vector<1x16xf32>
        tpu.vector_store %arg9[%swap3A_243, %swap3A_244], %swap3A_247 {strides = array<i32>} : memref<128x256xf32, #tpu.memory_space<vmem>>, vector<1x16xf32>,
        %get3A_248 = arith.index_cast %scan3A_53 : i32 to index
        %get3A_249 = arith.constant 224 : index
        %get3A_250 = tpu.vector_load %arg9[%get3A_248, %get3A_249] {strides = array<i32>} : memref<128x256xf32, #tpu.memory_space<vmem>>, vector<1x16xf32>,
        %get3A_251 = vector.shape_cast %get3A_250 : vector<1x16xf32> to vector<16xf32>
        %get3A_252 = arith.index_cast %scan3A_53 : i32 to index
        %get3A_253 = arith.constant 224 : index
        %get3A_254 = tpu.vector_load %arg10[%get3A_252, %get3A_253] {strides = array<i32>} : memref<128x256xf32, #tpu.memory_space<vmem>>, vector<1x16xf32>,
        %get3A_255 = vector.shape_cast %get3A_254 : vector<1x16xf32> to vector<16xf32>
        %add3A_256 = arith.addf %get3A_251, %get3A_255 : vector<16xf32>
        %swap3A_257 = arith.index_cast %scan3A_53 : i32 to index
        %swap3A_258 = arith.constant 224 : index
        %swap3A_259 = tpu.vector_load %arg9[%swap3A_257, %swap3A_258] {strides = array<i32>} : memref<128x256xf32, #tpu.memory_space<vmem>>, vector<1x16xf32>,
        %swap3A_260 = vector.shape_cast %swap3A_259 : vector<1x16xf32> to vector<16xf32>
        %swap3A_261 = vector.shape_cast %add3A_256 : vector<16xf32> to vector<1x16xf32>
        tpu.vector_store %arg9[%swap3A_257, %swap3A_258], %swap3A_261 {strides = array<i32>} : memref<128x256xf32, #tpu.memory_space<vmem>>, vector<1x16xf32>,
        %get3A_262 = arith.index_cast %scan3A_53 : i32 to index
        %get3A_263 = arith.constant 240 : index
        %get3A_264 = tpu.vector_load %arg9[%get3A_262, %get3A_263] {strides = array<i32>} : memref<128x256xf32, #tpu.memory_space<vmem>>, vector<1x16xf32>,
        %get3A_265 = vector.shape_cast %get3A_264 : vector<1x16xf32> to vector<16xf32>
        %get3A_266 = arith.index_cast %scan3A_53 : i32 to index
        %get3A_267 = arith.constant 240 : index
        %get3A_268 = tpu.vector_load %arg10[%get3A_266, %get3A_267] {strides = array<i32>} : memref<128x256xf32, #tpu.memory_space<vmem>>, vector<1x16xf32>,
        %get3A_269 = vector.shape_cast %get3A_268 : vector<1x16xf32> to vector<16xf32>
        %add3A_270 = arith.addf %get3A_265, %get3A_269 : vector<16xf32>
        %swap3A_271 = arith.index_cast %scan3A_53 : i32 to index
        %swap3A_272 = arith.constant 240 : index
        %swap3A_273 = tpu.vector_load %arg9[%swap3A_271, %swap3A_272] {strides = array<i32>} : memref<128x256xf32, #tpu.memory_space<vmem>>, vector<1x16xf32>,
        %swap3A_274 = vector.shape_cast %swap3A_273 : vector<1x16xf32> to vector<16xf32>
        %swap3A_275 = vector.shape_cast %add3A_270 : vector<16xf32> to vector<1x16xf32>
        tpu.vector_store %arg9[%swap3A_271, %swap3A_272], %swap3A_275 {strides = array<i32>} : memref<128x256xf32, #tpu.memory_space<vmem>>, vector<1x16xf32>,
      }
      %scan3A_52 = arith.constant 128 : i32
      "tpu.region"() ({
        %run_scoped3A = tpu.sem_alloc : memref<!tpu.dma_semaphore, #tpu.memory_space<semaphore_mem>>
        %dma_start3A_53 = arith.constant 0 : i32
        %dma_start3A_54 = tpu.memref_slice %arg6[%mul3A_37, %dma_start3A_53] : memref<400000x256xf32, #tpu.memory_space<hbm>> -> memref<128x256xf32, #tpu.memory_space<hbm>>
        %dma_start3A_55 = arith.constant 0 : i32
        %dma_start3A_56 = tpu.memref_slice %arg6[%mul3A_37, %dma_start3A_55] : memref<400000x256xf32, #tpu.memory_space<hbm>> -> memref<128x256xf32, #tpu.memory_space<hbm>>
        tpu.enqueue_dma source(%arg9 : memref<128x256xf32, #tpu.memory_space<vmem>>) target(%dma_start3A_56 : memref<128x256xf32, #tpu.memory_space<hbm>>) target_semaphore(%run_scoped3A : memref<!tpu.dma_semaphore, #tpu.memory_space<semaphore_mem>>)
        %dma_wait3A_57 = arith.constant 0 : i32
        %dma_wait3A_58 = tpu.memref_slice %arg6[%mul3A_37, %dma_wait3A_57] : memref<400000x256xf32, #tpu.memory_space<hbm>> -> memref<128x256xf32, #tpu.memory_space<hbm>>
        %dma_wait3A_59 = arith.constant 0 : i32
        %dma_wait3A_60 = tpu.memref_slice %arg6[%mul3A_37, %dma_wait3A_59] : memref<400000x256xf32, #tpu.memory_space<hbm>> -> memref<128x256xf32, #tpu.memory_space<hbm>>
        tpu.wait_dma2 semaphore(%run_scoped3A : memref<!tpu.dma_semaphore, #tpu.memory_space<semaphore_mem>>) src(%arg9 : memref<128x256xf32, #tpu.memory_space<vmem>>) dst(%dma_wait3A_60 : memref<128x256xf32, #tpu.memory_space<hbm>>)
        tpu.yield
      }) : () -> ()
    }
    return
  }
}

module attributes {stable_mosaic.version = 14 : i64} {
  func.func @body(%arg0: i32, %arg1: memref<2000x6xf32, #tpu.memory_space<vmem>>, %arg2: memref<64x6xf32, #tpu.memory_space<vmem>>, %arg3: memref<64x6xf32, #tpu.memory_space<vmem>>, %arg4: memref<2000x64xf32, #tpu.memory_space<vmem>>, %arg5: memref<2000x64xf32, #tpu.memory_space<vmem>>) attributes {dimension_semantics = [#tpu.dimension_semantics<arbitrary>], iteration_bounds = array<i64: 25>, scalar_prefetch = 0 : i64, scratch_operands = 0 : i64, tpu.core_type = #tpu.core_type<tc>, window_params = [{transform_indices = @transform_0, window_bounds = array<i64: 2000, 6>}, {pipeline_mode = #tpu.pipeline_mode<synchronous>, transform_indices = @transform_1, window_bounds = array<i64: 64, 6>}, {pipeline_mode = #tpu.pipeline_mode<synchronous>, transform_indices = @transform_2, window_bounds = array<i64: 64, 6>}, {transform_indices = @transform_3, window_bounds = array<i64: 2000, 64>}, {transform_indices = @transform_4, window_bounds = array<i64: 2000, 64>}]} {
    %get3A = arith.constant 0 : index
    %get3A_0 = arith.constant 0 : index
    %get3A_1 = vector.load %arg1[%get3A, %get3A_0] : memref<2000x6xf32, #tpu.memory_space<vmem>>, vector<2000x6xf32>
    %get3A_2 = arith.constant 0 : index
    %get3A_3 = arith.constant 0 : index
    %get3A_4 = vector.load %arg2[%get3A_2, %get3A_3] : memref<64x6xf32, #tpu.memory_space<vmem>>, vector<64x6xf32>
    %dot_general3A = arith.constant dense<0.000000e+00> : vector<2000x64xf32>
    %dot_general3A_5 = tpu.matmul %get3A_1, %get3A_4, %dot_general3A {dimension_numbers = #tpu.dot_dimension_numbers<[1], [1], [0], [0], [0, 0, 1, 0], [], []>, precision = #tpu.contract_precision<fp32>, transpose_lhs_hint = false} : vector<2000x6xf32>, vector<64x6xf32>, vector<2000x64xf32> -> vector<2000x64xf32>
    %swap3A = arith.constant 0 : index
    %swap3A_6 = arith.constant 0 : index
    %swap3A_7 = vector.load %arg4[%swap3A, %swap3A_6] : memref<2000x64xf32, #tpu.memory_space<vmem>>, vector<2000x64xf32>
    tpu.vector_store %arg4[%swap3A, %swap3A_6], %dot_general3A_5 {strides = array<i32>} : memref<2000x64xf32, #tpu.memory_space<vmem>>, vector<2000x64xf32>,
    %get3A_8 = arith.constant 0 : index
    %get3A_9 = arith.constant 0 : index
    %get3A_10 = vector.load %arg3[%get3A_8, %get3A_9] : memref<64x6xf32, #tpu.memory_space<vmem>>, vector<64x6xf32>
    %dot_general3A_11 = arith.constant dense<0.000000e+00> : vector<2000x64xf32>
    %dot_general3A_12 = tpu.matmul %get3A_1, %get3A_10, %dot_general3A_11 {dimension_numbers = #tpu.dot_dimension_numbers<[1], [1], [0], [0], [0, 0, 1, 0], [], []>, precision = #tpu.contract_precision<fp32>, transpose_lhs_hint = false} : vector<2000x6xf32>, vector<64x6xf32>, vector<2000x64xf32> -> vector<2000x64xf32>
    %swap3A_13 = arith.constant 0 : index
    %swap3A_14 = arith.constant 0 : index
    %swap3A_15 = vector.load %arg5[%swap3A_13, %swap3A_14] : memref<2000x64xf32, #tpu.memory_space<vmem>>, vector<2000x64xf32>
    tpu.vector_store %arg5[%swap3A_13, %swap3A_14], %dot_general3A_12 {strides = array<i32>} : memref<2000x64xf32, #tpu.memory_space<vmem>>, vector<2000x64xf32>,
    return
  }
  func.func @transform_0(%arg0: i32) -> (i32, i32) {
    %c0_i32 = arith.constant 0 : i32
    %c0_i32_0 = arith.constant 0 : i32
    return %arg0, %c0_i32 : i32, i32
  }
  func.func @transform_1(%arg0: i32) -> (i32, i32) {
    %c0_i32 = arith.constant 0 : i32
    %c0_i32_0 = arith.constant 0 : i32
    %c0_i32_1 = arith.constant 0 : i32
    return %c0_i32, %c0_i32_0 : i32, i32
  }
  func.func @transform_2(%arg0: i32) -> (i32, i32) {
    %c0_i32 = arith.constant 0 : i32
    %c0_i32_0 = arith.constant 0 : i32
    %c0_i32_1 = arith.constant 0 : i32
    return %c0_i32, %c0_i32_0 : i32, i32
  }
  func.func @transform_3(%arg0: i32) -> (i32, i32) {
    %c0_i32 = arith.constant 0 : i32
    %c0_i32_0 = arith.constant 0 : i32
    return %arg0, %c0_i32 : i32, i32
  }
  func.func @transform_4(%arg0: i32) -> (i32, i32) {
    %c0_i32 = arith.constant 0 : i32
    %c0_i32_0 = arith.constant 0 : i32
    return %arg0, %c0_i32 : i32, i32
  }
}

module attributes {stable_mosaic.version = 14 : i64} {
  func.func @body(%arg0: i32, %arg1: memref<2000x64xf32, #tpu.memory_space<vmem>>, %arg2: memref<1x64xf32, #tpu.memory_space<vmem>>, %arg3: memref<64x64xf32, #tpu.memory_space<vmem>>, %arg4: memref<1x64xf32, #tpu.memory_space<vmem>>, %arg5: memref<2000x64xf32, #tpu.memory_space<vmem>>, %arg6: memref<1x64xf32, #tpu.memory_space<vmem>>, %arg7: memref<1x64xf32, #tpu.memory_space<vmem>>) attributes {dimension_semantics = [#tpu.dimension_semantics<arbitrary>], iteration_bounds = array<i64: 200>, scalar_prefetch = 0 : i64, scratch_operands = 0 : i64, tpu.core_type = #tpu.core_type<tc>, window_params = [{transform_indices = @transform_0, window_bounds = array<i64: 2000, 64>}, {pipeline_mode = #tpu.pipeline_mode<synchronous>, transform_indices = @transform_1, window_bounds = array<i64: 1, 64>}, {pipeline_mode = #tpu.pipeline_mode<synchronous>, transform_indices = @transform_2, window_bounds = array<i64: 64, 64>}, {pipeline_mode = #tpu.pipeline_mode<synchronous>, transform_indices = @transform_3, window_bounds = array<i64: 1, 64>}, {transform_indices = @transform_4, window_bounds = array<i64: 2000, 64>}, {pipeline_mode = #tpu.pipeline_mode<synchronous>, transform_indices = @transform_5, window_bounds = array<i64: 1, 64>}, {pipeline_mode = #tpu.pipeline_mode<synchronous>, transform_indices = @transform_6, window_bounds = array<i64: 1, 64>}]} {
    %get3A = arith.constant 0 : index
    %get3A_0 = arith.constant 0 : index
    %get3A_1 = vector.load %arg1[%get3A, %get3A_0] : memref<2000x64xf32, #tpu.memory_space<vmem>>, vector<2000x64xf32>
    %get3A_2 = arith.constant 0 : index
    %get3A_3 = arith.constant 0 : index
    %get3A_4 = vector.load %arg2[%get3A_2, %get3A_3] : memref<1x64xf32, #tpu.memory_space<vmem>>, vector<1x64xf32>
    %add3A = vector.broadcast %get3A_4 : vector<1x64xf32> to vector<2000x64xf32>
    %add3A_5 = arith.addf %get3A_1, %add3A : vector<2000x64xf32>
    %max3A = arith.constant 0.000000e+00 : f32
    %max3A_6 = vector.broadcast %max3A : f32 to vector<2000x64xf32>
    %max3A_7 = arith.maximumf %add3A_5, %max3A_6 : vector<2000x64xf32>
    %get3A_8 = arith.constant 0 : index
    %get3A_9 = arith.constant 0 : index
    %get3A_10 = vector.load %arg3[%get3A_8, %get3A_9] : memref<64x64xf32, #tpu.memory_space<vmem>>, vector<64x64xf32>
    %dot_general3A = arith.constant dense<0.000000e+00> : vector<2000x64xf32>
    %dot_general3A_11 = tpu.matmul %max3A_7, %get3A_10, %dot_general3A {dimension_numbers = #tpu.dot_dimension_numbers<[1], [1], [0], [0], [0, 0, 1, 0], [], []>, precision = #tpu.contract_precision<fp32>, transpose_lhs_hint = false} : vector<2000x64xf32>, vector<64x64xf32>, vector<2000x64xf32> -> vector<2000x64xf32>
    %get3A_12 = arith.constant 0 : index
    %get3A_13 = arith.constant 0 : index
    %get3A_14 = vector.load %arg4[%get3A_12, %get3A_13] : memref<1x64xf32, #tpu.memory_space<vmem>>, vector<1x64xf32>
    %add3A_15 = vector.broadcast %get3A_14 : vector<1x64xf32> to vector<2000x64xf32>
    %add3A_16 = arith.addf %dot_general3A_11, %add3A_15 : vector<2000x64xf32>
    %lt3A = arith.constant 25 : i32
    %lt3A_17 = arith.cmpi slt, %arg0, %lt3A : i32
    %convert_element_type3A = arith.extui %lt3A_17 : i1 to i32
    %cond3A = arith.constant 0 : i32
    %cond3A_18 = arith.cmpi ne, %convert_element_type3A, %cond3A : i32
    scf.if %cond3A_18 {
      %swap3A_40 = arith.constant 0 : index
      %swap3A_41 = arith.constant 0 : index
      %swap3A_42 = vector.load %arg5[%swap3A_40, %swap3A_41] : memref<2000x64xf32, #tpu.memory_space<vmem>>, vector<2000x64xf32>
      tpu.vector_store %arg5[%swap3A_40, %swap3A_41], %add3A_16 {strides = array<i32>} : memref<2000x64xf32, #tpu.memory_space<vmem>>, vector<2000x64xf32>,
    } else {
    }
    %eq3A = arith.constant 0 : i32
    %eq3A_19 = arith.cmpi eq, %arg0, %eq3A : i32
    %convert_element_type3A_20 = arith.extui %eq3A_19 : i1 to i32
    %cond3A_21 = arith.constant 0 : i32
    %cond3A_22 = arith.cmpi ne, %convert_element_type3A_20, %cond3A_21 : i32
    scf.if %cond3A_22 {
      %broadcast_in_dim3A_40 = arith.constant 0.000000e+00 : f32
      %broadcast_in_dim3A_41 = vector.broadcast %broadcast_in_dim3A_40 : f32 to vector<1x64xf32>
      %swap3A_42 = arith.constant 0 : index
      %swap3A_43 = arith.constant 0 : index
      %swap3A_44 = vector.load %arg6[%swap3A_42, %swap3A_43] : memref<1x64xf32, #tpu.memory_space<vmem>>, vector<1x64xf32>
      tpu.vector_store %arg6[%swap3A_42, %swap3A_43], %broadcast_in_dim3A_41 {strides = array<i32>} : memref<1x64xf32, #tpu.memory_space<vmem>>, vector<1x64xf32>,
      %broadcast_in_dim3A_45 = arith.constant 0.000000e+00 : f32
      %broadcast_in_dim3A_46 = vector.broadcast %broadcast_in_dim3A_45 : f32 to vector<1x64xf32>
      %swap3A_47 = arith.constant 0 : index
      %swap3A_48 = arith.constant 0 : index
      %swap3A_49 = vector.load %arg7[%swap3A_47, %swap3A_48] : memref<1x64xf32, #tpu.memory_space<vmem>>, vector<1x64xf32>
      tpu.vector_store %arg7[%swap3A_47, %swap3A_48], %broadcast_in_dim3A_46 {strides = array<i32>} : memref<1x64xf32, #tpu.memory_space<vmem>>, vector<1x64xf32>,
    } else {
    }
    %get3A_23 = arith.constant 0 : index
    %get3A_24 = arith.constant 0 : index
    %get3A_25 = vector.load %arg6[%get3A_23, %get3A_24] : memref<1x64xf32, #tpu.memory_space<vmem>>, vector<1x64xf32>
    %reduce_sum3A = arith.constant dense<0.000000e+00> : vector<64xf32>
    %reduce_sum3A_26 = vector.multi_reduction <add>, %add3A_16, %reduce_sum3A [0] : vector<2000x64xf32> to vector<64xf32>
    %broadcast_in_dim3A = vector.shape_cast %reduce_sum3A_26 : vector<64xf32> to vector<1x64xf32>
    %add3A_27 = arith.addf %get3A_25, %broadcast_in_dim3A : vector<1x64xf32>
    %swap3A = arith.constant 0 : index
    %swap3A_28 = arith.constant 0 : index
    %swap3A_29 = vector.load %arg6[%swap3A, %swap3A_28] : memref<1x64xf32, #tpu.memory_space<vmem>>, vector<1x64xf32>
    tpu.vector_store %arg6[%swap3A, %swap3A_28], %add3A_27 {strides = array<i32>} : memref<1x64xf32, #tpu.memory_space<vmem>>, vector<1x64xf32>,
    %get3A_30 = arith.constant 0 : index
    %get3A_31 = arith.constant 0 : index
    %get3A_32 = vector.load %arg7[%get3A_30, %get3A_31] : memref<1x64xf32, #tpu.memory_space<vmem>>, vector<1x64xf32>
    %mul3A = arith.mulf %add3A_16, %add3A_16 : vector<2000x64xf32>
    %reduce_sum3A_33 = arith.constant dense<0.000000e+00> : vector<64xf32>
    %reduce_sum3A_34 = vector.multi_reduction <add>, %mul3A, %reduce_sum3A_33 [0] : vector<2000x64xf32> to vector<64xf32>
    %broadcast_in_dim3A_35 = vector.shape_cast %reduce_sum3A_34 : vector<64xf32> to vector<1x64xf32>
    %add3A_36 = arith.addf %get3A_32, %broadcast_in_dim3A_35 : vector<1x64xf32>
    %swap3A_37 = arith.constant 0 : index
    %swap3A_38 = arith.constant 0 : index
    %swap3A_39 = vector.load %arg7[%swap3A_37, %swap3A_38] : memref<1x64xf32, #tpu.memory_space<vmem>>, vector<1x64xf32>
    tpu.vector_store %arg7[%swap3A_37, %swap3A_38], %add3A_36 {strides = array<i32>} : memref<1x64xf32, #tpu.memory_space<vmem>>, vector<1x64xf32>,
    return
  }
  func.func @transform_0(%arg0: i32) -> (i32, i32) {
    %c0_i32 = arith.constant 0 : i32
    %c0_i32_0 = arith.constant 0 : i32
    return %arg0, %c0_i32 : i32, i32
  }
  func.func @transform_1(%arg0: i32) -> (i32, i32) {
    %c0_i32 = arith.constant 0 : i32
    %c0_i32_0 = arith.constant 0 : i32
    %c0_i32_1 = arith.constant 0 : i32
    return %c0_i32, %c0_i32_0 : i32, i32
  }
  func.func @transform_2(%arg0: i32) -> (i32, i32) {
    %c0_i32 = arith.constant 0 : i32
    %c0_i32_0 = arith.constant 0 : i32
    %c0_i32_1 = arith.constant 0 : i32
    return %c0_i32, %c0_i32_0 : i32, i32
  }
  func.func @transform_3(%arg0: i32) -> (i32, i32) {
    %c0_i32 = arith.constant 0 : i32
    %c0_i32_0 = arith.constant 0 : i32
    %c0_i32_1 = arith.constant 0 : i32
    return %c0_i32, %c0_i32_0 : i32, i32
  }
  func.func @transform_4(%arg0: i32) -> (i32, i32) {
    %min3A = arith.constant 24 : i32
    %min3A_0 = arith.minsi %arg0, %min3A : i32
    %c0_i32 = arith.constant 0 : i32
    %c0_i32_1 = arith.constant 0 : i32
    return %min3A_0, %c0_i32 : i32, i32
  }
  func.func @transform_5(%arg0: i32) -> (i32, i32) {
    %c0_i32 = arith.constant 0 : i32
    %c0_i32_0 = arith.constant 0 : i32
    %c0_i32_1 = arith.constant 0 : i32
    return %c0_i32, %c0_i32_0 : i32, i32
  }
  func.func @transform_6(%arg0: i32) -> (i32, i32) {
    %c0_i32 = arith.constant 0 : i32
    %c0_i32_0 = arith.constant 0 : i32
    %c0_i32_1 = arith.constant 0 : i32
    return %c0_i32, %c0_i32_0 : i32, i32
  }
}

module attributes {stable_mosaic.version = 14 : i64} {
  func.func @body(%arg0: i32, %arg1: memref<2000x64xf32, #tpu.memory_space<vmem>>, %arg2: memref<1x64xf32, #tpu.memory_space<vmem>>, %arg3: memref<64x64xf32, #tpu.memory_space<vmem>>, %arg4: memref<1x64xf32, #tpu.memory_space<vmem>>, %arg5: memref<1x64xf32, #tpu.memory_space<vmem>>, %arg6: memref<1x64xf32, #tpu.memory_space<vmem>>) attributes {dimension_semantics = [#tpu.dimension_semantics<arbitrary>], iteration_bounds = array<i64: 200>, scalar_prefetch = 0 : i64, scratch_operands = 0 : i64, tpu.core_type = #tpu.core_type<tc>, window_params = [{transform_indices = @transform_0, window_bounds = array<i64: 2000, 64>}, {pipeline_mode = #tpu.pipeline_mode<synchronous>, transform_indices = @transform_1, window_bounds = array<i64: 1, 64>}, {pipeline_mode = #tpu.pipeline_mode<synchronous>, transform_indices = @transform_2, window_bounds = array<i64: 64, 64>}, {pipeline_mode = #tpu.pipeline_mode<synchronous>, transform_indices = @transform_3, window_bounds = array<i64: 1, 64>}, {pipeline_mode = #tpu.pipeline_mode<synchronous>, transform_indices = @transform_4, window_bounds = array<i64: 1, 64>}, {pipeline_mode = #tpu.pipeline_mode<synchronous>, transform_indices = @transform_5, window_bounds = array<i64: 1, 64>}]} {
    %get3A = arith.constant 0 : index
    %get3A_0 = arith.constant 0 : index
    %get3A_1 = vector.load %arg1[%get3A, %get3A_0] : memref<2000x64xf32, #tpu.memory_space<vmem>>, vector<2000x64xf32>
    %get3A_2 = arith.constant 0 : index
    %get3A_3 = arith.constant 0 : index
    %get3A_4 = vector.load %arg2[%get3A_2, %get3A_3] : memref<1x64xf32, #tpu.memory_space<vmem>>, vector<1x64xf32>
    %add3A = vector.broadcast %get3A_4 : vector<1x64xf32> to vector<2000x64xf32>
    %add3A_5 = arith.addf %get3A_1, %add3A : vector<2000x64xf32>
    %max3A = arith.constant 0.000000e+00 : f32
    %max3A_6 = vector.broadcast %max3A : f32 to vector<2000x64xf32>
    %max3A_7 = arith.maximumf %add3A_5, %max3A_6 : vector<2000x64xf32>
    %get3A_8 = arith.constant 0 : index
    %get3A_9 = arith.constant 0 : index
    %get3A_10 = vector.load %arg3[%get3A_8, %get3A_9] : memref<64x64xf32, #tpu.memory_space<vmem>>, vector<64x64xf32>
    %dot_general3A = arith.constant dense<0.000000e+00> : vector<2000x64xf32>
    %dot_general3A_11 = tpu.matmul %max3A_7, %get3A_10, %dot_general3A {dimension_numbers = #tpu.dot_dimension_numbers<[1], [1], [0], [0], [0, 0, 1, 0], [], []>, precision = #tpu.contract_precision<fp32>, transpose_lhs_hint = false} : vector<2000x64xf32>, vector<64x64xf32>, vector<2000x64xf32> -> vector<2000x64xf32>
    %get3A_12 = arith.constant 0 : index
    %get3A_13 = arith.constant 0 : index
    %get3A_14 = vector.load %arg4[%get3A_12, %get3A_13] : memref<1x64xf32, #tpu.memory_space<vmem>>, vector<1x64xf32>
    %add3A_15 = vector.broadcast %get3A_14 : vector<1x64xf32> to vector<2000x64xf32>
    %add3A_16 = arith.addf %dot_general3A_11, %add3A_15 : vector<2000x64xf32>
    %eq3A = arith.constant 0 : i32
    %eq3A_17 = arith.cmpi eq, %arg0, %eq3A : i32
    %convert_element_type3A = arith.extui %eq3A_17 : i1 to i32
    %cond3A = arith.constant 0 : i32
    %cond3A_18 = arith.cmpi ne, %convert_element_type3A, %cond3A : i32
    scf.if %cond3A_18 {
      %broadcast_in_dim3A_36 = arith.constant 0.000000e+00 : f32
      %broadcast_in_dim3A_37 = vector.broadcast %broadcast_in_dim3A_36 : f32 to vector<1x64xf32>
      %swap3A_38 = arith.constant 0 : index
      %swap3A_39 = arith.constant 0 : index
      %swap3A_40 = vector.load %arg5[%swap3A_38, %swap3A_39] : memref<1x64xf32, #tpu.memory_space<vmem>>, vector<1x64xf32>
      tpu.vector_store %arg5[%swap3A_38, %swap3A_39], %broadcast_in_dim3A_37 {strides = array<i32>} : memref<1x64xf32, #tpu.memory_space<vmem>>, vector<1x64xf32>,
      %broadcast_in_dim3A_41 = arith.constant 0.000000e+00 : f32
      %broadcast_in_dim3A_42 = vector.broadcast %broadcast_in_dim3A_41 : f32 to vector<1x64xf32>
      %swap3A_43 = arith.constant 0 : index
      %swap3A_44 = arith.constant 0 : index
      %swap3A_45 = vector.load %arg6[%swap3A_43, %swap3A_44] : memref<1x64xf32, #tpu.memory_space<vmem>>, vector<1x64xf32>
      tpu.vector_store %arg6[%swap3A_43, %swap3A_44], %broadcast_in_dim3A_42 {strides = array<i32>} : memref<1x64xf32, #tpu.memory_space<vmem>>, vector<1x64xf32>,
    } else {
    }
    %get3A_19 = arith.constant 0 : index
    %get3A_20 = arith.constant 0 : index
    %get3A_21 = vector.load %arg5[%get3A_19, %get3A_20] : memref<1x64xf32, #tpu.memory_space<vmem>>, vector<1x64xf32>
    %reduce_sum3A = arith.constant dense<0.000000e+00> : vector<64xf32>
    %reduce_sum3A_22 = vector.multi_reduction <add>, %add3A_16, %reduce_sum3A [0] : vector<2000x64xf32> to vector<64xf32>
    %broadcast_in_dim3A = vector.shape_cast %reduce_sum3A_22 : vector<64xf32> to vector<1x64xf32>
    %add3A_23 = arith.addf %get3A_21, %broadcast_in_dim3A : vector<1x64xf32>
    %swap3A = arith.constant 0 : index
    %swap3A_24 = arith.constant 0 : index
    %swap3A_25 = vector.load %arg5[%swap3A, %swap3A_24] : memref<1x64xf32, #tpu.memory_space<vmem>>, vector<1x64xf32>
    tpu.vector_store %arg5[%swap3A, %swap3A_24], %add3A_23 {strides = array<i32>} : memref<1x64xf32, #tpu.memory_space<vmem>>, vector<1x64xf32>,
    %get3A_26 = arith.constant 0 : index
    %get3A_27 = arith.constant 0 : index
    %get3A_28 = vector.load %arg6[%get3A_26, %get3A_27] : memref<1x64xf32, #tpu.memory_space<vmem>>, vector<1x64xf32>
    %mul3A = arith.mulf %add3A_16, %add3A_16 : vector<2000x64xf32>
    %reduce_sum3A_29 = arith.constant dense<0.000000e+00> : vector<64xf32>
    %reduce_sum3A_30 = vector.multi_reduction <add>, %mul3A, %reduce_sum3A_29 [0] : vector<2000x64xf32> to vector<64xf32>
    %broadcast_in_dim3A_31 = vector.shape_cast %reduce_sum3A_30 : vector<64xf32> to vector<1x64xf32>
    %add3A_32 = arith.addf %get3A_28, %broadcast_in_dim3A_31 : vector<1x64xf32>
    %swap3A_33 = arith.constant 0 : index
    %swap3A_34 = arith.constant 0 : index
    %swap3A_35 = vector.load %arg6[%swap3A_33, %swap3A_34] : memref<1x64xf32, #tpu.memory_space<vmem>>, vector<1x64xf32>
    tpu.vector_store %arg6[%swap3A_33, %swap3A_34], %add3A_32 {strides = array<i32>} : memref<1x64xf32, #tpu.memory_space<vmem>>, vector<1x64xf32>,
    return
  }
  func.func @transform_0(%arg0: i32) -> (i32, i32) {
    %c0_i32 = arith.constant 0 : i32
    %c0_i32_0 = arith.constant 0 : i32
    return %arg0, %c0_i32 : i32, i32
  }
  func.func @transform_1(%arg0: i32) -> (i32, i32) {
    %c0_i32 = arith.constant 0 : i32
    %c0_i32_0 = arith.constant 0 : i32
    %c0_i32_1 = arith.constant 0 : i32
    return %c0_i32, %c0_i32_0 : i32, i32
  }
  func.func @transform_2(%arg0: i32) -> (i32, i32) {
    %c0_i32 = arith.constant 0 : i32
    %c0_i32_0 = arith.constant 0 : i32
    %c0_i32_1 = arith.constant 0 : i32
    return %c0_i32, %c0_i32_0 : i32, i32
  }
  func.func @transform_3(%arg0: i32) -> (i32, i32) {
    %c0_i32 = arith.constant 0 : i32
    %c0_i32_0 = arith.constant 0 : i32
    %c0_i32_1 = arith.constant 0 : i32
    return %c0_i32, %c0_i32_0 : i32, i32
  }
  func.func @transform_4(%arg0: i32) -> (i32, i32) {
    %c0_i32 = arith.constant 0 : i32
    %c0_i32_0 = arith.constant 0 : i32
    %c0_i32_1 = arith.constant 0 : i32
    return %c0_i32, %c0_i32_0 : i32, i32
  }
  func.func @transform_5(%arg0: i32) -> (i32, i32) {
    %c0_i32 = arith.constant 0 : i32
    %c0_i32_0 = arith.constant 0 : i32
    %c0_i32_1 = arith.constant 0 : i32
    return %c0_i32, %c0_i32_0 : i32, i32
  }
}

module attributes {stable_mosaic.version = 14 : i64} {
  func.func @body(%arg0: i32, %arg1: memref<2000x64xf32, #tpu.memory_space<vmem>>, %arg2: memref<1x64xf32, #tpu.memory_space<vmem>>, %arg3: memref<1x64xf32, #tpu.memory_space<vmem>>, %arg4: memref<1x64xf32, #tpu.memory_space<vmem>>, %arg5: memref<1x64xf32, #tpu.memory_space<vmem>>, %arg6: memref<1x64xf32, #tpu.memory_space<vmem>>, %arg7: memref<1x64xf32, #tpu.memory_space<vmem>>, %arg8: memref<128x64xf32, #tpu.memory_space<vmem>>, %arg9: memref<128x64xf32, #tpu.memory_space<vmem>>, %arg10: memref<2000x128xf32, #tpu.memory_space<vmem>>, %arg11: memref<2000x128xf32, #tpu.memory_space<vmem>>) attributes {dimension_semantics = [#tpu.dimension_semantics<arbitrary>], iteration_bounds = array<i64: 25>, scalar_prefetch = 0 : i64, scratch_operands = 0 : i64, tpu.core_type = #tpu.core_type<tc>, window_params = [{transform_indices = @transform_0, window_bounds = array<i64: 2000, 64>}, {pipeline_mode = #tpu.pipeline_mode<synchronous>, transform_indices = @transform_1, window_bounds = array<i64: 1, 64>}, {pipeline_mode = #tpu.pipeline_mode<synchronous>, transform_indices = @transform_2, window_bounds = array<i64: 1, 64>}, {pipeline_mode = #tpu.pipeline_mode<synchronous>, transform_indices = @transform_3, window_bounds = array<i64: 1, 64>}, {pipeline_mode = #tpu.pipeline_mode<synchronous>, transform_indices = @transform_4, window_bounds = array<i64: 1, 64>}, {pipeline_mode = #tpu.pipeline_mode<synchronous>, transform_indices = @transform_5, window_bounds = array<i64: 1, 64>}, {pipeline_mode = #tpu.pipeline_mode<synchronous>, transform_indices = @transform_6, window_bounds = array<i64: 1, 64>}, {pipeline_mode = #tpu.pipeline_mode<synchronous>, transform_indices = @transform_7, window_bounds = array<i64: 128, 64>}, {pipeline_mode = #tpu.pipeline_mode<synchronous>, transform_indices = @transform_8, window_bounds = array<i64: 128, 64>}, {transform_indices = @transform_9, window_bounds = array<i64: 2000, 128>}, {transform_indices = @transform_10, window_bounds = array<i64: 2000, 128>}]} {
    %get3A = arith.constant 0 : index
    %get3A_0 = arith.constant 0 : index
    %get3A_1 = vector.load %arg2[%get3A, %get3A_0] : memref<1x64xf32, #tpu.memory_space<vmem>>, vector<1x64xf32>
    %get3A_2 = arith.constant 0 : index
    %get3A_3 = arith.constant 0 : index
    %get3A_4 = vector.load %arg4[%get3A_2, %get3A_3] : memref<1x64xf32, #tpu.memory_space<vmem>>, vector<1x64xf32>
    %add3A = arith.addf %get3A_1, %get3A_4 : vector<1x64xf32>
    %div3A = arith.constant 8.000000e+05 : f32
    %div3A_5 = vector.broadcast %div3A : f32 to vector<1x64xf32>
    %div3A_6 = arith.divf %add3A, %div3A_5 : vector<1x64xf32>
    %get3A_7 = arith.constant 0 : index
    %get3A_8 = arith.constant 0 : index
    %get3A_9 = vector.load %arg3[%get3A_7, %get3A_8] : memref<1x64xf32, #tpu.memory_space<vmem>>, vector<1x64xf32>
    %get3A_10 = arith.constant 0 : index
    %get3A_11 = arith.constant 0 : index
    %get3A_12 = vector.load %arg5[%get3A_10, %get3A_11] : memref<1x64xf32, #tpu.memory_space<vmem>>, vector<1x64xf32>
    %add3A_13 = arith.addf %get3A_9, %get3A_12 : vector<1x64xf32>
    %div3A_14 = arith.constant 8.000000e+05 : f32
    %div3A_15 = vector.broadcast %div3A_14 : f32 to vector<1x64xf32>
    %div3A_16 = arith.divf %add3A_13, %div3A_15 : vector<1x64xf32>
    %mul3A = arith.mulf %div3A_6, %div3A_6 : vector<1x64xf32>
    %sub3A = arith.subf %div3A_16, %mul3A : vector<1x64xf32>
    %get3A_17 = arith.constant 0 : index
    %get3A_18 = arith.constant 0 : index
    %get3A_19 = vector.load %arg6[%get3A_17, %get3A_18] : memref<1x64xf32, #tpu.memory_space<vmem>>, vector<1x64xf32>
    %add3A_20 = arith.constant 9.99999974E-6 : f32
    %add3A_21 = vector.broadcast %add3A_20 : f32 to vector<1x64xf32>
    %add3A_22 = arith.addf %sub3A, %add3A_21 : vector<1x64xf32>
    %rsqrt3A = math.rsqrt %add3A_22 : vector<1x64xf32>
    %mul3A_23 = arith.mulf %get3A_19, %rsqrt3A : vector<1x64xf32>
    %get3A_24 = arith.constant 0 : index
    %get3A_25 = arith.constant 0 : index
    %get3A_26 = vector.load %arg7[%get3A_24, %get3A_25] : memref<1x64xf32, #tpu.memory_space<vmem>>, vector<1x64xf32>
    %mul3A_27 = arith.mulf %div3A_6, %mul3A_23 : vector<1x64xf32>
    %sub3A_28 = arith.subf %get3A_26, %mul3A_27 : vector<1x64xf32>
    %get3A_29 = arith.constant 0 : index
    %get3A_30 = arith.constant 0 : index
    %get3A_31 = vector.load %arg1[%get3A_29, %get3A_30] : memref<2000x64xf32, #tpu.memory_space<vmem>>, vector<2000x64xf32>
    %mul3A_32 = vector.broadcast %mul3A_23 : vector<1x64xf32> to vector<2000x64xf32>
    %mul3A_33 = arith.mulf %get3A_31, %mul3A_32 : vector<2000x64xf32>
    %add3A_34 = vector.broadcast %sub3A_28 : vector<1x64xf32> to vector<2000x64xf32>
    %add3A_35 = arith.addf %mul3A_33, %add3A_34 : vector<2000x64xf32>
    %max3A = arith.constant 0.000000e+00 : f32
    %max3A_36 = vector.broadcast %max3A : f32 to vector<2000x64xf32>
    %max3A_37 = arith.maximumf %add3A_35, %max3A_36 : vector<2000x64xf32>
    %get3A_38 = arith.constant 0 : index
    %get3A_39 = arith.constant 0 : index
    %get3A_40 = vector.load %arg8[%get3A_38, %get3A_39] : memref<128x64xf32, #tpu.memory_space<vmem>>, vector<128x64xf32>
    %dot_general3A = arith.constant dense<0.000000e+00> : vector<2000x128xf32>
    %dot_general3A_41 = tpu.matmul %max3A_37, %get3A_40, %dot_general3A {dimension_numbers = #tpu.dot_dimension_numbers<[1], [1], [0], [0], [0, 0, 1, 0], [], []>, precision = #tpu.contract_precision<fp32>, transpose_lhs_hint = false} : vector<2000x64xf32>, vector<128x64xf32>, vector<2000x128xf32> -> vector<2000x128xf32>
    %swap3A = arith.constant 0 : index
    %swap3A_42 = arith.constant 0 : index
    %swap3A_43 = vector.load %arg10[%swap3A, %swap3A_42] : memref<2000x128xf32, #tpu.memory_space<vmem>>, vector<2000x128xf32>
    tpu.vector_store %arg10[%swap3A, %swap3A_42], %dot_general3A_41 {strides = array<i32>} : memref<2000x128xf32, #tpu.memory_space<vmem>>, vector<2000x128xf32>,
    %get3A_44 = arith.constant 0 : index
    %get3A_45 = arith.constant 0 : index
    %get3A_46 = vector.load %arg9[%get3A_44, %get3A_45] : memref<128x64xf32, #tpu.memory_space<vmem>>, vector<128x64xf32>
    %dot_general3A_47 = arith.constant dense<0.000000e+00> : vector<2000x128xf32>
    %dot_general3A_48 = tpu.matmul %max3A_37, %get3A_46, %dot_general3A_47 {dimension_numbers = #tpu.dot_dimension_numbers<[1], [1], [0], [0], [0, 0, 1, 0], [], []>, precision = #tpu.contract_precision<fp32>, transpose_lhs_hint = false} : vector<2000x64xf32>, vector<128x64xf32>, vector<2000x128xf32> -> vector<2000x128xf32>
    %swap3A_49 = arith.constant 0 : index
    %swap3A_50 = arith.constant 0 : index
    %swap3A_51 = vector.load %arg11[%swap3A_49, %swap3A_50] : memref<2000x128xf32, #tpu.memory_space<vmem>>, vector<2000x128xf32>
    tpu.vector_store %arg11[%swap3A_49, %swap3A_50], %dot_general3A_48 {strides = array<i32>} : memref<2000x128xf32, #tpu.memory_space<vmem>>, vector<2000x128xf32>,
    return
  }
  func.func @transform_0(%arg0: i32) -> (i32, i32) {
    %c0_i32 = arith.constant 0 : i32
    %c0_i32_0 = arith.constant 0 : i32
    return %arg0, %c0_i32 : i32, i32
  }
  func.func @transform_1(%arg0: i32) -> (i32, i32) {
    %c0_i32 = arith.constant 0 : i32
    %c0_i32_0 = arith.constant 0 : i32
    %c0_i32_1 = arith.constant 0 : i32
    return %c0_i32, %c0_i32_0 : i32, i32
  }
  func.func @transform_2(%arg0: i32) -> (i32, i32) {
    %c0_i32 = arith.constant 0 : i32
    %c0_i32_0 = arith.constant 0 : i32
    %c0_i32_1 = arith.constant 0 : i32
    return %c0_i32, %c0_i32_0 : i32, i32
  }
  func.func @transform_3(%arg0: i32) -> (i32, i32) {
    %c0_i32 = arith.constant 0 : i32
    %c0_i32_0 = arith.constant 0 : i32
    %c0_i32_1 = arith.constant 0 : i32
    return %c0_i32, %c0_i32_0 : i32, i32
  }
  func.func @transform_4(%arg0: i32) -> (i32, i32) {
    %c0_i32 = arith.constant 0 : i32
    %c0_i32_0 = arith.constant 0 : i32
    %c0_i32_1 = arith.constant 0 : i32
    return %c0_i32, %c0_i32_0 : i32, i32
  }
  func.func @transform_5(%arg0: i32) -> (i32, i32) {
    %c0_i32 = arith.constant 0 : i32
    %c0_i32_0 = arith.constant 0 : i32
    %c0_i32_1 = arith.constant 0 : i32
    return %c0_i32, %c0_i32_0 : i32, i32
  }
  func.func @transform_6(%arg0: i32) -> (i32, i32) {
    %c0_i32 = arith.constant 0 : i32
    %c0_i32_0 = arith.constant 0 : i32
    %c0_i32_1 = arith.constant 0 : i32
    return %c0_i32, %c0_i32_0 : i32, i32
  }
  func.func @transform_7(%arg0: i32) -> (i32, i32) {
    %c0_i32 = arith.constant 0 : i32
    %c0_i32_0 = arith.constant 0 : i32
    %c0_i32_1 = arith.constant 0 : i32
    return %c0_i32, %c0_i32_0 : i32, i32
  }
  func.func @transform_8(%arg0: i32) -> (i32, i32) {
    %c0_i32 = arith.constant 0 : i32
    %c0_i32_0 = arith.constant 0 : i32
    %c0_i32_1 = arith.constant 0 : i32
    return %c0_i32, %c0_i32_0 : i32, i32
  }
  func.func @transform_9(%arg0: i32) -> (i32, i32) {
    %c0_i32 = arith.constant 0 : i32
    %c0_i32_0 = arith.constant 0 : i32
    return %arg0, %c0_i32 : i32, i32
  }
  func.func @transform_10(%arg0: i32) -> (i32, i32) {
    %c0_i32 = arith.constant 0 : i32
    %c0_i32_0 = arith.constant 0 : i32
    return %arg0, %c0_i32 : i32, i32
  }
}

module attributes {stable_mosaic.version = 14 : i64} {
  func.func @body(%arg0: i32, %arg1: memref<2000x128xf32, #tpu.memory_space<vmem>>, %arg2: memref<1x128xf32, #tpu.memory_space<vmem>>, %arg3: memref<128x128xf32, #tpu.memory_space<vmem>>, %arg4: memref<1x128xf32, #tpu.memory_space<vmem>>, %arg5: memref<1x128xf32, #tpu.memory_space<vmem>>, %arg6: memref<1x128xf32, #tpu.memory_space<vmem>>) attributes {dimension_semantics = [#tpu.dimension_semantics<arbitrary>], iteration_bounds = array<i64: 200>, scalar_prefetch = 0 : i64, scratch_operands = 0 : i64, tpu.core_type = #tpu.core_type<tc>, window_params = [{transform_indices = @transform_0, window_bounds = array<i64: 2000, 128>}, {pipeline_mode = #tpu.pipeline_mode<synchronous>, transform_indices = @transform_1, window_bounds = array<i64: 1, 128>}, {pipeline_mode = #tpu.pipeline_mode<synchronous>, transform_indices = @transform_2, window_bounds = array<i64: 128, 128>}, {pipeline_mode = #tpu.pipeline_mode<synchronous>, transform_indices = @transform_3, window_bounds = array<i64: 1, 128>}, {pipeline_mode = #tpu.pipeline_mode<synchronous>, transform_indices = @transform_4, window_bounds = array<i64: 1, 128>}, {pipeline_mode = #tpu.pipeline_mode<synchronous>, transform_indices = @transform_5, window_bounds = array<i64: 1, 128>}]} {
    %get3A = arith.constant 0 : index
    %get3A_0 = arith.constant 0 : index
    %get3A_1 = vector.load %arg1[%get3A, %get3A_0] : memref<2000x128xf32, #tpu.memory_space<vmem>>, vector<2000x128xf32>
    %get3A_2 = arith.constant 0 : index
    %get3A_3 = arith.constant 0 : index
    %get3A_4 = vector.load %arg2[%get3A_2, %get3A_3] : memref<1x128xf32, #tpu.memory_space<vmem>>, vector<1x128xf32>
    %add3A = vector.broadcast %get3A_4 : vector<1x128xf32> to vector<2000x128xf32>
    %add3A_5 = arith.addf %get3A_1, %add3A : vector<2000x128xf32>
    %max3A = arith.constant 0.000000e+00 : f32
    %max3A_6 = vector.broadcast %max3A : f32 to vector<2000x128xf32>
    %max3A_7 = arith.maximumf %add3A_5, %max3A_6 : vector<2000x128xf32>
    %get3A_8 = arith.constant 0 : index
    %get3A_9 = arith.constant 0 : index
    %get3A_10 = vector.load %arg3[%get3A_8, %get3A_9] : memref<128x128xf32, #tpu.memory_space<vmem>>, vector<128x128xf32>
    %dot_general3A = arith.constant dense<0.000000e+00> : vector<2000x128xf32>
    %dot_general3A_11 = tpu.matmul %max3A_7, %get3A_10, %dot_general3A {dimension_numbers = #tpu.dot_dimension_numbers<[1], [1], [0], [0], [0, 0, 1, 0], [], []>, precision = #tpu.contract_precision<fp32>, transpose_lhs_hint = false} : vector<2000x128xf32>, vector<128x128xf32>, vector<2000x128xf32> -> vector<2000x128xf32>
    %get3A_12 = arith.constant 0 : index
    %get3A_13 = arith.constant 0 : index
    %get3A_14 = vector.load %arg4[%get3A_12, %get3A_13] : memref<1x128xf32, #tpu.memory_space<vmem>>, vector<1x128xf32>
    %add3A_15 = vector.broadcast %get3A_14 : vector<1x128xf32> to vector<2000x128xf32>
    %add3A_16 = arith.addf %dot_general3A_11, %add3A_15 : vector<2000x128xf32>
    %eq3A = arith.constant 0 : i32
    %eq3A_17 = arith.cmpi eq, %arg0, %eq3A : i32
    %convert_element_type3A = arith.extui %eq3A_17 : i1 to i32
    %cond3A = arith.constant 0 : i32
    %cond3A_18 = arith.cmpi ne, %convert_element_type3A, %cond3A : i32
    scf.if %cond3A_18 {
      %broadcast_in_dim3A_36 = arith.constant 0.000000e+00 : f32
      %broadcast_in_dim3A_37 = vector.broadcast %broadcast_in_dim3A_36 : f32 to vector<1x128xf32>
      %swap3A_38 = arith.constant 0 : index
      %swap3A_39 = arith.constant 0 : index
      %swap3A_40 = vector.load %arg5[%swap3A_38, %swap3A_39] : memref<1x128xf32, #tpu.memory_space<vmem>>, vector<1x128xf32>
      tpu.vector_store %arg5[%swap3A_38, %swap3A_39], %broadcast_in_dim3A_37 {strides = array<i32>} : memref<1x128xf32, #tpu.memory_space<vmem>>, vector<1x128xf32>,
      %broadcast_in_dim3A_41 = arith.constant 0.000000e+00 : f32
      %broadcast_in_dim3A_42 = vector.broadcast %broadcast_in_dim3A_41 : f32 to vector<1x128xf32>
      %swap3A_43 = arith.constant 0 : index
      %swap3A_44 = arith.constant 0 : index
      %swap3A_45 = vector.load %arg6[%swap3A_43, %swap3A_44] : memref<1x128xf32, #tpu.memory_space<vmem>>, vector<1x128xf32>
      tpu.vector_store %arg6[%swap3A_43, %swap3A_44], %broadcast_in_dim3A_42 {strides = array<i32>} : memref<1x128xf32, #tpu.memory_space<vmem>>, vector<1x128xf32>,
    } else {
    }
    %get3A_19 = arith.constant 0 : index
    %get3A_20 = arith.constant 0 : index
    %get3A_21 = vector.load %arg5[%get3A_19, %get3A_20] : memref<1x128xf32, #tpu.memory_space<vmem>>, vector<1x128xf32>
    %reduce_sum3A = arith.constant dense<0.000000e+00> : vector<128xf32>
    %reduce_sum3A_22 = vector.multi_reduction <add>, %add3A_16, %reduce_sum3A [0] : vector<2000x128xf32> to vector<128xf32>
    %broadcast_in_dim3A = vector.shape_cast %reduce_sum3A_22 : vector<128xf32> to vector<1x128xf32>
    %add3A_23 = arith.addf %get3A_21, %broadcast_in_dim3A : vector<1x128xf32>
    %swap3A = arith.constant 0 : index
    %swap3A_24 = arith.constant 0 : index
    %swap3A_25 = vector.load %arg5[%swap3A, %swap3A_24] : memref<1x128xf32, #tpu.memory_space<vmem>>, vector<1x128xf32>
    tpu.vector_store %arg5[%swap3A, %swap3A_24], %add3A_23 {strides = array<i32>} : memref<1x128xf32, #tpu.memory_space<vmem>>, vector<1x128xf32>,
    %get3A_26 = arith.constant 0 : index
    %get3A_27 = arith.constant 0 : index
    %get3A_28 = vector.load %arg6[%get3A_26, %get3A_27] : memref<1x128xf32, #tpu.memory_space<vmem>>, vector<1x128xf32>
    %mul3A = arith.mulf %add3A_16, %add3A_16 : vector<2000x128xf32>
    %reduce_sum3A_29 = arith.constant dense<0.000000e+00> : vector<128xf32>
    %reduce_sum3A_30 = vector.multi_reduction <add>, %mul3A, %reduce_sum3A_29 [0] : vector<2000x128xf32> to vector<128xf32>
    %broadcast_in_dim3A_31 = vector.shape_cast %reduce_sum3A_30 : vector<128xf32> to vector<1x128xf32>
    %add3A_32 = arith.addf %get3A_28, %broadcast_in_dim3A_31 : vector<1x128xf32>
    %swap3A_33 = arith.constant 0 : index
    %swap3A_34 = arith.constant 0 : index
    %swap3A_35 = vector.load %arg6[%swap3A_33, %swap3A_34] : memref<1x128xf32, #tpu.memory_space<vmem>>, vector<1x128xf32>
    tpu.vector_store %arg6[%swap3A_33, %swap3A_34], %add3A_32 {strides = array<i32>} : memref<1x128xf32, #tpu.memory_space<vmem>>, vector<1x128xf32>,
    return
  }
  func.func @transform_0(%arg0: i32) -> (i32, i32) {
    %c0_i32 = arith.constant 0 : i32
    %c0_i32_0 = arith.constant 0 : i32
    return %arg0, %c0_i32 : i32, i32
  }
  func.func @transform_1(%arg0: i32) -> (i32, i32) {
    %c0_i32 = arith.constant 0 : i32
    %c0_i32_0 = arith.constant 0 : i32
    %c0_i32_1 = arith.constant 0 : i32
    return %c0_i32, %c0_i32_0 : i32, i32
  }
  func.func @transform_2(%arg0: i32) -> (i32, i32) {
    %c0_i32 = arith.constant 0 : i32
    %c0_i32_0 = arith.constant 0 : i32
    %c0_i32_1 = arith.constant 0 : i32
    return %c0_i32, %c0_i32_0 : i32, i32
  }
  func.func @transform_3(%arg0: i32) -> (i32, i32) {
    %c0_i32 = arith.constant 0 : i32
    %c0_i32_0 = arith.constant 0 : i32
    %c0_i32_1 = arith.constant 0 : i32
    return %c0_i32, %c0_i32_0 : i32, i32
  }
  func.func @transform_4(%arg0: i32) -> (i32, i32) {
    %c0_i32 = arith.constant 0 : i32
    %c0_i32_0 = arith.constant 0 : i32
    %c0_i32_1 = arith.constant 0 : i32
    return %c0_i32, %c0_i32_0 : i32, i32
  }
  func.func @transform_5(%arg0: i32) -> (i32, i32) {
    %c0_i32 = arith.constant 0 : i32
    %c0_i32_0 = arith.constant 0 : i32
    %c0_i32_1 = arith.constant 0 : i32
    return %c0_i32, %c0_i32_0 : i32, i32
  }
}

module attributes {stable_mosaic.version = 14 : i64} {
  func.func @body(%arg0: i32, %arg1: memref<2000x128xf32, #tpu.memory_space<vmem>>, %arg2: memref<1x128xf32, #tpu.memory_space<vmem>>, %arg3: memref<128x128xf32, #tpu.memory_space<vmem>>, %arg4: memref<1x128xf32, #tpu.memory_space<vmem>>, %arg5: memref<2000x128xf32, #tpu.memory_space<vmem>>, %arg6: memref<1x128xf32, #tpu.memory_space<vmem>>, %arg7: memref<1x128xf32, #tpu.memory_space<vmem>>) attributes {dimension_semantics = [#tpu.dimension_semantics<arbitrary>], iteration_bounds = array<i64: 200>, scalar_prefetch = 0 : i64, scratch_operands = 0 : i64, tpu.core_type = #tpu.core_type<tc>, window_params = [{transform_indices = @transform_0, window_bounds = array<i64: 2000, 128>}, {pipeline_mode = #tpu.pipeline_mode<synchronous>, transform_indices = @transform_1, window_bounds = array<i64: 1, 128>}, {pipeline_mode = #tpu.pipeline_mode<synchronous>, transform_indices = @transform_2, window_bounds = array<i64: 128, 128>}, {pipeline_mode = #tpu.pipeline_mode<synchronous>, transform_indices = @transform_3, window_bounds = array<i64: 1, 128>}, {transform_indices = @transform_4, window_bounds = array<i64: 2000, 128>}, {pipeline_mode = #tpu.pipeline_mode<synchronous>, transform_indices = @transform_5, window_bounds = array<i64: 1, 128>}, {pipeline_mode = #tpu.pipeline_mode<synchronous>, transform_indices = @transform_6, window_bounds = array<i64: 1, 128>}]} {
    %get3A = arith.constant 0 : index
    %get3A_0 = arith.constant 0 : index
    %get3A_1 = vector.load %arg1[%get3A, %get3A_0] : memref<2000x128xf32, #tpu.memory_space<vmem>>, vector<2000x128xf32>
    %get3A_2 = arith.constant 0 : index
    %get3A_3 = arith.constant 0 : index
    %get3A_4 = vector.load %arg2[%get3A_2, %get3A_3] : memref<1x128xf32, #tpu.memory_space<vmem>>, vector<1x128xf32>
    %add3A = vector.broadcast %get3A_4 : vector<1x128xf32> to vector<2000x128xf32>
    %add3A_5 = arith.addf %get3A_1, %add3A : vector<2000x128xf32>
    %max3A = arith.constant 0.000000e+00 : f32
    %max3A_6 = vector.broadcast %max3A : f32 to vector<2000x128xf32>
    %max3A_7 = arith.maximumf %add3A_5, %max3A_6 : vector<2000x128xf32>
    %get3A_8 = arith.constant 0 : index
    %get3A_9 = arith.constant 0 : index
    %get3A_10 = vector.load %arg3[%get3A_8, %get3A_9] : memref<128x128xf32, #tpu.memory_space<vmem>>, vector<128x128xf32>
    %dot_general3A = arith.constant dense<0.000000e+00> : vector<2000x128xf32>
    %dot_general3A_11 = tpu.matmul %max3A_7, %get3A_10, %dot_general3A {dimension_numbers = #tpu.dot_dimension_numbers<[1], [1], [0], [0], [0, 0, 1, 0], [], []>, precision = #tpu.contract_precision<fp32>, transpose_lhs_hint = false} : vector<2000x128xf32>, vector<128x128xf32>, vector<2000x128xf32> -> vector<2000x128xf32>
    %get3A_12 = arith.constant 0 : index
    %get3A_13 = arith.constant 0 : index
    %get3A_14 = vector.load %arg4[%get3A_12, %get3A_13] : memref<1x128xf32, #tpu.memory_space<vmem>>, vector<1x128xf32>
    %add3A_15 = vector.broadcast %get3A_14 : vector<1x128xf32> to vector<2000x128xf32>
    %add3A_16 = arith.addf %dot_general3A_11, %add3A_15 : vector<2000x128xf32>
    %lt3A = arith.constant 25 : i32
    %lt3A_17 = arith.cmpi slt, %arg0, %lt3A : i32
    %convert_element_type3A = arith.extui %lt3A_17 : i1 to i32
    %cond3A = arith.constant 0 : i32
    %cond3A_18 = arith.cmpi ne, %convert_element_type3A, %cond3A : i32
    scf.if %cond3A_18 {
      %swap3A_40 = arith.constant 0 : index
      %swap3A_41 = arith.constant 0 : index
      %swap3A_42 = vector.load %arg5[%swap3A_40, %swap3A_41] : memref<2000x128xf32, #tpu.memory_space<vmem>>, vector<2000x128xf32>
      tpu.vector_store %arg5[%swap3A_40, %swap3A_41], %add3A_16 {strides = array<i32>} : memref<2000x128xf32, #tpu.memory_space<vmem>>, vector<2000x128xf32>,
    } else {
    }
    %eq3A = arith.constant 0 : i32
    %eq3A_19 = arith.cmpi eq, %arg0, %eq3A : i32
    %convert_element_type3A_20 = arith.extui %eq3A_19 : i1 to i32
    %cond3A_21 = arith.constant 0 : i32
    %cond3A_22 = arith.cmpi ne, %convert_element_type3A_20, %cond3A_21 : i32
    scf.if %cond3A_22 {
      %broadcast_in_dim3A_40 = arith.constant 0.000000e+00 : f32
      %broadcast_in_dim3A_41 = vector.broadcast %broadcast_in_dim3A_40 : f32 to vector<1x128xf32>
      %swap3A_42 = arith.constant 0 : index
      %swap3A_43 = arith.constant 0 : index
      %swap3A_44 = vector.load %arg6[%swap3A_42, %swap3A_43] : memref<1x128xf32, #tpu.memory_space<vmem>>, vector<1x128xf32>
      tpu.vector_store %arg6[%swap3A_42, %swap3A_43], %broadcast_in_dim3A_41 {strides = array<i32>} : memref<1x128xf32, #tpu.memory_space<vmem>>, vector<1x128xf32>,
      %broadcast_in_dim3A_45 = arith.constant 0.000000e+00 : f32
      %broadcast_in_dim3A_46 = vector.broadcast %broadcast_in_dim3A_45 : f32 to vector<1x128xf32>
      %swap3A_47 = arith.constant 0 : index
      %swap3A_48 = arith.constant 0 : index
      %swap3A_49 = vector.load %arg7[%swap3A_47, %swap3A_48] : memref<1x128xf32, #tpu.memory_space<vmem>>, vector<1x128xf32>
      tpu.vector_store %arg7[%swap3A_47, %swap3A_48], %broadcast_in_dim3A_46 {strides = array<i32>} : memref<1x128xf32, #tpu.memory_space<vmem>>, vector<1x128xf32>,
    } else {
    }
    %get3A_23 = arith.constant 0 : index
    %get3A_24 = arith.constant 0 : index
    %get3A_25 = vector.load %arg6[%get3A_23, %get3A_24] : memref<1x128xf32, #tpu.memory_space<vmem>>, vector<1x128xf32>
    %reduce_sum3A = arith.constant dense<0.000000e+00> : vector<128xf32>
    %reduce_sum3A_26 = vector.multi_reduction <add>, %add3A_16, %reduce_sum3A [0] : vector<2000x128xf32> to vector<128xf32>
    %broadcast_in_dim3A = vector.shape_cast %reduce_sum3A_26 : vector<128xf32> to vector<1x128xf32>
    %add3A_27 = arith.addf %get3A_25, %broadcast_in_dim3A : vector<1x128xf32>
    %swap3A = arith.constant 0 : index
    %swap3A_28 = arith.constant 0 : index
    %swap3A_29 = vector.load %arg6[%swap3A, %swap3A_28] : memref<1x128xf32, #tpu.memory_space<vmem>>, vector<1x128xf32>
    tpu.vector_store %arg6[%swap3A, %swap3A_28], %add3A_27 {strides = array<i32>} : memref<1x128xf32, #tpu.memory_space<vmem>>, vector<1x128xf32>,
    %get3A_30 = arith.constant 0 : index
    %get3A_31 = arith.constant 0 : index
    %get3A_32 = vector.load %arg7[%get3A_30, %get3A_31] : memref<1x128xf32, #tpu.memory_space<vmem>>, vector<1x128xf32>
    %mul3A = arith.mulf %add3A_16, %add3A_16 : vector<2000x128xf32>
    %reduce_sum3A_33 = arith.constant dense<0.000000e+00> : vector<128xf32>
    %reduce_sum3A_34 = vector.multi_reduction <add>, %mul3A, %reduce_sum3A_33 [0] : vector<2000x128xf32> to vector<128xf32>
    %broadcast_in_dim3A_35 = vector.shape_cast %reduce_sum3A_34 : vector<128xf32> to vector<1x128xf32>
    %add3A_36 = arith.addf %get3A_32, %broadcast_in_dim3A_35 : vector<1x128xf32>
    %swap3A_37 = arith.constant 0 : index
    %swap3A_38 = arith.constant 0 : index
    %swap3A_39 = vector.load %arg7[%swap3A_37, %swap3A_38] : memref<1x128xf32, #tpu.memory_space<vmem>>, vector<1x128xf32>
    tpu.vector_store %arg7[%swap3A_37, %swap3A_38], %add3A_36 {strides = array<i32>} : memref<1x128xf32, #tpu.memory_space<vmem>>, vector<1x128xf32>,
    return
  }
  func.func @transform_0(%arg0: i32) -> (i32, i32) {
    %c0_i32 = arith.constant 0 : i32
    %c0_i32_0 = arith.constant 0 : i32
    return %arg0, %c0_i32 : i32, i32
  }
  func.func @transform_1(%arg0: i32) -> (i32, i32) {
    %c0_i32 = arith.constant 0 : i32
    %c0_i32_0 = arith.constant 0 : i32
    %c0_i32_1 = arith.constant 0 : i32
    return %c0_i32, %c0_i32_0 : i32, i32
  }
  func.func @transform_2(%arg0: i32) -> (i32, i32) {
    %c0_i32 = arith.constant 0 : i32
    %c0_i32_0 = arith.constant 0 : i32
    %c0_i32_1 = arith.constant 0 : i32
    return %c0_i32, %c0_i32_0 : i32, i32
  }
  func.func @transform_3(%arg0: i32) -> (i32, i32) {
    %c0_i32 = arith.constant 0 : i32
    %c0_i32_0 = arith.constant 0 : i32
    %c0_i32_1 = arith.constant 0 : i32
    return %c0_i32, %c0_i32_0 : i32, i32
  }
  func.func @transform_4(%arg0: i32) -> (i32, i32) {
    %min3A = arith.constant 24 : i32
    %min3A_0 = arith.minsi %arg0, %min3A : i32
    %c0_i32 = arith.constant 0 : i32
    %c0_i32_1 = arith.constant 0 : i32
    return %min3A_0, %c0_i32 : i32, i32
  }
  func.func @transform_5(%arg0: i32) -> (i32, i32) {
    %c0_i32 = arith.constant 0 : i32
    %c0_i32_0 = arith.constant 0 : i32
    %c0_i32_1 = arith.constant 0 : i32
    return %c0_i32, %c0_i32_0 : i32, i32
  }
  func.func @transform_6(%arg0: i32) -> (i32, i32) {
    %c0_i32 = arith.constant 0 : i32
    %c0_i32_0 = arith.constant 0 : i32
    %c0_i32_1 = arith.constant 0 : i32
    return %c0_i32, %c0_i32_0 : i32, i32
  }
}

module attributes {stable_mosaic.version = 14 : i64} {
  func.func @body(%arg0: i32, %arg1: memref<2000x128xf32, #tpu.memory_space<vmem>>, %arg2: memref<1x128xf32, #tpu.memory_space<vmem>>, %arg3: memref<1x128xf32, #tpu.memory_space<vmem>>, %arg4: memref<1x128xf32, #tpu.memory_space<vmem>>, %arg5: memref<1x128xf32, #tpu.memory_space<vmem>>, %arg6: memref<1x128xf32, #tpu.memory_space<vmem>>, %arg7: memref<1x128xf32, #tpu.memory_space<vmem>>, %arg8: memref<256x128xf32, #tpu.memory_space<vmem>>, %arg9: memref<256x128xf32, #tpu.memory_space<vmem>>, %arg10: memref<2000x256xf32, #tpu.memory_space<vmem>>, %arg11: memref<2000x256xf32, #tpu.memory_space<vmem>>) attributes {dimension_semantics = [#tpu.dimension_semantics<arbitrary>], iteration_bounds = array<i64: 25>, scalar_prefetch = 0 : i64, scratch_operands = 0 : i64, tpu.core_type = #tpu.core_type<tc>, window_params = [{transform_indices = @transform_0, window_bounds = array<i64: 2000, 128>}, {pipeline_mode = #tpu.pipeline_mode<synchronous>, transform_indices = @transform_1, window_bounds = array<i64: 1, 128>}, {pipeline_mode = #tpu.pipeline_mode<synchronous>, transform_indices = @transform_2, window_bounds = array<i64: 1, 128>}, {pipeline_mode = #tpu.pipeline_mode<synchronous>, transform_indices = @transform_3, window_bounds = array<i64: 1, 128>}, {pipeline_mode = #tpu.pipeline_mode<synchronous>, transform_indices = @transform_4, window_bounds = array<i64: 1, 128>}, {pipeline_mode = #tpu.pipeline_mode<synchronous>, transform_indices = @transform_5, window_bounds = array<i64: 1, 128>}, {pipeline_mode = #tpu.pipeline_mode<synchronous>, transform_indices = @transform_6, window_bounds = array<i64: 1, 128>}, {pipeline_mode = #tpu.pipeline_mode<synchronous>, transform_indices = @transform_7, window_bounds = array<i64: 256, 128>}, {pipeline_mode = #tpu.pipeline_mode<synchronous>, transform_indices = @transform_8, window_bounds = array<i64: 256, 128>}, {transform_indices = @transform_9, window_bounds = array<i64: 2000, 256>}, {transform_indices = @transform_10, window_bounds = array<i64: 2000, 256>}]} {
    %get3A = arith.constant 0 : index
    %get3A_0 = arith.constant 0 : index
    %get3A_1 = vector.load %arg2[%get3A, %get3A_0] : memref<1x128xf32, #tpu.memory_space<vmem>>, vector<1x128xf32>
    %get3A_2 = arith.constant 0 : index
    %get3A_3 = arith.constant 0 : index
    %get3A_4 = vector.load %arg4[%get3A_2, %get3A_3] : memref<1x128xf32, #tpu.memory_space<vmem>>, vector<1x128xf32>
    %add3A = arith.addf %get3A_1, %get3A_4 : vector<1x128xf32>
    %div3A = arith.constant 8.000000e+05 : f32
    %div3A_5 = vector.broadcast %div3A : f32 to vector<1x128xf32>
    %div3A_6 = arith.divf %add3A, %div3A_5 : vector<1x128xf32>
    %get3A_7 = arith.constant 0 : index
    %get3A_8 = arith.constant 0 : index
    %get3A_9 = vector.load %arg3[%get3A_7, %get3A_8] : memref<1x128xf32, #tpu.memory_space<vmem>>, vector<1x128xf32>
    %get3A_10 = arith.constant 0 : index
    %get3A_11 = arith.constant 0 : index
    %get3A_12 = vector.load %arg5[%get3A_10, %get3A_11] : memref<1x128xf32, #tpu.memory_space<vmem>>, vector<1x128xf32>
    %add3A_13 = arith.addf %get3A_9, %get3A_12 : vector<1x128xf32>
    %div3A_14 = arith.constant 8.000000e+05 : f32
    %div3A_15 = vector.broadcast %div3A_14 : f32 to vector<1x128xf32>
    %div3A_16 = arith.divf %add3A_13, %div3A_15 : vector<1x128xf32>
    %mul3A = arith.mulf %div3A_6, %div3A_6 : vector<1x128xf32>
    %sub3A = arith.subf %div3A_16, %mul3A : vector<1x128xf32>
    %get3A_17 = arith.constant 0 : index
    %get3A_18 = arith.constant 0 : index
    %get3A_19 = vector.load %arg6[%get3A_17, %get3A_18] : memref<1x128xf32, #tpu.memory_space<vmem>>, vector<1x128xf32>
    %add3A_20 = arith.constant 9.99999974E-6 : f32
    %add3A_21 = vector.broadcast %add3A_20 : f32 to vector<1x128xf32>
    %add3A_22 = arith.addf %sub3A, %add3A_21 : vector<1x128xf32>
    %rsqrt3A = math.rsqrt %add3A_22 : vector<1x128xf32>
    %mul3A_23 = arith.mulf %get3A_19, %rsqrt3A : vector<1x128xf32>
    %get3A_24 = arith.constant 0 : index
    %get3A_25 = arith.constant 0 : index
    %get3A_26 = vector.load %arg7[%get3A_24, %get3A_25] : memref<1x128xf32, #tpu.memory_space<vmem>>, vector<1x128xf32>
    %mul3A_27 = arith.mulf %div3A_6, %mul3A_23 : vector<1x128xf32>
    %sub3A_28 = arith.subf %get3A_26, %mul3A_27 : vector<1x128xf32>
    %get3A_29 = arith.constant 0 : index
    %get3A_30 = arith.constant 0 : index
    %get3A_31 = vector.load %arg1[%get3A_29, %get3A_30] : memref<2000x128xf32, #tpu.memory_space<vmem>>, vector<2000x128xf32>
    %mul3A_32 = vector.broadcast %mul3A_23 : vector<1x128xf32> to vector<2000x128xf32>
    %mul3A_33 = arith.mulf %get3A_31, %mul3A_32 : vector<2000x128xf32>
    %add3A_34 = vector.broadcast %sub3A_28 : vector<1x128xf32> to vector<2000x128xf32>
    %add3A_35 = arith.addf %mul3A_33, %add3A_34 : vector<2000x128xf32>
    %max3A = arith.constant 0.000000e+00 : f32
    %max3A_36 = vector.broadcast %max3A : f32 to vector<2000x128xf32>
    %max3A_37 = arith.maximumf %add3A_35, %max3A_36 : vector<2000x128xf32>
    %get3A_38 = arith.constant 0 : index
    %get3A_39 = arith.constant 0 : index
    %get3A_40 = vector.load %arg8[%get3A_38, %get3A_39] : memref<256x128xf32, #tpu.memory_space<vmem>>, vector<256x128xf32>
    %dot_general3A = arith.constant dense<0.000000e+00> : vector<2000x256xf32>
    %dot_general3A_41 = tpu.matmul %max3A_37, %get3A_40, %dot_general3A {dimension_numbers = #tpu.dot_dimension_numbers<[1], [1], [0], [0], [0, 0, 1, 0], [], []>, precision = #tpu.contract_precision<fp32>, transpose_lhs_hint = false} : vector<2000x128xf32>, vector<256x128xf32>, vector<2000x256xf32> -> vector<2000x256xf32>
    %swap3A = arith.constant 0 : index
    %swap3A_42 = arith.constant 0 : index
    %swap3A_43 = vector.load %arg10[%swap3A, %swap3A_42] : memref<2000x256xf32, #tpu.memory_space<vmem>>, vector<2000x256xf32>
    tpu.vector_store %arg10[%swap3A, %swap3A_42], %dot_general3A_41 {strides = array<i32>} : memref<2000x256xf32, #tpu.memory_space<vmem>>, vector<2000x256xf32>,
    %get3A_44 = arith.constant 0 : index
    %get3A_45 = arith.constant 0 : index
    %get3A_46 = vector.load %arg9[%get3A_44, %get3A_45] : memref<256x128xf32, #tpu.memory_space<vmem>>, vector<256x128xf32>
    %dot_general3A_47 = arith.constant dense<0.000000e+00> : vector<2000x256xf32>
    %dot_general3A_48 = tpu.matmul %max3A_37, %get3A_46, %dot_general3A_47 {dimension_numbers = #tpu.dot_dimension_numbers<[1], [1], [0], [0], [0, 0, 1, 0], [], []>, precision = #tpu.contract_precision<fp32>, transpose_lhs_hint = false} : vector<2000x128xf32>, vector<256x128xf32>, vector<2000x256xf32> -> vector<2000x256xf32>
    %swap3A_49 = arith.constant 0 : index
    %swap3A_50 = arith.constant 0 : index
    %swap3A_51 = vector.load %arg11[%swap3A_49, %swap3A_50] : memref<2000x256xf32, #tpu.memory_space<vmem>>, vector<2000x256xf32>
    tpu.vector_store %arg11[%swap3A_49, %swap3A_50], %dot_general3A_48 {strides = array<i32>} : memref<2000x256xf32, #tpu.memory_space<vmem>>, vector<2000x256xf32>,
    return
  }
  func.func @transform_0(%arg0: i32) -> (i32, i32) {
    %c0_i32 = arith.constant 0 : i32
    %c0_i32_0 = arith.constant 0 : i32
    return %arg0, %c0_i32 : i32, i32
  }
  func.func @transform_1(%arg0: i32) -> (i32, i32) {
    %c0_i32 = arith.constant 0 : i32
    %c0_i32_0 = arith.constant 0 : i32
    %c0_i32_1 = arith.constant 0 : i32
    return %c0_i32, %c0_i32_0 : i32, i32
  }
  func.func @transform_2(%arg0: i32) -> (i32, i32) {
    %c0_i32 = arith.constant 0 : i32
    %c0_i32_0 = arith.constant 0 : i32
    %c0_i32_1 = arith.constant 0 : i32
    return %c0_i32, %c0_i32_0 : i32, i32
  }
  func.func @transform_3(%arg0: i32) -> (i32, i32) {
    %c0_i32 = arith.constant 0 : i32
    %c0_i32_0 = arith.constant 0 : i32
    %c0_i32_1 = arith.constant 0 : i32
    return %c0_i32, %c0_i32_0 : i32, i32
  }
  func.func @transform_4(%arg0: i32) -> (i32, i32) {
    %c0_i32 = arith.constant 0 : i32
    %c0_i32_0 = arith.constant 0 : i32
    %c0_i32_1 = arith.constant 0 : i32
    return %c0_i32, %c0_i32_0 : i32, i32
  }
  func.func @transform_5(%arg0: i32) -> (i32, i32) {
    %c0_i32 = arith.constant 0 : i32
    %c0_i32_0 = arith.constant 0 : i32
    %c0_i32_1 = arith.constant 0 : i32
    return %c0_i32, %c0_i32_0 : i32, i32
  }
  func.func @transform_6(%arg0: i32) -> (i32, i32) {
    %c0_i32 = arith.constant 0 : i32
    %c0_i32_0 = arith.constant 0 : i32
    %c0_i32_1 = arith.constant 0 : i32
    return %c0_i32, %c0_i32_0 : i32, i32
  }
  func.func @transform_7(%arg0: i32) -> (i32, i32) {
    %c0_i32 = arith.constant 0 : i32
    %c0_i32_0 = arith.constant 0 : i32
    %c0_i32_1 = arith.constant 0 : i32
    return %c0_i32, %c0_i32_0 : i32, i32
  }
  func.func @transform_8(%arg0: i32) -> (i32, i32) {
    %c0_i32 = arith.constant 0 : i32
    %c0_i32_0 = arith.constant 0 : i32
    %c0_i32_1 = arith.constant 0 : i32
    return %c0_i32, %c0_i32_0 : i32, i32
  }
  func.func @transform_9(%arg0: i32) -> (i32, i32) {
    %c0_i32 = arith.constant 0 : i32
    %c0_i32_0 = arith.constant 0 : i32
    return %arg0, %c0_i32 : i32, i32
  }
  func.func @transform_10(%arg0: i32) -> (i32, i32) {
    %c0_i32 = arith.constant 0 : i32
    %c0_i32_0 = arith.constant 0 : i32
    return %arg0, %c0_i32 : i32, i32
  }
}

module attributes {stable_mosaic.version = 14 : i64} {
  func.func @body(%arg0: i32, %arg1: memref<2000x256xf32, #tpu.memory_space<vmem>>, %arg2: memref<1x256xf32, #tpu.memory_space<vmem>>, %arg3: memref<256x256xf32, #tpu.memory_space<vmem>>, %arg4: memref<1x256xf32, #tpu.memory_space<vmem>>, %arg5: memref<1x2000x1xi32, #tpu.memory_space<vmem>>, %arg6: memref<1x256xf32, #tpu.memory_space<vmem>>, %arg7: memref<1x256xf32, #tpu.memory_space<vmem>>, %arg8: memref<8x256xf32, #tpu.memory_space<vmem>>, %arg9: memref<8x256xf32, #tpu.memory_space<vmem>>) attributes {dimension_semantics = [#tpu.dimension_semantics<arbitrary>], iteration_bounds = array<i64: 200>, scalar_prefetch = 0 : i64, scratch_operands = 0 : i64, tpu.core_type = #tpu.core_type<tc>, window_params = [{transform_indices = @transform_0, window_bounds = array<i64: 2000, 256>}, {pipeline_mode = #tpu.pipeline_mode<synchronous>, transform_indices = @transform_1, window_bounds = array<i64: 1, 256>}, {pipeline_mode = #tpu.pipeline_mode<synchronous>, transform_indices = @transform_2, window_bounds = array<i64: 256, 256>}, {pipeline_mode = #tpu.pipeline_mode<synchronous>, transform_indices = @transform_3, window_bounds = array<i64: 1, 256>}, {transform_indices = @transform_4, window_bounds = array<i64: 1, 2000, 1>}, {pipeline_mode = #tpu.pipeline_mode<synchronous>, transform_indices = @transform_5, window_bounds = array<i64: 1, 256>}, {pipeline_mode = #tpu.pipeline_mode<synchronous>, transform_indices = @transform_6, window_bounds = array<i64: 1, 256>}, {pipeline_mode = #tpu.pipeline_mode<synchronous>, transform_indices = @transform_7, window_bounds = array<i64: 8, 256>}, {pipeline_mode = #tpu.pipeline_mode<synchronous>, transform_indices = @transform_8, window_bounds = array<i64: 8, 256>}]} {
    %get3A = arith.constant 0 : index
    %get3A_0 = arith.constant 0 : index
    %get3A_1 = vector.load %arg1[%get3A, %get3A_0] : memref<2000x256xf32, #tpu.memory_space<vmem>>, vector<2000x256xf32>
    %get3A_2 = arith.constant 0 : index
    %get3A_3 = arith.constant 0 : index
    %get3A_4 = vector.load %arg2[%get3A_2, %get3A_3] : memref<1x256xf32, #tpu.memory_space<vmem>>, vector<1x256xf32>
    %add3A = vector.broadcast %get3A_4 : vector<1x256xf32> to vector<2000x256xf32>
    %add3A_5 = arith.addf %get3A_1, %add3A : vector<2000x256xf32>
    %max3A = arith.constant 0.000000e+00 : f32
    %max3A_6 = vector.broadcast %max3A : f32 to vector<2000x256xf32>
    %max3A_7 = arith.maximumf %add3A_5, %max3A_6 : vector<2000x256xf32>
    %get3A_8 = arith.constant 0 : index
    %get3A_9 = arith.constant 0 : index
    %get3A_10 = vector.load %arg3[%get3A_8, %get3A_9] : memref<256x256xf32, #tpu.memory_space<vmem>>, vector<256x256xf32>
    %dot_general3A = arith.constant dense<0.000000e+00> : vector<2000x256xf32>
    %dot_general3A_11 = tpu.matmul %max3A_7, %get3A_10, %dot_general3A {dimension_numbers = #tpu.dot_dimension_numbers<[1], [1], [0], [0], [0, 0, 1, 0], [], []>, precision = #tpu.contract_precision<fp32>, transpose_lhs_hint = false} : vector<2000x256xf32>, vector<256x256xf32>, vector<2000x256xf32> -> vector<2000x256xf32>
    %get3A_12 = arith.constant 0 : index
    %get3A_13 = arith.constant 0 : index
    %get3A_14 = vector.load %arg4[%get3A_12, %get3A_13] : memref<1x256xf32, #tpu.memory_space<vmem>>, vector<1x256xf32>
    %add3A_15 = vector.broadcast %get3A_14 : vector<1x256xf32> to vector<2000x256xf32>
    %add3A_16 = arith.addf %dot_general3A_11, %add3A_15 : vector<2000x256xf32>
    %eq3A = arith.constant 0 : i32
    %eq3A_17 = arith.cmpi eq, %arg0, %eq3A : i32
    %convert_element_type3A = arith.extui %eq3A_17 : i1 to i32
    %cond3A = arith.constant 0 : i32
    %cond3A_18 = arith.cmpi ne, %convert_element_type3A, %cond3A : i32
    scf.if %cond3A_18 {
      %broadcast_in_dim3A_53 = arith.constant 0.000000e+00 : f32
      %broadcast_in_dim3A_54 = vector.broadcast %broadcast_in_dim3A_53 : f32 to vector<1x256xf32>
      %swap3A_55 = arith.constant 0 : index
      %swap3A_56 = arith.constant 0 : index
      %swap3A_57 = vector.load %arg6[%swap3A_55, %swap3A_56] : memref<1x256xf32, #tpu.memory_space<vmem>>, vector<1x256xf32>
      tpu.vector_store %arg6[%swap3A_55, %swap3A_56], %broadcast_in_dim3A_54 {strides = array<i32>} : memref<1x256xf32, #tpu.memory_space<vmem>>, vector<1x256xf32>,
      %broadcast_in_dim3A_58 = arith.constant 0.000000e+00 : f32
      %broadcast_in_dim3A_59 = vector.broadcast %broadcast_in_dim3A_58 : f32 to vector<1x256xf32>
      %swap3A_60 = arith.constant 0 : index
      %swap3A_61 = arith.constant 0 : index
      %swap3A_62 = vector.load %arg7[%swap3A_60, %swap3A_61] : memref<1x256xf32, #tpu.memory_space<vmem>>, vector<1x256xf32>
      tpu.vector_store %arg7[%swap3A_60, %swap3A_61], %broadcast_in_dim3A_59 {strides = array<i32>} : memref<1x256xf32, #tpu.memory_space<vmem>>, vector<1x256xf32>,
      %broadcast_in_dim3A_63 = arith.constant -3.400000e+38 : f32
      %broadcast_in_dim3A_64 = vector.broadcast %broadcast_in_dim3A_63 : f32 to vector<8x256xf32>
      %swap3A_65 = arith.constant 0 : index
      %swap3A_66 = arith.constant 0 : index
      %swap3A_67 = vector.load %arg8[%swap3A_65, %swap3A_66] : memref<8x256xf32, #tpu.memory_space<vmem>>, vector<8x256xf32>
      tpu.vector_store %arg8[%swap3A_65, %swap3A_66], %broadcast_in_dim3A_64 {strides = array<i32>} : memref<8x256xf32, #tpu.memory_space<vmem>>, vector<8x256xf32>,
      %broadcast_in_dim3A_68 = arith.constant 3.400000e+38 : f32
      %broadcast_in_dim3A_69 = vector.broadcast %broadcast_in_dim3A_68 : f32 to vector<8x256xf32>
      %swap3A_70 = arith.constant 0 : index
      %swap3A_71 = arith.constant 0 : index
      %swap3A_72 = vector.load %arg9[%swap3A_70, %swap3A_71] : memref<8x256xf32, #tpu.memory_space<vmem>>, vector<8x256xf32>
      tpu.vector_store %arg9[%swap3A_70, %swap3A_71], %broadcast_in_dim3A_69 {strides = array<i32>} : memref<8x256xf32, #tpu.memory_space<vmem>>, vector<8x256xf32>,
    } else {
    }
    %get3A_19 = arith.constant 0 : index
    %get3A_20 = arith.constant 0 : index
    %get3A_21 = vector.load %arg6[%get3A_19, %get3A_20] : memref<1x256xf32, #tpu.memory_space<vmem>>, vector<1x256xf32>
    %reduce_sum3A = arith.constant dense<0.000000e+00> : vector<256xf32>
    %reduce_sum3A_22 = vector.multi_reduction <add>, %add3A_16, %reduce_sum3A [0] : vector<2000x256xf32> to vector<256xf32>
    %broadcast_in_dim3A = vector.shape_cast %reduce_sum3A_22 : vector<256xf32> to vector<1x256xf32>
    %add3A_23 = arith.addf %get3A_21, %broadcast_in_dim3A : vector<1x256xf32>
    %swap3A = arith.constant 0 : index
    %swap3A_24 = arith.constant 0 : index
    %swap3A_25 = vector.load %arg6[%swap3A, %swap3A_24] : memref<1x256xf32, #tpu.memory_space<vmem>>, vector<1x256xf32>
    tpu.vector_store %arg6[%swap3A, %swap3A_24], %add3A_23 {strides = array<i32>} : memref<1x256xf32, #tpu.memory_space<vmem>>, vector<1x256xf32>,
    %get3A_26 = arith.constant 0 : index
    %get3A_27 = arith.constant 0 : index
    %get3A_28 = vector.load %arg7[%get3A_26, %get3A_27] : memref<1x256xf32, #tpu.memory_space<vmem>>, vector<1x256xf32>
    %mul3A = arith.mulf %add3A_16, %add3A_16 : vector<2000x256xf32>
    %reduce_sum3A_29 = arith.constant dense<0.000000e+00> : vector<256xf32>
    %reduce_sum3A_30 = vector.multi_reduction <add>, %mul3A, %reduce_sum3A_29 [0] : vector<2000x256xf32> to vector<256xf32>
    %broadcast_in_dim3A_31 = vector.shape_cast %reduce_sum3A_30 : vector<256xf32> to vector<1x256xf32>
    %add3A_32 = arith.addf %get3A_28, %broadcast_in_dim3A_31 : vector<1x256xf32>
    %swap3A_33 = arith.constant 0 : index
    %swap3A_34 = arith.constant 0 : index
    %swap3A_35 = vector.load %arg7[%swap3A_33, %swap3A_34] : memref<1x256xf32, #tpu.memory_space<vmem>>, vector<1x256xf32>
    tpu.vector_store %arg7[%swap3A_33, %swap3A_34], %add3A_32 {strides = array<i32>} : memref<1x256xf32, #tpu.memory_space<vmem>>, vector<1x256xf32>,
    %get3A_36 = arith.constant 0 : index
    %get3A_37 = arith.constant 0 : index
    %get3A_38 = arith.constant 0 : index
    %get3A_39 = vector.load %arg5[%get3A_36, %get3A_37, %get3A_38] : memref<1x2000x1xi32, #tpu.memory_space<vmem>>, vector<1x1x1xi32>
    %get3A_40 = vector.extract %get3A_39[0, 0, 0] : i32 from vector<1x1x1xi32>
    %get3A_41 = arith.constant 0 : index
    %get3A_42 = arith.constant 1999 : index
    %get3A_43 = arith.constant 0 : index
    %get3A_44 = vector.load %arg5[%get3A_41, %get3A_42, %get3A_43] : memref<1x2000x1xi32, #tpu.memory_space<vmem>>, vector<1x1x1xi32>
    %get3A_45 = vector.extract %get3A_44[0, 0, 0] : i32 from vector<1x1x1xi32>
    %iota3A = tpu.iota {dimensions = array<i32: 0>} : vector<8x1xi32>
    %eq3A_46 = arith.cmpi eq, %get3A_40, %get3A_45 : i32
    %convert_element_type3A_47 = arith.extui %eq3A_46 : i1 to i32
    %cond3A_48 = arith.constant 0 : i32
    %cond3A_49 = arith.cmpi ne, %convert_element_type3A_47, %cond3A_48 : i32
    scf.if %cond3A_49 {
      %reduce_max3A = arith.constant dense<0xFF800000> : vector<256xf32>
      %reduce_max3A_53 = vector.multi_reduction <maximumf>, %add3A_16, %reduce_max3A [0] : vector<2000x256xf32> to vector<256xf32>
      %broadcast_in_dim3A_54 = vector.shape_cast %reduce_max3A_53 : vector<256xf32> to vector<1x256xf32>
      %reduce_min3A = arith.constant dense<0x7F800000> : vector<256xf32>
      %reduce_min3A_55 = vector.multi_reduction <minimumf>, %add3A_16, %reduce_min3A [0] : vector<2000x256xf32> to vector<256xf32>
      %broadcast_in_dim3A_56 = vector.shape_cast %reduce_min3A_55 : vector<256xf32> to vector<1x256xf32>
      %eq3A_57 = vector.broadcast %get3A_40 : i32 to vector<8x1xi32>
      %eq3A_58 = arith.cmpi eq, %iota3A, %eq3A_57 : vector<8x1xi32>
      %get3A_59 = arith.constant 0 : index
      %get3A_60 = arith.constant 0 : index
      %get3A_61 = vector.load %arg8[%get3A_59, %get3A_60] : memref<8x256xf32, #tpu.memory_space<vmem>>, vector<8x256xf32>
      %max3A_62 = vector.broadcast %broadcast_in_dim3A_54 : vector<1x256xf32> to vector<8x256xf32>
      %max3A_63 = arith.maximumf %get3A_61, %max3A_62 : vector<8x256xf32>
      %get3A_64 = arith.constant 0 : index
      %get3A_65 = arith.constant 0 : index
      %get3A_66 = vector.load %arg8[%get3A_64, %get3A_65] : memref<8x256xf32, #tpu.memory_space<vmem>>, vector<8x256xf32>
      %broadcast_in_dim3A_67 = vector.shape_cast %eq3A_58 : vector<8x1xi1> to vector<8x1xi1>
      %broadcast_in_dim3A_68 = vector.broadcast %broadcast_in_dim3A_67 : vector<8x1xi1> to vector<8x256xi1>
      %select_n3A = arith.select %broadcast_in_dim3A_68, %max3A_63, %get3A_66 : vector<8x256xi1>, vector<8x256xf32>
      %swap3A_69 = arith.constant 0 : index
      %swap3A_70 = arith.constant 0 : index
      %swap3A_71 = vector.load %arg8[%swap3A_69, %swap3A_70] : memref<8x256xf32, #tpu.memory_space<vmem>>, vector<8x256xf32>
      tpu.vector_store %arg8[%swap3A_69, %swap3A_70], %select_n3A {strides = array<i32>} : memref<8x256xf32, #tpu.memory_space<vmem>>, vector<8x256xf32>,
      %get3A_72 = arith.constant 0 : index
      %get3A_73 = arith.constant 0 : index
      %get3A_74 = vector.load %arg9[%get3A_72, %get3A_73] : memref<8x256xf32, #tpu.memory_space<vmem>>, vector<8x256xf32>
      %min3A = vector.broadcast %broadcast_in_dim3A_56 : vector<1x256xf32> to vector<8x256xf32>
      %min3A_75 = arith.minimumf %get3A_74, %min3A : vector<8x256xf32>
      %get3A_76 = arith.constant 0 : index
      %get3A_77 = arith.constant 0 : index
      %get3A_78 = vector.load %arg9[%get3A_76, %get3A_77] : memref<8x256xf32, #tpu.memory_space<vmem>>, vector<8x256xf32>
      %broadcast_in_dim3A_79 = vector.shape_cast %eq3A_58 : vector<8x1xi1> to vector<8x1xi1>
      %broadcast_in_dim3A_80 = vector.broadcast %broadcast_in_dim3A_79 : vector<8x1xi1> to vector<8x256xi1>
      %select_n3A_81 = arith.select %broadcast_in_dim3A_80, %min3A_75, %get3A_78 : vector<8x256xi1>, vector<8x256xf32>
      %swap3A_82 = arith.constant 0 : index
      %swap3A_83 = arith.constant 0 : index
      %swap3A_84 = vector.load %arg9[%swap3A_82, %swap3A_83] : memref<8x256xf32, #tpu.memory_space<vmem>>, vector<8x256xf32>
      tpu.vector_store %arg9[%swap3A_82, %swap3A_83], %select_n3A_81 {strides = array<i32>} : memref<8x256xf32, #tpu.memory_space<vmem>>, vector<8x256xf32>,
    } else {
    }
    %ne3A = arith.cmpi ne, %get3A_40, %get3A_45 : i32
    %convert_element_type3A_50 = arith.extui %ne3A : i1 to i32
    %cond3A_51 = arith.constant 0 : i32
    %cond3A_52 = arith.cmpi ne, %convert_element_type3A_50, %cond3A_51 : i32
    scf.if %cond3A_52 {
      %get3A_53 = arith.constant 0 : index
      %get3A_54 = arith.constant 0 : index
      %get3A_55 = arith.constant 0 : index
      %get3A_56 = vector.load %arg5[%get3A_53, %get3A_54, %get3A_55] : memref<1x2000x1xi32, #tpu.memory_space<vmem>>, vector<1x2000x1xi32>
      %get3A_57 = vector.shape_cast %get3A_56 : vector<1x2000x1xi32> to vector<2000x1xi32>
      %eq3A_58 = arith.constant 0 : i32
      %eq3A_59 = vector.broadcast %eq3A_58 : i32 to vector<2000x1xi32>
      %eq3A_60 = arith.cmpi eq, %get3A_57, %eq3A_59 : vector<2000x1xi32>
      %get3A_61 = arith.constant 0 : index
      %get3A_62 = arith.constant 0 : index
      %get3A_63 = vector.load %arg8[%get3A_61, %get3A_62] : memref<8x256xf32, #tpu.memory_space<vmem>>, vector<1x256xf32>
      %get3A_64 = vector.shape_cast %get3A_63 : vector<1x256xf32> to vector<256xf32>
      %jit3A = arith.constant -3.400000e+38 : f32
      %broadcast_in_dim3A_65 = vector.shape_cast %eq3A_60 : vector<2000x1xi1> to vector<2000x1xi1>
      %broadcast_in_dim3A_66 = vector.broadcast %broadcast_in_dim3A_65 : vector<2000x1xi1> to vector<2000x256xi1>
      %broadcast_in_dim3A_67 = vector.broadcast %jit3A : f32 to vector<2000x256xf32>
      %select_n3A = arith.select %broadcast_in_dim3A_66, %add3A_16, %broadcast_in_dim3A_67 : vector<2000x256xi1>, vector<2000x256xf32>
      %reduce_max3A = arith.constant dense<0xFF800000> : vector<256xf32>
      %reduce_max3A_68 = vector.multi_reduction <maximumf>, %select_n3A, %reduce_max3A [0] : vector<2000x256xf32> to vector<256xf32>
      %max3A_69 = arith.maximumf %get3A_64, %reduce_max3A_68 : vector<256xf32>
      %swap3A_70 = arith.constant 0 : index
      %swap3A_71 = arith.constant 0 : index
      %swap3A_72 = vector.load %arg8[%swap3A_70, %swap3A_71] : memref<8x256xf32, #tpu.memory_space<vmem>>, vector<1x256xf32>
      %swap3A_73 = vector.shape_cast %swap3A_72 : vector<1x256xf32> to vector<256xf32>
      %swap3A_74 = vector.shape_cast %max3A_69 : vector<256xf32> to vector<1x256xf32>
      tpu.vector_store %arg8[%swap3A_70, %swap3A_71], %swap3A_74 {strides = array<i32>} : memref<8x256xf32, #tpu.memory_space<vmem>>, vector<1x256xf32>,
      %get3A_75 = arith.constant 0 : index
      %get3A_76 = arith.constant 0 : index
      %get3A_77 = vector.load %arg9[%get3A_75, %get3A_76] : memref<8x256xf32, #tpu.memory_space<vmem>>, vector<1x256xf32>
      %get3A_78 = vector.shape_cast %get3A_77 : vector<1x256xf32> to vector<256xf32>
      %jit3A_79 = arith.constant 3.400000e+38 : f32
      %broadcast_in_dim3A_80 = vector.shape_cast %eq3A_60 : vector<2000x1xi1> to vector<2000x1xi1>
      %broadcast_in_dim3A_81 = vector.broadcast %broadcast_in_dim3A_80 : vector<2000x1xi1> to vector<2000x256xi1>
      %broadcast_in_dim3A_82 = vector.broadcast %jit3A_79 : f32 to vector<2000x256xf32>
      %select_n3A_83 = arith.select %broadcast_in_dim3A_81, %add3A_16, %broadcast_in_dim3A_82 : vector<2000x256xi1>, vector<2000x256xf32>
      %reduce_min3A = arith.constant dense<0x7F800000> : vector<256xf32>
      %reduce_min3A_84 = vector.multi_reduction <minimumf>, %select_n3A_83, %reduce_min3A [0] : vector<2000x256xf32> to vector<256xf32>
      %min3A = arith.minimumf %get3A_78, %reduce_min3A_84 : vector<256xf32>
      %swap3A_85 = arith.constant 0 : index
      %swap3A_86 = arith.constant 0 : index
      %swap3A_87 = vector.load %arg9[%swap3A_85, %swap3A_86] : memref<8x256xf32, #tpu.memory_space<vmem>>, vector<1x256xf32>
      %swap3A_88 = vector.shape_cast %swap3A_87 : vector<1x256xf32> to vector<256xf32>
      %swap3A_89 = vector.shape_cast %min3A : vector<256xf32> to vector<1x256xf32>
      tpu.vector_store %arg9[%swap3A_85, %swap3A_86], %swap3A_89 {strides = array<i32>} : memref<8x256xf32, #tpu.memory_space<vmem>>, vector<1x256xf32>,
      %eq3A_90 = arith.constant 1 : i32
      %eq3A_91 = vector.broadcast %eq3A_90 : i32 to vector<2000x1xi32>
      %eq3A_92 = arith.cmpi eq, %get3A_57, %eq3A_91 : vector<2000x1xi32>
      %get3A_93 = arith.constant 1 : index
      %get3A_94 = arith.constant 0 : index
      %get3A_95 = vector.load %arg8[%get3A_93, %get3A_94] : memref<8x256xf32, #tpu.memory_space<vmem>>, vector<1x256xf32>
      %get3A_96 = vector.shape_cast %get3A_95 : vector<1x256xf32> to vector<256xf32>
      %jit3A_97 = arith.constant -3.400000e+38 : f32
      %broadcast_in_dim3A_98 = vector.shape_cast %eq3A_92 : vector<2000x1xi1> to vector<2000x1xi1>
      %broadcast_in_dim3A_99 = vector.broadcast %broadcast_in_dim3A_98 : vector<2000x1xi1> to vector<2000x256xi1>
      %broadcast_in_dim3A_100 = vector.broadcast %jit3A_97 : f32 to vector<2000x256xf32>
      %select_n3A_101 = arith.select %broadcast_in_dim3A_99, %add3A_16, %broadcast_in_dim3A_100 : vector<2000x256xi1>, vector<2000x256xf32>
      %reduce_max3A_102 = arith.constant dense<0xFF800000> : vector<256xf32>
      %reduce_max3A_103 = vector.multi_reduction <maximumf>, %select_n3A_101, %reduce_max3A_102 [0] : vector<2000x256xf32> to vector<256xf32>
      %max3A_104 = arith.maximumf %get3A_96, %reduce_max3A_103 : vector<256xf32>
      %swap3A_105 = arith.constant 1 : index
      %swap3A_106 = arith.constant 0 : index
      %swap3A_107 = vector.load %arg8[%swap3A_105, %swap3A_106] : memref<8x256xf32, #tpu.memory_space<vmem>>, vector<1x256xf32>
      %swap3A_108 = vector.shape_cast %swap3A_107 : vector<1x256xf32> to vector<256xf32>
      %swap3A_109 = vector.shape_cast %max3A_104 : vector<256xf32> to vector<1x256xf32>
      tpu.vector_store %arg8[%swap3A_105, %swap3A_106], %swap3A_109 {strides = array<i32>} : memref<8x256xf32, #tpu.memory_space<vmem>>, vector<1x256xf32>,
      %get3A_110 = arith.constant 1 : index
      %get3A_111 = arith.constant 0 : index
      %get3A_112 = vector.load %arg9[%get3A_110, %get3A_111] : memref<8x256xf32, #tpu.memory_space<vmem>>, vector<1x256xf32>
      %get3A_113 = vector.shape_cast %get3A_112 : vector<1x256xf32> to vector<256xf32>
      %jit3A_114 = arith.constant 3.400000e+38 : f32
      %broadcast_in_dim3A_115 = vector.shape_cast %eq3A_92 : vector<2000x1xi1> to vector<2000x1xi1>
      %broadcast_in_dim3A_116 = vector.broadcast %broadcast_in_dim3A_115 : vector<2000x1xi1> to vector<2000x256xi1>
      %broadcast_in_dim3A_117 = vector.broadcast %jit3A_114 : f32 to vector<2000x256xf32>
      %select_n3A_118 = arith.select %broadcast_in_dim3A_116, %add3A_16, %broadcast_in_dim3A_117 : vector<2000x256xi1>, vector<2000x256xf32>
      %reduce_min3A_119 = arith.constant dense<0x7F800000> : vector<256xf32>
      %reduce_min3A_120 = vector.multi_reduction <minimumf>, %select_n3A_118, %reduce_min3A_119 [0] : vector<2000x256xf32> to vector<256xf32>
      %min3A_121 = arith.minimumf %get3A_113, %reduce_min3A_120 : vector<256xf32>
      %swap3A_122 = arith.constant 1 : index
      %swap3A_123 = arith.constant 0 : index
      %swap3A_124 = vector.load %arg9[%swap3A_122, %swap3A_123] : memref<8x256xf32, #tpu.memory_space<vmem>>, vector<1x256xf32>
      %swap3A_125 = vector.shape_cast %swap3A_124 : vector<1x256xf32> to vector<256xf32>
      %swap3A_126 = vector.shape_cast %min3A_121 : vector<256xf32> to vector<1x256xf32>
      tpu.vector_store %arg9[%swap3A_122, %swap3A_123], %swap3A_126 {strides = array<i32>} : memref<8x256xf32, #tpu.memory_space<vmem>>, vector<1x256xf32>,
      %eq3A_127 = arith.constant 2 : i32
      %eq3A_128 = vector.broadcast %eq3A_127 : i32 to vector<2000x1xi32>
      %eq3A_129 = arith.cmpi eq, %get3A_57, %eq3A_128 : vector<2000x1xi32>
      %get3A_130 = arith.constant 2 : index
      %get3A_131 = arith.constant 0 : index
      %get3A_132 = vector.load %arg8[%get3A_130, %get3A_131] : memref<8x256xf32, #tpu.memory_space<vmem>>, vector<1x256xf32>
      %get3A_133 = vector.shape_cast %get3A_132 : vector<1x256xf32> to vector<256xf32>
      %jit3A_134 = arith.constant -3.400000e+38 : f32
      %broadcast_in_dim3A_135 = vector.shape_cast %eq3A_129 : vector<2000x1xi1> to vector<2000x1xi1>
      %broadcast_in_dim3A_136 = vector.broadcast %broadcast_in_dim3A_135 : vector<2000x1xi1> to vector<2000x256xi1>
      %broadcast_in_dim3A_137 = vector.broadcast %jit3A_134 : f32 to vector<2000x256xf32>
      %select_n3A_138 = arith.select %broadcast_in_dim3A_136, %add3A_16, %broadcast_in_dim3A_137 : vector<2000x256xi1>, vector<2000x256xf32>
      %reduce_max3A_139 = arith.constant dense<0xFF800000> : vector<256xf32>
      %reduce_max3A_140 = vector.multi_reduction <maximumf>, %select_n3A_138, %reduce_max3A_139 [0] : vector<2000x256xf32> to vector<256xf32>
      %max3A_141 = arith.maximumf %get3A_133, %reduce_max3A_140 : vector<256xf32>
      %swap3A_142 = arith.constant 2 : index
      %swap3A_143 = arith.constant 0 : index
      %swap3A_144 = vector.load %arg8[%swap3A_142, %swap3A_143] : memref<8x256xf32, #tpu.memory_space<vmem>>, vector<1x256xf32>
      %swap3A_145 = vector.shape_cast %swap3A_144 : vector<1x256xf32> to vector<256xf32>
      %swap3A_146 = vector.shape_cast %max3A_141 : vector<256xf32> to vector<1x256xf32>
      tpu.vector_store %arg8[%swap3A_142, %swap3A_143], %swap3A_146 {strides = array<i32>} : memref<8x256xf32, #tpu.memory_space<vmem>>, vector<1x256xf32>,
      %get3A_147 = arith.constant 2 : index
      %get3A_148 = arith.constant 0 : index
      %get3A_149 = vector.load %arg9[%get3A_147, %get3A_148] : memref<8x256xf32, #tpu.memory_space<vmem>>, vector<1x256xf32>
      %get3A_150 = vector.shape_cast %get3A_149 : vector<1x256xf32> to vector<256xf32>
      %jit3A_151 = arith.constant 3.400000e+38 : f32
      %broadcast_in_dim3A_152 = vector.shape_cast %eq3A_129 : vector<2000x1xi1> to vector<2000x1xi1>
      %broadcast_in_dim3A_153 = vector.broadcast %broadcast_in_dim3A_152 : vector<2000x1xi1> to vector<2000x256xi1>
      %broadcast_in_dim3A_154 = vector.broadcast %jit3A_151 : f32 to vector<2000x256xf32>
      %select_n3A_155 = arith.select %broadcast_in_dim3A_153, %add3A_16, %broadcast_in_dim3A_154 : vector<2000x256xi1>, vector<2000x256xf32>
      %reduce_min3A_156 = arith.constant dense<0x7F800000> : vector<256xf32>
      %reduce_min3A_157 = vector.multi_reduction <minimumf>, %select_n3A_155, %reduce_min3A_156 [0] : vector<2000x256xf32> to vector<256xf32>
      %min3A_158 = arith.minimumf %get3A_150, %reduce_min3A_157 : vector<256xf32>
      %swap3A_159 = arith.constant 2 : index
      %swap3A_160 = arith.constant 0 : index
      %swap3A_161 = vector.load %arg9[%swap3A_159, %swap3A_160] : memref<8x256xf32, #tpu.memory_space<vmem>>, vector<1x256xf32>
      %swap3A_162 = vector.shape_cast %swap3A_161 : vector<1x256xf32> to vector<256xf32>
      %swap3A_163 = vector.shape_cast %min3A_158 : vector<256xf32> to vector<1x256xf32>
      tpu.vector_store %arg9[%swap3A_159, %swap3A_160], %swap3A_163 {strides = array<i32>} : memref<8x256xf32, #tpu.memory_space<vmem>>, vector<1x256xf32>,
      %eq3A_164 = arith.constant 3 : i32
      %eq3A_165 = vector.broadcast %eq3A_164 : i32 to vector<2000x1xi32>
      %eq3A_166 = arith.cmpi eq, %get3A_57, %eq3A_165 : vector<2000x1xi32>
      %get3A_167 = arith.constant 3 : index
      %get3A_168 = arith.constant 0 : index
      %get3A_169 = vector.load %arg8[%get3A_167, %get3A_168] : memref<8x256xf32, #tpu.memory_space<vmem>>, vector<1x256xf32>
      %get3A_170 = vector.shape_cast %get3A_169 : vector<1x256xf32> to vector<256xf32>
      %jit3A_171 = arith.constant -3.400000e+38 : f32
      %broadcast_in_dim3A_172 = vector.shape_cast %eq3A_166 : vector<2000x1xi1> to vector<2000x1xi1>
      %broadcast_in_dim3A_173 = vector.broadcast %broadcast_in_dim3A_172 : vector<2000x1xi1> to vector<2000x256xi1>
      %broadcast_in_dim3A_174 = vector.broadcast %jit3A_171 : f32 to vector<2000x256xf32>
      %select_n3A_175 = arith.select %broadcast_in_dim3A_173, %add3A_16, %broadcast_in_dim3A_174 : vector<2000x256xi1>, vector<2000x256xf32>
      %reduce_max3A_176 = arith.constant dense<0xFF800000> : vector<256xf32>
      %reduce_max3A_177 = vector.multi_reduction <maximumf>, %select_n3A_175, %reduce_max3A_176 [0] : vector<2000x256xf32> to vector<256xf32>
      %max3A_178 = arith.maximumf %get3A_170, %reduce_max3A_177 : vector<256xf32>
      %swap3A_179 = arith.constant 3 : index
      %swap3A_180 = arith.constant 0 : index
      %swap3A_181 = vector.load %arg8[%swap3A_179, %swap3A_180] : memref<8x256xf32, #tpu.memory_space<vmem>>, vector<1x256xf32>
      %swap3A_182 = vector.shape_cast %swap3A_181 : vector<1x256xf32> to vector<256xf32>
      %swap3A_183 = vector.shape_cast %max3A_178 : vector<256xf32> to vector<1x256xf32>
      tpu.vector_store %arg8[%swap3A_179, %swap3A_180], %swap3A_183 {strides = array<i32>} : memref<8x256xf32, #tpu.memory_space<vmem>>, vector<1x256xf32>,
      %get3A_184 = arith.constant 3 : index
      %get3A_185 = arith.constant 0 : index
      %get3A_186 = vector.load %arg9[%get3A_184, %get3A_185] : memref<8x256xf32, #tpu.memory_space<vmem>>, vector<1x256xf32>
      %get3A_187 = vector.shape_cast %get3A_186 : vector<1x256xf32> to vector<256xf32>
      %jit3A_188 = arith.constant 3.400000e+38 : f32
      %broadcast_in_dim3A_189 = vector.shape_cast %eq3A_166 : vector<2000x1xi1> to vector<2000x1xi1>
      %broadcast_in_dim3A_190 = vector.broadcast %broadcast_in_dim3A_189 : vector<2000x1xi1> to vector<2000x256xi1>
      %broadcast_in_dim3A_191 = vector.broadcast %jit3A_188 : f32 to vector<2000x256xf32>
      %select_n3A_192 = arith.select %broadcast_in_dim3A_190, %add3A_16, %broadcast_in_dim3A_191 : vector<2000x256xi1>, vector<2000x256xf32>
      %reduce_min3A_193 = arith.constant dense<0x7F800000> : vector<256xf32>
      %reduce_min3A_194 = vector.multi_reduction <minimumf>, %select_n3A_192, %reduce_min3A_193 [0] : vector<2000x256xf32> to vector<256xf32>
      %min3A_195 = arith.minimumf %get3A_187, %reduce_min3A_194 : vector<256xf32>
      %swap3A_196 = arith.constant 3 : index
      %swap3A_197 = arith.constant 0 : index
      %swap3A_198 = vector.load %arg9[%swap3A_196, %swap3A_197] : memref<8x256xf32, #tpu.memory_space<vmem>>, vector<1x256xf32>
      %swap3A_199 = vector.shape_cast %swap3A_198 : vector<1x256xf32> to vector<256xf32>
      %swap3A_200 = vector.shape_cast %min3A_195 : vector<256xf32> to vector<1x256xf32>
      tpu.vector_store %arg9[%swap3A_196, %swap3A_197], %swap3A_200 {strides = array<i32>} : memref<8x256xf32, #tpu.memory_space<vmem>>, vector<1x256xf32>,
      %eq3A_201 = arith.constant 4 : i32
      %eq3A_202 = vector.broadcast %eq3A_201 : i32 to vector<2000x1xi32>
      %eq3A_203 = arith.cmpi eq, %get3A_57, %eq3A_202 : vector<2000x1xi32>
      %get3A_204 = arith.constant 4 : index
      %get3A_205 = arith.constant 0 : index
      %get3A_206 = vector.load %arg8[%get3A_204, %get3A_205] : memref<8x256xf32, #tpu.memory_space<vmem>>, vector<1x256xf32>
      %get3A_207 = vector.shape_cast %get3A_206 : vector<1x256xf32> to vector<256xf32>
      %jit3A_208 = arith.constant -3.400000e+38 : f32
      %broadcast_in_dim3A_209 = vector.shape_cast %eq3A_203 : vector<2000x1xi1> to vector<2000x1xi1>
      %broadcast_in_dim3A_210 = vector.broadcast %broadcast_in_dim3A_209 : vector<2000x1xi1> to vector<2000x256xi1>
      %broadcast_in_dim3A_211 = vector.broadcast %jit3A_208 : f32 to vector<2000x256xf32>
      %select_n3A_212 = arith.select %broadcast_in_dim3A_210, %add3A_16, %broadcast_in_dim3A_211 : vector<2000x256xi1>, vector<2000x256xf32>
      %reduce_max3A_213 = arith.constant dense<0xFF800000> : vector<256xf32>
      %reduce_max3A_214 = vector.multi_reduction <maximumf>, %select_n3A_212, %reduce_max3A_213 [0] : vector<2000x256xf32> to vector<256xf32>
      %max3A_215 = arith.maximumf %get3A_207, %reduce_max3A_214 : vector<256xf32>
      %swap3A_216 = arith.constant 4 : index
      %swap3A_217 = arith.constant 0 : index
      %swap3A_218 = vector.load %arg8[%swap3A_216, %swap3A_217] : memref<8x256xf32, #tpu.memory_space<vmem>>, vector<1x256xf32>
      %swap3A_219 = vector.shape_cast %swap3A_218 : vector<1x256xf32> to vector<256xf32>
      %swap3A_220 = vector.shape_cast %max3A_215 : vector<256xf32> to vector<1x256xf32>
      tpu.vector_store %arg8[%swap3A_216, %swap3A_217], %swap3A_220 {strides = array<i32>} : memref<8x256xf32, #tpu.memory_space<vmem>>, vector<1x256xf32>,
      %get3A_221 = arith.constant 4 : index
      %get3A_222 = arith.constant 0 : index
      %get3A_223 = vector.load %arg9[%get3A_221, %get3A_222] : memref<8x256xf32, #tpu.memory_space<vmem>>, vector<1x256xf32>
      %get3A_224 = vector.shape_cast %get3A_223 : vector<1x256xf32> to vector<256xf32>
      %jit3A_225 = arith.constant 3.400000e+38 : f32
      %broadcast_in_dim3A_226 = vector.shape_cast %eq3A_203 : vector<2000x1xi1> to vector<2000x1xi1>
      %broadcast_in_dim3A_227 = vector.broadcast %broadcast_in_dim3A_226 : vector<2000x1xi1> to vector<2000x256xi1>
      %broadcast_in_dim3A_228 = vector.broadcast %jit3A_225 : f32 to vector<2000x256xf32>
      %select_n3A_229 = arith.select %broadcast_in_dim3A_227, %add3A_16, %broadcast_in_dim3A_228 : vector<2000x256xi1>, vector<2000x256xf32>
      %reduce_min3A_230 = arith.constant dense<0x7F800000> : vector<256xf32>
      %reduce_min3A_231 = vector.multi_reduction <minimumf>, %select_n3A_229, %reduce_min3A_230 [0] : vector<2000x256xf32> to vector<256xf32>
      %min3A_232 = arith.minimumf %get3A_224, %reduce_min3A_231 : vector<256xf32>
      %swap3A_233 = arith.constant 4 : index
      %swap3A_234 = arith.constant 0 : index
      %swap3A_235 = vector.load %arg9[%swap3A_233, %swap3A_234] : memref<8x256xf32, #tpu.memory_space<vmem>>, vector<1x256xf32>
      %swap3A_236 = vector.shape_cast %swap3A_235 : vector<1x256xf32> to vector<256xf32>
      %swap3A_237 = vector.shape_cast %min3A_232 : vector<256xf32> to vector<1x256xf32>
      tpu.vector_store %arg9[%swap3A_233, %swap3A_234], %swap3A_237 {strides = array<i32>} : memref<8x256xf32, #tpu.memory_space<vmem>>, vector<1x256xf32>,
      %eq3A_238 = arith.constant 5 : i32
      %eq3A_239 = vector.broadcast %eq3A_238 : i32 to vector<2000x1xi32>
      %eq3A_240 = arith.cmpi eq, %get3A_57, %eq3A_239 : vector<2000x1xi32>
      %get3A_241 = arith.constant 5 : index
      %get3A_242 = arith.constant 0 : index
      %get3A_243 = vector.load %arg8[%get3A_241, %get3A_242] : memref<8x256xf32, #tpu.memory_space<vmem>>, vector<1x256xf32>
      %get3A_244 = vector.shape_cast %get3A_243 : vector<1x256xf32> to vector<256xf32>
      %jit3A_245 = arith.constant -3.400000e+38 : f32
      %broadcast_in_dim3A_246 = vector.shape_cast %eq3A_240 : vector<2000x1xi1> to vector<2000x1xi1>
      %broadcast_in_dim3A_247 = vector.broadcast %broadcast_in_dim3A_246 : vector<2000x1xi1> to vector<2000x256xi1>
      %broadcast_in_dim3A_248 = vector.broadcast %jit3A_245 : f32 to vector<2000x256xf32>
      %select_n3A_249 = arith.select %broadcast_in_dim3A_247, %add3A_16, %broadcast_in_dim3A_248 : vector<2000x256xi1>, vector<2000x256xf32>
      %reduce_max3A_250 = arith.constant dense<0xFF800000> : vector<256xf32>
      %reduce_max3A_251 = vector.multi_reduction <maximumf>, %select_n3A_249, %reduce_max3A_250 [0] : vector<2000x256xf32> to vector<256xf32>
      %max3A_252 = arith.maximumf %get3A_244, %reduce_max3A_251 : vector<256xf32>
      %swap3A_253 = arith.constant 5 : index
      %swap3A_254 = arith.constant 0 : index
      %swap3A_255 = vector.load %arg8[%swap3A_253, %swap3A_254] : memref<8x256xf32, #tpu.memory_space<vmem>>, vector<1x256xf32>
      %swap3A_256 = vector.shape_cast %swap3A_255 : vector<1x256xf32> to vector<256xf32>
      %swap3A_257 = vector.shape_cast %max3A_252 : vector<256xf32> to vector<1x256xf32>
      tpu.vector_store %arg8[%swap3A_253, %swap3A_254], %swap3A_257 {strides = array<i32>} : memref<8x256xf32, #tpu.memory_space<vmem>>, vector<1x256xf32>,
      %get3A_258 = arith.constant 5 : index
      %get3A_259 = arith.constant 0 : index
      %get3A_260 = vector.load %arg9[%get3A_258, %get3A_259] : memref<8x256xf32, #tpu.memory_space<vmem>>, vector<1x256xf32>
      %get3A_261 = vector.shape_cast %get3A_260 : vector<1x256xf32> to vector<256xf32>
      %jit3A_262 = arith.constant 3.400000e+38 : f32
      %broadcast_in_dim3A_263 = vector.shape_cast %eq3A_240 : vector<2000x1xi1> to vector<2000x1xi1>
      %broadcast_in_dim3A_264 = vector.broadcast %broadcast_in_dim3A_263 : vector<2000x1xi1> to vector<2000x256xi1>
      %broadcast_in_dim3A_265 = vector.broadcast %jit3A_262 : f32 to vector<2000x256xf32>
      %select_n3A_266 = arith.select %broadcast_in_dim3A_264, %add3A_16, %broadcast_in_dim3A_265 : vector<2000x256xi1>, vector<2000x256xf32>
      %reduce_min3A_267 = arith.constant dense<0x7F800000> : vector<256xf32>
      %reduce_min3A_268 = vector.multi_reduction <minimumf>, %select_n3A_266, %reduce_min3A_267 [0] : vector<2000x256xf32> to vector<256xf32>
      %min3A_269 = arith.minimumf %get3A_261, %reduce_min3A_268 : vector<256xf32>
      %swap3A_270 = arith.constant 5 : index
      %swap3A_271 = arith.constant 0 : index
      %swap3A_272 = vector.load %arg9[%swap3A_270, %swap3A_271] : memref<8x256xf32, #tpu.memory_space<vmem>>, vector<1x256xf32>
      %swap3A_273 = vector.shape_cast %swap3A_272 : vector<1x256xf32> to vector<256xf32>
      %swap3A_274 = vector.shape_cast %min3A_269 : vector<256xf32> to vector<1x256xf32>
      tpu.vector_store %arg9[%swap3A_270, %swap3A_271], %swap3A_274 {strides = array<i32>} : memref<8x256xf32, #tpu.memory_space<vmem>>, vector<1x256xf32>,
      %eq3A_275 = arith.constant 6 : i32
      %eq3A_276 = vector.broadcast %eq3A_275 : i32 to vector<2000x1xi32>
      %eq3A_277 = arith.cmpi eq, %get3A_57, %eq3A_276 : vector<2000x1xi32>
      %get3A_278 = arith.constant 6 : index
      %get3A_279 = arith.constant 0 : index
      %get3A_280 = vector.load %arg8[%get3A_278, %get3A_279] : memref<8x256xf32, #tpu.memory_space<vmem>>, vector<1x256xf32>
      %get3A_281 = vector.shape_cast %get3A_280 : vector<1x256xf32> to vector<256xf32>
      %jit3A_282 = arith.constant -3.400000e+38 : f32
      %broadcast_in_dim3A_283 = vector.shape_cast %eq3A_277 : vector<2000x1xi1> to vector<2000x1xi1>
      %broadcast_in_dim3A_284 = vector.broadcast %broadcast_in_dim3A_283 : vector<2000x1xi1> to vector<2000x256xi1>
      %broadcast_in_dim3A_285 = vector.broadcast %jit3A_282 : f32 to vector<2000x256xf32>
      %select_n3A_286 = arith.select %broadcast_in_dim3A_284, %add3A_16, %broadcast_in_dim3A_285 : vector<2000x256xi1>, vector<2000x256xf32>
      %reduce_max3A_287 = arith.constant dense<0xFF800000> : vector<256xf32>
      %reduce_max3A_288 = vector.multi_reduction <maximumf>, %select_n3A_286, %reduce_max3A_287 [0] : vector<2000x256xf32> to vector<256xf32>
      %max3A_289 = arith.maximumf %get3A_281, %reduce_max3A_288 : vector<256xf32>
      %swap3A_290 = arith.constant 6 : index
      %swap3A_291 = arith.constant 0 : index
      %swap3A_292 = vector.load %arg8[%swap3A_290, %swap3A_291] : memref<8x256xf32, #tpu.memory_space<vmem>>, vector<1x256xf32>
      %swap3A_293 = vector.shape_cast %swap3A_292 : vector<1x256xf32> to vector<256xf32>
      %swap3A_294 = vector.shape_cast %max3A_289 : vector<256xf32> to vector<1x256xf32>
      tpu.vector_store %arg8[%swap3A_290, %swap3A_291], %swap3A_294 {strides = array<i32>} : memref<8x256xf32, #tpu.memory_space<vmem>>, vector<1x256xf32>,
      %get3A_295 = arith.constant 6 : index
      %get3A_296 = arith.constant 0 : index
      %get3A_297 = vector.load %arg9[%get3A_295, %get3A_296] : memref<8x256xf32, #tpu.memory_space<vmem>>, vector<1x256xf32>
      %get3A_298 = vector.shape_cast %get3A_297 : vector<1x256xf32> to vector<256xf32>
      %jit3A_299 = arith.constant 3.400000e+38 : f32
      %broadcast_in_dim3A_300 = vector.shape_cast %eq3A_277 : vector<2000x1xi1> to vector<2000x1xi1>
      %broadcast_in_dim3A_301 = vector.broadcast %broadcast_in_dim3A_300 : vector<2000x1xi1> to vector<2000x256xi1>
      %broadcast_in_dim3A_302 = vector.broadcast %jit3A_299 : f32 to vector<2000x256xf32>
      %select_n3A_303 = arith.select %broadcast_in_dim3A_301, %add3A_16, %broadcast_in_dim3A_302 : vector<2000x256xi1>, vector<2000x256xf32>
      %reduce_min3A_304 = arith.constant dense<0x7F800000> : vector<256xf32>
      %reduce_min3A_305 = vector.multi_reduction <minimumf>, %select_n3A_303, %reduce_min3A_304 [0] : vector<2000x256xf32> to vector<256xf32>
      %min3A_306 = arith.minimumf %get3A_298, %reduce_min3A_305 : vector<256xf32>
      %swap3A_307 = arith.constant 6 : index
      %swap3A_308 = arith.constant 0 : index
      %swap3A_309 = vector.load %arg9[%swap3A_307, %swap3A_308] : memref<8x256xf32, #tpu.memory_space<vmem>>, vector<1x256xf32>
      %swap3A_310 = vector.shape_cast %swap3A_309 : vector<1x256xf32> to vector<256xf32>
      %swap3A_311 = vector.shape_cast %min3A_306 : vector<256xf32> to vector<1x256xf32>
      tpu.vector_store %arg9[%swap3A_307, %swap3A_308], %swap3A_311 {strides = array<i32>} : memref<8x256xf32, #tpu.memory_space<vmem>>, vector<1x256xf32>,
      %eq3A_312 = arith.constant 7 : i32
      %eq3A_313 = vector.broadcast %eq3A_312 : i32 to vector<2000x1xi32>
      %eq3A_314 = arith.cmpi eq, %get3A_57, %eq3A_313 : vector<2000x1xi32>
      %get3A_315 = arith.constant 7 : index
      %get3A_316 = arith.constant 0 : index
      %get3A_317 = vector.load %arg8[%get3A_315, %get3A_316] : memref<8x256xf32, #tpu.memory_space<vmem>>, vector<1x256xf32>
      %get3A_318 = vector.shape_cast %get3A_317 : vector<1x256xf32> to vector<256xf32>
      %jit3A_319 = arith.constant -3.400000e+38 : f32
      %broadcast_in_dim3A_320 = vector.shape_cast %eq3A_314 : vector<2000x1xi1> to vector<2000x1xi1>
      %broadcast_in_dim3A_321 = vector.broadcast %broadcast_in_dim3A_320 : vector<2000x1xi1> to vector<2000x256xi1>
      %broadcast_in_dim3A_322 = vector.broadcast %jit3A_319 : f32 to vector<2000x256xf32>
      %select_n3A_323 = arith.select %broadcast_in_dim3A_321, %add3A_16, %broadcast_in_dim3A_322 : vector<2000x256xi1>, vector<2000x256xf32>
      %reduce_max3A_324 = arith.constant dense<0xFF800000> : vector<256xf32>
      %reduce_max3A_325 = vector.multi_reduction <maximumf>, %select_n3A_323, %reduce_max3A_324 [0] : vector<2000x256xf32> to vector<256xf32>
      %max3A_326 = arith.maximumf %get3A_318, %reduce_max3A_325 : vector<256xf32>
      %swap3A_327 = arith.constant 7 : index
      %swap3A_328 = arith.constant 0 : index
      %swap3A_329 = vector.load %arg8[%swap3A_327, %swap3A_328] : memref<8x256xf32, #tpu.memory_space<vmem>>, vector<1x256xf32>
      %swap3A_330 = vector.shape_cast %swap3A_329 : vector<1x256xf32> to vector<256xf32>
      %swap3A_331 = vector.shape_cast %max3A_326 : vector<256xf32> to vector<1x256xf32>
      tpu.vector_store %arg8[%swap3A_327, %swap3A_328], %swap3A_331 {strides = array<i32>} : memref<8x256xf32, #tpu.memory_space<vmem>>, vector<1x256xf32>,
      %get3A_332 = arith.constant 7 : index
      %get3A_333 = arith.constant 0 : index
      %get3A_334 = vector.load %arg9[%get3A_332, %get3A_333] : memref<8x256xf32, #tpu.memory_space<vmem>>, vector<1x256xf32>
      %get3A_335 = vector.shape_cast %get3A_334 : vector<1x256xf32> to vector<256xf32>
      %jit3A_336 = arith.constant 3.400000e+38 : f32
      %broadcast_in_dim3A_337 = vector.shape_cast %eq3A_314 : vector<2000x1xi1> to vector<2000x1xi1>
      %broadcast_in_dim3A_338 = vector.broadcast %broadcast_in_dim3A_337 : vector<2000x1xi1> to vector<2000x256xi1>
      %broadcast_in_dim3A_339 = vector.broadcast %jit3A_336 : f32 to vector<2000x256xf32>
      %select_n3A_340 = arith.select %broadcast_in_dim3A_338, %add3A_16, %broadcast_in_dim3A_339 : vector<2000x256xi1>, vector<2000x256xf32>
      %reduce_min3A_341 = arith.constant dense<0x7F800000> : vector<256xf32>
      %reduce_min3A_342 = vector.multi_reduction <minimumf>, %select_n3A_340, %reduce_min3A_341 [0] : vector<2000x256xf32> to vector<256xf32>
      %min3A_343 = arith.minimumf %get3A_335, %reduce_min3A_342 : vector<256xf32>
      %swap3A_344 = arith.constant 7 : index
      %swap3A_345 = arith.constant 0 : index
      %swap3A_346 = vector.load %arg9[%swap3A_344, %swap3A_345] : memref<8x256xf32, #tpu.memory_space<vmem>>, vector<1x256xf32>
      %swap3A_347 = vector.shape_cast %swap3A_346 : vector<1x256xf32> to vector<256xf32>
      %swap3A_348 = vector.shape_cast %min3A_343 : vector<256xf32> to vector<1x256xf32>
      tpu.vector_store %arg9[%swap3A_344, %swap3A_345], %swap3A_348 {strides = array<i32>} : memref<8x256xf32, #tpu.memory_space<vmem>>, vector<1x256xf32>,
    } else {
    }
    return
  }
  func.func @transform_0(%arg0: i32) -> (i32, i32) {
    %c0_i32 = arith.constant 0 : i32
    %c0_i32_0 = arith.constant 0 : i32
    return %arg0, %c0_i32 : i32, i32
  }
  func.func @transform_1(%arg0: i32) -> (i32, i32) {
    %c0_i32 = arith.constant 0 : i32
    %c0_i32_0 = arith.constant 0 : i32
    %c0_i32_1 = arith.constant 0 : i32
    return %c0_i32, %c0_i32_0 : i32, i32
  }
  func.func @transform_2(%arg0: i32) -> (i32, i32) {
    %c0_i32 = arith.constant 0 : i32
    %c0_i32_0 = arith.constant 0 : i32
    %c0_i32_1 = arith.constant 0 : i32
    return %c0_i32, %c0_i32_0 : i32, i32
  }
  func.func @transform_3(%arg0: i32) -> (i32, i32) {
    %c0_i32 = arith.constant 0 : i32
    %c0_i32_0 = arith.constant 0 : i32
    %c0_i32_1 = arith.constant 0 : i32
    return %c0_i32, %c0_i32_0 : i32, i32
  }
  func.func @transform_4(%arg0: i32) -> (i32, i32, i32) {
    %c0_i32 = arith.constant 0 : i32
    %c0_i32_0 = arith.constant 0 : i32
    %c0_i32_1 = arith.constant 0 : i32
    return %arg0, %c0_i32, %c0_i32_0 : i32, i32, i32
  }
  func.func @transform_5(%arg0: i32) -> (i32, i32) {
    %c0_i32 = arith.constant 0 : i32
    %c0_i32_0 = arith.constant 0 : i32
    %c0_i32_1 = arith.constant 0 : i32
    return %c0_i32, %c0_i32_0 : i32, i32
  }
  func.func @transform_6(%arg0: i32) -> (i32, i32) {
    %c0_i32 = arith.constant 0 : i32
    %c0_i32_0 = arith.constant 0 : i32
    %c0_i32_1 = arith.constant 0 : i32
    return %c0_i32, %c0_i32_0 : i32, i32
  }
  func.func @transform_7(%arg0: i32) -> (i32, i32) {
    %c0_i32 = arith.constant 0 : i32
    %c0_i32_0 = arith.constant 0 : i32
    %c0_i32_1 = arith.constant 0 : i32
    return %c0_i32, %c0_i32_0 : i32, i32
  }
  func.func @transform_8(%arg0: i32) -> (i32, i32) {
    %c0_i32 = arith.constant 0 : i32
    %c0_i32_0 = arith.constant 0 : i32
    %c0_i32_1 = arith.constant 0 : i32
    return %c0_i32, %c0_i32_0 : i32, i32
  }
}

module attributes {stable_mosaic.version = 14 : i64} {
  func.func @body(%arg0: memref<1x256xf32, #tpu.memory_space<vmem>>, %arg1: memref<1x256xf32, #tpu.memory_space<vmem>>, %arg2: memref<1x256xf32, #tpu.memory_space<vmem>>, %arg3: memref<1x256xf32, #tpu.memory_space<vmem>>, %arg4: memref<8x256xf32, #tpu.memory_space<vmem>>, %arg5: memref<8x256xf32, #tpu.memory_space<vmem>>, %arg6: memref<8x256xf32, #tpu.memory_space<vmem>>, %arg7: memref<8x256xf32, #tpu.memory_space<vmem>>, %arg8: memref<1x256xf32, #tpu.memory_space<vmem>>, %arg9: memref<1x256xf32, #tpu.memory_space<vmem>>, %arg10: memref<128x256xf32, #tpu.memory_space<vmem>>, %arg11: memref<1x128xf32, #tpu.memory_space<vmem>>, %arg12: memref<10x128xf32, #tpu.memory_space<vmem>>, %arg13: memref<1x10xf32, #tpu.memory_space<vmem>>, %arg14: memref<8x10xf32, #tpu.memory_space<vmem>>) attributes {dimension_semantics = [], scalar_prefetch = 0 : i64, scratch_operands = 0 : i64, tpu.core_type = #tpu.core_type<tc>} {
    %get3A = arith.constant 0 : index
    %get3A_0 = arith.constant 0 : index
    %get3A_1 = vector.load %arg0[%get3A, %get3A_0] : memref<1x256xf32, #tpu.memory_space<vmem>>, vector<1x256xf32>
    %get3A_2 = arith.constant 0 : index
    %get3A_3 = arith.constant 0 : index
    %get3A_4 = vector.load %arg2[%get3A_2, %get3A_3] : memref<1x256xf32, #tpu.memory_space<vmem>>, vector<1x256xf32>
    %add3A = arith.addf %get3A_1, %get3A_4 : vector<1x256xf32>
    %div3A = arith.constant 8.000000e+05 : f32
    %div3A_5 = vector.broadcast %div3A : f32 to vector<1x256xf32>
    %div3A_6 = arith.divf %add3A, %div3A_5 : vector<1x256xf32>
    %get3A_7 = arith.constant 0 : index
    %get3A_8 = arith.constant 0 : index
    %get3A_9 = vector.load %arg1[%get3A_7, %get3A_8] : memref<1x256xf32, #tpu.memory_space<vmem>>, vector<1x256xf32>
    %get3A_10 = arith.constant 0 : index
    %get3A_11 = arith.constant 0 : index
    %get3A_12 = vector.load %arg3[%get3A_10, %get3A_11] : memref<1x256xf32, #tpu.memory_space<vmem>>, vector<1x256xf32>
    %add3A_13 = arith.addf %get3A_9, %get3A_12 : vector<1x256xf32>
    %div3A_14 = arith.constant 8.000000e+05 : f32
    %div3A_15 = vector.broadcast %div3A_14 : f32 to vector<1x256xf32>
    %div3A_16 = arith.divf %add3A_13, %div3A_15 : vector<1x256xf32>
    %mul3A = arith.mulf %div3A_6, %div3A_6 : vector<1x256xf32>
    %sub3A = arith.subf %div3A_16, %mul3A : vector<1x256xf32>
    %get3A_17 = arith.constant 0 : index
    %get3A_18 = arith.constant 0 : index
    %get3A_19 = vector.load %arg8[%get3A_17, %get3A_18] : memref<1x256xf32, #tpu.memory_space<vmem>>, vector<1x256xf32>
    %add3A_20 = arith.constant 9.99999974E-6 : f32
    %add3A_21 = vector.broadcast %add3A_20 : f32 to vector<1x256xf32>
    %add3A_22 = arith.addf %sub3A, %add3A_21 : vector<1x256xf32>
    %rsqrt3A = math.rsqrt %add3A_22 : vector<1x256xf32>
    %mul3A_23 = arith.mulf %get3A_19, %rsqrt3A : vector<1x256xf32>
    %get3A_24 = arith.constant 0 : index
    %get3A_25 = arith.constant 0 : index
    %get3A_26 = vector.load %arg9[%get3A_24, %get3A_25] : memref<1x256xf32, #tpu.memory_space<vmem>>, vector<1x256xf32>
    %mul3A_27 = arith.mulf %div3A_6, %mul3A_23 : vector<1x256xf32>
    %sub3A_28 = arith.subf %get3A_26, %mul3A_27 : vector<1x256xf32>
    %get3A_29 = arith.constant 0 : index
    %get3A_30 = arith.constant 0 : index
    %get3A_31 = vector.load %arg4[%get3A_29, %get3A_30] : memref<8x256xf32, #tpu.memory_space<vmem>>, vector<8x256xf32>
    %get3A_32 = arith.constant 0 : index
    %get3A_33 = arith.constant 0 : index
    %get3A_34 = vector.load %arg6[%get3A_32, %get3A_33] : memref<8x256xf32, #tpu.memory_space<vmem>>, vector<8x256xf32>
    %max3A = arith.maximumf %get3A_31, %get3A_34 : vector<8x256xf32>
    %get3A_35 = arith.constant 0 : index
    %get3A_36 = arith.constant 0 : index
    %get3A_37 = vector.load %arg5[%get3A_35, %get3A_36] : memref<8x256xf32, #tpu.memory_space<vmem>>, vector<8x256xf32>
    %get3A_38 = arith.constant 0 : index
    %get3A_39 = arith.constant 0 : index
    %get3A_40 = vector.load %arg7[%get3A_38, %get3A_39] : memref<8x256xf32, #tpu.memory_space<vmem>>, vector<8x256xf32>
    %min3A = arith.minimumf %get3A_37, %get3A_40 : vector<8x256xf32>
    %ge3A = arith.constant 0.000000e+00 : f32
    %ge3A_41 = vector.broadcast %ge3A : f32 to vector<1x256xf32>
    %ge3A_42 = arith.cmpf oge, %get3A_19, %ge3A_41 : vector<1x256xf32>
    %broadcast_in_dim3A = vector.shape_cast %ge3A_42 : vector<1x256xi1> to vector<1x256xi1>
    %broadcast_in_dim3A_43 = vector.broadcast %broadcast_in_dim3A : vector<1x256xi1> to vector<8x256xi1>
    %select_n3A = arith.select %broadcast_in_dim3A_43, %max3A, %min3A : vector<8x256xi1>, vector<8x256xf32>
    %mul3A_44 = vector.broadcast %mul3A_23 : vector<1x256xf32> to vector<8x256xf32>
    %mul3A_45 = arith.mulf %select_n3A, %mul3A_44 : vector<8x256xf32>
    %add3A_46 = vector.broadcast %sub3A_28 : vector<1x256xf32> to vector<8x256xf32>
    %add3A_47 = arith.addf %mul3A_45, %add3A_46 : vector<8x256xf32>
    %max3A_48 = arith.constant 0.000000e+00 : f32
    %max3A_49 = vector.broadcast %max3A_48 : f32 to vector<8x256xf32>
    %max3A_50 = arith.maximumf %add3A_47, %max3A_49 : vector<8x256xf32>
    %get3A_51 = arith.constant 0 : index
    %get3A_52 = arith.constant 0 : index
    %get3A_53 = vector.load %arg10[%get3A_51, %get3A_52] : memref<128x256xf32, #tpu.memory_space<vmem>>, vector<128x256xf32>
    %dot_general3A = arith.constant dense<0.000000e+00> : vector<8x128xf32>
    %dot_general3A_54 = tpu.matmul %max3A_50, %get3A_53, %dot_general3A {dimension_numbers = #tpu.dot_dimension_numbers<[1], [1], [0], [0], [0, 0, 1, 0], [], []>, precision = #tpu.contract_precision<fp32>, transpose_lhs_hint = false} : vector<8x256xf32>, vector<128x256xf32>, vector<8x128xf32> -> vector<8x128xf32>
    %get3A_55 = arith.constant 0 : index
    %get3A_56 = arith.constant 0 : index
    %get3A_57 = vector.load %arg11[%get3A_55, %get3A_56] : memref<1x128xf32, #tpu.memory_space<vmem>>, vector<1x128xf32>
    %add3A_58 = vector.broadcast %get3A_57 : vector<1x128xf32> to vector<8x128xf32>
    %add3A_59 = arith.addf %dot_general3A_54, %add3A_58 : vector<8x128xf32>
    %max3A_60 = arith.constant 0.000000e+00 : f32
    %max3A_61 = vector.broadcast %max3A_60 : f32 to vector<8x128xf32>
    %max3A_62 = arith.maximumf %add3A_59, %max3A_61 : vector<8x128xf32>
    %get3A_63 = arith.constant 0 : index
    %get3A_64 = arith.constant 0 : index
    %get3A_65 = vector.load %arg12[%get3A_63, %get3A_64] : memref<10x128xf32, #tpu.memory_space<vmem>>, vector<10x128xf32>
    %dot_general3A_66 = arith.constant dense<0.000000e+00> : vector<8x10xf32>
    %dot_general3A_67 = tpu.matmul %max3A_62, %get3A_65, %dot_general3A_66 {dimension_numbers = #tpu.dot_dimension_numbers<[1], [1], [0], [0], [0, 0, 1, 0], [], []>, precision = #tpu.contract_precision<fp32>, transpose_lhs_hint = false} : vector<8x128xf32>, vector<10x128xf32>, vector<8x10xf32> -> vector<8x10xf32>
    %get3A_68 = arith.constant 0 : index
    %get3A_69 = arith.constant 0 : index
    %get3A_70 = vector.load %arg13[%get3A_68, %get3A_69] : memref<1x10xf32, #tpu.memory_space<vmem>>, vector<1x10xf32>
    %add3A_71 = vector.broadcast %get3A_70 : vector<1x10xf32> to vector<8x10xf32>
    %add3A_72 = arith.addf %dot_general3A_67, %add3A_71 : vector<8x10xf32>
    %swap3A = arith.constant 0 : index
    %swap3A_73 = arith.constant 0 : index
    %swap3A_74 = vector.load %arg14[%swap3A, %swap3A_73] : memref<8x10xf32, #tpu.memory_space<vmem>>, vector<8x10xf32>
    tpu.vector_store %arg14[%swap3A, %swap3A_73], %add3A_72 {strides = array<i32>} : memref<8x10xf32, #tpu.memory_space<vmem>>, vector<8x10xf32>,
    return
  }
}

</mosaic_0001>

<sc_bundles>
// kernel: kernel.18.cloned.1.call-start
scs
__scs_entry_jumppad:
0x0: {  	(pc) =	sbr.rel $0x88, $3  }
0x1: {  	(tag) =	ssettag $0x0;
	lr =	simm.s32 $0x1  }
0x2: {  	[smem:$0x3F88] =	sst lr;
	_ =	strace $0xD0000000  }
0x3: {  	_ = 	snop  }
0x4: {  	_ = 	snop  }
0x5: {  	_ = 	snop  }
0x6: {  	_ = 	snop  }
0x7: {  	_ = 	snop  }
__scs_overlays_trampoline_lowered:
0x8: {  	[smem:$0x3F97] =	sst s0  }
0x9: {  	[smem:$0x3F98] =	sst s1  }
0xa: {  	[smem:$0x3F99] =	sst s2  }
0xb: {  	[smem:$0x3F9A] =	sst s3  }
0xc: {  	[smem:$0x3F9B] =	sst s4  }
0xd: {  	[smem:$0x3F9C] =	sst s5  }
0xe: {  	[smem:$0x3F9D] =	sst s6  }
0xf: {  	[smem:$0x3F9E] =	sst s7  }
0x10: {  	[smem:$0x3F9F] =	sst s8  }
0x11: {  	[smem:$0x3FA0] =	sst s9;
	s0 =	simm.s32 @!p0 $0x0  }
0x12: {  	s1 =	sld [smem:$0x3F86];
	s0 =	simm.s32 @p0 $0x1  }
0x13: {  	[smem:$0x3FA1] =	sst s0;
	s0 =	simm.s32 @!p1 $0x0  }
0x14: {  	s2 =	sld [smem:$0x3F85];
	s0 =	simm.s32 @p1 $0x1  }
0x15: {  	[smem:$0x3FA2] =	sst s0;
	s0 =	simm.s32 @!p2 $0x0  }
0x16: {  	s3 =	sld [smem:$0x3FDB];
	s0 =	simm.s32 @p2 $0x1  }
0x17: {  	s4 =	simm.s32 $0x1BF5;
	[smem:$0x3FA4] =	sst s0  }
0x18: {  	s0 =	sld [smem:$0x3F87];
	_ =	swait.ge [sflag:s4], $0x0  }
0x19: {  	s7 =	sld [smem:$0x3F88]  }
0x1a: {  	s8 =	sadd.s32 $0xFFFFE003, lr  }
0x1b: {  	s9 =	sadd.s32 $0xFFFFFEF7, lr;
	s5 =	simm.s32 $0xFFFFFFFF;
	p2 =	slt.u32 s8, $0xFFFFF086  }
0x1c: {  	p1 =	slt.u32 s9, $0xF7A;
	s5 =	simm.s32 @!p2 $0x0  }
0x1d: {  	s5 =	simm.s32 @p1 $0x1;
	p0 =	seq.s32 s7, s2  }
0x1e: {  	s7 =	smul.u32 @!p0 $0xF7A, s2;
	p2 =	seq.s32 @!p0 s5, $0x0  }
0x1f: {  	s9 =	smul.u32 $0xF7A, s1;
	s8 =	simm.s32 @!p0 $0x1BF5;
	p2 =	por !p2, p0  }
0x20: {  	[sflag:s8] =	ssyncset.s32 @!p0 $0xFFFFF086;
	s6 =	sadd.s32 @!p0 s3, s7;
	s7 =	simm.s32 @!p0 $0x108  }
0x21: {  	s3 =	sadd.s32 s3, s9;
	s6 =	sadd.s32 @!p0 $0x88, s6;
	s7 =	simm.s32 @p2 $0x1082  }
0x22: {  	[simem:s7], [sflag:s8] =	dma.local @!p0 [hbm:s6], $0xF7A  }
0x23: {  	s9 =	sor.u32 $0xD0000000, s2;
	s6 =	simm.s32 $0x108;
	_ =	swait.ge @!p0 [sflag:s8], $0x0  }
0x24: {  	s3 =	sadd.s32 $0x88, s3;
	s6 =	simm.s32 @!p1 $0x1082;
	[sflag:s4] =	ssyncset.s32 $0xFFFFF086  }
0x25: {  	[simem:s6], [sflag:s4] =	dma.local [hbm:s3], $0xF7A  }
0x26: {  	[smem:$0x3F88] =	sst s1;
	(tag) =	ssettag s2;
	_ =	strace s9  }
0x27: {  	s1 =	sld [smem:$0x3F98]  }
0x28: {  	s2 =	sld [smem:$0x3F99]  }
0x29: {  	s4 =	sld [smem:$0x3F9B]  }
0x2a: {  	p0 =	seq.s32 s5, $0x0;
	s5 =	sld [smem:$0x3F9C]  }
0x2b: {  	s6 =	sld [smem:$0x3F9D]  }
0x2c: {  	s7 =	sld [smem:$0x3F9E]  }
0x2d: {  	s3 =	simm.s32 $0x108;
	s8 =	sld [smem:$0x3F9F]  }
0x2e: {  	s3 =	simm.s32 @!p0 $0x1082;
	s9 =	sld [smem:$0x3FA0]  }
0x2f: {  	lr =	sadd.s32 s0, s3;
	s0 =	sld [smem:$0x3F97]  }
0x30: {  	s3 =	sld [smem:$0x3F9A]  }
0x31: {  	[smem:$0x3FA3] =	sst s10  }
0x32: {  	s10 =	sld [smem:$0x3FA1];
	_ =	sdelay $0x3  }
0x33: {  	p0 =	seq.s32 s10, $0x1;
	s10 =	sld [smem:$0x3FA3];
	_ =	sdelay $0x3  }
0x34: {  	[smem:$0x3FA3] =	sst s10  }
0x35: {  	s10 =	sld [smem:$0x3FA2];
	_ =	sdelay $0x3  }
0x36: {  	p1 =	seq.s32 s10, $0x1;
	s10 =	sld [smem:$0x3FA3];
	_ =	sdelay $0x3  }
0x37: {  	[smem:$0x3FA3] =	sst s10  }
0x38: {  	s10 =	sld [smem:$0x3FA4]  }
0x39: {  	_ = 	snop;
	(pc) =	sbr.ind lr, $3  }
0x3a: {  	_ = 	snop  }
0x3b: {  	_ = 	snop  }
0x3c: {  	p2 =	seq.s32 s10, $0x1;
	s10 =	sld [smem:$0x3FA3]  }
0x3d: {  	_ =	shalt  }
0x3e: {  	_ =	shalt  }
0x3f: {  	_ =	shalt  }
0x40: {  	_ =	shalt  }
0x41: {  	_ =	shalt  }
0x42: {  	_ =	shalt  }
0x43: {  	_ =	shalt  }
0x44: {  	_ =	shalt  }
0x45: {  	_ =	shalt  }
0x46: {  	_ =	shalt  }
0x47: {  	_ =	shalt  }
0x48: {  	_ =	shalt  }
0x49: {  	_ =	shalt  }
0x4a: {  	_ =	shalt  }
0x4b: {  	_ =	shalt  }
0x4c: {  	_ =	shalt  }
0x4d: {  	_ =	shalt  }
0x4e: {  	_ =	shalt  }
0x4f: {  	_ =	shalt  }
0x50: {  	_ =	shalt  }
0x51: {  	_ =	shalt  }
0x52: {  	_ =	shalt  }
0x53: {  	_ =	shalt  }
0x54: {  	_ =	shalt  }
0x55: {  	_ =	shalt  }
0x56: {  	_ =	shalt  }
0x57: {  	_ =	shalt  }
0x58: {  	_ =	shalt  }
0x59: {  	_ =	shalt  }
0x5a: {  	_ =	shalt  }
0x5b: {  	_ =	shalt  }
0x5c: {  	_ =	shalt  }
0x5d: {  	_ =	shalt  }
0x5e: {  	_ =	shalt  }
0x5f: {  	_ =	shalt  }
0x60: {  	_ =	shalt  }
0x61: {  	_ =	shalt  }
0x62: {  	_ =	shalt  }
0x63: {  	_ =	shalt  }
0x64: {  	_ =	shalt  }
0x65: {  	_ =	shalt  }
0x66: {  	_ =	shalt  }
0x67: {  	_ =	shalt  }
0x68: {  	_ =	shalt  }
0x69: {  	_ =	shalt  }
0x6a: {  	_ =	shalt  }
0x6b: {  	_ =	shalt  }
0x6c: {  	_ =	shalt  }
0x6d: {  	_ =	shalt  }
0x6e: {  	_ =	shalt  }
0x6f: {  	_ =	shalt  }
0x70: {  	_ =	shalt  }
0x71: {  	_ =	shalt  }
0x72: {  	_ =	shalt  }
0x73: {  	_ =	shalt  }
0x74: {  	_ =	shalt  }
0x75: {  	_ =	shalt  }
0x76: {  	_ =	shalt  }
0x77: {  	_ =	shalt  }
0x78: {  	_ =	shalt  }
0x79: {  	_ =	shalt  }
0x7a: {  	_ =	shalt  }
0x7b: {  	_ =	shalt  }
0x7c: {  	_ =	shalt  }
0x7d: {  	_ =	shalt  }
0x7e: {  	_ =	shalt  }
0x7f: {  	_ =	shalt  }
0x80: {  	_ =	shalt  }
0x81: {  	_ =	shalt  }
0x82: {  	_ =	shalt  }
0x83: {  	_ =	shalt  }
0x84: {  	_ =	shalt  }
0x85: {  	_ =	shalt  }
0x86: {  	_ =	shalt  }
0x87: {  	_ =	shalt  }
.Lfunc_end0:
.L_simem_size_0:
called_computation_lowered:
.L_overlay_start_0:
0x88: {  	s2 =	sld [smem:$0x3FD9]  }
0x89: {  	s3 =	sld [smem:$0x3FFE];
	_ =	sdelay $0x1  }
0x8a: {  	s1 =	srdreg.scid  }
0x8b: {  	s0 =	sand.u32 $0x1, s1  }
0x8c: {  	s16 =	sshll.u32 s0, $0xA;
	s2 =	sadd.s32 s3, s2  }
0x8d: {  	s2 =	sadd.s32 s2, s16  }
0x8e: {  	[smem:$0x3FAF] =	sst s2  }
0x8f: {  	_ = 	snop  }
0x90: {  	(tm) =	ssettm $0x1  }
0x91: {  	s17 =	sld [smem:$0x3FFB];
	_ =	sdelay $0x3  }
0x92: {  	_ =	strace s17  }
0x93: {  	s2 =	sld [smem:$0x3FFC];
	_ =	sdelay $0x3  }
0x94: {  	_ =	strace s2  }
0x95: {  	s2 =	sld [smem:$0x3FFD];
	_ =	sdelay $0x3  }
0x96: {  	_ =	strace s2  }
0x97: {  	_ =	strace $0x8FFFFFFF  }
0x98: {  	s18 =	sld [smem:$0x3FDB];
	_ =	sdelay $0x1  }
0x99: {  	s19 =	simm.s32 $_scs_section_size  }
0x9a: {  	s4 =	simm.s32 $_size__tile_overlayer_lowered;
	s5 =	simm.s32 $_tile_overlayer_lowered  }
0x9b: {  	s22 =	simm.s32 $0x1BFF;
	s21 =	sshll.u32 s5, $0x1;
	s2 =	sadd.s32 s19, s18  }
0x9c: {  	s6 =	simm.s32 $0x0;
	s20 =	sshll.u32 s4, $0x1;
	s4 =	sadd.s32 s21, s2  }
0x9d: {  	[timem:s6], [sflag:s22] =	dma.local [hbm:s4], s20  }
0x9e: {  	_ =	swait.ge [sflag:s22], s20  }
0x9f: {  	s3 =	ssub.s32 $0x0, s20;
	[sflag:s22] =	ssyncset.done $0x0  }
0xa0: {  	[sflag:s22] =	ssyncadd.s32 s3;
	_ =	sdelay $0x1  }
0xa1: {  	s23 =	simm.s32 $0x1B8B  }
0xa2: {  	_ =	swait.ge [sflag:s23], $0x1  }
0xa3: {  	[sflag:s23] =	ssyncset.done $0x0  }
0xa4: {  	s25 =	simm.s32 $0x1B8E;
	s24 =	sld [smem:$0x3FFE];
	[sflag:s23] =	ssyncadd.s32 $0xFFFFFFFF  }
0xa5: {  	s26 =	simm.s32 $execute0_lowered;
	[smem:$0x3FD2] =	sst s25  }
0xa6: {  	s4 =	sshll.u32 s26, $0x1;
	_ =	strace $0x80000046;
	[dreg:$0x1] =	wrdreg $0xFFFFFFFF  }
0xa7: {  	s28 =	simm.s32 $_size_execute0_lowered;
	s2 =	sadd.s32 s2, s4;
	[dreg:$0x0] =	wrdreg $0x0  }
0xa8: {  	s4 =	sshll.u32 s28, $0x1;
	[dreg:$0x2] =	wrdreg s2  }
0xa9: {  	[dreg:$0x3] =	wrdreg s4  }
0xaa: {  	[dreg:$0x4] =	wrdreg $0xC0  }
0xab: {  	_ =	task [dreg:s6], $0x5FFFF  }
0xac: {  	[dreg:$0x1] =	wrdreg $0xFFFFFFFF  }
0xad: {  	[dreg:$0x0] =	wrdreg $0x60  }
0xae: {  	[dreg:$0x2] =	wrdreg s24  }
0xaf: {  	[dreg:$0x3] =	wrdreg $0x9  }
0xb0: {  	_ =	task.clear_ibuf [dreg:s6], $0x4FFFF;
	_ =	strace $0x90000046  }
0xb1: {  	s29 =	simm.s32 $0x9;
	_ =	strace $0x80000048  }
0xb2: {  	_ =	swait.ge [sflag:s29], $0x1  }
0xb3: {  	[sflag:s29] =	ssyncadd.s32 $0xFFFFFFFF  }
0xb4: {  	_ =	strace $0x90000048  }
0xb5: {  	_ =	sfence  }
0xb6: {  	s30 =	sld [smem:$0x0];
	_ =	sdelay $0x2  }
0xb7: {  	s31 =	sshll.u32 s1, $0xD;
	s1 =	sshrl.u32 s1, $0x2  }
0xb8: {  	s3 =	sand.u32 $0x4000, s31;
	s1 =	sadd.s32 s1, s30  }
0xb9: {  	s0 =	sor.u32 s3, s0;
	s1 =	sshll.u32 s1, $0x11  }
0xba: {  	s0 =	sor.u32 s1, s0  }
0xbb: {  	s0 =	sadd.s32 $0x8F2B, s0  }
0xbc: {  	[sflag:s0] =	ssyncadd.remote.s32 $0x1  }
0xbd: {  	_ =	sfence.sel $0xFFFF  }
0xbe: {  	[dreg:$0x0] =	wrdreg $0xFFFFFFFF;
	(pc) =	sbr.abs _section_cstart, $3  }
0xbf: {  	[dreg:$0x1] =	wrdreg $0xFFFFFFFF  }
0xc0: {  	_ =	task.clear_ibuf [dreg:s6], $0x2FFFF;
	_ =	strace $0x9FFFFFFF  }
0xc1: {  	(tm) =	ssettm $0x7FFFFFFF  }
tec
execute0_lowered:
.L_overlay_start_1:
0x0: {  	(tag) =	ssettag $0x1  }
0x1: {  	s7 =	rddreg [dreg:$0x0]  }
0x2: {  	s0 =	rddreg [dreg:$0x1];
	s1 =	simm.s32 $0x0;
	s5 =	srdreg.scid  }
0x3: {  	s2 =	stileid.u32;
	s12 =	simm.s32 $0x80;
	s13 =	simm.s32 $0x100  }
0x4: {  	s14 =	simm.s32 $0x2100;
	s15 =	simm.s32 $0x1;
	s16 =	simm.s32 $0x0  }
0x5: {  	[smem:$0x7FF] =	sst s1;
	s3 =	sadd.s32 $0x68600, s7;
	s4 =	sadd.s32 $0x6A00, s7  }
0x6: {  	s8 =	sand.u32 $0x1, s5;
	s5 =	sadd.s32 $0xD6600, s7;
	s10 =	sshll.u32 s2, $0x1  }
0x7: {  	s6 =	sadd.s32 $0xCA200, s7;
	s7 =	sadd.s32 $0xE2A00, s7;
	s9 =	ssub.s32 $0x2, s8  }
0x8: {  	_ =	strace $0x80000047;
	s8 =	sor.u32 s8, s10;
	s11 =	sshrl.u32 s9, $0x1  }
0x9: {  	s31 =	ssub.s32 $0xC54, s8;
	s8 =	sshll.u32 s8, $0x7;
	s30 =	ssub.s32 s9, s11  }
0xa: {  	s9 =	sshrl.u32 s31, $0x5;
	s11 =	simm.s32 $0x2;
	s10 =	smax.u32 s30, $0x1  }
.LBB2_1:
0xb: {  	s17 =	simm.s32 $0x0  }
.LBB2_2:
0xc: {  	s18 =	sshll.u32 s17, $0xC  }
0xd: {  	s18 =	sor.u32 s8, s18  }
0xe: {  	s19 =	sshrl.u32 s18, $0x3  }
0xf: {  	s21 =	simm.s32 $0x0;
	s20 =	sadd.s32 s5, s19  }
0x10: {  	[tilespmem:s21], [sflag:$0x2] =	stream.linear.gather [hbm4b:s20+s21], $0x80, $0x38;
	[tilespmem:$0x4100] =	vst v63  }
0x11: {  	_ =	swait.ge [sflag:s11], $0x80  }
0x12: {  	[sflag:s11] =	ssyncset.done $0x0  }
0x13: {  	s19 =	sadd.s32 s6, s19;
	[sflag:s11] =	ssyncadd.s32 $0xFFFFFF80  }
0x14: {  	[tilespmem:s12], [sflag:$0x2] =	stream.linear.gather [hbm4b:s19+s21], $0x80, $0x38;
	[tilespmem:$0x4100] =	vst v63  }
0x15: {  	_ =	swait.ge [sflag:s11], $0x80  }
0x16: {  	[sflag:s11] =	ssyncset.done $0x0  }
0x17: {  	[sflag:s11] =	ssyncadd.s32 $0xFFFFFF80  }
0x18: {  	[tilespmem:s13], [sflag:$0x1] =	stream.indirect.gather [hbm4b:s3+s12], $0x40, s21, s12, $0xb8;
	[tilespmem:$0x4100] =	vst v63  }
0x19: {  	_ = 	snop  }
0x1a: {  	[tilespmem:s14], [sflag:$0x1] =	stream.indirect.gather [hbm4b:s4+s12], $0x40, s12, s12, $0xb8;
	[tilespmem:$0x4100] =	vst v63  }
0x1b: {  	_ =	swait.ge [sflag:s15], $0x2000  }
0x1c: {  	[sflag:s15] =	ssyncset.done $0x0  }
0x1d: {  	[sflag:s15] =	ssyncadd.s32 $0xFFFFE000  }
0x1e: {  	_ =	swait.ge [sflag:s15], $0x2000  }
0x1f: {  	[sflag:s15] =	ssyncset.done $0x0  }
0x20: {  	s19 =	simm.s32 $0x0;
	[sflag:s15] =	ssyncadd.s32 $0xFFFFE000  }
0x21: {  	v5 =	vld [tilespmem:s19+$0x2100]  }
0x22: {  	v6 =	vld [tilespmem:s19+$0x2110]  }
0x23: {  	v1 =	vld [tilespmem:s19+$0x2120]  }
0x24: {  	v0 =	vld [tilespmem:s19+$0x2130]  }
0x25: {  	v2 =	vld [tilespmem:s19+$0x100]  }
0x26: {  	v4 =	vld [tilespmem:s19+$0x110]  }
0x27: {  	s20 =	simm.s32 $0x100;
	v3 =	vld [tilespmem:s19+$0x120]  }
.LBB2_3:
0x28: {  	s21 =	sshra.s32 s20, $0x2;
	p0 =	sne.s32 s20, $0x7F00;
	v7 =	vld [tilespmem:s19+$0x130];
	v8 =	vmov v1  }
0x29: {  	v9 =	vld [tilespmem:s21+$0x2100];
	v10 =	vmov v0  }
0x2a: {  	v11 =	vld [tilespmem:s21+$0x2110];
	v2 =	vadd.f32 v5, v2  }
.Ltmp0:
0x2b: {  	v1 =	vld [tilespmem:s21+$0x2120];
	v4 =	vadd.f32 v6, v4;
	(pc) =	sbr.rel @p0 .LBB2_3-.Ltmp0, $4  }
0x2c: {  	v0 =	vld [tilespmem:s21+$0x2130];
	[tilespmem:s19+$0x100] =	vst v2;
	v3 =	vadd.f32 v8, v3  }
0x2d: {  	v2 =	vld [tilespmem:s21+$0x100];
	[tilespmem:s19+$0x110] =	vst v4;
	v7 =	vadd.f32 v10, v7  }
0x2e: {  	v4 =	vld [tilespmem:s21+$0x110];
	[tilespmem:s19+$0x120] =	vst v3;
	v5 =	vmov v9  }
0x2f: {  	s20 =	sadd.s32 $0x100, s20;
	v3 =	vld [tilespmem:s21+$0x120];
	[tilespmem:s19+$0x130] =	vst v7;
	v6 =	vmov v11;
	s19 =	smov.u32 s21  }
0x30: {  	v7 =	vld [tilespmem:s19+$0x130];
	_ =	sdelay $0x1  }
0x31: {  	v2 =	vadd.f32 v5, v2  }
0x32: {  	v4 =	vadd.f32 v6, v4  }
0x33: {  	[tilespmem:s19+$0x100] =	vst v2;
	v1 =	vadd.f32 v1, v3  }
0x34: {  	s18 =	sshll.u32 s18, $0x3;
	s17 =	sadd.s32 $0x1, s17;
	[tilespmem:s19+$0x110] =	vst v4;
	v0 =	vadd.f32 v0, v7  }
0x35: {  	s18 =	sand.u32 $0x1FFFFC00, s18;
	p0 =	sne.s32 s17, s9;
	[tilespmem:s19+$0x120] =	vst v1  }
.Ltmp1:
0x36: {  	s18 =	sadd.s32 s7, s18;
	[tilespmem:s19+$0x130] =	vst v0;
	(pc) =	sbr.rel @p0 .LBB2_2-.Ltmp1, $4  }
0x37: {  	[hbm4b:s18+s1] =	stream.linear.scatter [tilespmem:s13], [sflag:$0x2], $0x2000, $0x38;
	[tilespmem:$0x4100] =	vst v63  }
0x38: {  	_ =	swait.ge [sflag:s11], $0x2000  }
0x39: {  	[sflag:s11] =	ssyncset.done $0x0  }
0x3a: {  	[sflag:s11] =	ssyncadd.s32 $0xFFFFE000  }
0x3b: {  	s16 =	sadd.s32 $0x1, s16  }
0x3c: {  	p0 =	sne.s32 s16, s10  }
.Ltmp2:
0x3d: {  	_ = 	snop;
	(pc) =	sbr.rel @p0 .LBB2_1-.Ltmp2, $1  }
0x3e: {  	_ =	sdelay $0x3  }
0x3f: {  	_ =	sfence.sel $0x180000  }
0x40: {  	[bflag:$0x0] =	sbarrier.arrive $0xFFFF  }
0x41: {  	p0 =	sne.s32 s2, $0x0;
	_ =	strace $0x90000047  }
0x42: {  	s0 =	sadd.s32 @!p0 $0x100000, s0;
	[bflag:$0x2] =	sbarrier.arrive $0xFFFF  }
0x43: {  	[sflag:s0] =	ssyncadd.tile.s32 @!p0 $0x1;
	_ =	shalt  }
.Lfunc_end2:
_tile_overlayer_lowered:
.L_overlay_start_2:
0x44: {  	(tag) =	ssettag $0x2  }
0x45: {  	s0 =	rddreg [dreg:$0x0];
	s2 =	stileid.u32  }
0x46: {  	s1 =	rddreg [dreg:$0x1];
	p0 =	sne.s32 s2, $0x0  }
0x47: {  	s3 =	rddreg [dreg:$0x2];
	[bflag:$0x3] =	sbarrier.arrive $0xFFFF;
	s2 =	simm.s32 @!p0 $0x1C02  }
0x48: {  	[timem:s3], [sflag:s2] =	dma.local @!p0 [hbm:s0], s1  }
0x49: {  	s0 =	simm.s32 @!p0 $0x2  }
0x4a: {  	_ =	swait.ge @!p0 [sflag:s0], s1  }
0x4b: {  	s1 =	ssub.s32 @!p0 $0x0, s1;
	[sflag:s0] =	ssyncset.done @!p0 $0x0  }
0x4c: {  	[sflag:s0] =	ssyncadd.s32 @!p0 s1  }
0x4d: {  	[bflag:$0x3] =	sbarrier.arrive $0xFFFF  }
0x4e: {  	_ =	shalt  }

// kernel: kernel.21.cloned.1.call-start
scs
__scs_entry_jumppad:
0x0: {  	(pc) =	sbr.rel $0x88, $3  }
0x1: {  	(tag) =	ssettag $0x0;
	lr =	simm.s32 $0x1  }
0x2: {  	[smem:$0x3F88] =	sst lr;
	_ =	strace $0xD0000000  }
0x3: {  	_ = 	snop  }
0x4: {  	_ = 	snop  }
0x5: {  	_ = 	snop  }
0x6: {  	_ = 	snop  }
0x7: {  	_ = 	snop  }
__scs_overlays_trampoline_lowered:
0x8: {  	[smem:$0x3F97] =	sst s0  }
0x9: {  	[smem:$0x3F98] =	sst s1  }
0xa: {  	[smem:$0x3F99] =	sst s2  }
0xb: {  	[smem:$0x3F9A] =	sst s3  }
0xc: {  	[smem:$0x3F9B] =	sst s4  }
0xd: {  	[smem:$0x3F9C] =	sst s5  }
0xe: {  	[smem:$0x3F9D] =	sst s6  }
0xf: {  	[smem:$0x3F9E] =	sst s7  }
0x10: {  	[smem:$0x3F9F] =	sst s8  }
0x11: {  	[smem:$0x3FA0] =	sst s9;
	s0 =	simm.s32 @!p0 $0x0  }
0x12: {  	s1 =	sld [smem:$0x3F86];
	s0 =	simm.s32 @p0 $0x1  }
0x13: {  	[smem:$0x3FA1] =	sst s0;
	s0 =	simm.s32 @!p1 $0x0  }
0x14: {  	s2 =	sld [smem:$0x3F85];
	s0 =	simm.s32 @p1 $0x1  }
0x15: {  	[smem:$0x3FA2] =	sst s0;
	s0 =	simm.s32 @!p2 $0x0  }
0x16: {  	s3 =	sld [smem:$0x3FDB];
	s0 =	simm.s32 @p2 $0x1  }
0x17: {  	s4 =	simm.s32 $0x1BF5;
	[smem:$0x3FA4] =	sst s0  }
0x18: {  	s0 =	sld [smem:$0x3F87];
	_ =	swait.ge [sflag:s4], $0x0  }
0x19: {  	s7 =	sld [smem:$0x3F88]  }
0x1a: {  	s8 =	sadd.s32 $0xFFFFE003, lr  }
0x1b: {  	s9 =	sadd.s32 $0xFFFFFEF7, lr;
	s5 =	simm.s32 $0xFFFFFFFF;
	p2 =	slt.u32 s8, $0xFFFFF086  }
0x1c: {  	p1 =	slt.u32 s9, $0xF7A;
	s5 =	simm.s32 @!p2 $0x0  }
0x1d: {  	s5 =	simm.s32 @p1 $0x1;
	p0 =	seq.s32 s7, s2  }
0x1e: {  	s7 =	smul.u32 @!p0 $0xF7A, s2;
	p2 =	seq.s32 @!p0 s5, $0x0  }
0x1f: {  	s9 =	smul.u32 $0xF7A, s1;
	s8 =	simm.s32 @!p0 $0x1BF5;
	p2 =	por !p2, p0  }
0x20: {  	[sflag:s8] =	ssyncset.s32 @!p0 $0xFFFFF086;
	s6 =	sadd.s32 @!p0 s3, s7;
	s7 =	simm.s32 @!p0 $0x108  }
0x21: {  	s3 =	sadd.s32 s3, s9;
	s6 =	sadd.s32 @!p0 $0x88, s6;
	s7 =	simm.s32 @p2 $0x1082  }
0x22: {  	[simem:s7], [sflag:s8] =	dma.local @!p0 [hbm:s6], $0xF7A  }
0x23: {  	s9 =	sor.u32 $0xD0000000, s2;
	s6 =	simm.s32 $0x108;
	_ =	swait.ge @!p0 [sflag:s8], $0x0  }
0x24: {  	s3 =	sadd.s32 $0x88, s3;
	s6 =	simm.s32 @!p1 $0x1082;
	[sflag:s4] =	ssyncset.s32 $0xFFFFF086  }
0x25: {  	[simem:s6], [sflag:s4] =	dma.local [hbm:s3], $0xF7A  }
0x26: {  	[smem:$0x3F88] =	sst s1;
	(tag) =	ssettag s2;
	_ =	strace s9  }
0x27: {  	s1 =	sld [smem:$0x3F98]  }
0x28: {  	s2 =	sld [smem:$0x3F99]  }
0x29: {  	s4 =	sld [smem:$0x3F9B]  }
0x2a: {  	p0 =	seq.s32 s5, $0x0;
	s5 =	sld [smem:$0x3F9C]  }
0x2b: {  	s6 =	sld [smem:$0x3F9D]  }
0x2c: {  	s7 =	sld [smem:$0x3F9E]  }
0x2d: {  	s3 =	simm.s32 $0x108;
	s8 =	sld [smem:$0x3F9F]  }
0x2e: {  	s3 =	simm.s32 @!p0 $0x1082;
	s9 =	sld [smem:$0x3FA0]  }
0x2f: {  	lr =	sadd.s32 s0, s3;
	s0 =	sld [smem:$0x3F97]  }
0x30: {  	s3 =	sld [smem:$0x3F9A]  }
0x31: {  	[smem:$0x3FA3] =	sst s10  }
0x32: {  	s10 =	sld [smem:$0x3FA1];
	_ =	sdelay $0x3  }
0x33: {  	p0 =	seq.s32 s10, $0x1;
	s10 =	sld [smem:$0x3FA3];
	_ =	sdelay $0x3  }
0x34: {  	[smem:$0x3FA3] =	sst s10  }
0x35: {  	s10 =	sld [smem:$0x3FA2];
	_ =	sdelay $0x3  }
0x36: {  	p1 =	seq.s32 s10, $0x1;
	s10 =	sld [smem:$0x3FA3];
	_ =	sdelay $0x3  }
0x37: {  	[smem:$0x3FA3] =	sst s10  }
0x38: {  	s10 =	sld [smem:$0x3FA4]  }
0x39: {  	_ = 	snop;
	(pc) =	sbr.ind lr, $3  }
0x3a: {  	_ = 	snop  }
0x3b: {  	_ = 	snop  }
0x3c: {  	p2 =	seq.s32 s10, $0x1;
	s10 =	sld [smem:$0x3FA3]  }
0x3d: {  	_ =	shalt  }
0x3e: {  	_ =	shalt  }
0x3f: {  	_ =	shalt  }
0x40: {  	_ =	shalt  }
0x41: {  	_ =	shalt  }
0x42: {  	_ =	shalt  }
0x43: {  	_ =	shalt  }
0x44: {  	_ =	shalt  }
0x45: {  	_ =	shalt  }
0x46: {  	_ =	shalt  }
0x47: {  	_ =	shalt  }
0x48: {  	_ =	shalt  }
0x49: {  	_ =	shalt  }
0x4a: {  	_ =	shalt  }
0x4b: {  	_ =	shalt  }
0x4c: {  	_ =	shalt  }
0x4d: {  	_ =	shalt  }
0x4e: {  	_ =	shalt  }
0x4f: {  	_ =	shalt  }
0x50: {  	_ =	shalt  }
0x51: {  	_ =	shalt  }
0x52: {  	_ =	shalt  }
0x53: {  	_ =	shalt  }
0x54: {  	_ =	shalt  }
0x55: {  	_ =	shalt  }
0x56: {  	_ =	shalt  }
0x57: {  	_ =	shalt  }
0x58: {  	_ =	shalt  }
0x59: {  	_ =	shalt  }
0x5a: {  	_ =	shalt  }
0x5b: {  	_ =	shalt  }
0x5c: {  	_ =	shalt  }
0x5d: {  	_ =	shalt  }
0x5e: {  	_ =	shalt  }
0x5f: {  	_ =	shalt  }
0x60: {  	_ =	shalt  }
0x61: {  	_ =	shalt  }
0x62: {  	_ =	shalt  }
0x63: {  	_ =	shalt  }
0x64: {  	_ =	shalt  }
0x65: {  	_ =	shalt  }
0x66: {  	_ =	shalt  }
0x67: {  	_ =	shalt  }
0x68: {  	_ =	shalt  }
0x69: {  	_ =	shalt  }
0x6a: {  	_ =	shalt  }
0x6b: {  	_ =	shalt  }
0x6c: {  	_ =	shalt  }
0x6d: {  	_ =	shalt  }
0x6e: {  	_ =	shalt  }
0x6f: {  	_ =	shalt  }
0x70: {  	_ =	shalt  }
0x71: {  	_ =	shalt  }
0x72: {  	_ =	shalt  }
0x73: {  	_ =	shalt  }
0x74: {  	_ =	shalt  }
0x75: {  	_ =	shalt  }
0x76: {  	_ =	shalt  }
0x77: {  	_ =	shalt  }
0x78: {  	_ =	shalt  }
0x79: {  	_ =	shalt  }
0x7a: {  	_ =	shalt  }
0x7b: {  	_ =	shalt  }
0x7c: {  	_ =	shalt  }
0x7d: {  	_ =	shalt  }
0x7e: {  	_ =	shalt  }
0x7f: {  	_ =	shalt  }
0x80: {  	_ =	shalt  }
0x81: {  	_ =	shalt  }
0x82: {  	_ =	shalt  }
0x83: {  	_ =	shalt  }
0x84: {  	_ =	shalt  }
0x85: {  	_ =	shalt  }
0x86: {  	_ =	shalt  }
0x87: {  	_ =	shalt  }
.Lfunc_end0:
.L_simem_size_0:
called_computation.1_lowered:
.L_overlay_start_0:
0x88: {  	s2 =	sld [smem:$0x3FD9]  }
0x89: {  	s3 =	sld [smem:$0x3FFE];
	_ =	sdelay $0x1  }
0x8a: {  	s1 =	srdreg.scid  }
0x8b: {  	s0 =	sand.u32 $0x1, s1  }
0x8c: {  	s17 =	sshll.u32 s0, $0xA;
	s2 =	sadd.s32 s3, s2  }
0x8d: {  	s2 =	sadd.s32 s2, s17  }
0x8e: {  	[smem:$0x3FAF] =	sst s2  }
0x8f: {  	_ = 	snop  }
0x90: {  	(tm) =	ssettm $0x1  }
0x91: {  	s18 =	sld [smem:$0x3FFB];
	_ =	sdelay $0x3  }
0x92: {  	_ =	strace s18  }
0x93: {  	s2 =	sld [smem:$0x3FFC];
	_ =	sdelay $0x3  }
0x94: {  	_ =	strace s2  }
0x95: {  	s2 =	sld [smem:$0x3FFD];
	_ =	sdelay $0x3  }
0x96: {  	_ =	strace s2  }
0x97: {  	_ =	strace $0x8FFFFFFF  }
0x98: {  	s19 =	sld [smem:$0x3FDB];
	_ =	sdelay $0x1  }
0x99: {  	s20 =	simm.s32 $_scs_section_size  }
0x9a: {  	s4 =	simm.s32 $_size__tile_overlayer_lowered;
	s5 =	simm.s32 $_tile_overlayer_lowered  }
0x9b: {  	s6 =	simm.s32 $0x1BFF;
	s21 =	sshll.u32 s5, $0x1;
	s3 =	sadd.s32 s20, s19  }
0x9c: {  	s22 =	simm.s32 $0x0;
	s4 =	sshll.u32 s4, $0x1;
	s5 =	sadd.s32 s21, s3  }
0x9d: {  	[timem:s22], [sflag:s6] =	dma.local [hbm:s5], s4  }
0x9e: {  	_ =	swait.ge [sflag:s6], s4  }
0x9f: {  	s4 =	ssub.s32 $0x0, s4;
	[sflag:s6] =	ssyncset.done $0x0  }
0xa0: {  	[sflag:s6] =	ssyncadd.s32 s4;
	_ =	sdelay $0x1  }
0xa1: {  	s23 =	simm.s32 $0x1B8B  }
0xa2: {  	_ =	swait.ge [sflag:s23], $0x1  }
0xa3: {  	[sflag:s23] =	ssyncset.done $0x0  }
0xa4: {  	[sflag:s23] =	ssyncadd.s32 $0xFFFFFFFF  }
0xa5: {  	s4 =	sld [smem:$0x0]  }
0xa6: {  	s5 =	sand.u32 $0xFFFFFFFE, s1  }
0xa7: {  	p0 =	sne.s32 s1, s5  }
0xa8: {  	s5 =	sshll.u32 @p0 s5, $0xE  }
0xa9: {  	s5 =	sadd.s32 @p0 $0x11B8D, s5;
	s6 =	sshll.u32 @p0 s4, $0x11  }
0xaa: {  	s5 =	sor.u32 @p0 s6, s5  }
0xab: {  	[sflag:s5] =	ssyncadd.remote.s32 @p0 $0x1;
	_ =	sdelay $0x1  }
0xac: {  	s5 =	simm.s32 @p0 $0x1B8D  }
0xad: {  	_ =	swait.eq @p0 [sflag:s5], $0x1  }
0xae: {  	[sflag:s5] =	ssyncadd.s32 @p0 $0xFFFFFFFF  }
0xaf: {  	s6 =	sshll.u32 @!p0 s1, $0xE  }
0xb0: {  	s6 =	sor.u32 @!p0 $0x4000, s6;
	s5 =	simm.s32 @!p0 $0x1B8D  }
0xb1: {  	s4 =	sshll.u32 @!p0 s4, $0x11;
	s6 =	sadd.s32 @!p0 $0x11B8D, s6;
	_ =	swait.eq @!p0 [sflag:s5], $0x1  }
0xb2: {  	s4 =	sor.u32 @!p0 s4, s6;
	[sflag:s5] =	ssyncadd.s32 @!p0 $0xFFFFFFFF  }
0xb3: {  	s25 =	simm.s32 $0x1B8E;
	s24 =	sld [smem:$0x3FFE];
	[sflag:s4] =	ssyncadd.remote.s32 @!p0 $0x1  }
0xb4: {  	s26 =	simm.s32 $execute0_lowered;
	[smem:$0x3FD2] =	sst s25  }
0xb5: {  	s5 =	sshll.u32 s26, $0x1;
	_ =	strace $0x80000049;
	[dreg:$0x1] =	wrdreg $0xFFFFFFFF  }
0xb6: {  	s28 =	simm.s32 $_size_execute0_lowered;
	s3 =	sadd.s32 s3, s5;
	[dreg:$0x0] =	wrdreg $0x0  }
0xb7: {  	s5 =	sshll.u32 s28, $0x1;
	[dreg:$0x2] =	wrdreg s3  }
0xb8: {  	[dreg:$0x3] =	wrdreg s5  }
0xb9: {  	[dreg:$0x4] =	wrdreg $0xC0  }
0xba: {  	_ =	task [dreg:s22], $0x5FFFF  }
0xbb: {  	[dreg:$0x1] =	wrdreg $0xFFFFFFFF  }
0xbc: {  	[dreg:$0x0] =	wrdreg $0x60  }
0xbd: {  	[dreg:$0x2] =	wrdreg s24  }
0xbe: {  	[dreg:$0x3] =	wrdreg $0xA  }
0xbf: {  	_ =	task.clear_ibuf [dreg:s22], $0x4FFFF;
	_ =	strace $0x90000049  }
0xc0: {  	s29 =	simm.s32 $0xA;
	_ =	strace $0x8000004B  }
0xc1: {  	_ =	swait.ge [sflag:s29], $0x1  }
0xc2: {  	[sflag:s29] =	ssyncadd.s32 $0xFFFFFFFF  }
0xc3: {  	_ =	strace $0x9000004B  }
0xc4: {  	_ =	sfence  }
0xc5: {  	s30 =	sld [smem:$0x0];
	_ =	sdelay $0x2  }
0xc6: {  	s31 =	sshll.u32 s1, $0xD;
	s1 =	sshrl.u32 s1, $0x2  }
0xc7: {  	s4 =	sand.u32 $0x4000, s31;
	s1 =	sadd.s32 s1, s30  }
0xc8: {  	s0 =	sor.u32 s4, s0;
	s1 =	sshll.u32 s1, $0x11  }
0xc9: {  	s0 =	sor.u32 s1, s0  }
0xca: {  	s0 =	sadd.s32 $0x8F2B, s0  }
0xcb: {  	[sflag:s0] =	ssyncadd.remote.s32 $0x1  }
0xcc: {  	_ =	sfence.sel $0xFFFF  }
0xcd: {  	[dreg:$0x0] =	wrdreg $0xFFFFFFFF;
	(pc) =	sbr.abs _section_cstart, $3  }
0xce: {  	[dreg:$0x1] =	wrdreg $0xFFFFFFFF  }
0xcf: {  	_ =	task.clear_ibuf [dreg:s22], $0x2FFFF;
	_ =	strace $0x9FFFFFFF  }
0xd0: {  	(tm) =	ssettm $0x7FFFFFFF  }
0xd1: {  	_ =	shalt  }
tec
execute0_lowered:
.L_overlay_start_1:
0x0: {  	(tag) =	ssettag $0x1  }
0x1: {  	s7 =	rddreg [dreg:$0x0]  }
0x2: {  	s0 =	rddreg [dreg:$0x1];
	s1 =	simm.s32 $0x0;
	s5 =	srdreg.scid  }
0x3: {  	s2 =	stileid.u32;
	s12 =	simm.s32 $0x80;
	s13 =	simm.s32 $0x100  }
0x4: {  	s14 =	simm.s32 $0x2100;
	s15 =	simm.s32 $0x1;
	s16 =	simm.s32 $0x0  }
0x5: {  	[smem:$0x7FF] =	sst s1;
	s3 =	sadd.s32 $0x68600, s7;
	s4 =	sadd.s32 $0x6A00, s7  }
0x6: {  	s8 =	sand.u32 $0x1, s5;
	s5 =	sadd.s32 $0x3FC200, s7;
	s10 =	sshll.u32 s2, $0x1  }
0x7: {  	s6 =	sadd.s32 $0x3EFE00, s7;
	s7 =	sadd.s32 $0x408600, s7;
	s9 =	ssub.s32 $0x2, s8  }
0x8: {  	_ =	strace $0x8000004A;
	s8 =	sor.u32 s8, s10;
	s11 =	sshrl.u32 s9, $0x1  }
0x9: {  	s31 =	ssub.s32 $0xC54, s8;
	s8 =	sshll.u32 s8, $0x7;
	s30 =	ssub.s32 s9, s11  }
0xa: {  	s9 =	sshrl.u32 s31, $0x5;
	s11 =	simm.s32 $0x2;
	s10 =	smax.u32 s30, $0x1  }
.LBB2_1:
0xb: {  	s17 =	simm.s32 $0x0  }
.LBB2_2:
0xc: {  	s18 =	sshll.u32 s17, $0xC  }
0xd: {  	s18 =	sor.u32 s8, s18  }
0xe: {  	s19 =	sshrl.u32 s18, $0x3  }
0xf: {  	s21 =	simm.s32 $0x0;
	s20 =	sadd.s32 s5, s19  }
0x10: {  	[tilespmem:s21], [sflag:$0x2] =	stream.linear.gather [hbm4b:s20+s21], $0x80, $0x38;
	[tilespmem:$0x4100] =	vst v63  }
0x11: {  	_ =	swait.ge [sflag:s11], $0x80  }
0x12: {  	[sflag:s11] =	ssyncset.done $0x0  }
0x13: {  	s19 =	sadd.s32 s6, s19;
	[sflag:s11] =	ssyncadd.s32 $0xFFFFFF80  }
0x14: {  	[tilespmem:s12], [sflag:$0x2] =	stream.linear.gather [hbm4b:s19+s21], $0x80, $0x38;
	[tilespmem:$0x4100] =	vst v63  }
0x15: {  	_ =	swait.ge [sflag:s11], $0x80  }
0x16: {  	[sflag:s11] =	ssyncset.done $0x0  }
0x17: {  	[sflag:s11] =	ssyncadd.s32 $0xFFFFFF80  }
0x18: {  	[tilespmem:s13], [sflag:$0x1] =	stream.indirect.gather [hbm4b:s3+s12], $0x40, s21, s12, $0xb8;
	[tilespmem:$0x4100] =	vst v63  }
0x19: {  	_ = 	snop  }
0x1a: {  	[tilespmem:s14], [sflag:$0x1] =	stream.indirect.gather [hbm4b:s4+s12], $0x40, s12, s12, $0xb8;
	[tilespmem:$0x4100] =	vst v63  }
0x1b: {  	_ =	swait.ge [sflag:s15], $0x2000  }
0x1c: {  	[sflag:s15] =	ssyncset.done $0x0  }
0x1d: {  	[sflag:s15] =	ssyncadd.s32 $0xFFFFE000  }
0x1e: {  	_ =	swait.ge [sflag:s15], $0x2000  }
0x1f: {  	[sflag:s15] =	ssyncset.done $0x0  }
0x20: {  	s19 =	simm.s32 $0x0;
	[sflag:s15] =	ssyncadd.s32 $0xFFFFE000  }
0x21: {  	v5 =	vld [tilespmem:s19+$0x2100]  }
0x22: {  	v6 =	vld [tilespmem:s19+$0x2110]  }
0x23: {  	v1 =	vld [tilespmem:s19+$0x2120]  }
0x24: {  	v0 =	vld [tilespmem:s19+$0x2130]  }
0x25: {  	v2 =	vld [tilespmem:s19+$0x100]  }
0x26: {  	v4 =	vld [tilespmem:s19+$0x110]  }
0x27: {  	s20 =	simm.s32 $0x100;
	v3 =	vld [tilespmem:s19+$0x120]  }
.LBB2_3:
0x28: {  	s21 =	sshra.s32 s20, $0x2;
	p0 =	sne.s32 s20, $0x7F00;
	v7 =	vld [tilespmem:s19+$0x130];
	v8 =	vmov v1  }
0x29: {  	v9 =	vld [tilespmem:s21+$0x2100];
	v10 =	vmov v0  }
0x2a: {  	v11 =	vld [tilespmem:s21+$0x2110];
	v2 =	vadd.f32 v5, v2  }
.Ltmp0:
0x2b: {  	v1 =	vld [tilespmem:s21+$0x2120];
	v4 =	vadd.f32 v6, v4;
	(pc) =	sbr.rel @p0 .LBB2_3-.Ltmp0, $4  }
0x2c: {  	v0 =	vld [tilespmem:s21+$0x2130];
	[tilespmem:s19+$0x100] =	vst v2;
	v3 =	vadd.f32 v8, v3  }
0x2d: {  	v2 =	vld [tilespmem:s21+$0x100];
	[tilespmem:s19+$0x110] =	vst v4;
	v7 =	vadd.f32 v10, v7  }
0x2e: {  	v4 =	vld [tilespmem:s21+$0x110];
	[tilespmem:s19+$0x120] =	vst v3;
	v5 =	vmov v9  }
0x2f: {  	s20 =	sadd.s32 $0x100, s20;
	v3 =	vld [tilespmem:s21+$0x120];
	[tilespmem:s19+$0x130] =	vst v7;
	v6 =	vmov v11;
	s19 =	smov.u32 s21  }
0x30: {  	v7 =	vld [tilespmem:s19+$0x130];
	_ =	sdelay $0x1  }
0x31: {  	v2 =	vadd.f32 v5, v2  }
0x32: {  	v4 =	vadd.f32 v6, v4  }
0x33: {  	[tilespmem:s19+$0x100] =	vst v2;
	v1 =	vadd.f32 v1, v3  }
0x34: {  	s18 =	sshll.u32 s18, $0x3;
	s17 =	sadd.s32 $0x1, s17;
	[tilespmem:s19+$0x110] =	vst v4;
	v0 =	vadd.f32 v0, v7  }
0x35: {  	s18 =	sand.u32 $0x1FFFFC00, s18;
	p0 =	sne.s32 s17, s9;
	[tilespmem:s19+$0x120] =	vst v1  }
.Ltmp1:
0x36: {  	s18 =	sadd.s32 s7, s18;
	[tilespmem:s19+$0x130] =	vst v0;
	(pc) =	sbr.rel @p0 .LBB2_2-.Ltmp1, $4  }
0x37: {  	[hbm4b:s18+s1] =	stream.linear.scatter [tilespmem:s13], [sflag:$0x2], $0x2000, $0x38;
	[tilespmem:$0x4100] =	vst v63  }
0x38: {  	_ =	swait.ge [sflag:s11], $0x2000  }
0x39: {  	[sflag:s11] =	ssyncset.done $0x0  }
0x3a: {  	[sflag:s11] =	ssyncadd.s32 $0xFFFFE000  }
0x3b: {  	s16 =	sadd.s32 $0x1, s16  }
0x3c: {  	p0 =	sne.s32 s16, s10  }
.Ltmp2:
0x3d: {  	_ = 	snop;
	(pc) =	sbr.rel @p0 .LBB2_1-.Ltmp2, $1  }
0x3e: {  	_ =	sdelay $0x3  }
0x3f: {  	_ =	sfence.sel $0x180000  }
0x40: {  	[bflag:$0x0] =	sbarrier.arrive $0xFFFF  }
0x41: {  	p0 =	sne.s32 s2, $0x0;
	_ =	strace $0x9000004A  }
0x42: {  	s0 =	sadd.s32 @!p0 $0x100000, s0;
	[bflag:$0x2] =	sbarrier.arrive $0xFFFF  }
0x43: {  	[sflag:s0] =	ssyncadd.tile.s32 @!p0 $0x1;
	_ =	shalt  }
.Lfunc_end2:
_tile_overlayer_lowered:
.L_overlay_start_2:
0x44: {  	(tag) =	ssettag $0x2  }
0x45: {  	s0 =	rddreg [dreg:$0x0];
	s2 =	stileid.u32  }
0x46: {  	s1 =	rddreg [dreg:$0x1];
	p0 =	sne.s32 s2, $0x0  }
0x47: {  	s3 =	rddreg [dreg:$0x2];
	[bflag:$0x3] =	sbarrier.arrive $0xFFFF;
	s2 =	simm.s32 @!p0 $0x1C02  }
0x48: {  	[timem:s3], [sflag:s2] =	dma.local @!p0 [hbm:s0], s1  }
0x49: {  	s0 =	simm.s32 @!p0 $0x2  }
0x4a: {  	_ =	swait.ge @!p0 [sflag:s0], s1  }
0x4b: {  	s1 =	ssub.s32 @!p0 $0x0, s1;
	[sflag:s0] =	ssyncset.done @!p0 $0x0  }
0x4c: {  	[sflag:s0] =	ssyncadd.s32 @!p0 s1  }
0x4d: {  	[bflag:$0x3] =	sbarrier.arrive $0xFFFF  }
0x4e: {  	_ =	shalt  }

// kernel: kernel.24.cloned.1.call-start
scs
__scs_entry_jumppad:
0x0: {  	(pc) =	sbr.rel $0x88, $3  }
0x1: {  	(tag) =	ssettag $0x0;
	lr =	simm.s32 $0x1  }
0x2: {  	[smem:$0x3F88] =	sst lr;
	_ =	strace $0xD0000000  }
0x3: {  	_ = 	snop  }
0x4: {  	_ = 	snop  }
0x5: {  	_ = 	snop  }
0x6: {  	_ = 	snop  }
0x7: {  	_ = 	snop  }
__scs_overlays_trampoline_lowered:
0x8: {  	[smem:$0x3F97] =	sst s0  }
0x9: {  	[smem:$0x3F98] =	sst s1  }
0xa: {  	[smem:$0x3F99] =	sst s2  }
0xb: {  	[smem:$0x3F9A] =	sst s3  }
0xc: {  	[smem:$0x3F9B] =	sst s4  }
0xd: {  	[smem:$0x3F9C] =	sst s5  }
0xe: {  	[smem:$0x3F9D] =	sst s6  }
0xf: {  	[smem:$0x3F9E] =	sst s7  }
0x10: {  	[smem:$0x3F9F] =	sst s8  }
0x11: {  	[smem:$0x3FA0] =	sst s9;
	s0 =	simm.s32 @!p0 $0x0  }
0x12: {  	s1 =	sld [smem:$0x3F86];
	s0 =	simm.s32 @p0 $0x1  }
0x13: {  	[smem:$0x3FA1] =	sst s0;
	s0 =	simm.s32 @!p1 $0x0  }
0x14: {  	s2 =	sld [smem:$0x3F85];
	s0 =	simm.s32 @p1 $0x1  }
0x15: {  	[smem:$0x3FA2] =	sst s0;
	s0 =	simm.s32 @!p2 $0x0  }
0x16: {  	s3 =	sld [smem:$0x3FDB];
	s0 =	simm.s32 @p2 $0x1  }
0x17: {  	s4 =	simm.s32 $0x1BF5;
	[smem:$0x3FA4] =	sst s0  }
0x18: {  	s0 =	sld [smem:$0x3F87];
	_ =	swait.ge [sflag:s4], $0x0  }
0x19: {  	s7 =	sld [smem:$0x3F88]  }
0x1a: {  	s8 =	sadd.s32 $0xFFFFE003, lr  }
0x1b: {  	s9 =	sadd.s32 $0xFFFFFEF7, lr;
	s5 =	simm.s32 $0xFFFFFFFF;
	p2 =	slt.u32 s8, $0xFFFFF086  }
0x1c: {  	p1 =	slt.u32 s9, $0xF7A;
	s5 =	simm.s32 @!p2 $0x0  }
0x1d: {  	s5 =	simm.s32 @p1 $0x1;
	p0 =	seq.s32 s7, s2  }
0x1e: {  	s7 =	smul.u32 @!p0 $0xF7A, s2;
	p2 =	seq.s32 @!p0 s5, $0x0  }
0x1f: {  	s9 =	smul.u32 $0xF7A, s1;
	s8 =	simm.s32 @!p0 $0x1BF5;
	p2 =	por !p2, p0  }
0x20: {  	[sflag:s8] =	ssyncset.s32 @!p0 $0xFFFFF086;
	s6 =	sadd.s32 @!p0 s3, s7;
	s7 =	simm.s32 @!p0 $0x108  }
0x21: {  	s3 =	sadd.s32 s3, s9;
	s6 =	sadd.s32 @!p0 $0x88, s6;
	s7 =	simm.s32 @p2 $0x1082  }
0x22: {  	[simem:s7], [sflag:s8] =	dma.local @!p0 [hbm:s6], $0xF7A  }
0x23: {  	s9 =	sor.u32 $0xD0000000, s2;
	s6 =	simm.s32 $0x108;
	_ =	swait.ge @!p0 [sflag:s8], $0x0  }
0x24: {  	s3 =	sadd.s32 $0x88, s3;
	s6 =	simm.s32 @!p1 $0x1082;
	[sflag:s4] =	ssyncset.s32 $0xFFFFF086  }
0x25: {  	[simem:s6], [sflag:s4] =	dma.local [hbm:s3], $0xF7A  }
0x26: {  	[smem:$0x3F88] =	sst s1;
	(tag) =	ssettag s2;
	_ =	strace s9  }
0x27: {  	s1 =	sld [smem:$0x3F98]  }
0x28: {  	s2 =	sld [smem:$0x3F99]  }
0x29: {  	s4 =	sld [smem:$0x3F9B]  }
0x2a: {  	p0 =	seq.s32 s5, $0x0;
	s5 =	sld [smem:$0x3F9C]  }
0x2b: {  	s6 =	sld [smem:$0x3F9D]  }
0x2c: {  	s7 =	sld [smem:$0x3F9E]  }
0x2d: {  	s3 =	simm.s32 $0x108;
	s8 =	sld [smem:$0x3F9F]  }
0x2e: {  	s3 =	simm.s32 @!p0 $0x1082;
	s9 =	sld [smem:$0x3FA0]  }
0x2f: {  	lr =	sadd.s32 s0, s3;
	s0 =	sld [smem:$0x3F97]  }
0x30: {  	s3 =	sld [smem:$0x3F9A]  }
0x31: {  	[smem:$0x3FA3] =	sst s10  }
0x32: {  	s10 =	sld [smem:$0x3FA1];
	_ =	sdelay $0x3  }
0x33: {  	p0 =	seq.s32 s10, $0x1;
	s10 =	sld [smem:$0x3FA3];
	_ =	sdelay $0x3  }
0x34: {  	[smem:$0x3FA3] =	sst s10  }
0x35: {  	s10 =	sld [smem:$0x3FA2];
	_ =	sdelay $0x3  }
0x36: {  	p1 =	seq.s32 s10, $0x1;
	s10 =	sld [smem:$0x3FA3];
	_ =	sdelay $0x3  }
0x37: {  	[smem:$0x3FA3] =	sst s10  }
0x38: {  	s10 =	sld [smem:$0x3FA4]  }
0x39: {  	_ = 	snop;
	(pc) =	sbr.ind lr, $3  }
0x3a: {  	_ = 	snop  }
0x3b: {  	_ = 	snop  }
0x3c: {  	p2 =	seq.s32 s10, $0x1;
	s10 =	sld [smem:$0x3FA3]  }
0x3d: {  	_ =	shalt  }
0x3e: {  	_ =	shalt  }
0x3f: {  	_ =	shalt  }
0x40: {  	_ =	shalt  }
0x41: {  	_ =	shalt  }
0x42: {  	_ =	shalt  }
0x43: {  	_ =	shalt  }
0x44: {  	_ =	shalt  }
0x45: {  	_ =	shalt  }
0x46: {  	_ =	shalt  }
0x47: {  	_ =	shalt  }
0x48: {  	_ =	shalt  }
0x49: {  	_ =	shalt  }
0x4a: {  	_ =	shalt  }
0x4b: {  	_ =	shalt  }
0x4c: {  	_ =	shalt  }
0x4d: {  	_ =	shalt  }
0x4e: {  	_ =	shalt  }
0x4f: {  	_ =	shalt  }
0x50: {  	_ =	shalt  }
0x51: {  	_ =	shalt  }
0x52: {  	_ =	shalt  }
0x53: {  	_ =	shalt  }
0x54: {  	_ =	shalt  }
0x55: {  	_ =	shalt  }
0x56: {  	_ =	shalt  }
0x57: {  	_ =	shalt  }
0x58: {  	_ =	shalt  }
0x59: {  	_ =	shalt  }
0x5a: {  	_ =	shalt  }
0x5b: {  	_ =	shalt  }
0x5c: {  	_ =	shalt  }
0x5d: {  	_ =	shalt  }
0x5e: {  	_ =	shalt  }
0x5f: {  	_ =	shalt  }
0x60: {  	_ =	shalt  }
0x61: {  	_ =	shalt  }
0x62: {  	_ =	shalt  }
0x63: {  	_ =	shalt  }
0x64: {  	_ =	shalt  }
0x65: {  	_ =	shalt  }
0x66: {  	_ =	shalt  }
0x67: {  	_ =	shalt  }
0x68: {  	_ =	shalt  }
0x69: {  	_ =	shalt  }
0x6a: {  	_ =	shalt  }
0x6b: {  	_ =	shalt  }
0x6c: {  	_ =	shalt  }
0x6d: {  	_ =	shalt  }
0x6e: {  	_ =	shalt  }
0x6f: {  	_ =	shalt  }
0x70: {  	_ =	shalt  }
0x71: {  	_ =	shalt  }
0x72: {  	_ =	shalt  }
0x73: {  	_ =	shalt  }
0x74: {  	_ =	shalt  }
0x75: {  	_ =	shalt  }
0x76: {  	_ =	shalt  }
0x77: {  	_ =	shalt  }
0x78: {  	_ =	shalt  }
0x79: {  	_ =	shalt  }
0x7a: {  	_ =	shalt  }
0x7b: {  	_ =	shalt  }
0x7c: {  	_ =	shalt  }
0x7d: {  	_ =	shalt  }
0x7e: {  	_ =	shalt  }
0x7f: {  	_ =	shalt  }
0x80: {  	_ =	shalt  }
0x81: {  	_ =	shalt  }
0x82: {  	_ =	shalt  }
0x83: {  	_ =	shalt  }
0x84: {  	_ =	shalt  }
0x85: {  	_ =	shalt  }
0x86: {  	_ =	shalt  }
0x87: {  	_ =	shalt  }
.Lfunc_end0:
.L_simem_size_0:
called_computation.2_lowered:
.L_overlay_start_0:
0x88: {  	s2 =	sld [smem:$0x3FD9]  }
0x89: {  	s3 =	sld [smem:$0x3FFE];
	_ =	sdelay $0x1  }
0x8a: {  	s1 =	srdreg.scid  }
0x8b: {  	s0 =	sand.u32 $0x1, s1  }
0x8c: {  	s17 =	sshll.u32 s0, $0xA;
	s2 =	sadd.s32 s3, s2  }
0x8d: {  	s2 =	sadd.s32 s2, s17  }
0x8e: {  	[smem:$0x3FAF] =	sst s2  }
0x8f: {  	_ = 	snop  }
0x90: {  	(tm) =	ssettm $0x1  }
0x91: {  	s18 =	sld [smem:$0x3FFB];
	_ =	sdelay $0x3  }
0x92: {  	_ =	strace s18  }
0x93: {  	s2 =	sld [smem:$0x3FFC];
	_ =	sdelay $0x3  }
0x94: {  	_ =	strace s2  }
0x95: {  	s2 =	sld [smem:$0x3FFD];
	_ =	sdelay $0x3  }
0x96: {  	_ =	strace s2  }
0x97: {  	_ =	strace $0x8FFFFFFF  }
0x98: {  	s19 =	sld [smem:$0x3FDB];
	_ =	sdelay $0x1  }
0x99: {  	s20 =	simm.s32 $_scs_section_size  }
0x9a: {  	s4 =	simm.s32 $_size__tile_overlayer_lowered;
	s5 =	simm.s32 $_tile_overlayer_lowered  }
0x9b: {  	s6 =	simm.s32 $0x1BFF;
	s21 =	sshll.u32 s5, $0x1;
	s3 =	sadd.s32 s20, s19  }
0x9c: {  	s22 =	simm.s32 $0x0;
	s4 =	sshll.u32 s4, $0x1;
	s5 =	sadd.s32 s21, s3  }
0x9d: {  	[timem:s22], [sflag:s6] =	dma.local [hbm:s5], s4  }
0x9e: {  	_ =	swait.ge [sflag:s6], s4  }
0x9f: {  	s4 =	ssub.s32 $0x0, s4;
	[sflag:s6] =	ssyncset.done $0x0  }
0xa0: {  	[sflag:s6] =	ssyncadd.s32 s4;
	_ =	sdelay $0x1  }
0xa1: {  	s23 =	simm.s32 $0x1B8B  }
0xa2: {  	_ =	swait.ge [sflag:s23], $0x1  }
0xa3: {  	[sflag:s23] =	ssyncset.done $0x0  }
0xa4: {  	[sflag:s23] =	ssyncadd.s32 $0xFFFFFFFF  }
0xa5: {  	s4 =	sld [smem:$0x0]  }
0xa6: {  	s5 =	sand.u32 $0xFFFFFFFE, s1  }
0xa7: {  	p0 =	sne.s32 s1, s5  }
0xa8: {  	s5 =	sshll.u32 @p0 s5, $0xE  }
0xa9: {  	s5 =	sadd.s32 @p0 $0x11B8D, s5;
	s6 =	sshll.u32 @p0 s4, $0x11  }
0xaa: {  	s5 =	sor.u32 @p0 s6, s5  }
0xab: {  	[sflag:s5] =	ssyncadd.remote.s32 @p0 $0x1;
	_ =	sdelay $0x1  }
0xac: {  	s5 =	simm.s32 @p0 $0x1B8D  }
0xad: {  	_ =	swait.eq @p0 [sflag:s5], $0x1  }
0xae: {  	[sflag:s5] =	ssyncadd.s32 @p0 $0xFFFFFFFF  }
0xaf: {  	s6 =	sshll.u32 @!p0 s1, $0xE  }
0xb0: {  	s6 =	sor.u32 @!p0 $0x4000, s6;
	s5 =	simm.s32 @!p0 $0x1B8D  }
0xb1: {  	s4 =	sshll.u32 @!p0 s4, $0x11;
	s6 =	sadd.s32 @!p0 $0x11B8D, s6;
	_ =	swait.eq @!p0 [sflag:s5], $0x1  }
0xb2: {  	s4 =	sor.u32 @!p0 s4, s6;
	[sflag:s5] =	ssyncadd.s32 @!p0 $0xFFFFFFFF  }
0xb3: {  	s25 =	simm.s32 $0x1B8E;
	s24 =	sld [smem:$0x3FFE];
	[sflag:s4] =	ssyncadd.remote.s32 @!p0 $0x1  }
0xb4: {  	s26 =	simm.s32 $execute0_lowered;
	[smem:$0x3FD2] =	sst s25  }
0xb5: {  	s5 =	sshll.u32 s26, $0x1;
	_ =	strace $0x8000004F;
	[dreg:$0x1] =	wrdreg $0xFFFFFFFF  }
0xb6: {  	s28 =	simm.s32 $_size_execute0_lowered;
	s3 =	sadd.s32 s3, s5;
	[dreg:$0x0] =	wrdreg $0x0  }
0xb7: {  	s5 =	sshll.u32 s28, $0x1;
	[dreg:$0x2] =	wrdreg s3  }
0xb8: {  	[dreg:$0x3] =	wrdreg s5  }
0xb9: {  	[dreg:$0x4] =	wrdreg $0xC0  }
0xba: {  	_ =	task [dreg:s22], $0x5FFFF  }
0xbb: {  	[dreg:$0x1] =	wrdreg $0xFFFFFFFF  }
0xbc: {  	[dreg:$0x0] =	wrdreg $0x60  }
0xbd: {  	[dreg:$0x2] =	wrdreg s24  }
0xbe: {  	[dreg:$0x3] =	wrdreg $0x9  }
0xbf: {  	_ =	task.clear_ibuf [dreg:s22], $0x4FFFF;
	_ =	strace $0x9000004F  }
0xc0: {  	s29 =	simm.s32 $0x9;
	_ =	strace $0x80000051  }
0xc1: {  	_ =	swait.ge [sflag:s29], $0x1  }
0xc2: {  	[sflag:s29] =	ssyncadd.s32 $0xFFFFFFFF  }
0xc3: {  	_ =	strace $0x90000051  }
0xc4: {  	_ =	sfence  }
0xc5: {  	s30 =	sld [smem:$0x0];
	_ =	sdelay $0x2  }
0xc6: {  	s31 =	sshll.u32 s1, $0xD;
	s1 =	sshrl.u32 s1, $0x2  }
0xc7: {  	s4 =	sand.u32 $0x4000, s31;
	s1 =	sadd.s32 s1, s30  }
0xc8: {  	s0 =	sor.u32 s4, s0;
	s1 =	sshll.u32 s1, $0x11  }
0xc9: {  	s0 =	sor.u32 s1, s0  }
0xca: {  	s0 =	sadd.s32 $0x8F2B, s0  }
0xcb: {  	[sflag:s0] =	ssyncadd.remote.s32 $0x1  }
0xcc: {  	_ =	sfence.sel $0xFFFF  }
0xcd: {  	[dreg:$0x0] =	wrdreg $0xFFFFFFFF;
	(pc) =	sbr.abs _section_cstart, $3  }
0xce: {  	[dreg:$0x1] =	wrdreg $0xFFFFFFFF  }
0xcf: {  	_ =	task.clear_ibuf [dreg:s22], $0x2FFFF;
	_ =	strace $0x9FFFFFFF  }
0xd0: {  	(tm) =	ssettm $0x7FFFFFFF  }
0xd1: {  	_ =	shalt  }
tec
execute0_lowered:
.L_overlay_start_1:
0x0: {  	(tag) =	ssettag $0x1  }
0x1: {  	s7 =	rddreg [dreg:$0x0]  }
0x2: {  	s0 =	rddreg [dreg:$0x1];
	s1 =	simm.s32 $0x0;
	s5 =	srdreg.scid  }
0x3: {  	s2 =	stileid.u32;
	s12 =	simm.s32 $0x80;
	s13 =	simm.s32 $0x100  }
0x4: {  	s14 =	simm.s32 $0x4100;
	s15 =	simm.s32 $0x1;
	s16 =	simm.s32 $0x0  }
0x5: {  	[smem:$0x7FF] =	sst s1;
	s3 =	sadd.s32 $0xE2A00, s7;
	s4 =	sadd.s32 $0x1A6000, s7  }
0x6: {  	s8 =	sand.u32 $0x1, s5;
	s5 =	sadd.s32 $0xD6600, s7;
	s10 =	sshll.u32 s2, $0x1  }
0x7: {  	s6 =	sadd.s32 $0xCA200, s7;
	s7 =	sadd.s32 $0xA22E00, s7;
	s9 =	ssub.s32 $0x2, s8  }
0x8: {  	_ =	strace $0x80000050;
	s8 =	sor.u32 s8, s10;
	s11 =	sshrl.u32 s9, $0x1  }
0x9: {  	s31 =	ssub.s32 $0xC54, s8;
	s8 =	sshll.u32 s8, $0x7;
	s30 =	ssub.s32 s9, s11  }
0xa: {  	s9 =	sshrl.u32 s31, $0x5;
	s11 =	simm.s32 $0x2;
	s10 =	smax.u32 s30, $0x1  }
.LBB2_1:
0xb: {  	s17 =	simm.s32 $0x0  }
.LBB2_2:
0xc: {  	s18 =	sshll.u32 s17, $0xC  }
0xd: {  	s18 =	sor.u32 s8, s18  }
0xe: {  	s19 =	sshrl.u32 s18, $0x3  }
0xf: {  	s21 =	simm.s32 $0x0;
	s20 =	sadd.s32 s5, s19  }
0x10: {  	[tilespmem:s21], [sflag:$0x2] =	stream.linear.gather [hbm4b:s20+s21], $0x80, $0x38;
	[tilespmem:$0x8100] =	vst v63  }
0x11: {  	_ =	swait.ge [sflag:s11], $0x80  }
0x12: {  	[sflag:s11] =	ssyncset.done $0x0  }
0x13: {  	s19 =	sadd.s32 s6, s19;
	[sflag:s11] =	ssyncadd.s32 $0xFFFFFF80  }
0x14: {  	[tilespmem:s12], [sflag:$0x2] =	stream.linear.gather [hbm4b:s19+s21], $0x80, $0x38;
	[tilespmem:$0x8100] =	vst v63  }
0x15: {  	_ =	swait.ge [sflag:s11], $0x80  }
0x16: {  	[sflag:s11] =	ssyncset.done $0x0  }
0x17: {  	[sflag:s11] =	ssyncadd.s32 $0xFFFFFF80  }
0x18: {  	[tilespmem:s13], [sflag:$0x1] =	stream.indirect.gather [hbm4b:s3+s12], $0x80, s21, s12, $0xb8;
	[tilespmem:$0x8100] =	vst v63  }
0x19: {  	_ = 	snop  }
0x1a: {  	[tilespmem:s14], [sflag:$0x1] =	stream.indirect.gather [hbm4b:s4+s12], $0x80, s12, s12, $0xb8;
	[tilespmem:$0x8100] =	vst v63  }
0x1b: {  	_ =	swait.ge [sflag:s15], $0x4000  }
0x1c: {  	[sflag:s15] =	ssyncset.done $0x0  }
0x1d: {  	[sflag:s15] =	ssyncadd.s32 $0xFFFFC000  }
0x1e: {  	_ =	swait.ge [sflag:s15], $0x4000  }
0x1f: {  	[sflag:s15] =	ssyncset.done $0x0  }
0x20: {  	s19 =	simm.s32 $0x0;
	[sflag:s15] =	ssyncadd.s32 $0xFFFFC000  }
0x21: {  	v7 =	vld [tilespmem:s19+$0x4100]  }
0x22: {  	v11 =	vld [tilespmem:s19+$0x4110]  }
0x23: {  	v5 =	vld [tilespmem:s19+$0x4120]  }
0x24: {  	v4 =	vld [tilespmem:s19+$0x4130]  }
0x25: {  	v3 =	vld [tilespmem:s19+$0x4140]  }
0x26: {  	v2 =	vld [tilespmem:s19+$0x4150]  }
0x27: {  	v1 =	vld [tilespmem:s19+$0x4160]  }
0x28: {  	v0 =	vld [tilespmem:s19+$0x4170]  }
0x29: {  	v12 =	vld [tilespmem:s19+$0x100]  }
0x2a: {  	v13 =	vld [tilespmem:s19+$0x110]  }
0x2b: {  	v10 =	vld [tilespmem:s19+$0x120]  }
0x2c: {  	v9 =	vld [tilespmem:s19+$0x130]  }
0x2d: {  	v8 =	vld [tilespmem:s19+$0x140]  }
0x2e: {  	v6 =	vld [tilespmem:s19+$0x150];
	v12 =	vadd.f32 v7, v12  }
0x2f: {  	s20 =	simm.s32 $0x200;
	v11 =	vadd.f32 v11, v13;
	v7 =	vld [tilespmem:s19+$0x160]  }
.LBB2_3:
0x30: {  	s21 =	sshra.s32 s20, $0x2;
	p0 =	sne.s32 s20, $0xFE00;
	[tilespmem:s19+$0x100] =	vst v12;
	v5 =	vadd.f32 v5, v10;
	v10 =	vld [tilespmem:s19+$0x170]  }
0x31: {  	v12 =	vld [tilespmem:s21+$0x4100];
	[tilespmem:s19+$0x110] =	vst v11;
	v4 =	vadd.f32 v4, v9  }
0x32: {  	v11 =	vld [tilespmem:s21+$0x4110];
	[tilespmem:s19+$0x120] =	vst v5;
	v3 =	vadd.f32 v3, v8  }
0x33: {  	v5 =	vld [tilespmem:s21+$0x4120];
	[tilespmem:s19+$0x130] =	vst v4;
	v2 =	vadd.f32 v2, v6  }
0x34: {  	v4 =	vld [tilespmem:s21+$0x4130];
	[tilespmem:s19+$0x140] =	vst v3;
	v1 =	vadd.f32 v1, v7  }
0x35: {  	v3 =	vld [tilespmem:s21+$0x4140];
	[tilespmem:s19+$0x150] =	vst v2;
	v0 =	vadd.f32 v0, v10  }
0x36: {  	v2 =	vld [tilespmem:s21+$0x4150];
	[tilespmem:s19+$0x160] =	vst v1  }
0x37: {  	v1 =	vld [tilespmem:s21+$0x4160];
	[tilespmem:s19+$0x170] =	vst v0;
	s19 =	smov.u32 s21  }
0x38: {  	v0 =	vld [tilespmem:s19+$0x4170]  }
0x39: {  	v6 =	vld [tilespmem:s19+$0x100]  }
0x3a: {  	v7 =	vld [tilespmem:s19+$0x110]  }
.Ltmp0:
0x3b: {  	v10 =	vld [tilespmem:s19+$0x120];
	(pc) =	sbr.rel @p0 .LBB2_3-.Ltmp0, $4  }
0x3c: {  	v9 =	vld [tilespmem:s19+$0x130]  }
0x3d: {  	v8 =	vld [tilespmem:s19+$0x140]  }
0x3e: {  	v12 =	vadd.f32 v12, v6;
	v6 =	vld [tilespmem:s19+$0x150]  }
0x3f: {  	s20 =	sadd.s32 $0x200, s20;
	v11 =	vadd.f32 v11, v7;
	v7 =	vld [tilespmem:s19+$0x160]  }
0x40: {  	[tilespmem:s19+$0x100] =	vst v12;
	v5 =	vadd.f32 v5, v10;
	v63 =	vld [tilespmem:s19+$0x170]  }
0x41: {  	[tilespmem:s19+$0x110] =	vst v11;
	v4 =	vadd.f32 v4, v9  }
0x42: {  	[tilespmem:s19+$0x120] =	vst v5;
	v3 =	vadd.f32 v3, v8  }
0x43: {  	[tilespmem:s19+$0x130] =	vst v4;
	v2 =	vadd.f32 v2, v6  }
0x44: {  	[tilespmem:s19+$0x140] =	vst v3;
	v1 =	vadd.f32 v1, v7  }
0x45: {  	s17 =	sadd.s32 $0x1, s17;
	[tilespmem:s19+$0x150] =	vst v2;
	v0 =	vadd.f32 v0, v63  }
0x46: {  	s18 =	sshll.u32 s18, $0x4;
	p0 =	sne.s32 s17, s9;
	[tilespmem:s19+$0x160] =	vst v1  }
.Ltmp1:
0x47: {  	s18 =	sadd.s32 s7, s18;
	[tilespmem:s19+$0x170] =	vst v0;
	(pc) =	sbr.rel @p0 .LBB2_2-.Ltmp1, $4  }
0x48: {  	[hbm4b:s18+s1] =	stream.linear.scatter [tilespmem:s13], [sflag:$0x2], $0x4000, $0x38;
	[tilespmem:$0x8100] =	vst v63  }
0x49: {  	_ =	swait.ge [sflag:s11], $0x4000  }
0x4a: {  	[sflag:s11] =	ssyncset.done $0x0  }
0x4b: {  	[sflag:s11] =	ssyncadd.s32 $0xFFFFC000  }
0x4c: {  	s16 =	sadd.s32 $0x1, s16  }
0x4d: {  	p0 =	sne.s32 s16, s10  }
.Ltmp2:
0x4e: {  	_ = 	snop;
	(pc) =	sbr.rel @p0 .LBB2_1-.Ltmp2, $1  }
0x4f: {  	_ =	sdelay $0x3  }
0x50: {  	_ =	sfence.sel $0x180000  }
0x51: {  	[bflag:$0x0] =	sbarrier.arrive $0xFFFF  }
0x52: {  	p0 =	sne.s32 s2, $0x0;
	_ =	strace $0x90000050  }
0x53: {  	s0 =	sadd.s32 @!p0 $0x100000, s0;
	[bflag:$0x2] =	sbarrier.arrive $0xFFFF  }
0x54: {  	[sflag:s0] =	ssyncadd.tile.s32 @!p0 $0x1;
	_ =	shalt  }
.Lfunc_end2:
_tile_overlayer_lowered:
.L_overlay_start_2:
0x55: {  	(tag) =	ssettag $0x2  }
0x56: {  	s0 =	rddreg [dreg:$0x0];
	s2 =	stileid.u32  }
0x57: {  	s1 =	rddreg [dreg:$0x1];
	p0 =	sne.s32 s2, $0x0  }
0x58: {  	s3 =	rddreg [dreg:$0x2];
	[bflag:$0x3] =	sbarrier.arrive $0xFFFF;
	s2 =	simm.s32 @!p0 $0x1C02  }
0x59: {  	[timem:s3], [sflag:s2] =	dma.local @!p0 [hbm:s0], s1  }
0x5a: {  	s0 =	simm.s32 @!p0 $0x2  }
0x5b: {  	_ =	swait.ge @!p0 [sflag:s0], s1  }
0x5c: {  	s1 =	ssub.s32 @!p0 $0x0, s1;
	[sflag:s0] =	ssyncset.done @!p0 $0x0  }
0x5d: {  	[sflag:s0] =	ssyncadd.s32 @!p0 s1  }
0x5e: {  	[bflag:$0x3] =	sbarrier.arrive $0xFFFF  }
0x5f: {  	_ =	shalt  }

// kernel: kernel.27.cloned.1.call-start
scs
__scs_entry_jumppad:
0x0: {  	(pc) =	sbr.rel $0x88, $3  }
0x1: {  	(tag) =	ssettag $0x0;
	lr =	simm.s32 $0x1  }
0x2: {  	[smem:$0x3F88] =	sst lr;
	_ =	strace $0xD0000000  }
0x3: {  	_ = 	snop  }
0x4: {  	_ = 	snop  }
0x5: {  	_ = 	snop  }
0x6: {  	_ = 	snop  }
0x7: {  	_ = 	snop  }
__scs_overlays_trampoline_lowered:
0x8: {  	[smem:$0x3F97] =	sst s0  }
0x9: {  	[smem:$0x3F98] =	sst s1  }
0xa: {  	[smem:$0x3F99] =	sst s2  }
0xb: {  	[smem:$0x3F9A] =	sst s3  }
0xc: {  	[smem:$0x3F9B] =	sst s4  }
0xd: {  	[smem:$0x3F9C] =	sst s5  }
0xe: {  	[smem:$0x3F9D] =	sst s6  }
0xf: {  	[smem:$0x3F9E] =	sst s7  }
0x10: {  	[smem:$0x3F9F] =	sst s8  }
0x11: {  	[smem:$0x3FA0] =	sst s9;
	s0 =	simm.s32 @!p0 $0x0  }
0x12: {  	s1 =	sld [smem:$0x3F86];
	s0 =	simm.s32 @p0 $0x1  }
0x13: {  	[smem:$0x3FA1] =	sst s0;
	s0 =	simm.s32 @!p1 $0x0  }
0x14: {  	s2 =	sld [smem:$0x3F85];
	s0 =	simm.s32 @p1 $0x1  }
0x15: {  	[smem:$0x3FA2] =	sst s0;
	s0 =	simm.s32 @!p2 $0x0  }
0x16: {  	s3 =	sld [smem:$0x3FDB];
	s0 =	simm.s32 @p2 $0x1  }
0x17: {  	s4 =	simm.s32 $0x1BF5;
	[smem:$0x3FA4] =	sst s0  }
0x18: {  	s0 =	sld [smem:$0x3F87];
	_ =	swait.ge [sflag:s4], $0x0  }
0x19: {  	s7 =	sld [smem:$0x3F88]  }
0x1a: {  	s8 =	sadd.s32 $0xFFFFE003, lr  }
0x1b: {  	s9 =	sadd.s32 $0xFFFFFEF7, lr;
	s5 =	simm.s32 $0xFFFFFFFF;
	p2 =	slt.u32 s8, $0xFFFFF086  }
0x1c: {  	p1 =	slt.u32 s9, $0xF7A;
	s5 =	simm.s32 @!p2 $0x0  }
0x1d: {  	s5 =	simm.s32 @p1 $0x1;
	p0 =	seq.s32 s7, s2  }
0x1e: {  	s7 =	smul.u32 @!p0 $0xF7A, s2;
	p2 =	seq.s32 @!p0 s5, $0x0  }
0x1f: {  	s9 =	smul.u32 $0xF7A, s1;
	s8 =	simm.s32 @!p0 $0x1BF5;
	p2 =	por !p2, p0  }
0x20: {  	[sflag:s8] =	ssyncset.s32 @!p0 $0xFFFFF086;
	s6 =	sadd.s32 @!p0 s3, s7;
	s7 =	simm.s32 @!p0 $0x108  }
0x21: {  	s3 =	sadd.s32 s3, s9;
	s6 =	sadd.s32 @!p0 $0x88, s6;
	s7 =	simm.s32 @p2 $0x1082  }
0x22: {  	[simem:s7], [sflag:s8] =	dma.local @!p0 [hbm:s6], $0xF7A  }
0x23: {  	s9 =	sor.u32 $0xD0000000, s2;
	s6 =	simm.s32 $0x108;
	_ =	swait.ge @!p0 [sflag:s8], $0x0  }
0x24: {  	s3 =	sadd.s32 $0x88, s3;
	s6 =	simm.s32 @!p1 $0x1082;
	[sflag:s4] =	ssyncset.s32 $0xFFFFF086  }
0x25: {  	[simem:s6], [sflag:s4] =	dma.local [hbm:s3], $0xF7A  }
0x26: {  	[smem:$0x3F88] =	sst s1;
	(tag) =	ssettag s2;
	_ =	strace s9  }
0x27: {  	s1 =	sld [smem:$0x3F98]  }
0x28: {  	s2 =	sld [smem:$0x3F99]  }
0x29: {  	s4 =	sld [smem:$0x3F9B]  }
0x2a: {  	p0 =	seq.s32 s5, $0x0;
	s5 =	sld [smem:$0x3F9C]  }
0x2b: {  	s6 =	sld [smem:$0x3F9D]  }
0x2c: {  	s7 =	sld [smem:$0x3F9E]  }
0x2d: {  	s3 =	simm.s32 $0x108;
	s8 =	sld [smem:$0x3F9F]  }
0x2e: {  	s3 =	simm.s32 @!p0 $0x1082;
	s9 =	sld [smem:$0x3FA0]  }
0x2f: {  	lr =	sadd.s32 s0, s3;
	s0 =	sld [smem:$0x3F97]  }
0x30: {  	s3 =	sld [smem:$0x3F9A]  }
0x31: {  	[smem:$0x3FA3] =	sst s10  }
0x32: {  	s10 =	sld [smem:$0x3FA1];
	_ =	sdelay $0x3  }
0x33: {  	p0 =	seq.s32 s10, $0x1;
	s10 =	sld [smem:$0x3FA3];
	_ =	sdelay $0x3  }
0x34: {  	[smem:$0x3FA3] =	sst s10  }
0x35: {  	s10 =	sld [smem:$0x3FA2];
	_ =	sdelay $0x3  }
0x36: {  	p1 =	seq.s32 s10, $0x1;
	s10 =	sld [smem:$0x3FA3];
	_ =	sdelay $0x3  }
0x37: {  	[smem:$0x3FA3] =	sst s10  }
0x38: {  	s10 =	sld [smem:$0x3FA4]  }
0x39: {  	_ = 	snop;
	(pc) =	sbr.ind lr, $3  }
0x3a: {  	_ = 	snop  }
0x3b: {  	_ = 	snop  }
0x3c: {  	p2 =	seq.s32 s10, $0x1;
	s10 =	sld [smem:$0x3FA3]  }
0x3d: {  	_ =	shalt  }
0x3e: {  	_ =	shalt  }
0x3f: {  	_ =	shalt  }
0x40: {  	_ =	shalt  }
0x41: {  	_ =	shalt  }
0x42: {  	_ =	shalt  }
0x43: {  	_ =	shalt  }
0x44: {  	_ =	shalt  }
0x45: {  	_ =	shalt  }
0x46: {  	_ =	shalt  }
0x47: {  	_ =	shalt  }
0x48: {  	_ =	shalt  }
0x49: {  	_ =	shalt  }
0x4a: {  	_ =	shalt  }
0x4b: {  	_ =	shalt  }
0x4c: {  	_ =	shalt  }
0x4d: {  	_ =	shalt  }
0x4e: {  	_ =	shalt  }
0x4f: {  	_ =	shalt  }
0x50: {  	_ =	shalt  }
0x51: {  	_ =	shalt  }
0x52: {  	_ =	shalt  }
0x53: {  	_ =	shalt  }
0x54: {  	_ =	shalt  }
0x55: {  	_ =	shalt  }
0x56: {  	_ =	shalt  }
0x57: {  	_ =	shalt  }
0x58: {  	_ =	shalt  }
0x59: {  	_ =	shalt  }
0x5a: {  	_ =	shalt  }
0x5b: {  	_ =	shalt  }
0x5c: {  	_ =	shalt  }
0x5d: {  	_ =	shalt  }
0x5e: {  	_ =	shalt  }
0x5f: {  	_ =	shalt  }
0x60: {  	_ =	shalt  }
0x61: {  	_ =	shalt  }
0x62: {  	_ =	shalt  }
0x63: {  	_ =	shalt  }
0x64: {  	_ =	shalt  }
0x65: {  	_ =	shalt  }
0x66: {  	_ =	shalt  }
0x67: {  	_ =	shalt  }
0x68: {  	_ =	shalt  }
0x69: {  	_ =	shalt  }
0x6a: {  	_ =	shalt  }
0x6b: {  	_ =	shalt  }
0x6c: {  	_ =	shalt  }
0x6d: {  	_ =	shalt  }
0x6e: {  	_ =	shalt  }
0x6f: {  	_ =	shalt  }
0x70: {  	_ =	shalt  }
0x71: {  	_ =	shalt  }
0x72: {  	_ =	shalt  }
0x73: {  	_ =	shalt  }
0x74: {  	_ =	shalt  }
0x75: {  	_ =	shalt  }
0x76: {  	_ =	shalt  }
0x77: {  	_ =	shalt  }
0x78: {  	_ =	shalt  }
0x79: {  	_ =	shalt  }
0x7a: {  	_ =	shalt  }
0x7b: {  	_ =	shalt  }
0x7c: {  	_ =	shalt  }
0x7d: {  	_ =	shalt  }
0x7e: {  	_ =	shalt  }
0x7f: {  	_ =	shalt  }
0x80: {  	_ =	shalt  }
0x81: {  	_ =	shalt  }
0x82: {  	_ =	shalt  }
0x83: {  	_ =	shalt  }
0x84: {  	_ =	shalt  }
0x85: {  	_ =	shalt  }
0x86: {  	_ =	shalt  }
0x87: {  	_ =	shalt  }
.Lfunc_end0:
.L_simem_size_0:
called_computation.3_lowered:
.L_overlay_start_0:
0x88: {  	s2 =	sld [smem:$0x3FD9]  }
0x89: {  	s3 =	sld [smem:$0x3FFE];
	_ =	sdelay $0x1  }
0x8a: {  	s1 =	srdreg.scid  }
0x8b: {  	s0 =	sand.u32 $0x1, s1  }
0x8c: {  	s16 =	sshll.u32 s0, $0xA;
	s2 =	sadd.s32 s3, s2  }
0x8d: {  	s2 =	sadd.s32 s2, s16  }
0x8e: {  	[smem:$0x3FAF] =	sst s2  }
0x8f: {  	_ = 	snop  }
0x90: {  	(tm) =	ssettm $0x1  }
0x91: {  	s17 =	sld [smem:$0x3FFB];
	_ =	sdelay $0x3  }
0x92: {  	_ =	strace s17  }
0x93: {  	s2 =	sld [smem:$0x3FFC];
	_ =	sdelay $0x3  }
0x94: {  	_ =	strace s2  }
0x95: {  	s2 =	sld [smem:$0x3FFD];
	_ =	sdelay $0x3  }
0x96: {  	_ =	strace s2  }
0x97: {  	_ =	strace $0x8FFFFFFF  }
0x98: {  	s18 =	sld [smem:$0x3FDB];
	_ =	sdelay $0x1  }
0x99: {  	s19 =	simm.s32 $_scs_section_size  }
0x9a: {  	s4 =	simm.s32 $_size__tile_overlayer_lowered;
	s5 =	simm.s32 $_tile_overlayer_lowered  }
0x9b: {  	s22 =	simm.s32 $0x1BFF;
	s21 =	sshll.u32 s5, $0x1;
	s2 =	sadd.s32 s19, s18  }
0x9c: {  	s6 =	simm.s32 $0x0;
	s20 =	sshll.u32 s4, $0x1;
	s4 =	sadd.s32 s21, s2  }
0x9d: {  	[timem:s6], [sflag:s22] =	dma.local [hbm:s4], s20  }
0x9e: {  	_ =	swait.ge [sflag:s22], s20  }
0x9f: {  	s3 =	ssub.s32 $0x0, s20;
	[sflag:s22] =	ssyncset.done $0x0  }
0xa0: {  	[sflag:s22] =	ssyncadd.s32 s3;
	_ =	sdelay $0x1  }
0xa1: {  	s23 =	simm.s32 $0x1B8B  }
0xa2: {  	_ =	swait.ge [sflag:s23], $0x1  }
0xa3: {  	[sflag:s23] =	ssyncset.done $0x0  }
0xa4: {  	s25 =	simm.s32 $0x1B8E;
	s24 =	sld [smem:$0x3FFE];
	[sflag:s23] =	ssyncadd.s32 $0xFFFFFFFF  }
0xa5: {  	s26 =	simm.s32 $execute0_lowered;
	[smem:$0x3FD2] =	sst s25  }
0xa6: {  	s4 =	sshll.u32 s26, $0x1;
	_ =	strace $0x8000004C;
	[dreg:$0x1] =	wrdreg $0xFFFFFFFF  }
0xa7: {  	s28 =	simm.s32 $_size_execute0_lowered;
	s2 =	sadd.s32 s2, s4;
	[dreg:$0x0] =	wrdreg $0x0  }
0xa8: {  	s4 =	sshll.u32 s28, $0x1;
	[dreg:$0x2] =	wrdreg s2  }
0xa9: {  	[dreg:$0x3] =	wrdreg s4  }
0xaa: {  	[dreg:$0x4] =	wrdreg $0xC0  }
0xab: {  	_ =	task [dreg:s6], $0x5FFFF  }
0xac: {  	[dreg:$0x1] =	wrdreg $0xFFFFFFFF  }
0xad: {  	[dreg:$0x0] =	wrdreg $0x60  }
0xae: {  	[dreg:$0x2] =	wrdreg s24  }
0xaf: {  	[dreg:$0x3] =	wrdreg $0xA  }
0xb0: {  	_ =	task.clear_ibuf [dreg:s6], $0x4FFFF;
	_ =	strace $0x9000004C  }
0xb1: {  	s29 =	simm.s32 $0xA;
	_ =	strace $0x8000004E  }
0xb2: {  	_ =	swait.ge [sflag:s29], $0x1  }
0xb3: {  	[sflag:s29] =	ssyncadd.s32 $0xFFFFFFFF  }
0xb4: {  	_ =	strace $0x9000004E  }
0xb5: {  	_ =	sfence  }
0xb6: {  	s30 =	sld [smem:$0x0];
	_ =	sdelay $0x2  }
0xb7: {  	s31 =	sshll.u32 s1, $0xD;
	s1 =	sshrl.u32 s1, $0x2  }
0xb8: {  	s3 =	sand.u32 $0x4000, s31;
	s1 =	sadd.s32 s1, s30  }
0xb9: {  	s0 =	sor.u32 s3, s0;
	s1 =	sshll.u32 s1, $0x11  }
0xba: {  	s0 =	sor.u32 s1, s0  }
0xbb: {  	s0 =	sadd.s32 $0x8F2B, s0  }
0xbc: {  	[sflag:s0] =	ssyncadd.remote.s32 $0x1  }
0xbd: {  	_ =	sfence.sel $0xFFFF  }
0xbe: {  	[dreg:$0x0] =	wrdreg $0xFFFFFFFF;
	(pc) =	sbr.abs _section_cstart, $3  }
0xbf: {  	[dreg:$0x1] =	wrdreg $0xFFFFFFFF  }
0xc0: {  	_ =	task.clear_ibuf [dreg:s6], $0x2FFFF;
	_ =	strace $0x9FFFFFFF  }
0xc1: {  	(tm) =	ssettm $0x7FFFFFFF  }
tec
execute0_lowered:
.L_overlay_start_1:
0x0: {  	(tag) =	ssettag $0x1  }
0x1: {  	s7 =	rddreg [dreg:$0x0]  }
0x2: {  	s0 =	rddreg [dreg:$0x1];
	s1 =	simm.s32 $0x0;
	s5 =	srdreg.scid  }
0x3: {  	s2 =	stileid.u32;
	s12 =	simm.s32 $0x80;
	s13 =	simm.s32 $0x100  }
0x4: {  	s14 =	simm.s32 $0x4100;
	s15 =	simm.s32 $0x1;
	s16 =	simm.s32 $0x0  }
0x5: {  	[smem:$0x7FF] =	sst s1;
	s3 =	sadd.s32 $0xE2A00, s7;
	s4 =	sadd.s32 $0x1A6000, s7  }
0x6: {  	s8 =	sand.u32 $0x1, s5;
	s5 =	sadd.s32 $0x3FC200, s7;
	s10 =	sshll.u32 s2, $0x1  }
0x7: {  	s6 =	sadd.s32 $0x3EFE00, s7;
	s7 =	sadd.s32 $0x408600, s7;
	s9 =	ssub.s32 $0x2, s8  }
0x8: {  	_ =	strace $0x8000004D;
	s8 =	sor.u32 s8, s10;
	s11 =	sshrl.u32 s9, $0x1  }
0x9: {  	s31 =	ssub.s32 $0xC54, s8;
	s8 =	sshll.u32 s8, $0x7;
	s30 =	ssub.s32 s9, s11  }
0xa: {  	s9 =	sshrl.u32 s31, $0x5;
	s11 =	simm.s32 $0x2;
	s10 =	smax.u32 s30, $0x1  }
.LBB2_1:
0xb: {  	s17 =	simm.s32 $0x0  }
.LBB2_2:
0xc: {  	s18 =	sshll.u32 s17, $0xC  }
0xd: {  	s18 =	sor.u32 s8, s18  }
0xe: {  	s19 =	sshrl.u32 s18, $0x3  }
0xf: {  	s21 =	simm.s32 $0x0;
	s20 =	sadd.s32 s5, s19  }
0x10: {  	[tilespmem:s21], [sflag:$0x2] =	stream.linear.gather [hbm4b:s20+s21], $0x80, $0x38;
	[tilespmem:$0x8100] =	vst v63  }
0x11: {  	_ =	swait.ge [sflag:s11], $0x80  }
0x12: {  	[sflag:s11] =	ssyncset.done $0x0  }
0x13: {  	s19 =	sadd.s32 s6, s19;
	[sflag:s11] =	ssyncadd.s32 $0xFFFFFF80  }
0x14: {  	[tilespmem:s12], [sflag:$0x2] =	stream.linear.gather [hbm4b:s19+s21], $0x80, $0x38;
	[tilespmem:$0x8100] =	vst v63  }
0x15: {  	_ =	swait.ge [sflag:s11], $0x80  }
0x16: {  	[sflag:s11] =	ssyncset.done $0x0  }
0x17: {  	[sflag:s11] =	ssyncadd.s32 $0xFFFFFF80  }
0x18: {  	[tilespmem:s13], [sflag:$0x1] =	stream.indirect.gather [hbm4b:s3+s12], $0x80, s21, s12, $0xb8;
	[tilespmem:$0x8100] =	vst v63  }
0x19: {  	_ = 	snop  }
0x1a: {  	[tilespmem:s14], [sflag:$0x1] =	stream.indirect.gather [hbm4b:s4+s12], $0x80, s12, s12, $0xb8;
	[tilespmem:$0x8100] =	vst v63  }
0x1b: {  	_ =	swait.ge [sflag:s15], $0x4000  }
0x1c: {  	[sflag:s15] =	ssyncset.done $0x0  }
0x1d: {  	[sflag:s15] =	ssyncadd.s32 $0xFFFFC000  }
0x1e: {  	_ =	swait.ge [sflag:s15], $0x4000  }
0x1f: {  	[sflag:s15] =	ssyncset.done $0x0  }
0x20: {  	s19 =	simm.s32 $0x0;
	[sflag:s15] =	ssyncadd.s32 $0xFFFFC000  }
0x21: {  	v7 =	vld [tilespmem:s19+$0x4100]  }
0x22: {  	v11 =	vld [tilespmem:s19+$0x4110]  }
0x23: {  	v5 =	vld [tilespmem:s19+$0x4120]  }
0x24: {  	v4 =	vld [tilespmem:s19+$0x4130]  }
0x25: {  	v3 =	vld [tilespmem:s19+$0x4140]  }
0x26: {  	v2 =	vld [tilespmem:s19+$0x4150]  }
0x27: {  	v1 =	vld [tilespmem:s19+$0x4160]  }
0x28: {  	v0 =	vld [tilespmem:s19+$0x4170]  }
0x29: {  	v12 =	vld [tilespmem:s19+$0x100]  }
0x2a: {  	v13 =	vld [tilespmem:s19+$0x110]  }
0x2b: {  	v10 =	vld [tilespmem:s19+$0x120]  }
0x2c: {  	v9 =	vld [tilespmem:s19+$0x130]  }
0x2d: {  	v8 =	vld [tilespmem:s19+$0x140]  }
0x2e: {  	v6 =	vld [tilespmem:s19+$0x150];
	v12 =	vadd.f32 v7, v12  }
0x2f: {  	s20 =	simm.s32 $0x200;
	v11 =	vadd.f32 v11, v13;
	v7 =	vld [tilespmem:s19+$0x160]  }
.LBB2_3:
0x30: {  	s21 =	sshra.s32 s20, $0x2;
	p0 =	sne.s32 s20, $0xFE00;
	[tilespmem:s19+$0x100] =	vst v12;
	v5 =	vadd.f32 v5, v10;
	v10 =	vld [tilespmem:s19+$0x170]  }
0x31: {  	v12 =	vld [tilespmem:s21+$0x4100];
	[tilespmem:s19+$0x110] =	vst v11;
	v4 =	vadd.f32 v4, v9  }
0x32: {  	v11 =	vld [tilespmem:s21+$0x4110];
	[tilespmem:s19+$0x120] =	vst v5;
	v3 =	vadd.f32 v3, v8  }
0x33: {  	v5 =	vld [tilespmem:s21+$0x4120];
	[tilespmem:s19+$0x130] =	vst v4;
	v2 =	vadd.f32 v2, v6  }
0x34: {  	v4 =	vld [tilespmem:s21+$0x4130];
	[tilespmem:s19+$0x140] =	vst v3;
	v1 =	vadd.f32 v1, v7  }
0x35: {  	v3 =	vld [tilespmem:s21+$0x4140];
	[tilespmem:s19+$0x150] =	vst v2;
	v0 =	vadd.f32 v0, v10  }
0x36: {  	v2 =	vld [tilespmem:s21+$0x4150];
	[tilespmem:s19+$0x160] =	vst v1  }
0x37: {  	v1 =	vld [tilespmem:s21+$0x4160];
	[tilespmem:s19+$0x170] =	vst v0;
	s19 =	smov.u32 s21  }
0x38: {  	v0 =	vld [tilespmem:s19+$0x4170]  }
0x39: {  	v6 =	vld [tilespmem:s19+$0x100]  }
0x3a: {  	v7 =	vld [tilespmem:s19+$0x110]  }
.Ltmp0:
0x3b: {  	v10 =	vld [tilespmem:s19+$0x120];
	(pc) =	sbr.rel @p0 .LBB2_3-.Ltmp0, $4  }
0x3c: {  	v9 =	vld [tilespmem:s19+$0x130]  }
0x3d: {  	v8 =	vld [tilespmem:s19+$0x140]  }
0x3e: {  	v12 =	vadd.f32 v12, v6;
	v6 =	vld [tilespmem:s19+$0x150]  }
0x3f: {  	s20 =	sadd.s32 $0x200, s20;
	v11 =	vadd.f32 v11, v7;
	v7 =	vld [tilespmem:s19+$0x160]  }
0x40: {  	[tilespmem:s19+$0x100] =	vst v12;
	v5 =	vadd.f32 v5, v10;
	v63 =	vld [tilespmem:s19+$0x170]  }
0x41: {  	[tilespmem:s19+$0x110] =	vst v11;
	v4 =	vadd.f32 v4, v9  }
0x42: {  	[tilespmem:s19+$0x120] =	vst v5;
	v3 =	vadd.f32 v3, v8  }
0x43: {  	[tilespmem:s19+$0x130] =	vst v4;
	v2 =	vadd.f32 v2, v6  }
0x44: {  	[tilespmem:s19+$0x140] =	vst v3;
	v1 =	vadd.f32 v1, v7  }
0x45: {  	s17 =	sadd.s32 $0x1, s17;
	[tilespmem:s19+$0x150] =	vst v2;
	v0 =	vadd.f32 v0, v63  }
0x46: {  	s18 =	sshll.u32 s18, $0x4;
	p0 =	sne.s32 s17, s9;
	[tilespmem:s19+$0x160] =	vst v1  }
.Ltmp1:
0x47: {  	s18 =	sadd.s32 s7, s18;
	[tilespmem:s19+$0x170] =	vst v0;
	(pc) =	sbr.rel @p0 .LBB2_2-.Ltmp1, $4  }
0x48: {  	[hbm4b:s18+s1] =	stream.linear.scatter [tilespmem:s13], [sflag:$0x2], $0x4000, $0x38;
	[tilespmem:$0x8100] =	vst v63  }
0x49: {  	_ =	swait.ge [sflag:s11], $0x4000  }
0x4a: {  	[sflag:s11] =	ssyncset.done $0x0  }
0x4b: {  	[sflag:s11] =	ssyncadd.s32 $0xFFFFC000  }
0x4c: {  	s16 =	sadd.s32 $0x1, s16  }
0x4d: {  	p0 =	sne.s32 s16, s10  }
.Ltmp2:
0x4e: {  	_ = 	snop;
	(pc) =	sbr.rel @p0 .LBB2_1-.Ltmp2, $1  }
0x4f: {  	_ =	sdelay $0x3  }
0x50: {  	_ =	sfence.sel $0x180000  }
0x51: {  	[bflag:$0x0] =	sbarrier.arrive $0xFFFF  }
0x52: {  	p0 =	sne.s32 s2, $0x0;
	_ =	strace $0x9000004D  }
0x53: {  	s0 =	sadd.s32 @!p0 $0x100000, s0;
	[bflag:$0x2] =	sbarrier.arrive $0xFFFF  }
0x54: {  	[sflag:s0] =	ssyncadd.tile.s32 @!p0 $0x1;
	_ =	shalt  }
.Lfunc_end2:
_tile_overlayer_lowered:
.L_overlay_start_2:
0x55: {  	(tag) =	ssettag $0x2  }
0x56: {  	s0 =	rddreg [dreg:$0x0];
	s2 =	stileid.u32  }
0x57: {  	s1 =	rddreg [dreg:$0x1];
	p0 =	sne.s32 s2, $0x0  }
0x58: {  	s3 =	rddreg [dreg:$0x2];
	[bflag:$0x3] =	sbarrier.arrive $0xFFFF;
	s2 =	simm.s32 @!p0 $0x1C02  }
0x59: {  	[timem:s3], [sflag:s2] =	dma.local @!p0 [hbm:s0], s1  }
0x5a: {  	s0 =	simm.s32 @!p0 $0x2  }
0x5b: {  	_ =	swait.ge @!p0 [sflag:s0], s1  }
0x5c: {  	s1 =	ssub.s32 @!p0 $0x0, s1;
	[sflag:s0] =	ssyncset.done @!p0 $0x0  }
0x5d: {  	[sflag:s0] =	ssyncadd.s32 @!p0 s1  }
0x5e: {  	[bflag:$0x3] =	sbarrier.arrive $0xFFFF  }
0x5f: {  	_ =	shalt  }

// kernel: kernel.30.cloned.1.call-start
scs
__scs_entry_jumppad:
0x0: {  	(pc) =	sbr.rel $0x88, $3  }
0x1: {  	(tag) =	ssettag $0x0;
	lr =	simm.s32 $0x1  }
0x2: {  	[smem:$0x3F88] =	sst lr;
	_ =	strace $0xD0000000  }
0x3: {  	_ = 	snop  }
0x4: {  	_ = 	snop  }
0x5: {  	_ = 	snop  }
0x6: {  	_ = 	snop  }
0x7: {  	_ = 	snop  }
__scs_overlays_trampoline_lowered:
0x8: {  	[smem:$0x3F97] =	sst s0  }
0x9: {  	[smem:$0x3F98] =	sst s1  }
0xa: {  	[smem:$0x3F99] =	sst s2  }
0xb: {  	[smem:$0x3F9A] =	sst s3  }
0xc: {  	[smem:$0x3F9B] =	sst s4  }
0xd: {  	[smem:$0x3F9C] =	sst s5  }
0xe: {  	[smem:$0x3F9D] =	sst s6  }
0xf: {  	[smem:$0x3F9E] =	sst s7  }
0x10: {  	[smem:$0x3F9F] =	sst s8  }
0x11: {  	[smem:$0x3FA0] =	sst s9;
	s0 =	simm.s32 @!p0 $0x0  }
0x12: {  	s1 =	sld [smem:$0x3F86];
	s0 =	simm.s32 @p0 $0x1  }
0x13: {  	[smem:$0x3FA1] =	sst s0;
	s0 =	simm.s32 @!p1 $0x0  }
0x14: {  	s2 =	sld [smem:$0x3F85];
	s0 =	simm.s32 @p1 $0x1  }
0x15: {  	[smem:$0x3FA2] =	sst s0;
	s0 =	simm.s32 @!p2 $0x0  }
0x16: {  	s3 =	sld [smem:$0x3FDB];
	s0 =	simm.s32 @p2 $0x1  }
0x17: {  	s4 =	simm.s32 $0x1BF5;
	[smem:$0x3FA4] =	sst s0  }
0x18: {  	s0 =	sld [smem:$0x3F87];
	_ =	swait.ge [sflag:s4], $0x0  }
0x19: {  	s7 =	sld [smem:$0x3F88]  }
0x1a: {  	s8 =	sadd.s32 $0xFFFFE003, lr  }
0x1b: {  	s9 =	sadd.s32 $0xFFFFFEF7, lr;
	s5 =	simm.s32 $0xFFFFFFFF;
	p2 =	slt.u32 s8, $0xFFFFF086  }
0x1c: {  	p1 =	slt.u32 s9, $0xF7A;
	s5 =	simm.s32 @!p2 $0x0  }
0x1d: {  	s5 =	simm.s32 @p1 $0x1;
	p0 =	seq.s32 s7, s2  }
0x1e: {  	s7 =	smul.u32 @!p0 $0xF7A, s2;
	p2 =	seq.s32 @!p0 s5, $0x0  }
0x1f: {  	s9 =	smul.u32 $0xF7A, s1;
	s8 =	simm.s32 @!p0 $0x1BF5;
	p2 =	por !p2, p0  }
0x20: {  	[sflag:s8] =	ssyncset.s32 @!p0 $0xFFFFF086;
	s6 =	sadd.s32 @!p0 s3, s7;
	s7 =	simm.s32 @!p0 $0x108  }
0x21: {  	s3 =	sadd.s32 s3, s9;
	s6 =	sadd.s32 @!p0 $0x88, s6;
	s7 =	simm.s32 @p2 $0x1082  }
0x22: {  	[simem:s7], [sflag:s8] =	dma.local @!p0 [hbm:s6], $0xF7A  }
0x23: {  	s9 =	sor.u32 $0xD0000000, s2;
	s6 =	simm.s32 $0x108;
	_ =	swait.ge @!p0 [sflag:s8], $0x0  }
0x24: {  	s3 =	sadd.s32 $0x88, s3;
	s6 =	simm.s32 @!p1 $0x1082;
	[sflag:s4] =	ssyncset.s32 $0xFFFFF086  }
0x25: {  	[simem:s6], [sflag:s4] =	dma.local [hbm:s3], $0xF7A  }
0x26: {  	[smem:$0x3F88] =	sst s1;
	(tag) =	ssettag s2;
	_ =	strace s9  }
0x27: {  	s1 =	sld [smem:$0x3F98]  }
0x28: {  	s2 =	sld [smem:$0x3F99]  }
0x29: {  	s4 =	sld [smem:$0x3F9B]  }
0x2a: {  	p0 =	seq.s32 s5, $0x0;
	s5 =	sld [smem:$0x3F9C]  }
0x2b: {  	s6 =	sld [smem:$0x3F9D]  }
0x2c: {  	s7 =	sld [smem:$0x3F9E]  }
0x2d: {  	s3 =	simm.s32 $0x108;
	s8 =	sld [smem:$0x3F9F]  }
0x2e: {  	s3 =	simm.s32 @!p0 $0x1082;
	s9 =	sld [smem:$0x3FA0]  }
0x2f: {  	lr =	sadd.s32 s0, s3;
	s0 =	sld [smem:$0x3F97]  }
0x30: {  	s3 =	sld [smem:$0x3F9A]  }
0x31: {  	[smem:$0x3FA3] =	sst s10  }
0x32: {  	s10 =	sld [smem:$0x3FA1];
	_ =	sdelay $0x3  }
0x33: {  	p0 =	seq.s32 s10, $0x1;
	s10 =	sld [smem:$0x3FA3];
	_ =	sdelay $0x3  }
0x34: {  	[smem:$0x3FA3] =	sst s10  }
0x35: {  	s10 =	sld [smem:$0x3FA2];
	_ =	sdelay $0x3  }
0x36: {  	p1 =	seq.s32 s10, $0x1;
	s10 =	sld [smem:$0x3FA3];
	_ =	sdelay $0x3  }
0x37: {  	[smem:$0x3FA3] =	sst s10  }
0x38: {  	s10 =	sld [smem:$0x3FA4]  }
0x39: {  	_ = 	snop;
	(pc) =	sbr.ind lr, $3  }
0x3a: {  	_ = 	snop  }
0x3b: {  	_ = 	snop  }
0x3c: {  	p2 =	seq.s32 s10, $0x1;
	s10 =	sld [smem:$0x3FA3]  }
0x3d: {  	_ =	shalt  }
0x3e: {  	_ =	shalt  }
0x3f: {  	_ =	shalt  }
0x40: {  	_ =	shalt  }
0x41: {  	_ =	shalt  }
0x42: {  	_ =	shalt  }
0x43: {  	_ =	shalt  }
0x44: {  	_ =	shalt  }
0x45: {  	_ =	shalt  }
0x46: {  	_ =	shalt  }
0x47: {  	_ =	shalt  }
0x48: {  	_ =	shalt  }
0x49: {  	_ =	shalt  }
0x4a: {  	_ =	shalt  }
0x4b: {  	_ =	shalt  }
0x4c: {  	_ =	shalt  }
0x4d: {  	_ =	shalt  }
0x4e: {  	_ =	shalt  }
0x4f: {  	_ =	shalt  }
0x50: {  	_ =	shalt  }
0x51: {  	_ =	shalt  }
0x52: {  	_ =	shalt  }
0x53: {  	_ =	shalt  }
0x54: {  	_ =	shalt  }
0x55: {  	_ =	shalt  }
0x56: {  	_ =	shalt  }
0x57: {  	_ =	shalt  }
0x58: {  	_ =	shalt  }
0x59: {  	_ =	shalt  }
0x5a: {  	_ =	shalt  }
0x5b: {  	_ =	shalt  }
0x5c: {  	_ =	shalt  }
0x5d: {  	_ =	shalt  }
0x5e: {  	_ =	shalt  }
0x5f: {  	_ =	shalt  }
0x60: {  	_ =	shalt  }
0x61: {  	_ =	shalt  }
0x62: {  	_ =	shalt  }
0x63: {  	_ =	shalt  }
0x64: {  	_ =	shalt  }
0x65: {  	_ =	shalt  }
0x66: {  	_ =	shalt  }
0x67: {  	_ =	shalt  }
0x68: {  	_ =	shalt  }
0x69: {  	_ =	shalt  }
0x6a: {  	_ =	shalt  }
0x6b: {  	_ =	shalt  }
0x6c: {  	_ =	shalt  }
0x6d: {  	_ =	shalt  }
0x6e: {  	_ =	shalt  }
0x6f: {  	_ =	shalt  }
0x70: {  	_ =	shalt  }
0x71: {  	_ =	shalt  }
0x72: {  	_ =	shalt  }
0x73: {  	_ =	shalt  }
0x74: {  	_ =	shalt  }
0x75: {  	_ =	shalt  }
0x76: {  	_ =	shalt  }
0x77: {  	_ =	shalt  }
0x78: {  	_ =	shalt  }
0x79: {  	_ =	shalt  }
0x7a: {  	_ =	shalt  }
0x7b: {  	_ =	shalt  }
0x7c: {  	_ =	shalt  }
0x7d: {  	_ =	shalt  }
0x7e: {  	_ =	shalt  }
0x7f: {  	_ =	shalt  }
0x80: {  	_ =	shalt  }
0x81: {  	_ =	shalt  }
0x82: {  	_ =	shalt  }
0x83: {  	_ =	shalt  }
0x84: {  	_ =	shalt  }
0x85: {  	_ =	shalt  }
0x86: {  	_ =	shalt  }
0x87: {  	_ =	shalt  }
.Lfunc_end0:
.L_simem_size_0:
called_computation.4_lowered:
.L_overlay_start_0:
0x88: {  	s2 =	sld [smem:$0x3FD9]  }
0x89: {  	s3 =	sld [smem:$0x3FFE];
	_ =	sdelay $0x1  }
0x8a: {  	s1 =	srdreg.scid  }
0x8b: {  	s0 =	sand.u32 $0x1, s1  }
0x8c: {  	s17 =	sshll.u32 s0, $0xA;
	s2 =	sadd.s32 s3, s2  }
0x8d: {  	s2 =	sadd.s32 s2, s17  }
0x8e: {  	[smem:$0x3FAF] =	sst s2  }
0x8f: {  	_ = 	snop  }
0x90: {  	(tm) =	ssettm $0x1  }
0x91: {  	s18 =	sld [smem:$0x3FFB];
	_ =	sdelay $0x3  }
0x92: {  	_ =	strace s18  }
0x93: {  	s2 =	sld [smem:$0x3FFC];
	_ =	sdelay $0x3  }
0x94: {  	_ =	strace s2  }
0x95: {  	s2 =	sld [smem:$0x3FFD];
	_ =	sdelay $0x3  }
0x96: {  	_ =	strace s2  }
0x97: {  	_ =	strace $0x8FFFFFFF  }
0x98: {  	s19 =	sld [smem:$0x3FDB];
	_ =	sdelay $0x1  }
0x99: {  	s20 =	simm.s32 $_scs_section_size  }
0x9a: {  	s4 =	simm.s32 $_size__tile_overlayer_lowered;
	s5 =	simm.s32 $_tile_overlayer_lowered  }
0x9b: {  	s6 =	simm.s32 $0x1BFF;
	s21 =	sshll.u32 s5, $0x1;
	s3 =	sadd.s32 s20, s19  }
0x9c: {  	s22 =	simm.s32 $0x0;
	s4 =	sshll.u32 s4, $0x1;
	s5 =	sadd.s32 s21, s3  }
0x9d: {  	[timem:s22], [sflag:s6] =	dma.local [hbm:s5], s4  }
0x9e: {  	_ =	swait.ge [sflag:s6], s4  }
0x9f: {  	s4 =	ssub.s32 $0x0, s4;
	[sflag:s6] =	ssyncset.done $0x0  }
0xa0: {  	[sflag:s6] =	ssyncadd.s32 s4;
	_ =	sdelay $0x1  }
0xa1: {  	s23 =	simm.s32 $0x1B8B  }
0xa2: {  	_ =	swait.ge [sflag:s23], $0x1  }
0xa3: {  	[sflag:s23] =	ssyncset.done $0x0  }
0xa4: {  	[sflag:s23] =	ssyncadd.s32 $0xFFFFFFFF  }
0xa5: {  	s4 =	sld [smem:$0x0]  }
0xa6: {  	s5 =	sand.u32 $0xFFFFFFFE, s1  }
0xa7: {  	p0 =	sne.s32 s1, s5  }
0xa8: {  	s5 =	sshll.u32 @p0 s5, $0xE  }
0xa9: {  	s5 =	sadd.s32 @p0 $0x11B8D, s5;
	s6 =	sshll.u32 @p0 s4, $0x11  }
0xaa: {  	s5 =	sor.u32 @p0 s6, s5  }
0xab: {  	[sflag:s5] =	ssyncadd.remote.s32 @p0 $0x1;
	_ =	sdelay $0x1  }
0xac: {  	s5 =	simm.s32 @p0 $0x1B8D  }
0xad: {  	_ =	swait.eq @p0 [sflag:s5], $0x1  }
0xae: {  	[sflag:s5] =	ssyncadd.s32 @p0 $0xFFFFFFFF  }
0xaf: {  	s6 =	sshll.u32 @!p0 s1, $0xE  }
0xb0: {  	s6 =	sor.u32 @!p0 $0x4000, s6;
	s5 =	simm.s32 @!p0 $0x1B8D  }
0xb1: {  	s4 =	sshll.u32 @!p0 s4, $0x11;
	s6 =	sadd.s32 @!p0 $0x11B8D, s6;
	_ =	swait.eq @!p0 [sflag:s5], $0x1  }
0xb2: {  	s4 =	sor.u32 @!p0 s4, s6;
	[sflag:s5] =	ssyncadd.s32 @!p0 $0xFFFFFFFF  }
0xb3: {  	s25 =	simm.s32 $0x1B8E;
	s24 =	sld [smem:$0x3FFE];
	[sflag:s4] =	ssyncadd.remote.s32 @!p0 $0x1  }
0xb4: {  	s26 =	simm.s32 $execute0_lowered;
	[smem:$0x3FD2] =	sst s25  }
0xb5: {  	s5 =	sshll.u32 s26, $0x1;
	_ =	strace $0x80000055;
	[dreg:$0x1] =	wrdreg $0xFFFFFFFF  }
0xb6: {  	s28 =	simm.s32 $_size_execute0_lowered;
	s3 =	sadd.s32 s3, s5;
	[dreg:$0x0] =	wrdreg $0x0  }
0xb7: {  	s5 =	sshll.u32 s28, $0x1;
	[dreg:$0x2] =	wrdreg s3  }
0xb8: {  	[dreg:$0x3] =	wrdreg s5  }
0xb9: {  	[dreg:$0x4] =	wrdreg $0xC0  }
0xba: {  	_ =	task [dreg:s22], $0x5FFFF  }
0xbb: {  	[dreg:$0x1] =	wrdreg $0xFFFFFFFF  }
0xbc: {  	[dreg:$0x0] =	wrdreg $0x60  }
0xbd: {  	[dreg:$0x2] =	wrdreg s24  }
0xbe: {  	[dreg:$0x3] =	wrdreg $0x9  }
0xbf: {  	_ =	task.clear_ibuf [dreg:s22], $0x4FFFF;
	_ =	strace $0x90000055  }
0xc0: {  	s29 =	simm.s32 $0x9;
	_ =	strace $0x80000057  }
0xc1: {  	_ =	swait.ge [sflag:s29], $0x1  }
0xc2: {  	[sflag:s29] =	ssyncadd.s32 $0xFFFFFFFF  }
0xc3: {  	_ =	strace $0x90000057  }
0xc4: {  	_ =	sfence  }
0xc5: {  	s30 =	sld [smem:$0x0];
	_ =	sdelay $0x2  }
0xc6: {  	s31 =	sshll.u32 s1, $0xD;
	s1 =	sshrl.u32 s1, $0x2  }
0xc7: {  	s4 =	sand.u32 $0x4000, s31;
	s1 =	sadd.s32 s1, s30  }
0xc8: {  	s0 =	sor.u32 s4, s0;
	s1 =	sshll.u32 s1, $0x11  }
0xc9: {  	s0 =	sor.u32 s1, s0  }
0xca: {  	s0 =	sadd.s32 $0x8F2B, s0  }
0xcb: {  	[sflag:s0] =	ssyncadd.remote.s32 $0x1  }
0xcc: {  	_ =	sfence.sel $0xFFFF  }
0xcd: {  	[dreg:$0x0] =	wrdreg $0xFFFFFFFF;
	(pc) =	sbr.abs _section_cstart, $3  }
0xce: {  	[dreg:$0x1] =	wrdreg $0xFFFFFFFF  }
0xcf: {  	_ =	task.clear_ibuf [dreg:s22], $0x2FFFF;
	_ =	strace $0x9FFFFFFF  }
0xd0: {  	(tm) =	ssettm $0x7FFFFFFF  }
0xd1: {  	_ =	shalt  }
tec
execute0_lowered:
.L_overlay_start_1:
0x0: {  	(tag) =	ssettag $0x1  }
0x1: {  	s0 =	rddreg [dreg:$0x0]  }
0x2: {  	s1 =	simm.s32 $0x0;
	s29 =	srdreg.scid;
	s6 =	stileid.u32  }
0x3: {  	s11 =	simm.s32 $0x2;
	s13 =	simm.s32 $0x100;
	s10 =	simm.s32 $0xA100  }
0x4: {  	s12 =	simm.s32 $0xB100;
	s14 =	simm.s32 $0xB900;
	s15 =	simm.s32 $0xC100  }
0x5: {  	s16 =	simm.s32 $0xC900;
	s17 =	simm.s32 $0xD100;
	s18 =	simm.s32 $0xD900  }
0x6: {  	s19 =	simm.s32 $0xE100;
	s20 =	simm.s32 $0xE900;
	s21 =	simm.s32 $0xF100  }
0x7: {  	s22 =	simm.s32 $0xF900;
	s23 =	simm.s32 $0x1;
	s25 =	simm.s32 $0x0  }
0x8: {  	[smem:$0x7FF] =	sst s1;
	s3 =	sadd.s32 $0xE2A00, s0;
	s4 =	sadd.s32 $0x269400, s0  }
0x9: {  	s1 =	sand.u32 $0x1, s29;
	s5 =	sadd.s32 $0xD6600, s0;
	s7 =	sshll.u32 s6, $0x1  }
0xa: {  	s6 =	sadd.s32 $0xCA200, s0;
	_ =	strace $0x80000056;
	s2 =	ssub.s32 $0x2, s1  }
0xb: {  	s1 =	sor.u32 s1, s7;
	s7 =	sadd.s32 $0x103D600, s0;
	s8 =	sshrl.u32 s2, $0x1  }
0xc: {  	v2 =	vlaneseq.u32;
	s31 =	ssub.s32 $0xC54, s1;
	s30 =	ssub.s32 s2, s8;
	s8 =	sshll.u32 s1, $0x7  }
0xd: {  	vm0 =	vmmov $0xffff;
	v1 =	vshrl.u32 v2, $0x3;
	s9 =	sshrl.u32 s31, $0x5;
	s2 =	simm.s32 $0x9900;
	s0 =	smax.u32 s30, $0x1  }
0xe: {  	v0 =	vand.u32 $0x7, v2;
	v2 =	vor.u32 $0x8, v2;
	v1 =	vmul.u32 $0x8, v1;
	s1 =	simm.s32 $0xA900;
	[dreg:$0x2] =	wrdreg s0;
	s0 =	simm.s32 $0x9100  }
.LBB2_1:
0xf: {  	[dreg:$0x3] =	wrdreg s25;
	s24 =	simm.s32 $0x0  }
.LBB2_2:
0x10: {  	s25 =	sshll.u32 s24, $0xC  }
0x11: {  	s25 =	sor.u32 s8, s25  }
0x12: {  	s28 =	sshrl.u32 s25, $0x3  }
0x13: {  	s26 =	simm.s32 $0x0;
	s29 =	sadd.s32 s5, s28  }
0x14: {  	[tilespmem:s26], [sflag:$0x2] =	stream.linear.gather [hbm4b:s29+s26], $0x80, $0x38;
	[tilespmem:$0x10100] =	vst v63  }
0x15: {  	_ =	swait.ge [sflag:s11], $0x80  }
0x16: {  	[sflag:s11] =	ssyncset.done $0x0  }
0x17: {  	s28 =	sadd.s32 s6, s28;
	s29 =	simm.s32 $0x80;
	[sflag:s11] =	ssyncadd.s32 $0xFFFFFF80  }
0x18: {  	[tilespmem:s29], [sflag:$0x2] =	stream.linear.gather [hbm4b:s28+s26], $0x80, $0x38;
	[tilespmem:$0x10100] =	vst v63  }
0x19: {  	_ =	swait.ge [sflag:s11], $0x80  }
0x1a: {  	[sflag:s11] =	ssyncset.done $0x0  }
0x1b: {  	[sflag:s11] =	ssyncadd.s32 $0xFFFFFF80  }
0x1c: {  	v3 =	vld [tilespmem:$0x0];
	_ =	sdelay $0x4  }
0x1d: {  	v4 =	vshll.u32 v3, $0x1  }
0x1e: {  	v3 =	vand.u32 $0x7, v3;
	v4 =	vand.u32 $0xFFFFFFF0, v4  }
0x1f: {  	v3 =	vor.u32 v3, v4  }
0x20: {  	v4 =	vperm.xlane v3, v0;
	_ =	sdelay $0x1  }
0x21: {  	v3 =	vperm.xlane v3, v2;
	v4 =	vadd.s32 v1, v4;
	_ =	sdelay $0x1  }
0x22: {  	v3 =	vadd.s32 v1, v3;
	_ =	sdelay $0x2  }
0x23: {  	[tilespmem:s13], [sflag:$0x1] =	stream.indirect_vreg.gather [hbm4b:s3+s26], $0x80, v4, vm0, $0xb8;
	[tilespmem:$0x10100] =	vst v63  }
0x24: {  	s28 =	simm.s32 $0x900  }
0x25: {  	[tilespmem:s28], [sflag:$0x1] =	stream.indirect_vreg.gather [hbm4b:s3+s26], $0x80, v3, vm0, $0xb8;
	[tilespmem:$0x10100] =	vst v63  }
0x26: {  	v3 =	vld [tilespmem:$0x10];
	_ =	sdelay $0x4  }
0x27: {  	v4 =	vshll.u32 v3, $0x1  }
0x28: {  	v3 =	vand.u32 $0x7, v3;
	v4 =	vand.u32 $0xFFFFFFF0, v4  }
0x29: {  	v3 =	vor.u32 v3, v4  }
0x2a: {  	v4 =	vperm.xlane v3, v0;
	_ =	sdelay $0x1  }
0x2b: {  	v3 =	vperm.xlane v3, v2;
	v4 =	vadd.s32 v1, v4;
	_ =	sdelay $0x1  }
0x2c: {  	v3 =	vadd.s32 v1, v3;
	_ =	sdelay $0x1  }
0x2d: {  	s28 =	simm.s32 $0x1100  }
0x2e: {  	[tilespmem:s28], [sflag:$0x1] =	stream.indirect_vreg.gather [hbm4b:s3+s26], $0x80, v4, vm0, $0xb8;
	[tilespmem:$0x10100] =	vst v63  }
0x2f: {  	s28 =	simm.s32 $0x1900  }
0x30: {  	[tilespmem:s28], [sflag:$0x1] =	stream.indirect_vreg.gather [hbm4b:s3+s26], $0x80, v3, vm0, $0xb8;
	[tilespmem:$0x10100] =	vst v63  }
0x31: {  	v3 =	vld [tilespmem:$0x20];
	_ =	sdelay $0x4  }
0x32: {  	v4 =	vshll.u32 v3, $0x1  }
0x33: {  	v3 =	vand.u32 $0x7, v3;
	v4 =	vand.u32 $0xFFFFFFF0, v4  }
0x34: {  	v3 =	vor.u32 v3, v4  }
0x35: {  	v4 =	vperm.xlane v3, v0;
	_ =	sdelay $0x1  }
0x36: {  	v3 =	vperm.xlane v3, v2;
	v4 =	vadd.s32 v1, v4;
	_ =	sdelay $0x1  }
0x37: {  	v3 =	vadd.s32 v1, v3;
	_ =	sdelay $0x1  }
0x38: {  	s28 =	simm.s32 $0x2100  }
0x39: {  	[tilespmem:s28], [sflag:$0x1] =	stream.indirect_vreg.gather [hbm4b:s3+s26], $0x80, v4, vm0, $0xb8;
	[tilespmem:$0x10100] =	vst v63  }
0x3a: {  	s28 =	simm.s32 $0x2900  }
0x3b: {  	[tilespmem:s28], [sflag:$0x1] =	stream.indirect_vreg.gather [hbm4b:s3+s26], $0x80, v3, vm0, $0xb8;
	[tilespmem:$0x10100] =	vst v63  }
0x3c: {  	v3 =	vld [tilespmem:$0x30];
	_ =	sdelay $0x4  }
0x3d: {  	v4 =	vshll.u32 v3, $0x1  }
0x3e: {  	v3 =	vand.u32 $0x7, v3;
	v4 =	vand.u32 $0xFFFFFFF0, v4  }
0x3f: {  	v3 =	vor.u32 v3, v4  }
0x40: {  	v4 =	vperm.xlane v3, v0;
	_ =	sdelay $0x1  }
0x41: {  	v3 =	vperm.xlane v3, v2;
	v4 =	vadd.s32 v1, v4;
	_ =	sdelay $0x1  }
0x42: {  	v3 =	vadd.s32 v1, v3;
	_ =	sdelay $0x1  }
0x43: {  	s28 =	simm.s32 $0x3100  }
0x44: {  	[tilespmem:s28], [sflag:$0x1] =	stream.indirect_vreg.gather [hbm4b:s3+s26], $0x80, v4, vm0, $0xb8;
	[tilespmem:$0x10100] =	vst v63  }
0x45: {  	s28 =	simm.s32 $0x3900  }
0x46: {  	[tilespmem:s28], [sflag:$0x1] =	stream.indirect_vreg.gather [hbm4b:s3+s26], $0x80, v3, vm0, $0xb8;
	[tilespmem:$0x10100] =	vst v63  }
0x47: {  	v3 =	vld [tilespmem:$0x40];
	_ =	sdelay $0x4  }
0x48: {  	v4 =	vshll.u32 v3, $0x1  }
0x49: {  	v3 =	vand.u32 $0x7, v3;
	v4 =	vand.u32 $0xFFFFFFF0, v4  }
0x4a: {  	v3 =	vor.u32 v3, v4  }
0x4b: {  	v4 =	vperm.xlane v3, v0;
	_ =	sdelay $0x1  }
0x4c: {  	v3 =	vperm.xlane v3, v2;
	v4 =	vadd.s32 v1, v4;
	_ =	sdelay $0x1  }
0x4d: {  	v3 =	vadd.s32 v1, v3;
	_ =	sdelay $0x1  }
0x4e: {  	s28 =	simm.s32 $0x4100  }
0x4f: {  	[tilespmem:s28], [sflag:$0x1] =	stream.indirect_vreg.gather [hbm4b:s3+s26], $0x80, v4, vm0, $0xb8;
	[tilespmem:$0x10100] =	vst v63  }
0x50: {  	s28 =	simm.s32 $0x4900  }
0x51: {  	[tilespmem:s28], [sflag:$0x1] =	stream.indirect_vreg.gather [hbm4b:s3+s26], $0x80, v3, vm0, $0xb8;
	[tilespmem:$0x10100] =	vst v63  }
0x52: {  	v3 =	vld [tilespmem:$0x50];
	_ =	sdelay $0x4  }
0x53: {  	v4 =	vshll.u32 v3, $0x1  }
0x54: {  	v3 =	vand.u32 $0x7, v3;
	v4 =	vand.u32 $0xFFFFFFF0, v4  }
0x55: {  	v3 =	vor.u32 v3, v4  }
0x56: {  	v4 =	vperm.xlane v3, v0;
	_ =	sdelay $0x1  }
0x57: {  	v3 =	vperm.xlane v3, v2;
	v4 =	vadd.s32 v1, v4;
	_ =	sdelay $0x1  }
0x58: {  	v3 =	vadd.s32 v1, v3;
	_ =	sdelay $0x1  }
0x59: {  	s28 =	simm.s32 $0x5100  }
0x5a: {  	[tilespmem:s28], [sflag:$0x1] =	stream.indirect_vreg.gather [hbm4b:s3+s26], $0x80, v4, vm0, $0xb8;
	[tilespmem:$0x10100] =	vst v63  }
0x5b: {  	s28 =	simm.s32 $0x5900  }
0x5c: {  	[tilespmem:s28], [sflag:$0x1] =	stream.indirect_vreg.gather [hbm4b:s3+s26], $0x80, v3, vm0, $0xb8;
	[tilespmem:$0x10100] =	vst v63  }
0x5d: {  	v3 =	vld [tilespmem:$0x60];
	_ =	sdelay $0x4  }
0x5e: {  	v4 =	vshll.u32 v3, $0x1  }
0x5f: {  	v3 =	vand.u32 $0x7, v3;
	v4 =	vand.u32 $0xFFFFFFF0, v4  }
0x60: {  	v3 =	vor.u32 v3, v4  }
0x61: {  	v4 =	vperm.xlane v3, v0;
	_ =	sdelay $0x1  }
0x62: {  	v3 =	vperm.xlane v3, v2;
	v4 =	vadd.s32 v1, v4;
	_ =	sdelay $0x1  }
0x63: {  	v3 =	vadd.s32 v1, v3;
	_ =	sdelay $0x1  }
0x64: {  	s28 =	simm.s32 $0x6100  }
0x65: {  	[tilespmem:s28], [sflag:$0x1] =	stream.indirect_vreg.gather [hbm4b:s3+s26], $0x80, v4, vm0, $0xb8;
	[tilespmem:$0x10100] =	vst v63  }
0x66: {  	s28 =	simm.s32 $0x6900  }
0x67: {  	[tilespmem:s28], [sflag:$0x1] =	stream.indirect_vreg.gather [hbm4b:s3+s26], $0x80, v3, vm0, $0xb8;
	[tilespmem:$0x10100] =	vst v63  }
0x68: {  	v3 =	vld [tilespmem:$0x70];
	_ =	sdelay $0x4  }
0x69: {  	v4 =	vshll.u32 v3, $0x1  }
0x6a: {  	v3 =	vand.u32 $0x7, v3;
	v4 =	vand.u32 $0xFFFFFFF0, v4  }
0x6b: {  	v3 =	vor.u32 v3, v4  }
0x6c: {  	v4 =	vperm.xlane v3, v0;
	_ =	sdelay $0x1  }
0x6d: {  	v3 =	vperm.xlane v3, v2;
	v4 =	vadd.s32 v1, v4;
	_ =	sdelay $0x1  }
0x6e: {  	v3 =	vadd.s32 v1, v3;
	_ =	sdelay $0x1  }
0x6f: {  	s28 =	simm.s32 $0x7100  }
0x70: {  	[tilespmem:s28], [sflag:$0x1] =	stream.indirect_vreg.gather [hbm4b:s3+s26], $0x80, v4, vm0, $0xb8;
	[tilespmem:$0x10100] =	vst v63  }
0x71: {  	s28 =	simm.s32 $0x7900  }
0x72: {  	[tilespmem:s28], [sflag:$0x1] =	stream.indirect_vreg.gather [hbm4b:s3+s26], $0x80, v3, vm0, $0xb8;
	[tilespmem:$0x10100] =	vst v63  }
0x73: {  	v3 =	vld [tilespmem:$0x80];
	_ =	sdelay $0x4  }
0x74: {  	v4 =	vshll.u32 v3, $0x1  }
0x75: {  	v3 =	vand.u32 $0x7, v3;
	v4 =	vand.u32 $0xFFFFFFF0, v4  }
0x76: {  	v3 =	vor.u32 v3, v4  }
0x77: {  	v4 =	vperm.xlane v3, v0;
	_ =	sdelay $0x1  }
0x78: {  	v3 =	vperm.xlane v3, v2;
	v4 =	vadd.s32 v1, v4;
	_ =	sdelay $0x1  }
0x79: {  	v3 =	vadd.s32 v1, v3;
	_ =	sdelay $0x1  }
0x7a: {  	s28 =	simm.s32 $0x8100  }
0x7b: {  	[tilespmem:s28], [sflag:$0x1] =	stream.indirect_vreg.gather [hbm4b:s4+s26], $0x80, v4, vm0, $0xb8;
	[tilespmem:$0x10100] =	vst v63  }
0x7c: {  	s28 =	simm.s32 $0x8900  }
0x7d: {  	[tilespmem:s28], [sflag:$0x1] =	stream.indirect_vreg.gather [hbm4b:s4+s26], $0x80, v3, vm0, $0xb8;
	[tilespmem:$0x10100] =	vst v63  }
0x7e: {  	v3 =	vld [tilespmem:$0x90];
	_ =	sdelay $0x4  }
0x7f: {  	v4 =	vshll.u32 v3, $0x1  }
0x80: {  	v3 =	vand.u32 $0x7, v3;
	v4 =	vand.u32 $0xFFFFFFF0, v4  }
0x81: {  	v3 =	vor.u32 v3, v4  }
0x82: {  	v4 =	vperm.xlane v3, v0;
	_ =	sdelay $0x1  }
0x83: {  	v3 =	vperm.xlane v3, v2;
	v4 =	vadd.s32 v1, v4;
	_ =	sdelay $0x1  }
0x84: {  	v3 =	vadd.s32 v1, v3;
	_ =	sdelay $0x2  }
0x85: {  	[tilespmem:s0], [sflag:$0x1] =	stream.indirect_vreg.gather [hbm4b:s4+s26], $0x80, v4, vm0, $0xb8;
	[tilespmem:$0x10100] =	vst v63  }
0x86: {  	_ = 	snop  }
0x87: {  	[tilespmem:s2], [sflag:$0x1] =	stream.indirect_vreg.gather [hbm4b:s4+s26], $0x80, v3, vm0, $0xb8;
	[tilespmem:$0x10100] =	vst v63  }
0x88: {  	v3 =	vld [tilespmem:$0xA0];
	_ =	sdelay $0x4  }
0x89: {  	v4 =	vshll.u32 v3, $0x1  }
0x8a: {  	v3 =	vand.u32 $0x7, v3;
	v4 =	vand.u32 $0xFFFFFFF0, v4  }
0x8b: {  	v3 =	vor.u32 v3, v4  }
0x8c: {  	v4 =	vperm.xlane v3, v0;
	_ =	sdelay $0x1  }
0x8d: {  	v3 =	vperm.xlane v3, v2;
	v4 =	vadd.s32 v1, v4;
	_ =	sdelay $0x1  }
0x8e: {  	v3 =	vadd.s32 v1, v3;
	_ =	sdelay $0x2  }
0x8f: {  	[tilespmem:s10], [sflag:$0x1] =	stream.indirect_vreg.gather [hbm4b:s4+s26], $0x80, v4, vm0, $0xb8;
	[tilespmem:$0x10100] =	vst v63  }
0x90: {  	_ = 	snop  }
0x91: {  	[tilespmem:s1], [sflag:$0x1] =	stream.indirect_vreg.gather [hbm4b:s4+s26], $0x80, v3, vm0, $0xb8;
	[tilespmem:$0x10100] =	vst v63  }
0x92: {  	v3 =	vld [tilespmem:$0xB0];
	_ =	sdelay $0x4  }
0x93: {  	v4 =	vshll.u32 v3, $0x1  }
0x94: {  	v3 =	vand.u32 $0x7, v3;
	v4 =	vand.u32 $0xFFFFFFF0, v4  }
0x95: {  	v3 =	vor.u32 v3, v4  }
0x96: {  	v4 =	vperm.xlane v3, v0;
	_ =	sdelay $0x1  }
0x97: {  	v3 =	vperm.xlane v3, v2;
	v4 =	vadd.s32 v1, v4;
	_ =	sdelay $0x1  }
0x98: {  	v3 =	vadd.s32 v1, v3;
	_ =	sdelay $0x2  }
0x99: {  	[tilespmem:s12], [sflag:$0x1] =	stream.indirect_vreg.gather [hbm4b:s4+s26], $0x80, v4, vm0, $0xb8;
	[tilespmem:$0x10100] =	vst v63  }
0x9a: {  	_ = 	snop  }
0x9b: {  	[tilespmem:s14], [sflag:$0x1] =	stream.indirect_vreg.gather [hbm4b:s4+s26], $0x80, v3, vm0, $0xb8;
	[tilespmem:$0x10100] =	vst v63  }
0x9c: {  	v3 =	vld [tilespmem:$0xC0];
	_ =	sdelay $0x4  }
0x9d: {  	v4 =	vshll.u32 v3, $0x1  }
0x9e: {  	v3 =	vand.u32 $0x7, v3;
	v4 =	vand.u32 $0xFFFFFFF0, v4  }
0x9f: {  	v3 =	vor.u32 v3, v4  }
0xa0: {  	v4 =	vperm.xlane v3, v0;
	_ =	sdelay $0x1  }
0xa1: {  	v3 =	vperm.xlane v3, v2;
	v4 =	vadd.s32 v1, v4;
	_ =	sdelay $0x1  }
0xa2: {  	v3 =	vadd.s32 v1, v3;
	_ =	sdelay $0x2  }
0xa3: {  	[tilespmem:s15], [sflag:$0x1] =	stream.indirect_vreg.gather [hbm4b:s4+s26], $0x80, v4, vm0, $0xb8;
	[tilespmem:$0x10100] =	vst v63  }
0xa4: {  	_ = 	snop  }
0xa5: {  	[tilespmem:s16], [sflag:$0x1] =	stream.indirect_vreg.gather [hbm4b:s4+s26], $0x80, v3, vm0, $0xb8;
	[tilespmem:$0x10100] =	vst v63  }
0xa6: {  	v3 =	vld [tilespmem:$0xD0];
	_ =	sdelay $0x4  }
0xa7: {  	v4 =	vshll.u32 v3, $0x1  }
0xa8: {  	v3 =	vand.u32 $0x7, v3;
	v4 =	vand.u32 $0xFFFFFFF0, v4  }
0xa9: {  	v3 =	vor.u32 v3, v4  }
0xaa: {  	v4 =	vperm.xlane v3, v0;
	_ =	sdelay $0x1  }
0xab: {  	v3 =	vperm.xlane v3, v2;
	v4 =	vadd.s32 v1, v4;
	_ =	sdelay $0x1  }
0xac: {  	v3 =	vadd.s32 v1, v3;
	_ =	sdelay $0x2  }
0xad: {  	[tilespmem:s17], [sflag:$0x1] =	stream.indirect_vreg.gather [hbm4b:s4+s26], $0x80, v4, vm0, $0xb8;
	[tilespmem:$0x10100] =	vst v63  }
0xae: {  	_ = 	snop  }
0xaf: {  	[tilespmem:s18], [sflag:$0x1] =	stream.indirect_vreg.gather [hbm4b:s4+s26], $0x80, v3, vm0, $0xb8;
	[tilespmem:$0x10100] =	vst v63  }
0xb0: {  	v3 =	vld [tilespmem:$0xE0];
	_ =	sdelay $0x4  }
0xb1: {  	v4 =	vshll.u32 v3, $0x1  }
0xb2: {  	v3 =	vand.u32 $0x7, v3;
	v4 =	vand.u32 $0xFFFFFFF0, v4  }
0xb3: {  	v3 =	vor.u32 v3, v4  }
0xb4: {  	v4 =	vperm.xlane v3, v0;
	_ =	sdelay $0x1  }
0xb5: {  	v3 =	vperm.xlane v3, v2;
	v4 =	vadd.s32 v1, v4;
	_ =	sdelay $0x1  }
0xb6: {  	v3 =	vadd.s32 v1, v3;
	_ =	sdelay $0x2  }
0xb7: {  	[tilespmem:s19], [sflag:$0x1] =	stream.indirect_vreg.gather [hbm4b:s4+s26], $0x80, v4, vm0, $0xb8;
	[tilespmem:$0x10100] =	vst v63  }
0xb8: {  	_ = 	snop  }
0xb9: {  	[tilespmem:s20], [sflag:$0x1] =	stream.indirect_vreg.gather [hbm4b:s4+s26], $0x80, v3, vm0, $0xb8;
	[tilespmem:$0x10100] =	vst v63  }
0xba: {  	v3 =	vld [tilespmem:$0xF0];
	_ =	sdelay $0x4  }
0xbb: {  	v4 =	vshll.u32 v3, $0x1  }
0xbc: {  	v3 =	vand.u32 $0x7, v3;
	v4 =	vand.u32 $0xFFFFFFF0, v4  }
0xbd: {  	v3 =	vor.u32 v3, v4  }
0xbe: {  	v4 =	vperm.xlane v3, v0;
	_ =	sdelay $0x1  }
0xbf: {  	v3 =	vperm.xlane v3, v2;
	v4 =	vadd.s32 v1, v4;
	_ =	sdelay $0x1  }
0xc0: {  	v3 =	vadd.s32 v1, v3;
	_ =	sdelay $0x2  }
0xc1: {  	[tilespmem:s21], [sflag:$0x1] =	stream.indirect_vreg.gather [hbm4b:s4+s26], $0x80, v4, vm0, $0xb8;
	[tilespmem:$0x10100] =	vst v63  }
0xc2: {  	_ = 	snop  }
0xc3: {  	[tilespmem:s22], [sflag:$0x1] =	stream.indirect_vreg.gather [hbm4b:s4+s26], $0x80, v3, vm0, $0xb8;
	[tilespmem:$0x10100] =	vst v63  }
0xc4: {  	_ =	swait.ge [sflag:s23], $0x8000  }
0xc5: {  	[sflag:s23] =	ssyncset.done $0x0  }
0xc6: {  	[sflag:s23] =	ssyncadd.s32 $0xFFFF8000  }
0xc7: {  	_ =	swait.ge [sflag:s23], $0x8000  }
0xc8: {  	s28 =	sand.u32 $0x7800, s26;
	s26 =	sand.u32 $0x380, s26;
	[sflag:s23] =	ssyncset.done $0x0  }
0xc9: {  	s26 =	sor.u32 s26, s28;
	[sflag:s23] =	ssyncadd.s32 $0xFFFF8000  }
0xca: {  	v10 =	vld [tilespmem:s26+$0x8100]  }
0xcb: {  	v11 =	vld [tilespmem:s26+$0x8110]  }
0xcc: {  	v12 =	vld [tilespmem:s26+$0x8120]  }
0xcd: {  	v13 =	vld [tilespmem:s26+$0x8130]  }
0xce: {  	v14 =	vld [tilespmem:s26+$0x8140]  }
0xcf: {  	v15 =	vld [tilespmem:s26+$0x8150]  }
0xd0: {  	v16 =	vld [tilespmem:s26+$0x8160]  }
0xd1: {  	v17 =	vld [tilespmem:s26+$0x8170]  }
0xd2: {  	v18 =	vld [tilespmem:s26+$0x8500]  }
0xd3: {  	v9 =	vld [tilespmem:s26+$0x8510]  }
0xd4: {  	v8 =	vld [tilespmem:s26+$0x8520]  }
0xd5: {  	v7 =	vld [tilespmem:s26+$0x8530]  }
0xd6: {  	v6 =	vld [tilespmem:s26+$0x8540]  }
0xd7: {  	v5 =	vld [tilespmem:s26+$0x8550]  }
0xd8: {  	v4 =	vld [tilespmem:s26+$0x8560]  }
0xd9: {  	v3 =	vld [tilespmem:s26+$0x8570]  }
0xda: {  	v19 =	vld [tilespmem:s26+$0x100]  }
0xdb: {  	v20 =	vld [tilespmem:s26+$0x110]  }
0xdc: {  	v21 =	vld [tilespmem:s26+$0x120]  }
0xdd: {  	v22 =	vld [tilespmem:s26+$0x130]  }
0xde: {  	v23 =	vld [tilespmem:s26+$0x140]  }
0xdf: {  	v10 =	vadd.f32 v10, v19;
	v19 =	vld [tilespmem:s26+$0x150]  }
0xe0: {  	v61 =	vld [tilespmem:s26+$0x160];
	v11 =	vadd.f32 v11, v20  }
0xe1: {  	v62 =	vld [tilespmem:s26+$0x170];
	[tilespmem:s26+$0x100] =	vst v10;
	v10 =	vadd.f32 v12, v21  }
0xe2: {  	v63 =	vld [tilespmem:s26+$0x500];
	[tilespmem:s26+$0x110] =	vst v11;
	v11 =	vadd.f32 v13, v22  }
0xe3: {  	v13 =	vld [tilespmem:s26+$0x510];
	[tilespmem:s26+$0x120] =	vst v10;
	v10 =	vadd.f32 v14, v23  }
0xe4: {  	v12 =	vld [tilespmem:s26+$0x520];
	[tilespmem:s26+$0x130] =	vst v11;
	v11 =	vadd.f32 v15, v19  }
0xe5: {  	v14 =	vadd.f32 v16, v61;
	[tilespmem:s26+$0x140] =	vst v10;
	v10 =	vld [tilespmem:s26+$0x530]  }
0xe6: {  	v16 =	vadd.f32 v17, v62;
	[tilespmem:s26+$0x150] =	vst v11;
	v11 =	vld [tilespmem:s26+$0x540]  }
0xe7: {  	s29 =	simm.s32 $0x100;
	s28 =	simm.s32 $0x80;
	v15 =	vadd.f32 v18, v63;
	[tilespmem:s26+$0x160] =	vst v14;
	v14 =	vld [tilespmem:s26+$0x550]  }
.LBB2_3:
0xe8: {  	s30 =	sand.u32 $0x7800, s29;
	s31 =	sand.u32 $0x380, s28;
	p0 =	sne.s32 s29, $0x7F00;
	[tilespmem:s26+$0x170] =	vst v16;
	v9 =	vadd.f32 v9, v13;
	v13 =	vld [tilespmem:s26+$0x560]  }
0xe9: {  	s30 =	sor.u32 s31, s30;
	[tilespmem:s26+$0x500] =	vst v15;
	v8 =	vadd.f32 v8, v12;
	v12 =	vld [tilespmem:s26+$0x570]  }
0xea: {  	v15 =	vld [tilespmem:s30+$0x8100];
	[tilespmem:s26+$0x510] =	vst v9;
	v7 =	vadd.f32 v7, v10  }
0xeb: {  	v10 =	vld [tilespmem:s30+$0x8110];
	[tilespmem:s26+$0x520] =	vst v8;
	v6 =	vadd.f32 v6, v11  }
0xec: {  	v11 =	vld [tilespmem:s30+$0x8120];
	[tilespmem:s26+$0x530] =	vst v7;
	v5 =	vadd.f32 v5, v14  }
0xed: {  	v14 =	vld [tilespmem:s30+$0x8130];
	[tilespmem:s26+$0x540] =	vst v6;
	v4 =	vadd.f32 v4, v13  }
0xee: {  	v13 =	vld [tilespmem:s30+$0x8140];
	[tilespmem:s26+$0x550] =	vst v5;
	v3 =	vadd.f32 v3, v12  }
0xef: {  	v12 =	vld [tilespmem:s30+$0x8150];
	[tilespmem:s26+$0x560] =	vst v4  }
0xf0: {  	v16 =	vld [tilespmem:s30+$0x8160];
	[tilespmem:s26+$0x570] =	vst v3;
	s26 =	smov.u32 s30  }
0xf1: {  	v17 =	vld [tilespmem:s26+$0x8170]  }
0xf2: {  	v18 =	vld [tilespmem:s26+$0x8500]  }
0xf3: {  	v9 =	vld [tilespmem:s26+$0x8510]  }
0xf4: {  	v8 =	vld [tilespmem:s26+$0x8520]  }
0xf5: {  	v7 =	vld [tilespmem:s26+$0x8530]  }
0xf6: {  	v6 =	vld [tilespmem:s26+$0x8540]  }
0xf7: {  	v5 =	vld [tilespmem:s26+$0x8550]  }
0xf8: {  	v4 =	vld [tilespmem:s26+$0x8560]  }
0xf9: {  	v3 =	vld [tilespmem:s26+$0x8570]  }
0xfa: {  	v19 =	vld [tilespmem:s26+$0x100]  }
0xfb: {  	v20 =	vld [tilespmem:s26+$0x110]  }
0xfc: {  	v21 =	vld [tilespmem:s26+$0x120]  }
0xfd: {  	v22 =	vld [tilespmem:s26+$0x130]  }
0xfe: {  	v23 =	vld [tilespmem:s26+$0x140]  }
0xff: {  	v15 =	vadd.f32 v15, v19;
	v19 =	vld [tilespmem:s26+$0x150]  }
0x100: {  	v10 =	vadd.f32 v10, v20;
	v20 =	vld [tilespmem:s26+$0x160]  }
0x101: {  	[tilespmem:s26+$0x100] =	vst v15;
	v11 =	vadd.f32 v11, v21;
	v15 =	vld [tilespmem:s26+$0x170]  }
0x102: {  	[tilespmem:s26+$0x110] =	vst v10;
	v10 =	vadd.f32 v14, v22;
	v14 =	vld [tilespmem:s26+$0x500]  }
.Ltmp0:
0x103: {  	[tilespmem:s26+$0x120] =	vst v11;
	v11 =	vadd.f32 v13, v23;
	v13 =	vld [tilespmem:s26+$0x510];
	(pc) =	sbr.rel @p0 .LBB2_3-.Ltmp0, $4  }
0x104: {  	[tilespmem:s26+$0x130] =	vst v10;
	v19 =	vadd.f32 v12, v19;
	v12 =	vld [tilespmem:s26+$0x520]  }
0x105: {  	[tilespmem:s26+$0x140] =	vst v11;
	v20 =	vadd.f32 v16, v20;
	v10 =	vld [tilespmem:s26+$0x530]  }
0x106: {  	[tilespmem:s26+$0x150] =	vst v19;
	v16 =	vadd.f32 v17, v15;
	v11 =	vld [tilespmem:s26+$0x540]  }
0x107: {  	s28 =	sadd.s32 $0x80, s28;
	s29 =	sadd.s32 $0x100, s29;
	[tilespmem:s26+$0x160] =	vst v20;
	v15 =	vadd.f32 v18, v14;
	v14 =	vld [tilespmem:s26+$0x550]  }
0x108: {  	[tilespmem:s26+$0x170] =	vst v16;
	v9 =	vadd.f32 v9, v13;
	v62 =	vld [tilespmem:s26+$0x560]  }
0x109: {  	v63 =	vld [tilespmem:s26+$0x570];
	[tilespmem:s26+$0x500] =	vst v15;
	v8 =	vadd.f32 v8, v12  }
0x10a: {  	[tilespmem:s26+$0x510] =	vst v9;
	v7 =	vadd.f32 v7, v10  }
0x10b: {  	[tilespmem:s26+$0x520] =	vst v8;
	v6 =	vadd.f32 v6, v11  }
0x10c: {  	[tilespmem:s26+$0x530] =	vst v7;
	v5 =	vadd.f32 v5, v14  }
0x10d: {  	[tilespmem:s26+$0x540] =	vst v6;
	v4 =	vadd.f32 v4, v62  }
0x10e: {  	s24 =	sadd.s32 $0x1, s24;
	v3 =	vadd.f32 v3, v63;
	[tilespmem:s26+$0x550] =	vst v5  }
0x10f: {  	s25 =	sshll.u32 s25, $0x5;
	p0 =	sne.s32 s24, s9;
	[tilespmem:s26+$0x560] =	vst v4  }
.Ltmp1:
0x110: {  	s31 =	simm.s32 $0x0;
	s25 =	sadd.s32 s7, s25;
	[tilespmem:s26+$0x570] =	vst v3;
	(pc) =	sbr.rel @p0 .LBB2_2-.Ltmp1, $4  }
0x111: {  	[hbm4b:s25+s31] =	stream.linear.scatter [tilespmem:s13], [sflag:$0x2], $0x8000, $0x38;
	[tilespmem:$0x10100] =	vst v63  }
0x112: {  	_ =	swait.ge [sflag:s11], $0x8000  }
0x113: {  	[sflag:s11] =	ssyncset.done $0x0  }
0x114: {  	[sflag:s11] =	ssyncadd.s32 $0xFFFF8000  }
0x115: {  	s25 =	rddreg [dreg:$0x3]  }
0x116: {  	s24 =	rddreg [dreg:$0x2];
	s25 =	sadd.s32 $0x1, s25  }
0x117: {  	p0 =	sne.s32 s25, s24  }
.Ltmp2:
0x118: {  	_ = 	snop;
	(pc) =	sbr.rel @p0 .LBB2_1-.Ltmp2, $1  }
0x119: {  	_ =	sdelay $0x3  }
0x11a: {  	_ =	sfence.sel $0x180000  }
0x11b: {  	[bflag:$0x0] =	sbarrier.arrive $0xFFFF  }
0x11c: {  	_ =	strace $0x90000056  }
0x11d: {  	s0 =	stileid.u32;
	[bflag:$0x2] =	sbarrier.arrive $0xFFFF  }
0x11e: {  	p0 =	sne.s32 s0, $0x0;
	s0 =	rddreg [dreg:$0x1]  }
0x11f: {  	s0 =	sadd.s32 @!p0 $0x100000, s0  }
0x120: {  	[sflag:s0] =	ssyncadd.tile.s32 @!p0 $0x1;
	_ =	shalt  }
.Lfunc_end2:
_tile_overlayer_lowered:
.L_overlay_start_2:
0x121: {  	(tag) =	ssettag $0x2  }
0x122: {  	s0 =	rddreg [dreg:$0x0];
	s2 =	stileid.u32  }
0x123: {  	s1 =	rddreg [dreg:$0x1];
	p0 =	sne.s32 s2, $0x0  }
0x124: {  	s3 =	rddreg [dreg:$0x2];
	[bflag:$0x3] =	sbarrier.arrive $0xFFFF;
	s2 =	simm.s32 @!p0 $0x1C02  }
0x125: {  	[timem:s3], [sflag:s2] =	dma.local @!p0 [hbm:s0], s1  }
0x126: {  	s0 =	simm.s32 @!p0 $0x2  }
0x127: {  	_ =	swait.ge @!p0 [sflag:s0], s1  }
0x128: {  	s1 =	ssub.s32 @!p0 $0x0, s1;
	[sflag:s0] =	ssyncset.done @!p0 $0x0  }
0x129: {  	[sflag:s0] =	ssyncadd.s32 @!p0 s1  }
0x12a: {  	[bflag:$0x3] =	sbarrier.arrive $0xFFFF  }
0x12b: {  	_ =	shalt  }

// kernel: kernel.33.cloned.1.call-start
scs
__scs_entry_jumppad:
0x0: {  	(pc) =	sbr.rel $0x88, $3  }
0x1: {  	(tag) =	ssettag $0x0;
	lr =	simm.s32 $0x1  }
0x2: {  	[smem:$0x3F88] =	sst lr;
	_ =	strace $0xD0000000  }
0x3: {  	_ = 	snop  }
0x4: {  	_ = 	snop  }
0x5: {  	_ = 	snop  }
0x6: {  	_ = 	snop  }
0x7: {  	_ = 	snop  }
__scs_overlays_trampoline_lowered:
0x8: {  	[smem:$0x3F97] =	sst s0  }
0x9: {  	[smem:$0x3F98] =	sst s1  }
0xa: {  	[smem:$0x3F99] =	sst s2  }
0xb: {  	[smem:$0x3F9A] =	sst s3  }
0xc: {  	[smem:$0x3F9B] =	sst s4  }
0xd: {  	[smem:$0x3F9C] =	sst s5  }
0xe: {  	[smem:$0x3F9D] =	sst s6  }
0xf: {  	[smem:$0x3F9E] =	sst s7  }
0x10: {  	[smem:$0x3F9F] =	sst s8  }
0x11: {  	[smem:$0x3FA0] =	sst s9;
	s0 =	simm.s32 @!p0 $0x0  }
0x12: {  	s1 =	sld [smem:$0x3F86];
	s0 =	simm.s32 @p0 $0x1  }
0x13: {  	[smem:$0x3FA1] =	sst s0;
	s0 =	simm.s32 @!p1 $0x0  }
0x14: {  	s2 =	sld [smem:$0x3F85];
	s0 =	simm.s32 @p1 $0x1  }
0x15: {  	[smem:$0x3FA2] =	sst s0;
	s0 =	simm.s32 @!p2 $0x0  }
0x16: {  	s3 =	sld [smem:$0x3FDB];
	s0 =	simm.s32 @p2 $0x1  }
0x17: {  	s4 =	simm.s32 $0x1BF5;
	[smem:$0x3FA4] =	sst s0  }
0x18: {  	s0 =	sld [smem:$0x3F87];
	_ =	swait.ge [sflag:s4], $0x0  }
0x19: {  	s7 =	sld [smem:$0x3F88]  }
0x1a: {  	s8 =	sadd.s32 $0xFFFFE003, lr  }
0x1b: {  	s9 =	sadd.s32 $0xFFFFFEF7, lr;
	s5 =	simm.s32 $0xFFFFFFFF;
	p2 =	slt.u32 s8, $0xFFFFF086  }
0x1c: {  	p1 =	slt.u32 s9, $0xF7A;
	s5 =	simm.s32 @!p2 $0x0  }
0x1d: {  	s5 =	simm.s32 @p1 $0x1;
	p0 =	seq.s32 s7, s2  }
0x1e: {  	s7 =	smul.u32 @!p0 $0xF7A, s2;
	p2 =	seq.s32 @!p0 s5, $0x0  }
0x1f: {  	s9 =	smul.u32 $0xF7A, s1;
	s8 =	simm.s32 @!p0 $0x1BF5;
	p2 =	por !p2, p0  }
0x20: {  	[sflag:s8] =	ssyncset.s32 @!p0 $0xFFFFF086;
	s6 =	sadd.s32 @!p0 s3, s7;
	s7 =	simm.s32 @!p0 $0x108  }
0x21: {  	s3 =	sadd.s32 s3, s9;
	s6 =	sadd.s32 @!p0 $0x88, s6;
	s7 =	simm.s32 @p2 $0x1082  }
0x22: {  	[simem:s7], [sflag:s8] =	dma.local @!p0 [hbm:s6], $0xF7A  }
0x23: {  	s9 =	sor.u32 $0xD0000000, s2;
	s6 =	simm.s32 $0x108;
	_ =	swait.ge @!p0 [sflag:s8], $0x0  }
0x24: {  	s3 =	sadd.s32 $0x88, s3;
	s6 =	simm.s32 @!p1 $0x1082;
	[sflag:s4] =	ssyncset.s32 $0xFFFFF086  }
0x25: {  	[simem:s6], [sflag:s4] =	dma.local [hbm:s3], $0xF7A  }
0x26: {  	[smem:$0x3F88] =	sst s1;
	(tag) =	ssettag s2;
	_ =	strace s9  }
0x27: {  	s1 =	sld [smem:$0x3F98]  }
0x28: {  	s2 =	sld [smem:$0x3F99]  }
0x29: {  	s4 =	sld [smem:$0x3F9B]  }
0x2a: {  	p0 =	seq.s32 s5, $0x0;
	s5 =	sld [smem:$0x3F9C]  }
0x2b: {  	s6 =	sld [smem:$0x3F9D]  }
0x2c: {  	s7 =	sld [smem:$0x3F9E]  }
0x2d: {  	s3 =	simm.s32 $0x108;
	s8 =	sld [smem:$0x3F9F]  }
0x2e: {  	s3 =	simm.s32 @!p0 $0x1082;
	s9 =	sld [smem:$0x3FA0]  }
0x2f: {  	lr =	sadd.s32 s0, s3;
	s0 =	sld [smem:$0x3F97]  }
0x30: {  	s3 =	sld [smem:$0x3F9A]  }
0x31: {  	[smem:$0x3FA3] =	sst s10  }
0x32: {  	s10 =	sld [smem:$0x3FA1];
	_ =	sdelay $0x3  }
0x33: {  	p0 =	seq.s32 s10, $0x1;
	s10 =	sld [smem:$0x3FA3];
	_ =	sdelay $0x3  }
0x34: {  	[smem:$0x3FA3] =	sst s10  }
0x35: {  	s10 =	sld [smem:$0x3FA2];
	_ =	sdelay $0x3  }
0x36: {  	p1 =	seq.s32 s10, $0x1;
	s10 =	sld [smem:$0x3FA3];
	_ =	sdelay $0x3  }
0x37: {  	[smem:$0x3FA3] =	sst s10  }
0x38: {  	s10 =	sld [smem:$0x3FA4]  }
0x39: {  	_ = 	snop;
	(pc) =	sbr.ind lr, $3  }
0x3a: {  	_ = 	snop  }
0x3b: {  	_ = 	snop  }
0x3c: {  	p2 =	seq.s32 s10, $0x1;
	s10 =	sld [smem:$0x3FA3]  }
0x3d: {  	_ =	shalt  }
0x3e: {  	_ =	shalt  }
0x3f: {  	_ =	shalt  }
0x40: {  	_ =	shalt  }
0x41: {  	_ =	shalt  }
0x42: {  	_ =	shalt  }
0x43: {  	_ =	shalt  }
0x44: {  	_ =	shalt  }
0x45: {  	_ =	shalt  }
0x46: {  	_ =	shalt  }
0x47: {  	_ =	shalt  }
0x48: {  	_ =	shalt  }
0x49: {  	_ =	shalt  }
0x4a: {  	_ =	shalt  }
0x4b: {  	_ =	shalt  }
0x4c: {  	_ =	shalt  }
0x4d: {  	_ =	shalt  }
0x4e: {  	_ =	shalt  }
0x4f: {  	_ =	shalt  }
0x50: {  	_ =	shalt  }
0x51: {  	_ =	shalt  }
0x52: {  	_ =	shalt  }
0x53: {  	_ =	shalt  }
0x54: {  	_ =	shalt  }
0x55: {  	_ =	shalt  }
0x56: {  	_ =	shalt  }
0x57: {  	_ =	shalt  }
0x58: {  	_ =	shalt  }
0x59: {  	_ =	shalt  }
0x5a: {  	_ =	shalt  }
0x5b: {  	_ =	shalt  }
0x5c: {  	_ =	shalt  }
0x5d: {  	_ =	shalt  }
0x5e: {  	_ =	shalt  }
0x5f: {  	_ =	shalt  }
0x60: {  	_ =	shalt  }
0x61: {  	_ =	shalt  }
0x62: {  	_ =	shalt  }
0x63: {  	_ =	shalt  }
0x64: {  	_ =	shalt  }
0x65: {  	_ =	shalt  }
0x66: {  	_ =	shalt  }
0x67: {  	_ =	shalt  }
0x68: {  	_ =	shalt  }
0x69: {  	_ =	shalt  }
0x6a: {  	_ =	shalt  }
0x6b: {  	_ =	shalt  }
0x6c: {  	_ =	shalt  }
0x6d: {  	_ =	shalt  }
0x6e: {  	_ =	shalt  }
0x6f: {  	_ =	shalt  }
0x70: {  	_ =	shalt  }
0x71: {  	_ =	shalt  }
0x72: {  	_ =	shalt  }
0x73: {  	_ =	shalt  }
0x74: {  	_ =	shalt  }
0x75: {  	_ =	shalt  }
0x76: {  	_ =	shalt  }
0x77: {  	_ =	shalt  }
0x78: {  	_ =	shalt  }
0x79: {  	_ =	shalt  }
0x7a: {  	_ =	shalt  }
0x7b: {  	_ =	shalt  }
0x7c: {  	_ =	shalt  }
0x7d: {  	_ =	shalt  }
0x7e: {  	_ =	shalt  }
0x7f: {  	_ =	shalt  }
0x80: {  	_ =	shalt  }
0x81: {  	_ =	shalt  }
0x82: {  	_ =	shalt  }
0x83: {  	_ =	shalt  }
0x84: {  	_ =	shalt  }
0x85: {  	_ =	shalt  }
0x86: {  	_ =	shalt  }
0x87: {  	_ =	shalt  }
.Lfunc_end0:
.L_simem_size_0:
called_computation.5_lowered:
.L_overlay_start_0:
0x88: {  	s2 =	sld [smem:$0x3FD9]  }
0x89: {  	s3 =	sld [smem:$0x3FFE];
	_ =	sdelay $0x1  }
0x8a: {  	s1 =	srdreg.scid  }
0x8b: {  	s0 =	sand.u32 $0x1, s1  }
0x8c: {  	s16 =	sshll.u32 s0, $0xA;
	s2 =	sadd.s32 s3, s2  }
0x8d: {  	s2 =	sadd.s32 s2, s16  }
0x8e: {  	[smem:$0x3FAF] =	sst s2  }
0x8f: {  	_ = 	snop  }
0x90: {  	(tm) =	ssettm $0x1  }
0x91: {  	s17 =	sld [smem:$0x3FFB];
	_ =	sdelay $0x3  }
0x92: {  	_ =	strace s17  }
0x93: {  	s2 =	sld [smem:$0x3FFC];
	_ =	sdelay $0x3  }
0x94: {  	_ =	strace s2  }
0x95: {  	s2 =	sld [smem:$0x3FFD];
	_ =	sdelay $0x3  }
0x96: {  	_ =	strace s2  }
0x97: {  	_ =	strace $0x8FFFFFFF  }
0x98: {  	s18 =	sld [smem:$0x3FDB];
	_ =	sdelay $0x1  }
0x99: {  	s19 =	simm.s32 $_scs_section_size  }
0x9a: {  	s4 =	simm.s32 $_size__tile_overlayer_lowered;
	s5 =	simm.s32 $_tile_overlayer_lowered  }
0x9b: {  	s22 =	simm.s32 $0x1BFF;
	s21 =	sshll.u32 s5, $0x1;
	s2 =	sadd.s32 s19, s18  }
0x9c: {  	s6 =	simm.s32 $0x0;
	s20 =	sshll.u32 s4, $0x1;
	s4 =	sadd.s32 s21, s2  }
0x9d: {  	[timem:s6], [sflag:s22] =	dma.local [hbm:s4], s20  }
0x9e: {  	_ =	swait.ge [sflag:s22], s20  }
0x9f: {  	s3 =	ssub.s32 $0x0, s20;
	[sflag:s22] =	ssyncset.done $0x0  }
0xa0: {  	[sflag:s22] =	ssyncadd.s32 s3;
	_ =	sdelay $0x1  }
0xa1: {  	s23 =	simm.s32 $0x1B8B  }
0xa2: {  	_ =	swait.ge [sflag:s23], $0x1  }
0xa3: {  	[sflag:s23] =	ssyncset.done $0x0  }
0xa4: {  	s25 =	simm.s32 $0x1B8E;
	s24 =	sld [smem:$0x3FFE];
	[sflag:s23] =	ssyncadd.s32 $0xFFFFFFFF  }
0xa5: {  	s26 =	simm.s32 $execute0_lowered;
	[smem:$0x3FD2] =	sst s25  }
0xa6: {  	s4 =	sshll.u32 s26, $0x1;
	_ =	strace $0x80000052;
	[dreg:$0x1] =	wrdreg $0xFFFFFFFF  }
0xa7: {  	s28 =	simm.s32 $_size_execute0_lowered;
	s2 =	sadd.s32 s2, s4;
	[dreg:$0x0] =	wrdreg $0x0  }
0xa8: {  	s4 =	sshll.u32 s28, $0x1;
	[dreg:$0x2] =	wrdreg s2  }
0xa9: {  	[dreg:$0x3] =	wrdreg s4  }
0xaa: {  	[dreg:$0x4] =	wrdreg $0xC0  }
0xab: {  	_ =	task [dreg:s6], $0x5FFFF  }
0xac: {  	[dreg:$0x1] =	wrdreg $0xFFFFFFFF  }
0xad: {  	[dreg:$0x0] =	wrdreg $0x60  }
0xae: {  	[dreg:$0x2] =	wrdreg s24  }
0xaf: {  	[dreg:$0x3] =	wrdreg $0xA  }
0xb0: {  	_ =	task.clear_ibuf [dreg:s6], $0x4FFFF;
	_ =	strace $0x90000052  }
0xb1: {  	s29 =	simm.s32 $0xA;
	_ =	strace $0x80000054  }
0xb2: {  	_ =	swait.ge [sflag:s29], $0x1  }
0xb3: {  	[sflag:s29] =	ssyncadd.s32 $0xFFFFFFFF  }
0xb4: {  	_ =	strace $0x90000054  }
0xb5: {  	_ =	sfence  }
0xb6: {  	s30 =	sld [smem:$0x0];
	_ =	sdelay $0x2  }
0xb7: {  	s31 =	sshll.u32 s1, $0xD;
	s1 =	sshrl.u32 s1, $0x2  }
0xb8: {  	s3 =	sand.u32 $0x4000, s31;
	s1 =	sadd.s32 s1, s30  }
0xb9: {  	s0 =	sor.u32 s3, s0;
	s1 =	sshll.u32 s1, $0x11  }
0xba: {  	s0 =	sor.u32 s1, s0  }
0xbb: {  	s0 =	sadd.s32 $0x8F2B, s0  }
0xbc: {  	[sflag:s0] =	ssyncadd.remote.s32 $0x1  }
0xbd: {  	_ =	sfence.sel $0xFFFF  }
0xbe: {  	[dreg:$0x0] =	wrdreg $0xFFFFFFFF;
	(pc) =	sbr.abs _section_cstart, $3  }
0xbf: {  	[dreg:$0x1] =	wrdreg $0xFFFFFFFF  }
0xc0: {  	_ =	task.clear_ibuf [dreg:s6], $0x2FFFF;
	_ =	strace $0x9FFFFFFF  }
0xc1: {  	(tm) =	ssettm $0x7FFFFFFF  }
tec
execute0_lowered:
.L_overlay_start_1:
0x0: {  	(tag) =	ssettag $0x1  }
0x1: {  	s0 =	rddreg [dreg:$0x0]  }
0x2: {  	s1 =	simm.s32 $0x0;
	s29 =	srdreg.scid;
	s6 =	stileid.u32  }
0x3: {  	s11 =	simm.s32 $0x2;
	s13 =	simm.s32 $0x100;
	s10 =	simm.s32 $0xA100  }
0x4: {  	s12 =	simm.s32 $0xB100;
	s14 =	simm.s32 $0xB900;
	s15 =	simm.s32 $0xC100  }
0x5: {  	s16 =	simm.s32 $0xC900;
	s17 =	simm.s32 $0xD100;
	s18 =	simm.s32 $0xD900  }
0x6: {  	s19 =	simm.s32 $0xE100;
	s20 =	simm.s32 $0xE900;
	s21 =	simm.s32 $0xF100  }
0x7: {  	s22 =	simm.s32 $0xF900;
	s23 =	simm.s32 $0x1;
	s25 =	simm.s32 $0x0  }
0x8: {  	[smem:$0x7FF] =	sst s1;
	s3 =	sadd.s32 $0xE2A00, s0;
	s4 =	sadd.s32 $0x269400, s0  }
0x9: {  	s1 =	sand.u32 $0x1, s29;
	s5 =	sadd.s32 $0x3FC200, s0;
	s7 =	sshll.u32 s6, $0x1  }
0xa: {  	s6 =	sadd.s32 $0x3EFE00, s0;
	_ =	strace $0x80000053;
	s2 =	ssub.s32 $0x2, s1  }
0xb: {  	s1 =	sor.u32 s1, s7;
	s7 =	sadd.s32 $0x408600, s0;
	s8 =	sshrl.u32 s2, $0x1  }
0xc: {  	v2 =	vlaneseq.u32;
	s31 =	ssub.s32 $0xC54, s1;
	s30 =	ssub.s32 s2, s8;
	s8 =	sshll.u32 s1, $0x7  }
0xd: {  	vm0 =	vmmov $0xffff;
	v1 =	vshrl.u32 v2, $0x3;
	s9 =	sshrl.u32 s31, $0x5;
	s2 =	simm.s32 $0x9900;
	s0 =	smax.u32 s30, $0x1  }
0xe: {  	v0 =	vand.u32 $0x7, v2;
	v2 =	vor.u32 $0x8, v2;
	v1 =	vmul.u32 $0x8, v1;
	s1 =	simm.s32 $0xA900;
	[dreg:$0x2] =	wrdreg s0;
	s0 =	simm.s32 $0x9100  }
.LBB2_1:
0xf: {  	[dreg:$0x3] =	wrdreg s25;
	s24 =	simm.s32 $0x0  }
.LBB2_2:
0x10: {  	s25 =	sshll.u32 s24, $0xC  }
0x11: {  	s25 =	sor.u32 s8, s25  }
0x12: {  	s28 =	sshrl.u32 s25, $0x3  }
0x13: {  	s26 =	simm.s32 $0x0;
	s29 =	sadd.s32 s5, s28  }
0x14: {  	[tilespmem:s26], [sflag:$0x2] =	stream.linear.gather [hbm4b:s29+s26], $0x80, $0x38;
	[tilespmem:$0x10100] =	vst v63  }
0x15: {  	_ =	swait.ge [sflag:s11], $0x80  }
0x16: {  	[sflag:s11] =	ssyncset.done $0x0  }
0x17: {  	s28 =	sadd.s32 s6, s28;
	s29 =	simm.s32 $0x80;
	[sflag:s11] =	ssyncadd.s32 $0xFFFFFF80  }
0x18: {  	[tilespmem:s29], [sflag:$0x2] =	stream.linear.gather [hbm4b:s28+s26], $0x80, $0x38;
	[tilespmem:$0x10100] =	vst v63  }
0x19: {  	_ =	swait.ge [sflag:s11], $0x80  }
0x1a: {  	[sflag:s11] =	ssyncset.done $0x0  }
0x1b: {  	[sflag:s11] =	ssyncadd.s32 $0xFFFFFF80  }
0x1c: {  	v3 =	vld [tilespmem:$0x0];
	_ =	sdelay $0x4  }
0x1d: {  	v4 =	vshll.u32 v3, $0x1  }
0x1e: {  	v3 =	vand.u32 $0x7, v3;
	v4 =	vand.u32 $0xFFFFFFF0, v4  }
0x1f: {  	v3 =	vor.u32 v3, v4  }
0x20: {  	v4 =	vperm.xlane v3, v0;
	_ =	sdelay $0x1  }
0x21: {  	v3 =	vperm.xlane v3, v2;
	v4 =	vadd.s32 v1, v4;
	_ =	sdelay $0x1  }
0x22: {  	v3 =	vadd.s32 v1, v3;
	_ =	sdelay $0x2  }
0x23: {  	[tilespmem:s13], [sflag:$0x1] =	stream.indirect_vreg.gather [hbm4b:s3+s26], $0x80, v4, vm0, $0xb8;
	[tilespmem:$0x10100] =	vst v63  }
0x24: {  	s28 =	simm.s32 $0x900  }
0x25: {  	[tilespmem:s28], [sflag:$0x1] =	stream.indirect_vreg.gather [hbm4b:s3+s26], $0x80, v3, vm0, $0xb8;
	[tilespmem:$0x10100] =	vst v63  }
0x26: {  	v3 =	vld [tilespmem:$0x10];
	_ =	sdelay $0x4  }
0x27: {  	v4 =	vshll.u32 v3, $0x1  }
0x28: {  	v3 =	vand.u32 $0x7, v3;
	v4 =	vand.u32 $0xFFFFFFF0, v4  }
0x29: {  	v3 =	vor.u32 v3, v4  }
0x2a: {  	v4 =	vperm.xlane v3, v0;
	_ =	sdelay $0x1  }
0x2b: {  	v3 =	vperm.xlane v3, v2;
	v4 =	vadd.s32 v1, v4;
	_ =	sdelay $0x1  }
0x2c: {  	v3 =	vadd.s32 v1, v3;
	_ =	sdelay $0x1  }
0x2d: {  	s28 =	simm.s32 $0x1100  }
0x2e: {  	[tilespmem:s28], [sflag:$0x1] =	stream.indirect_vreg.gather [hbm4b:s3+s26], $0x80, v4, vm0, $0xb8;
	[tilespmem:$0x10100] =	vst v63  }
0x2f: {  	s28 =	simm.s32 $0x1900  }
0x30: {  	[tilespmem:s28], [sflag:$0x1] =	stream.indirect_vreg.gather [hbm4b:s3+s26], $0x80, v3, vm0, $0xb8;
	[tilespmem:$0x10100] =	vst v63  }
0x31: {  	v3 =	vld [tilespmem:$0x20];
	_ =	sdelay $0x4  }
0x32: {  	v4 =	vshll.u32 v3, $0x1  }
0x33: {  	v3 =	vand.u32 $0x7, v3;
	v4 =	vand.u32 $0xFFFFFFF0, v4  }
0x34: {  	v3 =	vor.u32 v3, v4  }
0x35: {  	v4 =	vperm.xlane v3, v0;
	_ =	sdelay $0x1  }
0x36: {  	v3 =	vperm.xlane v3, v2;
	v4 =	vadd.s32 v1, v4;
	_ =	sdelay $0x1  }
0x37: {  	v3 =	vadd.s32 v1, v3;
	_ =	sdelay $0x1  }
0x38: {  	s28 =	simm.s32 $0x2100  }
0x39: {  	[tilespmem:s28], [sflag:$0x1] =	stream.indirect_vreg.gather [hbm4b:s3+s26], $0x80, v4, vm0, $0xb8;
	[tilespmem:$0x10100] =	vst v63  }
0x3a: {  	s28 =	simm.s32 $0x2900  }
0x3b: {  	[tilespmem:s28], [sflag:$0x1] =	stream.indirect_vreg.gather [hbm4b:s3+s26], $0x80, v3, vm0, $0xb8;
	[tilespmem:$0x10100] =	vst v63  }
0x3c: {  	v3 =	vld [tilespmem:$0x30];
	_ =	sdelay $0x4  }
0x3d: {  	v4 =	vshll.u32 v3, $0x1  }
0x3e: {  	v3 =	vand.u32 $0x7, v3;
	v4 =	vand.u32 $0xFFFFFFF0, v4  }
0x3f: {  	v3 =	vor.u32 v3, v4  }
0x40: {  	v4 =	vperm.xlane v3, v0;
	_ =	sdelay $0x1  }
0x41: {  	v3 =	vperm.xlane v3, v2;
	v4 =	vadd.s32 v1, v4;
	_ =	sdelay $0x1  }
0x42: {  	v3 =	vadd.s32 v1, v3;
	_ =	sdelay $0x1  }
0x43: {  	s28 =	simm.s32 $0x3100  }
0x44: {  	[tilespmem:s28], [sflag:$0x1] =	stream.indirect_vreg.gather [hbm4b:s3+s26], $0x80, v4, vm0, $0xb8;
	[tilespmem:$0x10100] =	vst v63  }
0x45: {  	s28 =	simm.s32 $0x3900  }
0x46: {  	[tilespmem:s28], [sflag:$0x1] =	stream.indirect_vreg.gather [hbm4b:s3+s26], $0x80, v3, vm0, $0xb8;
	[tilespmem:$0x10100] =	vst v63  }
0x47: {  	v3 =	vld [tilespmem:$0x40];
	_ =	sdelay $0x4  }
0x48: {  	v4 =	vshll.u32 v3, $0x1  }
0x49: {  	v3 =	vand.u32 $0x7, v3;
	v4 =	vand.u32 $0xFFFFFFF0, v4  }
0x4a: {  	v3 =	vor.u32 v3, v4  }
0x4b: {  	v4 =	vperm.xlane v3, v0;
	_ =	sdelay $0x1  }
0x4c: {  	v3 =	vperm.xlane v3, v2;
	v4 =	vadd.s32 v1, v4;
	_ =	sdelay $0x1  }
0x4d: {  	v3 =	vadd.s32 v1, v3;
	_ =	sdelay $0x1  }
0x4e: {  	s28 =	simm.s32 $0x4100  }
0x4f: {  	[tilespmem:s28], [sflag:$0x1] =	stream.indirect_vreg.gather [hbm4b:s3+s26], $0x80, v4, vm0, $0xb8;
	[tilespmem:$0x10100] =	vst v63  }
0x50: {  	s28 =	simm.s32 $0x4900  }
0x51: {  	[tilespmem:s28], [sflag:$0x1] =	stream.indirect_vreg.gather [hbm4b:s3+s26], $0x80, v3, vm0, $0xb8;
	[tilespmem:$0x10100] =	vst v63  }
0x52: {  	v3 =	vld [tilespmem:$0x50];
	_ =	sdelay $0x4  }
0x53: {  	v4 =	vshll.u32 v3, $0x1  }
0x54: {  	v3 =	vand.u32 $0x7, v3;
	v4 =	vand.u32 $0xFFFFFFF0, v4  }
0x55: {  	v3 =	vor.u32 v3, v4  }
0x56: {  	v4 =	vperm.xlane v3, v0;
	_ =	sdelay $0x1  }
0x57: {  	v3 =	vperm.xlane v3, v2;
	v4 =	vadd.s32 v1, v4;
	_ =	sdelay $0x1  }
0x58: {  	v3 =	vadd.s32 v1, v3;
	_ =	sdelay $0x1  }
0x59: {  	s28 =	simm.s32 $0x5100  }
0x5a: {  	[tilespmem:s28], [sflag:$0x1] =	stream.indirect_vreg.gather [hbm4b:s3+s26], $0x80, v4, vm0, $0xb8;
	[tilespmem:$0x10100] =	vst v63  }
0x5b: {  	s28 =	simm.s32 $0x5900  }
0x5c: {  	[tilespmem:s28], [sflag:$0x1] =	stream.indirect_vreg.gather [hbm4b:s3+s26], $0x80, v3, vm0, $0xb8;
	[tilespmem:$0x10100] =	vst v63  }
0x5d: {  	v3 =	vld [tilespmem:$0x60];
	_ =	sdelay $0x4  }
0x5e: {  	v4 =	vshll.u32 v3, $0x1  }
0x5f: {  	v3 =	vand.u32 $0x7, v3;
	v4 =	vand.u32 $0xFFFFFFF0, v4  }
0x60: {  	v3 =	vor.u32 v3, v4  }
0x61: {  	v4 =	vperm.xlane v3, v0;
	_ =	sdelay $0x1  }
0x62: {  	v3 =	vperm.xlane v3, v2;
	v4 =	vadd.s32 v1, v4;
	_ =	sdelay $0x1  }
0x63: {  	v3 =	vadd.s32 v1, v3;
	_ =	sdelay $0x1  }
0x64: {  	s28 =	simm.s32 $0x6100  }
0x65: {  	[tilespmem:s28], [sflag:$0x1] =	stream.indirect_vreg.gather [hbm4b:s3+s26], $0x80, v4, vm0, $0xb8;
	[tilespmem:$0x10100] =	vst v63  }
0x66: {  	s28 =	simm.s32 $0x6900  }
0x67: {  	[tilespmem:s28], [sflag:$0x1] =	stream.indirect_vreg.gather [hbm4b:s3+s26], $0x80, v3, vm0, $0xb8;
	[tilespmem:$0x10100] =	vst v63  }
0x68: {  	v3 =	vld [tilespmem:$0x70];
	_ =	sdelay $0x4  }
0x69: {  	v4 =	vshll.u32 v3, $0x1  }
0x6a: {  	v3 =	vand.u32 $0x7, v3;
	v4 =	vand.u32 $0xFFFFFFF0, v4  }
0x6b: {  	v3 =	vor.u32 v3, v4  }
0x6c: {  	v4 =	vperm.xlane v3, v0;
	_ =	sdelay $0x1  }
0x6d: {  	v3 =	vperm.xlane v3, v2;
	v4 =	vadd.s32 v1, v4;
	_ =	sdelay $0x1  }
0x6e: {  	v3 =	vadd.s32 v1, v3;
	_ =	sdelay $0x1  }
0x6f: {  	s28 =	simm.s32 $0x7100  }
0x70: {  	[tilespmem:s28], [sflag:$0x1] =	stream.indirect_vreg.gather [hbm4b:s3+s26], $0x80, v4, vm0, $0xb8;
	[tilespmem:$0x10100] =	vst v63  }
0x71: {  	s28 =	simm.s32 $0x7900  }
0x72: {  	[tilespmem:s28], [sflag:$0x1] =	stream.indirect_vreg.gather [hbm4b:s3+s26], $0x80, v3, vm0, $0xb8;
	[tilespmem:$0x10100] =	vst v63  }
0x73: {  	v3 =	vld [tilespmem:$0x80];
	_ =	sdelay $0x4  }
0x74: {  	v4 =	vshll.u32 v3, $0x1  }
0x75: {  	v3 =	vand.u32 $0x7, v3;
	v4 =	vand.u32 $0xFFFFFFF0, v4  }
0x76: {  	v3 =	vor.u32 v3, v4  }
0x77: {  	v4 =	vperm.xlane v3, v0;
	_ =	sdelay $0x1  }
0x78: {  	v3 =	vperm.xlane v3, v2;
	v4 =	vadd.s32 v1, v4;
	_ =	sdelay $0x1  }
0x79: {  	v3 =	vadd.s32 v1, v3;
	_ =	sdelay $0x1  }
0x7a: {  	s28 =	simm.s32 $0x8100  }
0x7b: {  	[tilespmem:s28], [sflag:$0x1] =	stream.indirect_vreg.gather [hbm4b:s4+s26], $0x80, v4, vm0, $0xb8;
	[tilespmem:$0x10100] =	vst v63  }
0x7c: {  	s28 =	simm.s32 $0x8900  }
0x7d: {  	[tilespmem:s28], [sflag:$0x1] =	stream.indirect_vreg.gather [hbm4b:s4+s26], $0x80, v3, vm0, $0xb8;
	[tilespmem:$0x10100] =	vst v63  }
0x7e: {  	v3 =	vld [tilespmem:$0x90];
	_ =	sdelay $0x4  }
0x7f: {  	v4 =	vshll.u32 v3, $0x1  }
0x80: {  	v3 =	vand.u32 $0x7, v3;
	v4 =	vand.u32 $0xFFFFFFF0, v4  }
0x81: {  	v3 =	vor.u32 v3, v4  }
0x82: {  	v4 =	vperm.xlane v3, v0;
	_ =	sdelay $0x1  }
0x83: {  	v3 =	vperm.xlane v3, v2;
	v4 =	vadd.s32 v1, v4;
	_ =	sdelay $0x1  }
0x84: {  	v3 =	vadd.s32 v1, v3;
	_ =	sdelay $0x2  }
0x85: {  	[tilespmem:s0], [sflag:$0x1] =	stream.indirect_vreg.gather [hbm4b:s4+s26], $0x80, v4, vm0, $0xb8;
	[tilespmem:$0x10100] =	vst v63  }
0x86: {  	_ = 	snop  }
0x87: {  	[tilespmem:s2], [sflag:$0x1] =	stream.indirect_vreg.gather [hbm4b:s4+s26], $0x80, v3, vm0, $0xb8;
	[tilespmem:$0x10100] =	vst v63  }
0x88: {  	v3 =	vld [tilespmem:$0xA0];
	_ =	sdelay $0x4  }
0x89: {  	v4 =	vshll.u32 v3, $0x1  }
0x8a: {  	v3 =	vand.u32 $0x7, v3;
	v4 =	vand.u32 $0xFFFFFFF0, v4  }
0x8b: {  	v3 =	vor.u32 v3, v4  }
0x8c: {  	v4 =	vperm.xlane v3, v0;
	_ =	sdelay $0x1  }
0x8d: {  	v3 =	vperm.xlane v3, v2;
	v4 =	vadd.s32 v1, v4;
	_ =	sdelay $0x1  }
0x8e: {  	v3 =	vadd.s32 v1, v3;
	_ =	sdelay $0x2  }
0x8f: {  	[tilespmem:s10], [sflag:$0x1] =	stream.indirect_vreg.gather [hbm4b:s4+s26], $0x80, v4, vm0, $0xb8;
	[tilespmem:$0x10100] =	vst v63  }
0x90: {  	_ = 	snop  }
0x91: {  	[tilespmem:s1], [sflag:$0x1] =	stream.indirect_vreg.gather [hbm4b:s4+s26], $0x80, v3, vm0, $0xb8;
	[tilespmem:$0x10100] =	vst v63  }
0x92: {  	v3 =	vld [tilespmem:$0xB0];
	_ =	sdelay $0x4  }
0x93: {  	v4 =	vshll.u32 v3, $0x1  }
0x94: {  	v3 =	vand.u32 $0x7, v3;
	v4 =	vand.u32 $0xFFFFFFF0, v4  }
0x95: {  	v3 =	vor.u32 v3, v4  }
0x96: {  	v4 =	vperm.xlane v3, v0;
	_ =	sdelay $0x1  }
0x97: {  	v3 =	vperm.xlane v3, v2;
	v4 =	vadd.s32 v1, v4;
	_ =	sdelay $0x1  }
0x98: {  	v3 =	vadd.s32 v1, v3;
	_ =	sdelay $0x2  }
0x99: {  	[tilespmem:s12], [sflag:$0x1] =	stream.indirect_vreg.gather [hbm4b:s4+s26], $0x80, v4, vm0, $0xb8;
	[tilespmem:$0x10100] =	vst v63  }
0x9a: {  	_ = 	snop  }
0x9b: {  	[tilespmem:s14], [sflag:$0x1] =	stream.indirect_vreg.gather [hbm4b:s4+s26], $0x80, v3, vm0, $0xb8;
	[tilespmem:$0x10100] =	vst v63  }
0x9c: {  	v3 =	vld [tilespmem:$0xC0];
	_ =	sdelay $0x4  }
0x9d: {  	v4 =	vshll.u32 v3, $0x1  }
0x9e: {  	v3 =	vand.u32 $0x7, v3;
	v4 =	vand.u32 $0xFFFFFFF0, v4  }
0x9f: {  	v3 =	vor.u32 v3, v4  }
0xa0: {  	v4 =	vperm.xlane v3, v0;
	_ =	sdelay $0x1  }
0xa1: {  	v3 =	vperm.xlane v3, v2;
	v4 =	vadd.s32 v1, v4;
	_ =	sdelay $0x1  }
0xa2: {  	v3 =	vadd.s32 v1, v3;
	_ =	sdelay $0x2  }
0xa3: {  	[tilespmem:s15], [sflag:$0x1] =	stream.indirect_vreg.gather [hbm4b:s4+s26], $0x80, v4, vm0, $0xb8;
	[tilespmem:$0x10100] =	vst v63  }
0xa4: {  	_ = 	snop  }
0xa5: {  	[tilespmem:s16], [sflag:$0x1] =	stream.indirect_vreg.gather [hbm4b:s4+s26], $0x80, v3, vm0, $0xb8;
	[tilespmem:$0x10100] =	vst v63  }
0xa6: {  	v3 =	vld [tilespmem:$0xD0];
	_ =	sdelay $0x4  }
0xa7: {  	v4 =	vshll.u32 v3, $0x1  }
0xa8: {  	v3 =	vand.u32 $0x7, v3;
	v4 =	vand.u32 $0xFFFFFFF0, v4  }
0xa9: {  	v3 =	vor.u32 v3, v4  }
0xaa: {  	v4 =	vperm.xlane v3, v0;
	_ =	sdelay $0x1  }
0xab: {  	v3 =	vperm.xlane v3, v2;
	v4 =	vadd.s32 v1, v4;
	_ =	sdelay $0x1  }
0xac: {  	v3 =	vadd.s32 v1, v3;
	_ =	sdelay $0x2  }
0xad: {  	[tilespmem:s17], [sflag:$0x1] =	stream.indirect_vreg.gather [hbm4b:s4+s26], $0x80, v4, vm0, $0xb8;
	[tilespmem:$0x10100] =	vst v63  }
0xae: {  	_ = 	snop  }
0xaf: {  	[tilespmem:s18], [sflag:$0x1] =	stream.indirect_vreg.gather [hbm4b:s4+s26], $0x80, v3, vm0, $0xb8;
	[tilespmem:$0x10100] =	vst v63  }
0xb0: {  	v3 =	vld [tilespmem:$0xE0];
	_ =	sdelay $0x4  }
0xb1: {  	v4 =	vshll.u32 v3, $0x1  }
0xb2: {  	v3 =	vand.u32 $0x7, v3;
	v4 =	vand.u32 $0xFFFFFFF0, v4  }
0xb3: {  	v3 =	vor.u32 v3, v4  }
0xb4: {  	v4 =	vperm.xlane v3, v0;
	_ =	sdelay $0x1  }
0xb5: {  	v3 =	vperm.xlane v3, v2;
	v4 =	vadd.s32 v1, v4;
	_ =	sdelay $0x1  }
0xb6: {  	v3 =	vadd.s32 v1, v3;
	_ =	sdelay $0x2  }
0xb7: {  	[tilespmem:s19], [sflag:$0x1] =	stream.indirect_vreg.gather [hbm4b:s4+s26], $0x80, v4, vm0, $0xb8;
	[tilespmem:$0x10100] =	vst v63  }
0xb8: {  	_ = 	snop  }
0xb9: {  	[tilespmem:s20], [sflag:$0x1] =	stream.indirect_vreg.gather [hbm4b:s4+s26], $0x80, v3, vm0, $0xb8;
	[tilespmem:$0x10100] =	vst v63  }
0xba: {  	v3 =	vld [tilespmem:$0xF0];
	_ =	sdelay $0x4  }
0xbb: {  	v4 =	vshll.u32 v3, $0x1  }
0xbc: {  	v3 =	vand.u32 $0x7, v3;
	v4 =	vand.u32 $0xFFFFFFF0, v4  }
0xbd: {  	v3 =	vor.u32 v3, v4  }
0xbe: {  	v4 =	vperm.xlane v3, v0;
	_ =	sdelay $0x1  }
0xbf: {  	v3 =	vperm.xlane v3, v2;
	v4 =	vadd.s32 v1, v4;
	_ =	sdelay $0x1  }
0xc0: {  	v3 =	vadd.s32 v1, v3;
	_ =	sdelay $0x2  }
0xc1: {  	[tilespmem:s21], [sflag:$0x1] =	stream.indirect_vreg.gather [hbm4b:s4+s26], $0x80, v4, vm0, $0xb8;
	[tilespmem:$0x10100] =	vst v63  }
0xc2: {  	_ = 	snop  }
0xc3: {  	[tilespmem:s22], [sflag:$0x1] =	stream.indirect_vreg.gather [hbm4b:s4+s26], $0x80, v3, vm0, $0xb8;
	[tilespmem:$0x10100] =	vst v63  }
0xc4: {  	_ =	swait.ge [sflag:s23], $0x8000  }
0xc5: {  	[sflag:s23] =	ssyncset.done $0x0  }
0xc6: {  	[sflag:s23] =	ssyncadd.s32 $0xFFFF8000  }
0xc7: {  	_ =	swait.ge [sflag:s23], $0x8000  }
0xc8: {  	s28 =	sand.u32 $0x7800, s26;
	s26 =	sand.u32 $0x380, s26;
	[sflag:s23] =	ssyncset.done $0x0  }
0xc9: {  	s26 =	sor.u32 s26, s28;
	[sflag:s23] =	ssyncadd.s32 $0xFFFF8000  }
0xca: {  	v10 =	vld [tilespmem:s26+$0x8100]  }
0xcb: {  	v11 =	vld [tilespmem:s26+$0x8110]  }
0xcc: {  	v12 =	vld [tilespmem:s26+$0x8120]  }
0xcd: {  	v13 =	vld [tilespmem:s26+$0x8130]  }
0xce: {  	v14 =	vld [tilespmem:s26+$0x8140]  }
0xcf: {  	v15 =	vld [tilespmem:s26+$0x8150]  }
0xd0: {  	v16 =	vld [tilespmem:s26+$0x8160]  }
0xd1: {  	v17 =	vld [tilespmem:s26+$0x8170]  }
0xd2: {  	v18 =	vld [tilespmem:s26+$0x8500]  }
0xd3: {  	v9 =	vld [tilespmem:s26+$0x8510]  }
0xd4: {  	v8 =	vld [tilespmem:s26+$0x8520]  }
0xd5: {  	v7 =	vld [tilespmem:s26+$0x8530]  }
0xd6: {  	v6 =	vld [tilespmem:s26+$0x8540]  }
0xd7: {  	v5 =	vld [tilespmem:s26+$0x8550]  }
0xd8: {  	v4 =	vld [tilespmem:s26+$0x8560]  }
0xd9: {  	v3 =	vld [tilespmem:s26+$0x8570]  }
0xda: {  	v19 =	vld [tilespmem:s26+$0x100]  }
0xdb: {  	v20 =	vld [tilespmem:s26+$0x110]  }
0xdc: {  	v21 =	vld [tilespmem:s26+$0x120]  }
0xdd: {  	v22 =	vld [tilespmem:s26+$0x130]  }
0xde: {  	v23 =	vld [tilespmem:s26+$0x140]  }
0xdf: {  	v10 =	vadd.f32 v10, v19;
	v19 =	vld [tilespmem:s26+$0x150]  }
0xe0: {  	v61 =	vld [tilespmem:s26+$0x160];
	v11 =	vadd.f32 v11, v20  }
0xe1: {  	v62 =	vld [tilespmem:s26+$0x170];
	[tilespmem:s26+$0x100] =	vst v10;
	v10 =	vadd.f32 v12, v21  }
0xe2: {  	v63 =	vld [tilespmem:s26+$0x500];
	[tilespmem:s26+$0x110] =	vst v11;
	v11 =	vadd.f32 v13, v22  }
0xe3: {  	v13 =	vld [tilespmem:s26+$0x510];
	[tilespmem:s26+$0x120] =	vst v10;
	v10 =	vadd.f32 v14, v23  }
0xe4: {  	v12 =	vld [tilespmem:s26+$0x520];
	[tilespmem:s26+$0x130] =	vst v11;
	v11 =	vadd.f32 v15, v19  }
0xe5: {  	v14 =	vadd.f32 v16, v61;
	[tilespmem:s26+$0x140] =	vst v10;
	v10 =	vld [tilespmem:s26+$0x530]  }
0xe6: {  	v16 =	vadd.f32 v17, v62;
	[tilespmem:s26+$0x150] =	vst v11;
	v11 =	vld [tilespmem:s26+$0x540]  }
0xe7: {  	s29 =	simm.s32 $0x100;
	s28 =	simm.s32 $0x80;
	v15 =	vadd.f32 v18, v63;
	[tilespmem:s26+$0x160] =	vst v14;
	v14 =	vld [tilespmem:s26+$0x550]  }
.LBB2_3:
0xe8: {  	s30 =	sand.u32 $0x7800, s29;
	s31 =	sand.u32 $0x380, s28;
	p0 =	sne.s32 s29, $0x7F00;
	[tilespmem:s26+$0x170] =	vst v16;
	v9 =	vadd.f32 v9, v13;
	v13 =	vld [tilespmem:s26+$0x560]  }
0xe9: {  	s30 =	sor.u32 s31, s30;
	[tilespmem:s26+$0x500] =	vst v15;
	v8 =	vadd.f32 v8, v12;
	v12 =	vld [tilespmem:s26+$0x570]  }
0xea: {  	v15 =	vld [tilespmem:s30+$0x8100];
	[tilespmem:s26+$0x510] =	vst v9;
	v7 =	vadd.f32 v7, v10  }
0xeb: {  	v10 =	vld [tilespmem:s30+$0x8110];
	[tilespmem:s26+$0x520] =	vst v8;
	v6 =	vadd.f32 v6, v11  }
0xec: {  	v11 =	vld [tilespmem:s30+$0x8120];
	[tilespmem:s26+$0x530] =	vst v7;
	v5 =	vadd.f32 v5, v14  }
0xed: {  	v14 =	vld [tilespmem:s30+$0x8130];
	[tilespmem:s26+$0x540] =	vst v6;
	v4 =	vadd.f32 v4, v13  }
0xee: {  	v13 =	vld [tilespmem:s30+$0x8140];
	[tilespmem:s26+$0x550] =	vst v5;
	v3 =	vadd.f32 v3, v12  }
0xef: {  	v12 =	vld [tilespmem:s30+$0x8150];
	[tilespmem:s26+$0x560] =	vst v4  }
0xf0: {  	v16 =	vld [tilespmem:s30+$0x8160];
	[tilespmem:s26+$0x570] =	vst v3;
	s26 =	smov.u32 s30  }
0xf1: {  	v17 =	vld [tilespmem:s26+$0x8170]  }
0xf2: {  	v18 =	vld [tilespmem:s26+$0x8500]  }
0xf3: {  	v9 =	vld [tilespmem:s26+$0x8510]  }
0xf4: {  	v8 =	vld [tilespmem:s26+$0x8520]  }
0xf5: {  	v7 =	vld [tilespmem:s26+$0x8530]  }
0xf6: {  	v6 =	vld [tilespmem:s26+$0x8540]  }
0xf7: {  	v5 =	vld [tilespmem:s26+$0x8550]  }
0xf8: {  	v4 =	vld [tilespmem:s26+$0x8560]  }
0xf9: {  	v3 =	vld [tilespmem:s26+$0x8570]  }
0xfa: {  	v19 =	vld [tilespmem:s26+$0x100]  }
0xfb: {  	v20 =	vld [tilespmem:s26+$0x110]  }
0xfc: {  	v21 =	vld [tilespmem:s26+$0x120]  }
0xfd: {  	v22 =	vld [tilespmem:s26+$0x130]  }
0xfe: {  	v23 =	vld [tilespmem:s26+$0x140]  }
0xff: {  	v15 =	vadd.f32 v15, v19;
	v19 =	vld [tilespmem:s26+$0x150]  }
0x100: {  	v10 =	vadd.f32 v10, v20;
	v20 =	vld [tilespmem:s26+$0x160]  }
0x101: {  	[tilespmem:s26+$0x100] =	vst v15;
	v11 =	vadd.f32 v11, v21;
	v15 =	vld [tilespmem:s26+$0x170]  }
0x102: {  	[tilespmem:s26+$0x110] =	vst v10;
	v10 =	vadd.f32 v14, v22;
	v14 =	vld [tilespmem:s26+$0x500]  }
.Ltmp0:
0x103: {  	[tilespmem:s26+$0x120] =	vst v11;
	v11 =	vadd.f32 v13, v23;
	v13 =	vld [tilespmem:s26+$0x510];
	(pc) =	sbr.rel @p0 .LBB2_3-.Ltmp0, $4  }
0x104: {  	[tilespmem:s26+$0x130] =	vst v10;
	v19 =	vadd.f32 v12, v19;
	v12 =	vld [tilespmem:s26+$0x520]  }
0x105: {  	[tilespmem:s26+$0x140] =	vst v11;
	v20 =	vadd.f32 v16, v20;
	v10 =	vld [tilespmem:s26+$0x530]  }
0x106: {  	[tilespmem:s26+$0x150] =	vst v19;
	v16 =	vadd.f32 v17, v15;
	v11 =	vld [tilespmem:s26+$0x540]  }
0x107: {  	s28 =	sadd.s32 $0x80, s28;
	s29 =	sadd.s32 $0x100, s29;
	[tilespmem:s26+$0x160] =	vst v20;
	v15 =	vadd.f32 v18, v14;
	v14 =	vld [tilespmem:s26+$0x550]  }
0x108: {  	[tilespmem:s26+$0x170] =	vst v16;
	v9 =	vadd.f32 v9, v13;
	v62 =	vld [tilespmem:s26+$0x560]  }
0x109: {  	v63 =	vld [tilespmem:s26+$0x570];
	[tilespmem:s26+$0x500] =	vst v15;
	v8 =	vadd.f32 v8, v12  }
0x10a: {  	[tilespmem:s26+$0x510] =	vst v9;
	v7 =	vadd.f32 v7, v10  }
0x10b: {  	[tilespmem:s26+$0x520] =	vst v8;
	v6 =	vadd.f32 v6, v11  }
0x10c: {  	[tilespmem:s26+$0x530] =	vst v7;
	v5 =	vadd.f32 v5, v14  }
0x10d: {  	[tilespmem:s26+$0x540] =	vst v6;
	v4 =	vadd.f32 v4, v62  }
0x10e: {  	s24 =	sadd.s32 $0x1, s24;
	v3 =	vadd.f32 v3, v63;
	[tilespmem:s26+$0x550] =	vst v5  }
0x10f: {  	s25 =	sshll.u32 s25, $0x5;
	p0 =	sne.s32 s24, s9;
	[tilespmem:s26+$0x560] =	vst v4  }
.Ltmp1:
0x110: {  	s31 =	simm.s32 $0x0;
	s25 =	sadd.s32 s7, s25;
	[tilespmem:s26+$0x570] =	vst v3;
	(pc) =	sbr.rel @p0 .LBB2_2-.Ltmp1, $4  }
0x111: {  	[hbm4b:s25+s31] =	stream.linear.scatter [tilespmem:s13], [sflag:$0x2], $0x8000, $0x38;
	[tilespmem:$0x10100] =	vst v63  }
0x112: {  	_ =	swait.ge [sflag:s11], $0x8000  }
0x113: {  	[sflag:s11] =	ssyncset.done $0x0  }
0x114: {  	[sflag:s11] =	ssyncadd.s32 $0xFFFF8000  }
0x115: {  	s25 =	rddreg [dreg:$0x3]  }
0x116: {  	s24 =	rddreg [dreg:$0x2];
	s25 =	sadd.s32 $0x1, s25  }
0x117: {  	p0 =	sne.s32 s25, s24  }
.Ltmp2:
0x118: {  	_ = 	snop;
	(pc) =	sbr.rel @p0 .LBB2_1-.Ltmp2, $1  }
0x119: {  	_ =	sdelay $0x3  }
0x11a: {  	_ =	sfence.sel $0x180000  }
0x11b: {  	[bflag:$0x0] =	sbarrier.arrive $0xFFFF  }
0x11c: {  	_ =	strace $0x90000053  }
0x11d: {  	s0 =	stileid.u32;
	[bflag:$0x2] =	sbarrier.arrive $0xFFFF  }
0x11e: {  	p0 =	sne.s32 s0, $0x0;
	s0 =	rddreg [dreg:$0x1]  }
0x11f: {  	s0 =	sadd.s32 @!p0 $0x100000, s0  }
0x120: {  	[sflag:s0] =	ssyncadd.tile.s32 @!p0 $0x1;
	_ =	shalt  }
.Lfunc_end2:
_tile_overlayer_lowered:
.L_overlay_start_2:
0x121: {  	(tag) =	ssettag $0x2  }
0x122: {  	s0 =	rddreg [dreg:$0x0];
	s2 =	stileid.u32  }
0x123: {  	s1 =	rddreg [dreg:$0x1];
	p0 =	sne.s32 s2, $0x0  }
0x124: {  	s3 =	rddreg [dreg:$0x2];
	[bflag:$0x3] =	sbarrier.arrive $0xFFFF;
	s2 =	simm.s32 @!p0 $0x1C02  }
0x125: {  	[timem:s3], [sflag:s2] =	dma.local @!p0 [hbm:s0], s1  }
0x126: {  	s0 =	simm.s32 @!p0 $0x2  }
0x127: {  	_ =	swait.ge @!p0 [sflag:s0], s1  }
0x128: {  	s1 =	ssub.s32 @!p0 $0x0, s1;
	[sflag:s0] =	ssyncset.done @!p0 $0x0  }
0x129: {  	[sflag:s0] =	ssyncadd.s32 @!p0 s1  }
0x12a: {  	[bflag:$0x3] =	sbarrier.arrive $0xFFFF  }
0x12b: {  	_ =	shalt  }

</sc_bundles>
